<compile_context>
chip_gen: v7x
topology: tpu7x:2x2x1
jax: 0.10.2.dev20260603
libtpu: 0.0.44.dev20260713+nightly
codegen_flags: <defaults>
</compile_context>

<pallas_src>
import functools

import jax
import jax.numpy as jnp
from jax import lax
from jax.experimental import pallas as pl
from jax.experimental.pallas import tpu as pltpu
from jax.experimental.pallas import tpu_sc as plsc

_B = 8
_R = 29
_K = 2048
_H = 768
_K0 = 2016
_KB = _K0 // 4
_KS = _K - _K0
_CH = 16
_NCH = _KS // _CH
_PB = 2
_NL = 16
_NV = _H // _NL



def _best_of(sims, base):
    lbest = jnp.max(sims, axis=1)
    kiota = lax.broadcasted_iota(jnp.int32, (_B, _KB), 1)
    lidx = jnp.min(jnp.where(sims == lbest[:, None], kiota, _KB),
                   axis=1) + base
    return lbest, lidx


def _tc_body(q_ref, te0_ref, te1_ref, te2_ref, te3_ref, sim_ref, idx_ref):
    q = q_ref[0]
    qn = q / jnp.maximum(jnp.sqrt(jnp.sum(q * q, axis=1, keepdims=True)), 1e-12)

    def sims_of(te):
        tn = te / jnp.maximum(
            jnp.sqrt(jnp.sum(te * te, axis=1, keepdims=True)), 1e-12)
        return lax.dot_general(qn, tn, (((1,), (1,)), ((), ())),
                               preferred_element_type=jnp.float32)

    best, bidx = _best_of(sims_of(te0_ref[0]), 0)
    for s, ref in enumerate((te1_ref, te2_ref, te3_ref)):
        b, i = _best_of(sims_of(ref[0]), (s + 1) * _KB)
        take = b > best
        best = jnp.where(take, b, best)
        bidx = jnp.where(take, i, bidx)
    sim_ref[0, 0] = best
    idx_ref[0, 0] = bidx


def _tc_retrieve(vf_regions, text_embeddings):
    return pl.pallas_call(
        _tc_body,
        grid=(_R,),
        in_specs=[
            pl.BlockSpec((1, _B, _H), lambda r: (r, 0, 0)),
            pl.BlockSpec((1, _KB, _H), lambda r: (r, 0, 0)),
            pl.BlockSpec((1, _KB, _H), lambda r: (r, 1, 0)),
            pl.BlockSpec((1, _KB, _H), lambda r: (r, 2, 0)),
            pl.BlockSpec((1, _KB, _H), lambda r: (r, 3, 0)),
        ],
        out_specs=[
            pl.BlockSpec((1, 1, _B), lambda r: (r, 0, 0)),
            pl.BlockSpec((1, 1, _B), lambda r: (r, 0, 0)),
        ],
        out_shape=[
            jax.ShapeDtypeStruct((_R, 1, _B), jnp.float32),
            jax.ShapeDtypeStruct((_R, 1, _B), jnp.int32),
        ],
        compiler_params=pltpu.CompilerParams(
            dimension_semantics=("arbitrary",),
        ),
    )(vf_regions, text_embeddings, text_embeddings, text_embeddings,
      text_embeddings)



def _inv_norm(nsq):
    i = plsc.bitcast(nsq, jnp.int32)
    y = plsc.bitcast(jnp.int32(0x5F3759DF) - lax.shift_right_arithmetic(i, 1),
                     jnp.float32)
    for _ in range(3):
        y = y * (1.5 - 0.5 * nsq * y * y)
    return jnp.where(nsq < 1e-24, jnp.full((_NL,), 1e12, jnp.float32), y)


def _bf16_rtne(x):
    i = plsc.bitcast(x, jnp.int32)
    lsb = jnp.bitwise_and(lax.shift_right_logical(i, 16), jnp.int32(1))
    r = jnp.bitwise_and(i + jnp.int32(0x7FFF) + lsb, jnp.int32(-65536))
    return plsc.bitcast(r, jnp.float32)


def _lane_sum(x, lanes, tmp):
    for shift in (8, 4, 2, 1):
        tmp[...] = x
        x = x + plsc.load_gather(tmp, [jnp.bitwise_xor(lanes, shift)])
    return x


def _sc_kernel_body(vfr_hbm, te_hbm, sim_hbm, idx_hbm,
                    qbuf, tbuf, osim, oidx, tmp, sem_a, sem_b):
    cid = lax.axis_index("c")
    sid = lax.axis_index("s")
    w = sid * 2 + cid

    @pl.when(w < _R)
    def _work():
        lanes = jnp.arange(_NL, dtype=jnp.int32)

        pltpu.sync_copy(vfr_hbm.at[w], qbuf)

        for b in range(_B):
            def _nsq_body(i, nsq, _b=b):
                t = qbuf[pl.ds(_b * _H + i * _NL, _NL)]
                return nsq + t * t
            nsq = lax.fori_loop(0, _NV, _nsq_body,
                                jnp.zeros((_NL,), jnp.float32))
            rn = _inv_norm(_lane_sum(nsq, lanes, tmp))

            def _scale_body(i, _, _b=b, _rn=rn):
                off = _b * _H + i * _NL
                qbuf[pl.ds(off, _NL)] = _bf16_rtne(qbuf[pl.ds(off, _NL)] * _rn)
                return 0
            lax.fori_loop(0, _NV, _scale_body, 0)

        osim[...] = jnp.full((_NL,), -jnp.inf, jnp.float32)
        oidx[...] = jnp.zeros((_NL,), jnp.int32)

        def _start(ch, par):
            src = te_hbm.at[w, pl.ds(_K0 + ch * _CH, _CH), :]
            sem = sem_a if par == 0 else sem_b
            pltpu.make_async_copy(src, tbuf.at[par], sem).start()

        def _wait(ch, par):
            src = te_hbm.at[w, pl.ds(_K0 + ch * _CH, _CH), :]
            sem = sem_a if par == 0 else sem_b
            pltpu.make_async_copy(src, tbuf.at[par], sem).wait()

        _start(0, 0)

        def _g_body(g, _):
            for par in range(2):
                ch = g * 2 + par
                _wait(ch, par)

                @pl.when(ch + 1 < _NCH)
                def _prefetch(_ch=ch, _par=par):
                    _start(_ch + 1, 1 - _par)

                def _pb_body(pb, _, _par=par, _ch=ch):
                    p0 = pb * _PB

                    def _norms_body(i, ns):
                        ts = [tbuf[_par, p0 + j, pl.ds(i * _NL, _NL)]
                              for j in range(_PB)]
                        return tuple(ns[j] + ts[j] * ts[j]
                                     for j in range(_PB))
                    ns = lax.fori_loop(
                        0, _NV, _norms_body,
                        tuple(jnp.zeros((_NL,), jnp.float32)
                              for _ in range(_PB)))
                    rns = [_inv_norm(_lane_sum(ns[j], lanes, tmp))
                           for j in range(_PB)]

                    def _dot_body(i, accs):
                        qs = [qbuf[pl.ds(b * _H + i * _NL, _NL)]
                              for b in range(_B)]
                        tns = [_bf16_rtne(
                            tbuf[_par, p0 + j, pl.ds(i * _NL, _NL)]
                            * rns[j]) for j in range(_PB)]
                        new = []
                        for j in range(_PB):
                            for b in range(_B):
                                new.append(accs[j * _B + b] + tns[j] * qs[b])
                        return tuple(new)
                    accs = lax.fori_loop(
                        0, _NV, _dot_body,
                        tuple(jnp.zeros((_NL,), jnp.float32)
                              for _ in range(_PB * _B)))

                    for j in range(_PB):
                        cand = jnp.full((_NL,), -jnp.inf, jnp.float32)
                        for b in range(_B):
                            sim_b = _lane_sum(accs[j * _B + b], lanes, tmp)
                            cand = jnp.where(lanes == b, sim_b, cand)
                        row = _K0 + _ch * _CH + p0 + j
                        best = osim[...]
                        take = cand > best
                        osim[...] = jnp.where(take, cand, best)
                        oidx[...] = jnp.where(
                            take, jnp.full((_NL,), row, jnp.int32), oidx[...])
                    return 0

                lax.fori_loop(0, _CH // _PB, _pb_body, 0)
            return 0

        lax.fori_loop(0, _NCH // 2, _g_body, 0)

        pltpu.sync_copy(osim, sim_hbm.at[pl.ds(w * _NL, _NL)])
        pltpu.sync_copy(oidx, idx_hbm.at[pl.ds(w * _NL, _NL)])


def _sc_retrieve(vfr_flat, te):
    mesh = plsc.VectorSubcoreMesh(core_axis_name="c", subcore_axis_name="s")
    return pl.kernel(
        _sc_kernel_body,
        out_type=[
            jax.ShapeDtypeStruct((_R * _NL,), jnp.float32),
            jax.ShapeDtypeStruct((_R * _NL,), jnp.int32),
        ],
        mesh=mesh,
        scratch_types=[
            pltpu.VMEM((_B * _H,), jnp.float32),
            pltpu.VMEM((2, _CH, _H), jnp.float32),
            pltpu.VMEM((_NL,), jnp.float32),
            pltpu.VMEM((_NL,), jnp.int32),
            pltpu.VMEM((_NL,), jnp.float32),
            pltpu.SemaphoreType.DMA,
            pltpu.SemaphoreType.DMA,
        ],
        compiler_params=pltpu.CompilerParams(needs_layout_passes=False),
    )(vfr_flat, te)



@jax.jit
def _retrieve(vf_regions, text_embeddings):
    sc_sim, sc_idx = _sc_retrieve(
        vf_regions.reshape(_R, _B * _H), text_embeddings)
    sc_sim = sc_sim.reshape(_R, _NL)[:, :_B]
    sc_idx = sc_idx.reshape(_R, _NL)[:, :_B]
    tc_sim, tc_idx = _tc_retrieve(vf_regions, text_embeddings)
    tc_sim = tc_sim.reshape(_R, _B)
    tc_idx = tc_idx.reshape(_R, _B)
    take = sc_sim > tc_sim
    best_sim = jnp.where(take, sc_sim, tc_sim)
    best_idx = jnp.where(take, sc_idx, tc_idx)
    return best_sim, best_idx


def kernel(visual_features, text_embeddings):
    vf_regions = jnp.transpose(visual_features[:, 1:1 + _R, :], (1, 0, 2))
    sim, idx = _retrieve(vf_regions, text_embeddings)
    return jnp.transpose(sim, (1, 0)), jnp.transpose(idx, (1, 0))

# --- scband reference (transcript-rebuilt; emitter-appended) ---
"""Pipeline reference for scband-anatomical-text-enhancer-43250320670912 (READ-ONLY COPY).

The authoritative reference and input builder live on the scoring server;
editing this copy changes nothing except your own understanding.
"""

import jax, jax.numpy as jnp
import numpy as np


def setup_inputs(seed: int = 0) -> dict:
    key = jax.random.key(seed)
    k1, k2 = jax.random.split(key)
    visual_features = jax.random.normal(k1, (8, 30, 768), dtype=jnp.float32)
    # stacked anatomical-region phrase embedding banks: [num_regions=29, K=2048, hidden=768]
    text_embeddings = jax.random.normal(k2, (29, 2048, 768), dtype=jnp.float32)
    return {"visual_features": visual_features, "text_embeddings": text_embeddings}


def reference(visual_features, text_embeddings):
    # visual_features: [B, num_regions+1, H]; token 0 is CLS, tokens 1..29 are anatomical regions
    num_regions = 29
    region_features = visual_features[:, 1:1 + num_regions, :]  # [B, 29, H]
    # L2 normalize (F.normalize p=2) for cosine similarity; no projections (visual/text projection is None)
    vf = region_features / jnp.maximum(jnp.linalg.norm(region_features, axis=-1, keepdims=True), 1e-12)
    te = text_embeddings / jnp.maximum(jnp.linalg.norm(text_embeddings, axis=-1, keepdims=True), 1e-12)
    # per-region similarity of each visual region token against that region's phrase bank
    sims = jnp.einsum('brd,rkd->brk', vf, te)  # [B, 29, K]
    best_idx = jnp.argmax(sims, axis=-1)       # index of best matching phrase per (batch, region)
    best_sim = jnp.max(sims, axis=-1)          # similarity_scores: [B, 29]
    return best_sim, best_idx

if __name__ == "__main__":
    import jax
    _d = setup_inputs()
    print(jax.jit(kernel)(*tuple(_d.values())))

</pallas_src>

<mosaic_0001>
#map = affine_map<(d0, d1) -> (0, 0)>
#map1 = affine_map<(d0, d1) -> (0, 0, 0)>
#map2 = affine_map<(d0, d1) -> (0)>
module attributes {stable_mosaic.version = 14 : i64} {
  func.func @_sc_kernel_body(%arg0: i32, %arg1: i32, %arg2: memref<29x6144xf32, #tpu.memory_space<hbm>>, %arg3: memref<29x2048x768xf32, #tpu.memory_space<hbm>>, %arg4: memref<464xf32, #tpu.memory_space<hbm>>, %arg5: memref<464xi32, #tpu.memory_space<hbm>>, %arg6: memref<6144xf32, #tpu.memory_space<vmem>>, %arg7: memref<2x16x768xf32, #tpu.memory_space<vmem>>, %arg8: memref<16xf32, #tpu.memory_space<vmem>>, %arg9: memref<16xi32, #tpu.memory_space<vmem>>, %arg10: memref<16xf32, #tpu.memory_space<vmem>>, %arg11: memref<!tpu.dma_semaphore, #tpu.memory_space<semaphore_mem>>, %arg12: memref<!tpu.dma_semaphore, #tpu.memory_space<semaphore_mem>>) attributes {dimension_semantics = [#tpu.dimension_semantics<core_parallel>, #tpu.dimension_semantics<subcore_parallel>], iteration_bounds = array<i64: 2, 16>, scalar_prefetch = 0 : i64, scratch_operands = 7 : i64, tpu.core_type = #tpu.core_type<sc_vector_subcore>, window_params = [{transform_indices = #map}, {transform_indices = #map1}, {transform_indices = #map2}, {transform_indices = #map2}]} {
    %mul3A = arith.constant 2 : i32
    %mul3A_0 = arith.muli %arg1, %mul3A : i32
    %add3A = arith.addi %mul3A_0, %arg0 : i32
    %lt3A = arith.constant 29 : i32
    %lt3A_1 = arith.cmpi slt, %add3A, %lt3A : i32
    %convert_element_type3A = arith.extui %lt3A_1 : i1 to i32
    %cond3A = arith.constant 0 : i32
    %cond3A_2 = arith.cmpi ne, %convert_element_type3A, %cond3A : i32
    scf.if %cond3A_2 {
      %iota3A = tpu.iota {dimensions = array<i32: 0>} : vector<16xi32>
      "tpu.region"() ({
        %run_scoped3A = tpu.sem_alloc : memref<!tpu.dma_semaphore, #tpu.memory_space<semaphore_mem>>
        %dma_start3A_771 = arith.constant 0 : i32
        %dma_start3A_772 = tpu.memref_slice %arg2[%add3A, %dma_start3A_771] : memref<29x6144xf32, #tpu.memory_space<hbm>> -> memref<1x6144xf32, #tpu.memory_space<hbm>>
        %dma_start3A_773 = tpu.memref_squeeze %dma_start3A_772 : memref<1x6144xf32, #tpu.memory_space<hbm>> -> memref<6144xf32, #tpu.memory_space<hbm>>
        %dma_start3A_774 = arith.constant 0 : i32
        %dma_start3A_775 = tpu.memref_slice %arg2[%add3A, %dma_start3A_774] : memref<29x6144xf32, #tpu.memory_space<hbm>> -> memref<1x6144xf32, #tpu.memory_space<hbm>>
        %dma_start3A_776 = tpu.memref_squeeze %dma_start3A_775 : memref<1x6144xf32, #tpu.memory_space<hbm>> -> memref<6144xf32, #tpu.memory_space<hbm>>
        tpu.enqueue_dma source(%dma_start3A_776 : memref<6144xf32, #tpu.memory_space<hbm>>) target(%arg6 : memref<6144xf32, #tpu.memory_space<vmem>>) target_semaphore(%run_scoped3A : memref<!tpu.dma_semaphore, #tpu.memory_space<semaphore_mem>>)
        %dma_wait3A_777 = arith.constant 0 : i32
        %dma_wait3A_778 = tpu.memref_slice %arg2[%add3A, %dma_wait3A_777] : memref<29x6144xf32, #tpu.memory_space<hbm>> -> memref<1x6144xf32, #tpu.memory_space<hbm>>
        %dma_wait3A_779 = tpu.memref_squeeze %dma_wait3A_778 : memref<1x6144xf32, #tpu.memory_space<hbm>> -> memref<6144xf32, #tpu.memory_space<hbm>>
        %dma_wait3A_780 = arith.constant 0 : i32
        %dma_wait3A_781 = tpu.memref_slice %arg2[%add3A, %dma_wait3A_780] : memref<29x6144xf32, #tpu.memory_space<hbm>> -> memref<1x6144xf32, #tpu.memory_space<hbm>>
        %dma_wait3A_782 = tpu.memref_squeeze %dma_wait3A_781 : memref<1x6144xf32, #tpu.memory_space<hbm>> -> memref<6144xf32, #tpu.memory_space<hbm>>
        tpu.wait_dma2 semaphore(%run_scoped3A : memref<!tpu.dma_semaphore, #tpu.memory_space<semaphore_mem>>) src(%dma_wait3A_782 : memref<6144xf32, #tpu.memory_space<hbm>>) dst(%arg6 : memref<6144xf32, #tpu.memory_space<vmem>>)
        tpu.yield
      }) : () -> ()
      %broadcast_in_dim3A = arith.constant 0.000000e+00 : f32
      %broadcast_in_dim3A_3 = vector.broadcast %broadcast_in_dim3A : f32 to vector<16xf32>
      %scan3A = arith.constant 0 : i32
      %scan3A_4 = arith.constant 48 : i32
      %scan3A_5 = arith.addi %scan3A, %scan3A_4 : i32
      %scan3A_6 = arith.constant 1 : i32
      %scan3A_7 = scf.for %scan3A_771 = %scan3A to %scan3A_5 step %scan3A_6 iter_args(%scan3A_772 = %broadcast_in_dim3A_3) -> (vector<16xf32>)  : i32 {
        %mul3A_773 = arith.constant 16 : i32
        %mul3A_774 = arith.muli %scan3A_771, %mul3A_773 : i32
        %add3A_775 = arith.constant 0 : i32
        %add3A_776 = arith.addi %add3A_775, %mul3A_774 : i32
        %get3A = arith.index_cast %add3A_776 : i32 to index
        %get3A_777 = tpu.vector_load %arg6[%get3A] {strides = array<i32>} : memref<6144xf32, #tpu.memory_space<vmem>>, vector<16xf32>,
        %mul3A_778 = arith.mulf %get3A_777, %get3A_777 : vector<16xf32>
        %add3A_779 = arith.addf %scan3A_772, %mul3A_778 : vector<16xf32>
        scf.yield %add3A_779 : vector<16xf32>
      }
      %scan3A_8 = arith.constant 48 : i32
      %swap3A = arith.constant 0 : index
      %swap3A_9 = tpu.vector_load %arg10[%swap3A] {strides = array<i32>} : memref<16xf32, #tpu.memory_space<vmem>>, vector<16xf32>,
      tpu.vector_store %arg10[%swap3A], %scan3A_7 {strides = array<i32>} : memref<16xf32, #tpu.memory_space<vmem>>, vector<16xf32>,
      %xor3A = arith.constant 8 : i32
      %xor3A_10 = vector.broadcast %xor3A : i32 to vector<16xi32>
      %xor3A_11 = arith.xori %iota3A, %xor3A_10 : vector<16xi32>
      %gather3A = tpu.vector_load_idx %arg10[%xor3A_11] : memref<16xf32, #tpu.memory_space<vmem>>[vector<16xi32>], vector<16xf32>,
      %add3A_12 = arith.addf %scan3A_7, %gather3A : vector<16xf32>
      %swap3A_13 = arith.constant 0 : index
      %swap3A_14 = tpu.vector_load %arg10[%swap3A_13] {strides = array<i32>} : memref<16xf32, #tpu.memory_space<vmem>>, vector<16xf32>,
      tpu.vector_store %arg10[%swap3A_13], %add3A_12 {strides = array<i32>} : memref<16xf32, #tpu.memory_space<vmem>>, vector<16xf32>,
      %xor3A_15 = arith.constant 4 : i32
      %xor3A_16 = vector.broadcast %xor3A_15 : i32 to vector<16xi32>
      %xor3A_17 = arith.xori %iota3A, %xor3A_16 : vector<16xi32>
      %gather3A_18 = tpu.vector_load_idx %arg10[%xor3A_17] : memref<16xf32, #tpu.memory_space<vmem>>[vector<16xi32>], vector<16xf32>,
      %add3A_19 = arith.addf %add3A_12, %gather3A_18 : vector<16xf32>
      %swap3A_20 = arith.constant 0 : index
      %swap3A_21 = tpu.vector_load %arg10[%swap3A_20] {strides = array<i32>} : memref<16xf32, #tpu.memory_space<vmem>>, vector<16xf32>,
      tpu.vector_store %arg10[%swap3A_20], %add3A_19 {strides = array<i32>} : memref<16xf32, #tpu.memory_space<vmem>>, vector<16xf32>,
      %xor3A_22 = arith.constant 2 : i32
      %xor3A_23 = vector.broadcast %xor3A_22 : i32 to vector<16xi32>
      %xor3A_24 = arith.xori %iota3A, %xor3A_23 : vector<16xi32>
      %gather3A_25 = tpu.vector_load_idx %arg10[%xor3A_24] : memref<16xf32, #tpu.memory_space<vmem>>[vector<16xi32>], vector<16xf32>,
      %add3A_26 = arith.addf %add3A_19, %gather3A_25 : vector<16xf32>
      %swap3A_27 = arith.constant 0 : index
      %swap3A_28 = tpu.vector_load %arg10[%swap3A_27] {strides = array<i32>} : memref<16xf32, #tpu.memory_space<vmem>>, vector<16xf32>,
      tpu.vector_store %arg10[%swap3A_27], %add3A_26 {strides = array<i32>} : memref<16xf32, #tpu.memory_space<vmem>>, vector<16xf32>,
      %xor3A_29 = arith.constant 1 : i32
      %xor3A_30 = vector.broadcast %xor3A_29 : i32 to vector<16xi32>
      %xor3A_31 = arith.xori %iota3A, %xor3A_30 : vector<16xi32>
      %gather3A_32 = tpu.vector_load_idx %arg10[%xor3A_31] : memref<16xf32, #tpu.memory_space<vmem>>[vector<16xi32>], vector<16xf32>,
      %add3A_33 = arith.addf %add3A_26, %gather3A_32 : vector<16xf32>
      %bitcast3A = vector.bitcast %add3A_33 : vector<16xf32> to vector<16xi32>
      %shift_right_arithmetic3A = arith.constant 1 : i32
      %shift_right_arithmetic3A_34 = vector.broadcast %shift_right_arithmetic3A : i32 to vector<16xi32>
      %shift_right_arithmetic3A_35 = arith.shrsi %bitcast3A, %shift_right_arithmetic3A_34 : vector<16xi32>
      %sub3A = arith.constant 1597463007 : i32
      %sub3A_36 = vector.broadcast %sub3A : i32 to vector<16xi32>
      %sub3A_37 = arith.subi %sub3A_36, %shift_right_arithmetic3A_35 : vector<16xi32>
      %bitcast3A_38 = vector.bitcast %sub3A_37 : vector<16xi32> to vector<16xf32>
      %mul3A_39 = arith.constant 5.000000e-01 : f32
      %mul3A_40 = vector.broadcast %mul3A_39 : f32 to vector<16xf32>
      %mul3A_41 = arith.mulf %mul3A_40, %add3A_33 : vector<16xf32>
      %mul3A_42 = arith.mulf %mul3A_41, %bitcast3A_38 : vector<16xf32>
      %mul3A_43 = arith.mulf %mul3A_42, %bitcast3A_38 : vector<16xf32>
      %sub3A_44 = arith.constant 1.500000e+00 : f32
      %sub3A_45 = vector.broadcast %sub3A_44 : f32 to vector<16xf32>
      %sub3A_46 = arith.subf %sub3A_45, %mul3A_43 : vector<16xf32>
      %mul3A_47 = arith.mulf %bitcast3A_38, %sub3A_46 : vector<16xf32>
      %mul3A_48 = arith.constant 5.000000e-01 : f32
      %mul3A_49 = vector.broadcast %mul3A_48 : f32 to vector<16xf32>
      %mul3A_50 = arith.mulf %mul3A_49, %add3A_33 : vector<16xf32>
      %mul3A_51 = arith.mulf %mul3A_50, %mul3A_47 : vector<16xf32>
      %mul3A_52 = arith.mulf %mul3A_51, %mul3A_47 : vector<16xf32>
      %sub3A_53 = arith.constant 1.500000e+00 : f32
      %sub3A_54 = vector.broadcast %sub3A_53 : f32 to vector<16xf32>
      %sub3A_55 = arith.subf %sub3A_54, %mul3A_52 : vector<16xf32>
      %mul3A_56 = arith.mulf %mul3A_47, %sub3A_55 : vector<16xf32>
      %mul3A_57 = arith.constant 5.000000e-01 : f32
      %mul3A_58 = vector.broadcast %mul3A_57 : f32 to vector<16xf32>
      %mul3A_59 = arith.mulf %mul3A_58, %add3A_33 : vector<16xf32>
      %mul3A_60 = arith.mulf %mul3A_59, %mul3A_56 : vector<16xf32>
      %mul3A_61 = arith.mulf %mul3A_60, %mul3A_56 : vector<16xf32>
      %sub3A_62 = arith.constant 1.500000e+00 : f32
      %sub3A_63 = vector.broadcast %sub3A_62 : f32 to vector<16xf32>
      %sub3A_64 = arith.subf %sub3A_63, %mul3A_61 : vector<16xf32>
      %mul3A_65 = arith.mulf %mul3A_56, %sub3A_64 : vector<16xf32>
      %lt3A_66 = arith.constant 1.000000e-24 : f32
      %lt3A_67 = vector.broadcast %lt3A_66 : f32 to vector<16xf32>
      %lt3A_68 = arith.cmpf olt, %add3A_33, %lt3A_67 : vector<16xf32>
      %broadcast_in_dim3A_69 = arith.constant 9.99999995E+11 : f32
      %broadcast_in_dim3A_70 = vector.broadcast %broadcast_in_dim3A_69 : f32 to vector<16xf32>
      %select_n3A = arith.select %lt3A_68, %broadcast_in_dim3A_70, %mul3A_65 : vector<16xi1>, vector<16xf32>
      %scan3A_71 = arith.constant 0 : i32
      %scan3A_72 = arith.constant 0 : i32
      %scan3A_73 = arith.constant 48 : i32
      %scan3A_74 = arith.addi %scan3A_72, %scan3A_73 : i32
      %scan3A_75 = arith.constant 1 : i32
      %scan3A_76 = scf.for %scan3A_771 = %scan3A_72 to %scan3A_74 step %scan3A_75 iter_args(%scan3A_772 = %scan3A_71) -> (i32)  : i32 {
        %mul3A_773 = arith.constant 16 : i32
        %mul3A_774 = arith.muli %scan3A_771, %mul3A_773 : i32
        %add3A_775 = arith.constant 0 : i32
        %add3A_776 = arith.addi %add3A_775, %mul3A_774 : i32
        %get3A = arith.index_cast %add3A_776 : i32 to index
        %get3A_777 = tpu.vector_load %arg6[%get3A] {strides = array<i32>} : memref<6144xf32, #tpu.memory_space<vmem>>, vector<16xf32>,
        %mul3A_778 = arith.mulf %get3A_777, %select_n3A : vector<16xf32>
        %bitcast3A_779 = vector.bitcast %mul3A_778 : vector<16xf32> to vector<16xi32>
        %shift_right_logical3A = arith.constant 16 : i32
        %shift_right_logical3A_780 = vector.broadcast %shift_right_logical3A : i32 to vector<16xi32>
        %shift_right_logical3A_781 = arith.shrui %bitcast3A_779, %shift_right_logical3A_780 : vector<16xi32>
        %and3A = arith.constant 1 : i32
        %and3A_782 = vector.broadcast %and3A : i32 to vector<16xi32>
        %and3A_783 = arith.andi %shift_right_logical3A_781, %and3A_782 : vector<16xi32>
        %add3A_784 = arith.constant 32767 : i32
        %add3A_785 = vector.broadcast %add3A_784 : i32 to vector<16xi32>
        %add3A_786 = arith.addi %bitcast3A_779, %add3A_785 : vector<16xi32>
        %add3A_787 = arith.addi %add3A_786, %and3A_783 : vector<16xi32>
        %and3A_788 = arith.constant -65536 : i32
        %and3A_789 = vector.broadcast %and3A_788 : i32 to vector<16xi32>
        %and3A_790 = arith.andi %add3A_787, %and3A_789 : vector<16xi32>
        %bitcast3A_791 = vector.bitcast %and3A_790 : vector<16xi32> to vector<16xf32>
        %swap3A_792 = arith.index_cast %add3A_776 : i32 to index
        %swap3A_793 = tpu.vector_load %arg6[%swap3A_792] {strides = array<i32>} : memref<6144xf32, #tpu.memory_space<vmem>>, vector<16xf32>,
        tpu.vector_store %arg6[%swap3A_792], %bitcast3A_791 {strides = array<i32>} : memref<6144xf32, #tpu.memory_space<vmem>>, vector<16xf32>,
        %scan3A_794 = arith.constant 0 : i32
        scf.yield %scan3A_794 : i32
      }
      %scan3A_77 = arith.constant 48 : i32
      %broadcast_in_dim3A_78 = arith.constant 0.000000e+00 : f32
      %broadcast_in_dim3A_79 = vector.broadcast %broadcast_in_dim3A_78 : f32 to vector<16xf32>
      %scan3A_80 = arith.constant 0 : i32
      %scan3A_81 = arith.constant 48 : i32
      %scan3A_82 = arith.addi %scan3A_80, %scan3A_81 : i32
      %scan3A_83 = arith.constant 1 : i32
      %scan3A_84 = scf.for %scan3A_771 = %scan3A_80 to %scan3A_82 step %scan3A_83 iter_args(%scan3A_772 = %broadcast_in_dim3A_79) -> (vector<16xf32>)  : i32 {
        %mul3A_773 = arith.constant 16 : i32
        %mul3A_774 = arith.muli %scan3A_771, %mul3A_773 : i32
        %add3A_775 = arith.constant 768 : i32
        %add3A_776 = arith.addi %add3A_775, %mul3A_774 : i32
        %get3A = arith.index_cast %add3A_776 : i32 to index
        %get3A_777 = tpu.vector_load %arg6[%get3A] {strides = array<i32>} : memref<6144xf32, #tpu.memory_space<vmem>>, vector<16xf32>,
        %mul3A_778 = arith.mulf %get3A_777, %get3A_777 : vector<16xf32>
        %add3A_779 = arith.addf %scan3A_772, %mul3A_778 : vector<16xf32>
        scf.yield %add3A_779 : vector<16xf32>
      }
      %scan3A_85 = arith.constant 48 : i32
      %swap3A_86 = arith.constant 0 : index
      %swap3A_87 = tpu.vector_load %arg10[%swap3A_86] {strides = array<i32>} : memref<16xf32, #tpu.memory_space<vmem>>, vector<16xf32>,
      tpu.vector_store %arg10[%swap3A_86], %scan3A_84 {strides = array<i32>} : memref<16xf32, #tpu.memory_space<vmem>>, vector<16xf32>,
      %xor3A_88 = arith.constant 8 : i32
      %xor3A_89 = vector.broadcast %xor3A_88 : i32 to vector<16xi32>
      %xor3A_90 = arith.xori %iota3A, %xor3A_89 : vector<16xi32>
      %gather3A_91 = tpu.vector_load_idx %arg10[%xor3A_90] : memref<16xf32, #tpu.memory_space<vmem>>[vector<16xi32>], vector<16xf32>,
      %add3A_92 = arith.addf %scan3A_84, %gather3A_91 : vector<16xf32>
      %swap3A_93 = arith.constant 0 : index
      %swap3A_94 = tpu.vector_load %arg10[%swap3A_93] {strides = array<i32>} : memref<16xf32, #tpu.memory_space<vmem>>, vector<16xf32>,
      tpu.vector_store %arg10[%swap3A_93], %add3A_92 {strides = array<i32>} : memref<16xf32, #tpu.memory_space<vmem>>, vector<16xf32>,
      %xor3A_95 = arith.constant 4 : i32
      %xor3A_96 = vector.broadcast %xor3A_95 : i32 to vector<16xi32>
      %xor3A_97 = arith.xori %iota3A, %xor3A_96 : vector<16xi32>
      %gather3A_98 = tpu.vector_load_idx %arg10[%xor3A_97] : memref<16xf32, #tpu.memory_space<vmem>>[vector<16xi32>], vector<16xf32>,
      %add3A_99 = arith.addf %add3A_92, %gather3A_98 : vector<16xf32>
      %swap3A_100 = arith.constant 0 : index
      %swap3A_101 = tpu.vector_load %arg10[%swap3A_100] {strides = array<i32>} : memref<16xf32, #tpu.memory_space<vmem>>, vector<16xf32>,
      tpu.vector_store %arg10[%swap3A_100], %add3A_99 {strides = array<i32>} : memref<16xf32, #tpu.memory_space<vmem>>, vector<16xf32>,
      %xor3A_102 = arith.constant 2 : i32
      %xor3A_103 = vector.broadcast %xor3A_102 : i32 to vector<16xi32>
      %xor3A_104 = arith.xori %iota3A, %xor3A_103 : vector<16xi32>
      %gather3A_105 = tpu.vector_load_idx %arg10[%xor3A_104] : memref<16xf32, #tpu.memory_space<vmem>>[vector<16xi32>], vector<16xf32>,
      %add3A_106 = arith.addf %add3A_99, %gather3A_105 : vector<16xf32>
      %swap3A_107 = arith.constant 0 : index
      %swap3A_108 = tpu.vector_load %arg10[%swap3A_107] {strides = array<i32>} : memref<16xf32, #tpu.memory_space<vmem>>, vector<16xf32>,
      tpu.vector_store %arg10[%swap3A_107], %add3A_106 {strides = array<i32>} : memref<16xf32, #tpu.memory_space<vmem>>, vector<16xf32>,
      %xor3A_109 = arith.constant 1 : i32
      %xor3A_110 = vector.broadcast %xor3A_109 : i32 to vector<16xi32>
      %xor3A_111 = arith.xori %iota3A, %xor3A_110 : vector<16xi32>
      %gather3A_112 = tpu.vector_load_idx %arg10[%xor3A_111] : memref<16xf32, #tpu.memory_space<vmem>>[vector<16xi32>], vector<16xf32>,
      %add3A_113 = arith.addf %add3A_106, %gather3A_112 : vector<16xf32>
      %bitcast3A_114 = vector.bitcast %add3A_113 : vector<16xf32> to vector<16xi32>
      %shift_right_arithmetic3A_115 = arith.constant 1 : i32
      %shift_right_arithmetic3A_116 = vector.broadcast %shift_right_arithmetic3A_115 : i32 to vector<16xi32>
      %shift_right_arithmetic3A_117 = arith.shrsi %bitcast3A_114, %shift_right_arithmetic3A_116 : vector<16xi32>
      %sub3A_118 = arith.constant 1597463007 : i32
      %sub3A_119 = vector.broadcast %sub3A_118 : i32 to vector<16xi32>
      %sub3A_120 = arith.subi %sub3A_119, %shift_right_arithmetic3A_117 : vector<16xi32>
      %bitcast3A_121 = vector.bitcast %sub3A_120 : vector<16xi32> to vector<16xf32>
      %mul3A_122 = arith.constant 5.000000e-01 : f32
      %mul3A_123 = vector.broadcast %mul3A_122 : f32 to vector<16xf32>
      %mul3A_124 = arith.mulf %mul3A_123, %add3A_113 : vector<16xf32>
      %mul3A_125 = arith.mulf %mul3A_124, %bitcast3A_121 : vector<16xf32>
      %mul3A_126 = arith.mulf %mul3A_125, %bitcast3A_121 : vector<16xf32>
      %sub3A_127 = arith.constant 1.500000e+00 : f32
      %sub3A_128 = vector.broadcast %sub3A_127 : f32 to vector<16xf32>
      %sub3A_129 = arith.subf %sub3A_128, %mul3A_126 : vector<16xf32>
      %mul3A_130 = arith.mulf %bitcast3A_121, %sub3A_129 : vector<16xf32>
      %mul3A_131 = arith.constant 5.000000e-01 : f32
      %mul3A_132 = vector.broadcast %mul3A_131 : f32 to vector<16xf32>
      %mul3A_133 = arith.mulf %mul3A_132, %add3A_113 : vector<16xf32>
      %mul3A_134 = arith.mulf %mul3A_133, %mul3A_130 : vector<16xf32>
      %mul3A_135 = arith.mulf %mul3A_134, %mul3A_130 : vector<16xf32>
      %sub3A_136 = arith.constant 1.500000e+00 : f32
      %sub3A_137 = vector.broadcast %sub3A_136 : f32 to vector<16xf32>
      %sub3A_138 = arith.subf %sub3A_137, %mul3A_135 : vector<16xf32>
      %mul3A_139 = arith.mulf %mul3A_130, %sub3A_138 : vector<16xf32>
      %mul3A_140 = arith.constant 5.000000e-01 : f32
      %mul3A_141 = vector.broadcast %mul3A_140 : f32 to vector<16xf32>
      %mul3A_142 = arith.mulf %mul3A_141, %add3A_113 : vector<16xf32>
      %mul3A_143 = arith.mulf %mul3A_142, %mul3A_139 : vector<16xf32>
      %mul3A_144 = arith.mulf %mul3A_143, %mul3A_139 : vector<16xf32>
      %sub3A_145 = arith.constant 1.500000e+00 : f32
      %sub3A_146 = vector.broadcast %sub3A_145 : f32 to vector<16xf32>
      %sub3A_147 = arith.subf %sub3A_146, %mul3A_144 : vector<16xf32>
      %mul3A_148 = arith.mulf %mul3A_139, %sub3A_147 : vector<16xf32>
      %lt3A_149 = arith.constant 1.000000e-24 : f32
      %lt3A_150 = vector.broadcast %lt3A_149 : f32 to vector<16xf32>
      %lt3A_151 = arith.cmpf olt, %add3A_113, %lt3A_150 : vector<16xf32>
      %broadcast_in_dim3A_152 = arith.constant 9.99999995E+11 : f32
      %broadcast_in_dim3A_153 = vector.broadcast %broadcast_in_dim3A_152 : f32 to vector<16xf32>
      %select_n3A_154 = arith.select %lt3A_151, %broadcast_in_dim3A_153, %mul3A_148 : vector<16xi1>, vector<16xf32>
      %scan3A_155 = arith.constant 0 : i32
      %scan3A_156 = arith.constant 0 : i32
      %scan3A_157 = arith.constant 48 : i32
      %scan3A_158 = arith.addi %scan3A_156, %scan3A_157 : i32
      %scan3A_159 = arith.constant 1 : i32
      %scan3A_160 = scf.for %scan3A_771 = %scan3A_156 to %scan3A_158 step %scan3A_159 iter_args(%scan3A_772 = %scan3A_155) -> (i32)  : i32 {
        %mul3A_773 = arith.constant 16 : i32
        %mul3A_774 = arith.muli %scan3A_771, %mul3A_773 : i32
        %add3A_775 = arith.constant 768 : i32
        %add3A_776 = arith.addi %add3A_775, %mul3A_774 : i32
        %get3A = arith.index_cast %add3A_776 : i32 to index
        %get3A_777 = tpu.vector_load %arg6[%get3A] {strides = array<i32>} : memref<6144xf32, #tpu.memory_space<vmem>>, vector<16xf32>,
        %mul3A_778 = arith.mulf %get3A_777, %select_n3A_154 : vector<16xf32>
        %bitcast3A_779 = vector.bitcast %mul3A_778 : vector<16xf32> to vector<16xi32>
        %shift_right_logical3A = arith.constant 16 : i32
        %shift_right_logical3A_780 = vector.broadcast %shift_right_logical3A : i32 to vector<16xi32>
        %shift_right_logical3A_781 = arith.shrui %bitcast3A_779, %shift_right_logical3A_780 : vector<16xi32>
        %and3A = arith.constant 1 : i32
        %and3A_782 = vector.broadcast %and3A : i32 to vector<16xi32>
        %and3A_783 = arith.andi %shift_right_logical3A_781, %and3A_782 : vector<16xi32>
        %add3A_784 = arith.constant 32767 : i32
        %add3A_785 = vector.broadcast %add3A_784 : i32 to vector<16xi32>
        %add3A_786 = arith.addi %bitcast3A_779, %add3A_785 : vector<16xi32>
        %add3A_787 = arith.addi %add3A_786, %and3A_783 : vector<16xi32>
        %and3A_788 = arith.constant -65536 : i32
        %and3A_789 = vector.broadcast %and3A_788 : i32 to vector<16xi32>
        %and3A_790 = arith.andi %add3A_787, %and3A_789 : vector<16xi32>
        %bitcast3A_791 = vector.bitcast %and3A_790 : vector<16xi32> to vector<16xf32>
        %swap3A_792 = arith.index_cast %add3A_776 : i32 to index
        %swap3A_793 = tpu.vector_load %arg6[%swap3A_792] {strides = array<i32>} : memref<6144xf32, #tpu.memory_space<vmem>>, vector<16xf32>,
        tpu.vector_store %arg6[%swap3A_792], %bitcast3A_791 {strides = array<i32>} : memref<6144xf32, #tpu.memory_space<vmem>>, vector<16xf32>,
        %scan3A_794 = arith.constant 0 : i32
        scf.yield %scan3A_794 : i32
      }
      %scan3A_161 = arith.constant 48 : i32
      %broadcast_in_dim3A_162 = arith.constant 0.000000e+00 : f32
      %broadcast_in_dim3A_163 = vector.broadcast %broadcast_in_dim3A_162 : f32 to vector<16xf32>
      %scan3A_164 = arith.constant 0 : i32
      %scan3A_165 = arith.constant 48 : i32
      %scan3A_166 = arith.addi %scan3A_164, %scan3A_165 : i32
      %scan3A_167 = arith.constant 1 : i32
      %scan3A_168 = scf.for %scan3A_771 = %scan3A_164 to %scan3A_166 step %scan3A_167 iter_args(%scan3A_772 = %broadcast_in_dim3A_163) -> (vector<16xf32>)  : i32 {
        %mul3A_773 = arith.constant 16 : i32
        %mul3A_774 = arith.muli %scan3A_771, %mul3A_773 : i32
        %add3A_775 = arith.constant 1536 : i32
        %add3A_776 = arith.addi %add3A_775, %mul3A_774 : i32
        %get3A = arith.index_cast %add3A_776 : i32 to index
        %get3A_777 = tpu.vector_load %arg6[%get3A] {strides = array<i32>} : memref<6144xf32, #tpu.memory_space<vmem>>, vector<16xf32>,
        %mul3A_778 = arith.mulf %get3A_777, %get3A_777 : vector<16xf32>
        %add3A_779 = arith.addf %scan3A_772, %mul3A_778 : vector<16xf32>
        scf.yield %add3A_779 : vector<16xf32>
      }
      %scan3A_169 = arith.constant 48 : i32
      %swap3A_170 = arith.constant 0 : index
      %swap3A_171 = tpu.vector_load %arg10[%swap3A_170] {strides = array<i32>} : memref<16xf32, #tpu.memory_space<vmem>>, vector<16xf32>,
      tpu.vector_store %arg10[%swap3A_170], %scan3A_168 {strides = array<i32>} : memref<16xf32, #tpu.memory_space<vmem>>, vector<16xf32>,
      %xor3A_172 = arith.constant 8 : i32
      %xor3A_173 = vector.broadcast %xor3A_172 : i32 to vector<16xi32>
      %xor3A_174 = arith.xori %iota3A, %xor3A_173 : vector<16xi32>
      %gather3A_175 = tpu.vector_load_idx %arg10[%xor3A_174] : memref<16xf32, #tpu.memory_space<vmem>>[vector<16xi32>], vector<16xf32>,
      %add3A_176 = arith.addf %scan3A_168, %gather3A_175 : vector<16xf32>
      %swap3A_177 = arith.constant 0 : index
      %swap3A_178 = tpu.vector_load %arg10[%swap3A_177] {strides = array<i32>} : memref<16xf32, #tpu.memory_space<vmem>>, vector<16xf32>,
      tpu.vector_store %arg10[%swap3A_177], %add3A_176 {strides = array<i32>} : memref<16xf32, #tpu.memory_space<vmem>>, vector<16xf32>,
      %xor3A_179 = arith.constant 4 : i32
      %xor3A_180 = vector.broadcast %xor3A_179 : i32 to vector<16xi32>
      %xor3A_181 = arith.xori %iota3A, %xor3A_180 : vector<16xi32>
      %gather3A_182 = tpu.vector_load_idx %arg10[%xor3A_181] : memref<16xf32, #tpu.memory_space<vmem>>[vector<16xi32>], vector<16xf32>,
      %add3A_183 = arith.addf %add3A_176, %gather3A_182 : vector<16xf32>
      %swap3A_184 = arith.constant 0 : index
      %swap3A_185 = tpu.vector_load %arg10[%swap3A_184] {strides = array<i32>} : memref<16xf32, #tpu.memory_space<vmem>>, vector<16xf32>,
      tpu.vector_store %arg10[%swap3A_184], %add3A_183 {strides = array<i32>} : memref<16xf32, #tpu.memory_space<vmem>>, vector<16xf32>,
      %xor3A_186 = arith.constant 2 : i32
      %xor3A_187 = vector.broadcast %xor3A_186 : i32 to vector<16xi32>
      %xor3A_188 = arith.xori %iota3A, %xor3A_187 : vector<16xi32>
      %gather3A_189 = tpu.vector_load_idx %arg10[%xor3A_188] : memref<16xf32, #tpu.memory_space<vmem>>[vector<16xi32>], vector<16xf32>,
      %add3A_190 = arith.addf %add3A_183, %gather3A_189 : vector<16xf32>
      %swap3A_191 = arith.constant 0 : index
      %swap3A_192 = tpu.vector_load %arg10[%swap3A_191] {strides = array<i32>} : memref<16xf32, #tpu.memory_space<vmem>>, vector<16xf32>,
      tpu.vector_store %arg10[%swap3A_191], %add3A_190 {strides = array<i32>} : memref<16xf32, #tpu.memory_space<vmem>>, vector<16xf32>,
      %xor3A_193 = arith.constant 1 : i32
      %xor3A_194 = vector.broadcast %xor3A_193 : i32 to vector<16xi32>
      %xor3A_195 = arith.xori %iota3A, %xor3A_194 : vector<16xi32>
      %gather3A_196 = tpu.vector_load_idx %arg10[%xor3A_195] : memref<16xf32, #tpu.memory_space<vmem>>[vector<16xi32>], vector<16xf32>,
      %add3A_197 = arith.addf %add3A_190, %gather3A_196 : vector<16xf32>
      %bitcast3A_198 = vector.bitcast %add3A_197 : vector<16xf32> to vector<16xi32>
      %shift_right_arithmetic3A_199 = arith.constant 1 : i32
      %shift_right_arithmetic3A_200 = vector.broadcast %shift_right_arithmetic3A_199 : i32 to vector<16xi32>
      %shift_right_arithmetic3A_201 = arith.shrsi %bitcast3A_198, %shift_right_arithmetic3A_200 : vector<16xi32>
      %sub3A_202 = arith.constant 1597463007 : i32
      %sub3A_203 = vector.broadcast %sub3A_202 : i32 to vector<16xi32>
      %sub3A_204 = arith.subi %sub3A_203, %shift_right_arithmetic3A_201 : vector<16xi32>
      %bitcast3A_205 = vector.bitcast %sub3A_204 : vector<16xi32> to vector<16xf32>
      %mul3A_206 = arith.constant 5.000000e-01 : f32
      %mul3A_207 = vector.broadcast %mul3A_206 : f32 to vector<16xf32>
      %mul3A_208 = arith.mulf %mul3A_207, %add3A_197 : vector<16xf32>
      %mul3A_209 = arith.mulf %mul3A_208, %bitcast3A_205 : vector<16xf32>
      %mul3A_210 = arith.mulf %mul3A_209, %bitcast3A_205 : vector<16xf32>
      %sub3A_211 = arith.constant 1.500000e+00 : f32
      %sub3A_212 = vector.broadcast %sub3A_211 : f32 to vector<16xf32>
      %sub3A_213 = arith.subf %sub3A_212, %mul3A_210 : vector<16xf32>
      %mul3A_214 = arith.mulf %bitcast3A_205, %sub3A_213 : vector<16xf32>
      %mul3A_215 = arith.constant 5.000000e-01 : f32
      %mul3A_216 = vector.broadcast %mul3A_215 : f32 to vector<16xf32>
      %mul3A_217 = arith.mulf %mul3A_216, %add3A_197 : vector<16xf32>
      %mul3A_218 = arith.mulf %mul3A_217, %mul3A_214 : vector<16xf32>
      %mul3A_219 = arith.mulf %mul3A_218, %mul3A_214 : vector<16xf32>
      %sub3A_220 = arith.constant 1.500000e+00 : f32
      %sub3A_221 = vector.broadcast %sub3A_220 : f32 to vector<16xf32>
      %sub3A_222 = arith.subf %sub3A_221, %mul3A_219 : vector<16xf32>
      %mul3A_223 = arith.mulf %mul3A_214, %sub3A_222 : vector<16xf32>
      %mul3A_224 = arith.constant 5.000000e-01 : f32
      %mul3A_225 = vector.broadcast %mul3A_224 : f32 to vector<16xf32>
      %mul3A_226 = arith.mulf %mul3A_225, %add3A_197 : vector<16xf32>
      %mul3A_227 = arith.mulf %mul3A_226, %mul3A_223 : vector<16xf32>
      %mul3A_228 = arith.mulf %mul3A_227, %mul3A_223 : vector<16xf32>
      %sub3A_229 = arith.constant 1.500000e+00 : f32
      %sub3A_230 = vector.broadcast %sub3A_229 : f32 to vector<16xf32>
      %sub3A_231 = arith.subf %sub3A_230, %mul3A_228 : vector<16xf32>
      %mul3A_232 = arith.mulf %mul3A_223, %sub3A_231 : vector<16xf32>
      %lt3A_233 = arith.constant 1.000000e-24 : f32
      %lt3A_234 = vector.broadcast %lt3A_233 : f32 to vector<16xf32>
      %lt3A_235 = arith.cmpf olt, %add3A_197, %lt3A_234 : vector<16xf32>
      %broadcast_in_dim3A_236 = arith.constant 9.99999995E+11 : f32
      %broadcast_in_dim3A_237 = vector.broadcast %broadcast_in_dim3A_236 : f32 to vector<16xf32>
      %select_n3A_238 = arith.select %lt3A_235, %broadcast_in_dim3A_237, %mul3A_232 : vector<16xi1>, vector<16xf32>
      %scan3A_239 = arith.constant 0 : i32
      %scan3A_240 = arith.constant 0 : i32
      %scan3A_241 = arith.constant 48 : i32
      %scan3A_242 = arith.addi %scan3A_240, %scan3A_241 : i32
      %scan3A_243 = arith.constant 1 : i32
      %scan3A_244 = scf.for %scan3A_771 = %scan3A_240 to %scan3A_242 step %scan3A_243 iter_args(%scan3A_772 = %scan3A_239) -> (i32)  : i32 {
        %mul3A_773 = arith.constant 16 : i32
        %mul3A_774 = arith.muli %scan3A_771, %mul3A_773 : i32
        %add3A_775 = arith.constant 1536 : i32
        %add3A_776 = arith.addi %add3A_775, %mul3A_774 : i32
        %get3A = arith.index_cast %add3A_776 : i32 to index
        %get3A_777 = tpu.vector_load %arg6[%get3A] {strides = array<i32>} : memref<6144xf32, #tpu.memory_space<vmem>>, vector<16xf32>,
        %mul3A_778 = arith.mulf %get3A_777, %select_n3A_238 : vector<16xf32>
        %bitcast3A_779 = vector.bitcast %mul3A_778 : vector<16xf32> to vector<16xi32>
        %shift_right_logical3A = arith.constant 16 : i32
        %shift_right_logical3A_780 = vector.broadcast %shift_right_logical3A : i32 to vector<16xi32>
        %shift_right_logical3A_781 = arith.shrui %bitcast3A_779, %shift_right_logical3A_780 : vector<16xi32>
        %and3A = arith.constant 1 : i32
        %and3A_782 = vector.broadcast %and3A : i32 to vector<16xi32>
        %and3A_783 = arith.andi %shift_right_logical3A_781, %and3A_782 : vector<16xi32>
        %add3A_784 = arith.constant 32767 : i32
        %add3A_785 = vector.broadcast %add3A_784 : i32 to vector<16xi32>
        %add3A_786 = arith.addi %bitcast3A_779, %add3A_785 : vector<16xi32>
        %add3A_787 = arith.addi %add3A_786, %and3A_783 : vector<16xi32>
        %and3A_788 = arith.constant -65536 : i32
        %and3A_789 = vector.broadcast %and3A_788 : i32 to vector<16xi32>
        %and3A_790 = arith.andi %add3A_787, %and3A_789 : vector<16xi32>
        %bitcast3A_791 = vector.bitcast %and3A_790 : vector<16xi32> to vector<16xf32>
        %swap3A_792 = arith.index_cast %add3A_776 : i32 to index
        %swap3A_793 = tpu.vector_load %arg6[%swap3A_792] {strides = array<i32>} : memref<6144xf32, #tpu.memory_space<vmem>>, vector<16xf32>,
        tpu.vector_store %arg6[%swap3A_792], %bitcast3A_791 {strides = array<i32>} : memref<6144xf32, #tpu.memory_space<vmem>>, vector<16xf32>,
        %scan3A_794 = arith.constant 0 : i32
        scf.yield %scan3A_794 : i32
      }
      %scan3A_245 = arith.constant 48 : i32
      %broadcast_in_dim3A_246 = arith.constant 0.000000e+00 : f32
      %broadcast_in_dim3A_247 = vector.broadcast %broadcast_in_dim3A_246 : f32 to vector<16xf32>
      %scan3A_248 = arith.constant 0 : i32
      %scan3A_249 = arith.constant 48 : i32
      %scan3A_250 = arith.addi %scan3A_248, %scan3A_249 : i32
      %scan3A_251 = arith.constant 1 : i32
      %scan3A_252 = scf.for %scan3A_771 = %scan3A_248 to %scan3A_250 step %scan3A_251 iter_args(%scan3A_772 = %broadcast_in_dim3A_247) -> (vector<16xf32>)  : i32 {
        %mul3A_773 = arith.constant 16 : i32
        %mul3A_774 = arith.muli %scan3A_771, %mul3A_773 : i32
        %add3A_775 = arith.constant 2304 : i32
        %add3A_776 = arith.addi %add3A_775, %mul3A_774 : i32
        %get3A = arith.index_cast %add3A_776 : i32 to index
        %get3A_777 = tpu.vector_load %arg6[%get3A] {strides = array<i32>} : memref<6144xf32, #tpu.memory_space<vmem>>, vector<16xf32>,
        %mul3A_778 = arith.mulf %get3A_777, %get3A_777 : vector<16xf32>
        %add3A_779 = arith.addf %scan3A_772, %mul3A_778 : vector<16xf32>
        scf.yield %add3A_779 : vector<16xf32>
      }
      %scan3A_253 = arith.constant 48 : i32
      %swap3A_254 = arith.constant 0 : index
      %swap3A_255 = tpu.vector_load %arg10[%swap3A_254] {strides = array<i32>} : memref<16xf32, #tpu.memory_space<vmem>>, vector<16xf32>,
      tpu.vector_store %arg10[%swap3A_254], %scan3A_252 {strides = array<i32>} : memref<16xf32, #tpu.memory_space<vmem>>, vector<16xf32>,
      %xor3A_256 = arith.constant 8 : i32
      %xor3A_257 = vector.broadcast %xor3A_256 : i32 to vector<16xi32>
      %xor3A_258 = arith.xori %iota3A, %xor3A_257 : vector<16xi32>
      %gather3A_259 = tpu.vector_load_idx %arg10[%xor3A_258] : memref<16xf32, #tpu.memory_space<vmem>>[vector<16xi32>], vector<16xf32>,
      %add3A_260 = arith.addf %scan3A_252, %gather3A_259 : vector<16xf32>
      %swap3A_261 = arith.constant 0 : index
      %swap3A_262 = tpu.vector_load %arg10[%swap3A_261] {strides = array<i32>} : memref<16xf32, #tpu.memory_space<vmem>>, vector<16xf32>,
      tpu.vector_store %arg10[%swap3A_261], %add3A_260 {strides = array<i32>} : memref<16xf32, #tpu.memory_space<vmem>>, vector<16xf32>,
      %xor3A_263 = arith.constant 4 : i32
      %xor3A_264 = vector.broadcast %xor3A_263 : i32 to vector<16xi32>
      %xor3A_265 = arith.xori %iota3A, %xor3A_264 : vector<16xi32>
      %gather3A_266 = tpu.vector_load_idx %arg10[%xor3A_265] : memref<16xf32, #tpu.memory_space<vmem>>[vector<16xi32>], vector<16xf32>,
      %add3A_267 = arith.addf %add3A_260, %gather3A_266 : vector<16xf32>
      %swap3A_268 = arith.constant 0 : index
      %swap3A_269 = tpu.vector_load %arg10[%swap3A_268] {strides = array<i32>} : memref<16xf32, #tpu.memory_space<vmem>>, vector<16xf32>,
      tpu.vector_store %arg10[%swap3A_268], %add3A_267 {strides = array<i32>} : memref<16xf32, #tpu.memory_space<vmem>>, vector<16xf32>,
      %xor3A_270 = arith.constant 2 : i32
      %xor3A_271 = vector.broadcast %xor3A_270 : i32 to vector<16xi32>
      %xor3A_272 = arith.xori %iota3A, %xor3A_271 : vector<16xi32>
      %gather3A_273 = tpu.vector_load_idx %arg10[%xor3A_272] : memref<16xf32, #tpu.memory_space<vmem>>[vector<16xi32>], vector<16xf32>,
      %add3A_274 = arith.addf %add3A_267, %gather3A_273 : vector<16xf32>
      %swap3A_275 = arith.constant 0 : index
      %swap3A_276 = tpu.vector_load %arg10[%swap3A_275] {strides = array<i32>} : memref<16xf32, #tpu.memory_space<vmem>>, vector<16xf32>,
      tpu.vector_store %arg10[%swap3A_275], %add3A_274 {strides = array<i32>} : memref<16xf32, #tpu.memory_space<vmem>>, vector<16xf32>,
      %xor3A_277 = arith.constant 1 : i32
      %xor3A_278 = vector.broadcast %xor3A_277 : i32 to vector<16xi32>
      %xor3A_279 = arith.xori %iota3A, %xor3A_278 : vector<16xi32>
      %gather3A_280 = tpu.vector_load_idx %arg10[%xor3A_279] : memref<16xf32, #tpu.memory_space<vmem>>[vector<16xi32>], vector<16xf32>,
      %add3A_281 = arith.addf %add3A_274, %gather3A_280 : vector<16xf32>
      %bitcast3A_282 = vector.bitcast %add3A_281 : vector<16xf32> to vector<16xi32>
      %shift_right_arithmetic3A_283 = arith.constant 1 : i32
      %shift_right_arithmetic3A_284 = vector.broadcast %shift_right_arithmetic3A_283 : i32 to vector<16xi32>
      %shift_right_arithmetic3A_285 = arith.shrsi %bitcast3A_282, %shift_right_arithmetic3A_284 : vector<16xi32>
      %sub3A_286 = arith.constant 1597463007 : i32
      %sub3A_287 = vector.broadcast %sub3A_286 : i32 to vector<16xi32>
      %sub3A_288 = arith.subi %sub3A_287, %shift_right_arithmetic3A_285 : vector<16xi32>
      %bitcast3A_289 = vector.bitcast %sub3A_288 : vector<16xi32> to vector<16xf32>
      %mul3A_290 = arith.constant 5.000000e-01 : f32
      %mul3A_291 = vector.broadcast %mul3A_290 : f32 to vector<16xf32>
      %mul3A_292 = arith.mulf %mul3A_291, %add3A_281 : vector<16xf32>
      %mul3A_293 = arith.mulf %mul3A_292, %bitcast3A_289 : vector<16xf32>
      %mul3A_294 = arith.mulf %mul3A_293, %bitcast3A_289 : vector<16xf32>
      %sub3A_295 = arith.constant 1.500000e+00 : f32
      %sub3A_296 = vector.broadcast %sub3A_295 : f32 to vector<16xf32>
      %sub3A_297 = arith.subf %sub3A_296, %mul3A_294 : vector<16xf32>
      %mul3A_298 = arith.mulf %bitcast3A_289, %sub3A_297 : vector<16xf32>
      %mul3A_299 = arith.constant 5.000000e-01 : f32
      %mul3A_300 = vector.broadcast %mul3A_299 : f32 to vector<16xf32>
      %mul3A_301 = arith.mulf %mul3A_300, %add3A_281 : vector<16xf32>
      %mul3A_302 = arith.mulf %mul3A_301, %mul3A_298 : vector<16xf32>
      %mul3A_303 = arith.mulf %mul3A_302, %mul3A_298 : vector<16xf32>
      %sub3A_304 = arith.constant 1.500000e+00 : f32
      %sub3A_305 = vector.broadcast %sub3A_304 : f32 to vector<16xf32>
      %sub3A_306 = arith.subf %sub3A_305, %mul3A_303 : vector<16xf32>
      %mul3A_307 = arith.mulf %mul3A_298, %sub3A_306 : vector<16xf32>
      %mul3A_308 = arith.constant 5.000000e-01 : f32
      %mul3A_309 = vector.broadcast %mul3A_308 : f32 to vector<16xf32>
      %mul3A_310 = arith.mulf %mul3A_309, %add3A_281 : vector<16xf32>
      %mul3A_311 = arith.mulf %mul3A_310, %mul3A_307 : vector<16xf32>
      %mul3A_312 = arith.mulf %mul3A_311, %mul3A_307 : vector<16xf32>
      %sub3A_313 = arith.constant 1.500000e+00 : f32
      %sub3A_314 = vector.broadcast %sub3A_313 : f32 to vector<16xf32>
      %sub3A_315 = arith.subf %sub3A_314, %mul3A_312 : vector<16xf32>
      %mul3A_316 = arith.mulf %mul3A_307, %sub3A_315 : vector<16xf32>
      %lt3A_317 = arith.constant 1.000000e-24 : f32
      %lt3A_318 = vector.broadcast %lt3A_317 : f32 to vector<16xf32>
      %lt3A_319 = arith.cmpf olt, %add3A_281, %lt3A_318 : vector<16xf32>
      %broadcast_in_dim3A_320 = arith.constant 9.99999995E+11 : f32
      %broadcast_in_dim3A_321 = vector.broadcast %broadcast_in_dim3A_320 : f32 to vector<16xf32>
      %select_n3A_322 = arith.select %lt3A_319, %broadcast_in_dim3A_321, %mul3A_316 : vector<16xi1>, vector<16xf32>
      %scan3A_323 = arith.constant 0 : i32
      %scan3A_324 = arith.constant 0 : i32
      %scan3A_325 = arith.constant 48 : i32
      %scan3A_326 = arith.addi %scan3A_324, %scan3A_325 : i32
      %scan3A_327 = arith.constant 1 : i32
      %scan3A_328 = scf.for %scan3A_771 = %scan3A_324 to %scan3A_326 step %scan3A_327 iter_args(%scan3A_772 = %scan3A_323) -> (i32)  : i32 {
        %mul3A_773 = arith.constant 16 : i32
        %mul3A_774 = arith.muli %scan3A_771, %mul3A_773 : i32
        %add3A_775 = arith.constant 2304 : i32
        %add3A_776 = arith.addi %add3A_775, %mul3A_774 : i32
        %get3A = arith.index_cast %add3A_776 : i32 to index
        %get3A_777 = tpu.vector_load %arg6[%get3A] {strides = array<i32>} : memref<6144xf32, #tpu.memory_space<vmem>>, vector<16xf32>,
        %mul3A_778 = arith.mulf %get3A_777, %select_n3A_322 : vector<16xf32>
        %bitcast3A_779 = vector.bitcast %mul3A_778 : vector<16xf32> to vector<16xi32>
        %shift_right_logical3A = arith.constant 16 : i32
        %shift_right_logical3A_780 = vector.broadcast %shift_right_logical3A : i32 to vector<16xi32>
        %shift_right_logical3A_781 = arith.shrui %bitcast3A_779, %shift_right_logical3A_780 : vector<16xi32>
        %and3A = arith.constant 1 : i32
        %and3A_782 = vector.broadcast %and3A : i32 to vector<16xi32>
        %and3A_783 = arith.andi %shift_right_logical3A_781, %and3A_782 : vector<16xi32>
        %add3A_784 = arith.constant 32767 : i32
        %add3A_785 = vector.broadcast %add3A_784 : i32 to vector<16xi32>
        %add3A_786 = arith.addi %bitcast3A_779, %add3A_785 : vector<16xi32>
        %add3A_787 = arith.addi %add3A_786, %and3A_783 : vector<16xi32>
        %and3A_788 = arith.constant -65536 : i32
        %and3A_789 = vector.broadcast %and3A_788 : i32 to vector<16xi32>
        %and3A_790 = arith.andi %add3A_787, %and3A_789 : vector<16xi32>
        %bitcast3A_791 = vector.bitcast %and3A_790 : vector<16xi32> to vector<16xf32>
        %swap3A_792 = arith.index_cast %add3A_776 : i32 to index
        %swap3A_793 = tpu.vector_load %arg6[%swap3A_792] {strides = array<i32>} : memref<6144xf32, #tpu.memory_space<vmem>>, vector<16xf32>,
        tpu.vector_store %arg6[%swap3A_792], %bitcast3A_791 {strides = array<i32>} : memref<6144xf32, #tpu.memory_space<vmem>>, vector<16xf32>,
        %scan3A_794 = arith.constant 0 : i32
        scf.yield %scan3A_794 : i32
      }
      %scan3A_329 = arith.constant 48 : i32
      %broadcast_in_dim3A_330 = arith.constant 0.000000e+00 : f32
      %broadcast_in_dim3A_331 = vector.broadcast %broadcast_in_dim3A_330 : f32 to vector<16xf32>
      %scan3A_332 = arith.constant 0 : i32
      %scan3A_333 = arith.constant 48 : i32
      %scan3A_334 = arith.addi %scan3A_332, %scan3A_333 : i32
      %scan3A_335 = arith.constant 1 : i32
      %scan3A_336 = scf.for %scan3A_771 = %scan3A_332 to %scan3A_334 step %scan3A_335 iter_args(%scan3A_772 = %broadcast_in_dim3A_331) -> (vector<16xf32>)  : i32 {
        %mul3A_773 = arith.constant 16 : i32
        %mul3A_774 = arith.muli %scan3A_771, %mul3A_773 : i32
        %add3A_775 = arith.constant 3072 : i32
        %add3A_776 = arith.addi %add3A_775, %mul3A_774 : i32
        %get3A = arith.index_cast %add3A_776 : i32 to index
        %get3A_777 = tpu.vector_load %arg6[%get3A] {strides = array<i32>} : memref<6144xf32, #tpu.memory_space<vmem>>, vector<16xf32>,
        %mul3A_778 = arith.mulf %get3A_777, %get3A_777 : vector<16xf32>
        %add3A_779 = arith.addf %scan3A_772, %mul3A_778 : vector<16xf32>
        scf.yield %add3A_779 : vector<16xf32>
      }
      %scan3A_337 = arith.constant 48 : i32
      %swap3A_338 = arith.constant 0 : index
      %swap3A_339 = tpu.vector_load %arg10[%swap3A_338] {strides = array<i32>} : memref<16xf32, #tpu.memory_space<vmem>>, vector<16xf32>,
      tpu.vector_store %arg10[%swap3A_338], %scan3A_336 {strides = array<i32>} : memref<16xf32, #tpu.memory_space<vmem>>, vector<16xf32>,
      %xor3A_340 = arith.constant 8 : i32
      %xor3A_341 = vector.broadcast %xor3A_340 : i32 to vector<16xi32>
      %xor3A_342 = arith.xori %iota3A, %xor3A_341 : vector<16xi32>
      %gather3A_343 = tpu.vector_load_idx %arg10[%xor3A_342] : memref<16xf32, #tpu.memory_space<vmem>>[vector<16xi32>], vector<16xf32>,
      %add3A_344 = arith.addf %scan3A_336, %gather3A_343 : vector<16xf32>
      %swap3A_345 = arith.constant 0 : index
      %swap3A_346 = tpu.vector_load %arg10[%swap3A_345] {strides = array<i32>} : memref<16xf32, #tpu.memory_space<vmem>>, vector<16xf32>,
      tpu.vector_store %arg10[%swap3A_345], %add3A_344 {strides = array<i32>} : memref<16xf32, #tpu.memory_space<vmem>>, vector<16xf32>,
      %xor3A_347 = arith.constant 4 : i32
      %xor3A_348 = vector.broadcast %xor3A_347 : i32 to vector<16xi32>
      %xor3A_349 = arith.xori %iota3A, %xor3A_348 : vector<16xi32>
      %gather3A_350 = tpu.vector_load_idx %arg10[%xor3A_349] : memref<16xf32, #tpu.memory_space<vmem>>[vector<16xi32>], vector<16xf32>,
      %add3A_351 = arith.addf %add3A_344, %gather3A_350 : vector<16xf32>
      %swap3A_352 = arith.constant 0 : index
      %swap3A_353 = tpu.vector_load %arg10[%swap3A_352] {strides = array<i32>} : memref<16xf32, #tpu.memory_space<vmem>>, vector<16xf32>,
      tpu.vector_store %arg10[%swap3A_352], %add3A_351 {strides = array<i32>} : memref<16xf32, #tpu.memory_space<vmem>>, vector<16xf32>,
      %xor3A_354 = arith.constant 2 : i32
      %xor3A_355 = vector.broadcast %xor3A_354 : i32 to vector<16xi32>
      %xor3A_356 = arith.xori %iota3A, %xor3A_355 : vector<16xi32>
      %gather3A_357 = tpu.vector_load_idx %arg10[%xor3A_356] : memref<16xf32, #tpu.memory_space<vmem>>[vector<16xi32>], vector<16xf32>,
      %add3A_358 = arith.addf %add3A_351, %gather3A_357 : vector<16xf32>
      %swap3A_359 = arith.constant 0 : index
      %swap3A_360 = tpu.vector_load %arg10[%swap3A_359] {strides = array<i32>} : memref<16xf32, #tpu.memory_space<vmem>>, vector<16xf32>,
      tpu.vector_store %arg10[%swap3A_359], %add3A_358 {strides = array<i32>} : memref<16xf32, #tpu.memory_space<vmem>>, vector<16xf32>,
      %xor3A_361 = arith.constant 1 : i32
      %xor3A_362 = vector.broadcast %xor3A_361 : i32 to vector<16xi32>
      %xor3A_363 = arith.xori %iota3A, %xor3A_362 : vector<16xi32>
      %gather3A_364 = tpu.vector_load_idx %arg10[%xor3A_363] : memref<16xf32, #tpu.memory_space<vmem>>[vector<16xi32>], vector<16xf32>,
      %add3A_365 = arith.addf %add3A_358, %gather3A_364 : vector<16xf32>
      %bitcast3A_366 = vector.bitcast %add3A_365 : vector<16xf32> to vector<16xi32>
      %shift_right_arithmetic3A_367 = arith.constant 1 : i32
      %shift_right_arithmetic3A_368 = vector.broadcast %shift_right_arithmetic3A_367 : i32 to vector<16xi32>
      %shift_right_arithmetic3A_369 = arith.shrsi %bitcast3A_366, %shift_right_arithmetic3A_368 : vector<16xi32>
      %sub3A_370 = arith.constant 1597463007 : i32
      %sub3A_371 = vector.broadcast %sub3A_370 : i32 to vector<16xi32>
      %sub3A_372 = arith.subi %sub3A_371, %shift_right_arithmetic3A_369 : vector<16xi32>
      %bitcast3A_373 = vector.bitcast %sub3A_372 : vector<16xi32> to vector<16xf32>
      %mul3A_374 = arith.constant 5.000000e-01 : f32
      %mul3A_375 = vector.broadcast %mul3A_374 : f32 to vector<16xf32>
      %mul3A_376 = arith.mulf %mul3A_375, %add3A_365 : vector<16xf32>
      %mul3A_377 = arith.mulf %mul3A_376, %bitcast3A_373 : vector<16xf32>
      %mul3A_378 = arith.mulf %mul3A_377, %bitcast3A_373 : vector<16xf32>
      %sub3A_379 = arith.constant 1.500000e+00 : f32
      %sub3A_380 = vector.broadcast %sub3A_379 : f32 to vector<16xf32>
      %sub3A_381 = arith.subf %sub3A_380, %mul3A_378 : vector<16xf32>
      %mul3A_382 = arith.mulf %bitcast3A_373, %sub3A_381 : vector<16xf32>
      %mul3A_383 = arith.constant 5.000000e-01 : f32
      %mul3A_384 = vector.broadcast %mul3A_383 : f32 to vector<16xf32>
      %mul3A_385 = arith.mulf %mul3A_384, %add3A_365 : vector<16xf32>
      %mul3A_386 = arith.mulf %mul3A_385, %mul3A_382 : vector<16xf32>
      %mul3A_387 = arith.mulf %mul3A_386, %mul3A_382 : vector<16xf32>
      %sub3A_388 = arith.constant 1.500000e+00 : f32
      %sub3A_389 = vector.broadcast %sub3A_388 : f32 to vector<16xf32>
      %sub3A_390 = arith.subf %sub3A_389, %mul3A_387 : vector<16xf32>
      %mul3A_391 = arith.mulf %mul3A_382, %sub3A_390 : vector<16xf32>
      %mul3A_392 = arith.constant 5.000000e-01 : f32
      %mul3A_393 = vector.broadcast %mul3A_392 : f32 to vector<16xf32>
      %mul3A_394 = arith.mulf %mul3A_393, %add3A_365 : vector<16xf32>
      %mul3A_395 = arith.mulf %mul3A_394, %mul3A_391 : vector<16xf32>
      %mul3A_396 = arith.mulf %mul3A_395, %mul3A_391 : vector<16xf32>
      %sub3A_397 = arith.constant 1.500000e+00 : f32
      %sub3A_398 = vector.broadcast %sub3A_397 : f32 to vector<16xf32>
      %sub3A_399 = arith.subf %sub3A_398, %mul3A_396 : vector<16xf32>
      %mul3A_400 = arith.mulf %mul3A_391, %sub3A_399 : vector<16xf32>
      %lt3A_401 = arith.constant 1.000000e-24 : f32
      %lt3A_402 = vector.broadcast %lt3A_401 : f32 to vector<16xf32>
      %lt3A_403 = arith.cmpf olt, %add3A_365, %lt3A_402 : vector<16xf32>
      %broadcast_in_dim3A_404 = arith.constant 9.99999995E+11 : f32
      %broadcast_in_dim3A_405 = vector.broadcast %broadcast_in_dim3A_404 : f32 to vector<16xf32>
      %select_n3A_406 = arith.select %lt3A_403, %broadcast_in_dim3A_405, %mul3A_400 : vector<16xi1>, vector<16xf32>
      %scan3A_407 = arith.constant 0 : i32
      %scan3A_408 = arith.constant 0 : i32
      %scan3A_409 = arith.constant 48 : i32
      %scan3A_410 = arith.addi %scan3A_408, %scan3A_409 : i32
      %scan3A_411 = arith.constant 1 : i32
      %scan3A_412 = scf.for %scan3A_771 = %scan3A_408 to %scan3A_410 step %scan3A_411 iter_args(%scan3A_772 = %scan3A_407) -> (i32)  : i32 {
        %mul3A_773 = arith.constant 16 : i32
        %mul3A_774 = arith.muli %scan3A_771, %mul3A_773 : i32
        %add3A_775 = arith.constant 3072 : i32
        %add3A_776 = arith.addi %add3A_775, %mul3A_774 : i32
        %get3A = arith.index_cast %add3A_776 : i32 to index
        %get3A_777 = tpu.vector_load %arg6[%get3A] {strides = array<i32>} : memref<6144xf32, #tpu.memory_space<vmem>>, vector<16xf32>,
        %mul3A_778 = arith.mulf %get3A_777, %select_n3A_406 : vector<16xf32>
        %bitcast3A_779 = vector.bitcast %mul3A_778 : vector<16xf32> to vector<16xi32>
        %shift_right_logical3A = arith.constant 16 : i32
        %shift_right_logical3A_780 = vector.broadcast %shift_right_logical3A : i32 to vector<16xi32>
        %shift_right_logical3A_781 = arith.shrui %bitcast3A_779, %shift_right_logical3A_780 : vector<16xi32>
        %and3A = arith.constant 1 : i32
        %and3A_782 = vector.broadcast %and3A : i32 to vector<16xi32>
        %and3A_783 = arith.andi %shift_right_logical3A_781, %and3A_782 : vector<16xi32>
        %add3A_784 = arith.constant 32767 : i32
        %add3A_785 = vector.broadcast %add3A_784 : i32 to vector<16xi32>
        %add3A_786 = arith.addi %bitcast3A_779, %add3A_785 : vector<16xi32>
        %add3A_787 = arith.addi %add3A_786, %and3A_783 : vector<16xi32>
        %and3A_788 = arith.constant -65536 : i32
        %and3A_789 = vector.broadcast %and3A_788 : i32 to vector<16xi32>
        %and3A_790 = arith.andi %add3A_787, %and3A_789 : vector<16xi32>
        %bitcast3A_791 = vector.bitcast %and3A_790 : vector<16xi32> to vector<16xf32>
        %swap3A_792 = arith.index_cast %add3A_776 : i32 to index
        %swap3A_793 = tpu.vector_load %arg6[%swap3A_792] {strides = array<i32>} : memref<6144xf32, #tpu.memory_space<vmem>>, vector<16xf32>,
        tpu.vector_store %arg6[%swap3A_792], %bitcast3A_791 {strides = array<i32>} : memref<6144xf32, #tpu.memory_space<vmem>>, vector<16xf32>,
        %scan3A_794 = arith.constant 0 : i32
        scf.yield %scan3A_794 : i32
      }
      %scan3A_413 = arith.constant 48 : i32
      %broadcast_in_dim3A_414 = arith.constant 0.000000e+00 : f32
      %broadcast_in_dim3A_415 = vector.broadcast %broadcast_in_dim3A_414 : f32 to vector<16xf32>
      %scan3A_416 = arith.constant 0 : i32
      %scan3A_417 = arith.constant 48 : i32
      %scan3A_418 = arith.addi %scan3A_416, %scan3A_417 : i32
      %scan3A_419 = arith.constant 1 : i32
      %scan3A_420 = scf.for %scan3A_771 = %scan3A_416 to %scan3A_418 step %scan3A_419 iter_args(%scan3A_772 = %broadcast_in_dim3A_415) -> (vector<16xf32>)  : i32 {
        %mul3A_773 = arith.constant 16 : i32
        %mul3A_774 = arith.muli %scan3A_771, %mul3A_773 : i32
        %add3A_775 = arith.constant 3840 : i32
        %add3A_776 = arith.addi %add3A_775, %mul3A_774 : i32
        %get3A = arith.index_cast %add3A_776 : i32 to index
        %get3A_777 = tpu.vector_load %arg6[%get3A] {strides = array<i32>} : memref<6144xf32, #tpu.memory_space<vmem>>, vector<16xf32>,
        %mul3A_778 = arith.mulf %get3A_777, %get3A_777 : vector<16xf32>
        %add3A_779 = arith.addf %scan3A_772, %mul3A_778 : vector<16xf32>
        scf.yield %add3A_779 : vector<16xf32>
      }
      %scan3A_421 = arith.constant 48 : i32
      %swap3A_422 = arith.constant 0 : index
      %swap3A_423 = tpu.vector_load %arg10[%swap3A_422] {strides = array<i32>} : memref<16xf32, #tpu.memory_space<vmem>>, vector<16xf32>,
      tpu.vector_store %arg10[%swap3A_422], %scan3A_420 {strides = array<i32>} : memref<16xf32, #tpu.memory_space<vmem>>, vector<16xf32>,
      %xor3A_424 = arith.constant 8 : i32
      %xor3A_425 = vector.broadcast %xor3A_424 : i32 to vector<16xi32>
      %xor3A_426 = arith.xori %iota3A, %xor3A_425 : vector<16xi32>
      %gather3A_427 = tpu.vector_load_idx %arg10[%xor3A_426] : memref<16xf32, #tpu.memory_space<vmem>>[vector<16xi32>], vector<16xf32>,
      %add3A_428 = arith.addf %scan3A_420, %gather3A_427 : vector<16xf32>
      %swap3A_429 = arith.constant 0 : index
      %swap3A_430 = tpu.vector_load %arg10[%swap3A_429] {strides = array<i32>} : memref<16xf32, #tpu.memory_space<vmem>>, vector<16xf32>,
      tpu.vector_store %arg10[%swap3A_429], %add3A_428 {strides = array<i32>} : memref<16xf32, #tpu.memory_space<vmem>>, vector<16xf32>,
      %xor3A_431 = arith.constant 4 : i32
      %xor3A_432 = vector.broadcast %xor3A_431 : i32 to vector<16xi32>
      %xor3A_433 = arith.xori %iota3A, %xor3A_432 : vector<16xi32>
      %gather3A_434 = tpu.vector_load_idx %arg10[%xor3A_433] : memref<16xf32, #tpu.memory_space<vmem>>[vector<16xi32>], vector<16xf32>,
      %add3A_435 = arith.addf %add3A_428, %gather3A_434 : vector<16xf32>
      %swap3A_436 = arith.constant 0 : index
      %swap3A_437 = tpu.vector_load %arg10[%swap3A_436] {strides = array<i32>} : memref<16xf32, #tpu.memory_space<vmem>>, vector<16xf32>,
      tpu.vector_store %arg10[%swap3A_436], %add3A_435 {strides = array<i32>} : memref<16xf32, #tpu.memory_space<vmem>>, vector<16xf32>,
      %xor3A_438 = arith.constant 2 : i32
      %xor3A_439 = vector.broadcast %xor3A_438 : i32 to vector<16xi32>
      %xor3A_440 = arith.xori %iota3A, %xor3A_439 : vector<16xi32>
      %gather3A_441 = tpu.vector_load_idx %arg10[%xor3A_440] : memref<16xf32, #tpu.memory_space<vmem>>[vector<16xi32>], vector<16xf32>,
      %add3A_442 = arith.addf %add3A_435, %gather3A_441 : vector<16xf32>
      %swap3A_443 = arith.constant 0 : index
      %swap3A_444 = tpu.vector_load %arg10[%swap3A_443] {strides = array<i32>} : memref<16xf32, #tpu.memory_space<vmem>>, vector<16xf32>,
      tpu.vector_store %arg10[%swap3A_443], %add3A_442 {strides = array<i32>} : memref<16xf32, #tpu.memory_space<vmem>>, vector<16xf32>,
      %xor3A_445 = arith.constant 1 : i32
      %xor3A_446 = vector.broadcast %xor3A_445 : i32 to vector<16xi32>
      %xor3A_447 = arith.xori %iota3A, %xor3A_446 : vector<16xi32>
      %gather3A_448 = tpu.vector_load_idx %arg10[%xor3A_447] : memref<16xf32, #tpu.memory_space<vmem>>[vector<16xi32>], vector<16xf32>,
      %add3A_449 = arith.addf %add3A_442, %gather3A_448 : vector<16xf32>
      %bitcast3A_450 = vector.bitcast %add3A_449 : vector<16xf32> to vector<16xi32>
      %shift_right_arithmetic3A_451 = arith.constant 1 : i32
      %shift_right_arithmetic3A_452 = vector.broadcast %shift_right_arithmetic3A_451 : i32 to vector<16xi32>
      %shift_right_arithmetic3A_453 = arith.shrsi %bitcast3A_450, %shift_right_arithmetic3A_452 : vector<16xi32>
      %sub3A_454 = arith.constant 1597463007 : i32
      %sub3A_455 = vector.broadcast %sub3A_454 : i32 to vector<16xi32>
      %sub3A_456 = arith.subi %sub3A_455, %shift_right_arithmetic3A_453 : vector<16xi32>
      %bitcast3A_457 = vector.bitcast %sub3A_456 : vector<16xi32> to vector<16xf32>
      %mul3A_458 = arith.constant 5.000000e-01 : f32
      %mul3A_459 = vector.broadcast %mul3A_458 : f32 to vector<16xf32>
      %mul3A_460 = arith.mulf %mul3A_459, %add3A_449 : vector<16xf32>
      %mul3A_461 = arith.mulf %mul3A_460, %bitcast3A_457 : vector<16xf32>
      %mul3A_462 = arith.mulf %mul3A_461, %bitcast3A_457 : vector<16xf32>
      %sub3A_463 = arith.constant 1.500000e+00 : f32
      %sub3A_464 = vector.broadcast %sub3A_463 : f32 to vector<16xf32>
      %sub3A_465 = arith.subf %sub3A_464, %mul3A_462 : vector<16xf32>
      %mul3A_466 = arith.mulf %bitcast3A_457, %sub3A_465 : vector<16xf32>
      %mul3A_467 = arith.constant 5.000000e-01 : f32
      %mul3A_468 = vector.broadcast %mul3A_467 : f32 to vector<16xf32>
      %mul3A_469 = arith.mulf %mul3A_468, %add3A_449 : vector<16xf32>
      %mul3A_470 = arith.mulf %mul3A_469, %mul3A_466 : vector<16xf32>
      %mul3A_471 = arith.mulf %mul3A_470, %mul3A_466 : vector<16xf32>
      %sub3A_472 = arith.constant 1.500000e+00 : f32
      %sub3A_473 = vector.broadcast %sub3A_472 : f32 to vector<16xf32>
      %sub3A_474 = arith.subf %sub3A_473, %mul3A_471 : vector<16xf32>
      %mul3A_475 = arith.mulf %mul3A_466, %sub3A_474 : vector<16xf32>
      %mul3A_476 = arith.constant 5.000000e-01 : f32
      %mul3A_477 = vector.broadcast %mul3A_476 : f32 to vector<16xf32>
      %mul3A_478 = arith.mulf %mul3A_477, %add3A_449 : vector<16xf32>
      %mul3A_479 = arith.mulf %mul3A_478, %mul3A_475 : vector<16xf32>
      %mul3A_480 = arith.mulf %mul3A_479, %mul3A_475 : vector<16xf32>
      %sub3A_481 = arith.constant 1.500000e+00 : f32
      %sub3A_482 = vector.broadcast %sub3A_481 : f32 to vector<16xf32>
      %sub3A_483 = arith.subf %sub3A_482, %mul3A_480 : vector<16xf32>
      %mul3A_484 = arith.mulf %mul3A_475, %sub3A_483 : vector<16xf32>
      %lt3A_485 = arith.constant 1.000000e-24 : f32
      %lt3A_486 = vector.broadcast %lt3A_485 : f32 to vector<16xf32>
      %lt3A_487 = arith.cmpf olt, %add3A_449, %lt3A_486 : vector<16xf32>
      %broadcast_in_dim3A_488 = arith.constant 9.99999995E+11 : f32
      %broadcast_in_dim3A_489 = vector.broadcast %broadcast_in_dim3A_488 : f32 to vector<16xf32>
      %select_n3A_490 = arith.select %lt3A_487, %broadcast_in_dim3A_489, %mul3A_484 : vector<16xi1>, vector<16xf32>
      %scan3A_491 = arith.constant 0 : i32
      %scan3A_492 = arith.constant 0 : i32
      %scan3A_493 = arith.constant 48 : i32
      %scan3A_494 = arith.addi %scan3A_492, %scan3A_493 : i32
      %scan3A_495 = arith.constant 1 : i32
      %scan3A_496 = scf.for %scan3A_771 = %scan3A_492 to %scan3A_494 step %scan3A_495 iter_args(%scan3A_772 = %scan3A_491) -> (i32)  : i32 {
        %mul3A_773 = arith.constant 16 : i32
        %mul3A_774 = arith.muli %scan3A_771, %mul3A_773 : i32
        %add3A_775 = arith.constant 3840 : i32
        %add3A_776 = arith.addi %add3A_775, %mul3A_774 : i32
        %get3A = arith.index_cast %add3A_776 : i32 to index
        %get3A_777 = tpu.vector_load %arg6[%get3A] {strides = array<i32>} : memref<6144xf32, #tpu.memory_space<vmem>>, vector<16xf32>,
        %mul3A_778 = arith.mulf %get3A_777, %select_n3A_490 : vector<16xf32>
        %bitcast3A_779 = vector.bitcast %mul3A_778 : vector<16xf32> to vector<16xi32>
        %shift_right_logical3A = arith.constant 16 : i32
        %shift_right_logical3A_780 = vector.broadcast %shift_right_logical3A : i32 to vector<16xi32>
        %shift_right_logical3A_781 = arith.shrui %bitcast3A_779, %shift_right_logical3A_780 : vector<16xi32>
        %and3A = arith.constant 1 : i32
        %and3A_782 = vector.broadcast %and3A : i32 to vector<16xi32>
        %and3A_783 = arith.andi %shift_right_logical3A_781, %and3A_782 : vector<16xi32>
        %add3A_784 = arith.constant 32767 : i32
        %add3A_785 = vector.broadcast %add3A_784 : i32 to vector<16xi32>
        %add3A_786 = arith.addi %bitcast3A_779, %add3A_785 : vector<16xi32>
        %add3A_787 = arith.addi %add3A_786, %and3A_783 : vector<16xi32>
        %and3A_788 = arith.constant -65536 : i32
        %and3A_789 = vector.broadcast %and3A_788 : i32 to vector<16xi32>
        %and3A_790 = arith.andi %add3A_787, %and3A_789 : vector<16xi32>
        %bitcast3A_791 = vector.bitcast %and3A_790 : vector<16xi32> to vector<16xf32>
        %swap3A_792 = arith.index_cast %add3A_776 : i32 to index
        %swap3A_793 = tpu.vector_load %arg6[%swap3A_792] {strides = array<i32>} : memref<6144xf32, #tpu.memory_space<vmem>>, vector<16xf32>,
        tpu.vector_store %arg6[%swap3A_792], %bitcast3A_791 {strides = array<i32>} : memref<6144xf32, #tpu.memory_space<vmem>>, vector<16xf32>,
        %scan3A_794 = arith.constant 0 : i32
        scf.yield %scan3A_794 : i32
      }
      %scan3A_497 = arith.constant 48 : i32
      %broadcast_in_dim3A_498 = arith.constant 0.000000e+00 : f32
      %broadcast_in_dim3A_499 = vector.broadcast %broadcast_in_dim3A_498 : f32 to vector<16xf32>
      %scan3A_500 = arith.constant 0 : i32
      %scan3A_501 = arith.constant 48 : i32
      %scan3A_502 = arith.addi %scan3A_500, %scan3A_501 : i32
      %scan3A_503 = arith.constant 1 : i32
      %scan3A_504 = scf.for %scan3A_771 = %scan3A_500 to %scan3A_502 step %scan3A_503 iter_args(%scan3A_772 = %broadcast_in_dim3A_499) -> (vector<16xf32>)  : i32 {
        %mul3A_773 = arith.constant 16 : i32
        %mul3A_774 = arith.muli %scan3A_771, %mul3A_773 : i32
        %add3A_775 = arith.constant 4608 : i32
        %add3A_776 = arith.addi %add3A_775, %mul3A_774 : i32
        %get3A = arith.index_cast %add3A_776 : i32 to index
        %get3A_777 = tpu.vector_load %arg6[%get3A] {strides = array<i32>} : memref<6144xf32, #tpu.memory_space<vmem>>, vector<16xf32>,
        %mul3A_778 = arith.mulf %get3A_777, %get3A_777 : vector<16xf32>
        %add3A_779 = arith.addf %scan3A_772, %mul3A_778 : vector<16xf32>
        scf.yield %add3A_779 : vector<16xf32>
      }
      %scan3A_505 = arith.constant 48 : i32
      %swap3A_506 = arith.constant 0 : index
      %swap3A_507 = tpu.vector_load %arg10[%swap3A_506] {strides = array<i32>} : memref<16xf32, #tpu.memory_space<vmem>>, vector<16xf32>,
      tpu.vector_store %arg10[%swap3A_506], %scan3A_504 {strides = array<i32>} : memref<16xf32, #tpu.memory_space<vmem>>, vector<16xf32>,
      %xor3A_508 = arith.constant 8 : i32
      %xor3A_509 = vector.broadcast %xor3A_508 : i32 to vector<16xi32>
      %xor3A_510 = arith.xori %iota3A, %xor3A_509 : vector<16xi32>
      %gather3A_511 = tpu.vector_load_idx %arg10[%xor3A_510] : memref<16xf32, #tpu.memory_space<vmem>>[vector<16xi32>], vector<16xf32>,
      %add3A_512 = arith.addf %scan3A_504, %gather3A_511 : vector<16xf32>
      %swap3A_513 = arith.constant 0 : index
      %swap3A_514 = tpu.vector_load %arg10[%swap3A_513] {strides = array<i32>} : memref<16xf32, #tpu.memory_space<vmem>>, vector<16xf32>,
      tpu.vector_store %arg10[%swap3A_513], %add3A_512 {strides = array<i32>} : memref<16xf32, #tpu.memory_space<vmem>>, vector<16xf32>,
      %xor3A_515 = arith.constant 4 : i32
      %xor3A_516 = vector.broadcast %xor3A_515 : i32 to vector<16xi32>
      %xor3A_517 = arith.xori %iota3A, %xor3A_516 : vector<16xi32>
      %gather3A_518 = tpu.vector_load_idx %arg10[%xor3A_517] : memref<16xf32, #tpu.memory_space<vmem>>[vector<16xi32>], vector<16xf32>,
      %add3A_519 = arith.addf %add3A_512, %gather3A_518 : vector<16xf32>
      %swap3A_520 = arith.constant 0 : index
      %swap3A_521 = tpu.vector_load %arg10[%swap3A_520] {strides = array<i32>} : memref<16xf32, #tpu.memory_space<vmem>>, vector<16xf32>,
      tpu.vector_store %arg10[%swap3A_520], %add3A_519 {strides = array<i32>} : memref<16xf32, #tpu.memory_space<vmem>>, vector<16xf32>,
      %xor3A_522 = arith.constant 2 : i32
      %xor3A_523 = vector.broadcast %xor3A_522 : i32 to vector<16xi32>
      %xor3A_524 = arith.xori %iota3A, %xor3A_523 : vector<16xi32>
      %gather3A_525 = tpu.vector_load_idx %arg10[%xor3A_524] : memref<16xf32, #tpu.memory_space<vmem>>[vector<16xi32>], vector<16xf32>,
      %add3A_526 = arith.addf %add3A_519, %gather3A_525 : vector<16xf32>
      %swap3A_527 = arith.constant 0 : index
      %swap3A_528 = tpu.vector_load %arg10[%swap3A_527] {strides = array<i32>} : memref<16xf32, #tpu.memory_space<vmem>>, vector<16xf32>,
      tpu.vector_store %arg10[%swap3A_527], %add3A_526 {strides = array<i32>} : memref<16xf32, #tpu.memory_space<vmem>>, vector<16xf32>,
      %xor3A_529 = arith.constant 1 : i32
      %xor3A_530 = vector.broadcast %xor3A_529 : i32 to vector<16xi32>
      %xor3A_531 = arith.xori %iota3A, %xor3A_530 : vector<16xi32>
      %gather3A_532 = tpu.vector_load_idx %arg10[%xor3A_531] : memref<16xf32, #tpu.memory_space<vmem>>[vector<16xi32>], vector<16xf32>,
      %add3A_533 = arith.addf %add3A_526, %gather3A_532 : vector<16xf32>
      %bitcast3A_534 = vector.bitcast %add3A_533 : vector<16xf32> to vector<16xi32>
      %shift_right_arithmetic3A_535 = arith.constant 1 : i32
      %shift_right_arithmetic3A_536 = vector.broadcast %shift_right_arithmetic3A_535 : i32 to vector<16xi32>
      %shift_right_arithmetic3A_537 = arith.shrsi %bitcast3A_534, %shift_right_arithmetic3A_536 : vector<16xi32>
      %sub3A_538 = arith.constant 1597463007 : i32
      %sub3A_539 = vector.broadcast %sub3A_538 : i32 to vector<16xi32>
      %sub3A_540 = arith.subi %sub3A_539, %shift_right_arithmetic3A_537 : vector<16xi32>
      %bitcast3A_541 = vector.bitcast %sub3A_540 : vector<16xi32> to vector<16xf32>
      %mul3A_542 = arith.constant 5.000000e-01 : f32
      %mul3A_543 = vector.broadcast %mul3A_542 : f32 to vector<16xf32>
      %mul3A_544 = arith.mulf %mul3A_543, %add3A_533 : vector<16xf32>
      %mul3A_545 = arith.mulf %mul3A_544, %bitcast3A_541 : vector<16xf32>
      %mul3A_546 = arith.mulf %mul3A_545, %bitcast3A_541 : vector<16xf32>
      %sub3A_547 = arith.constant 1.500000e+00 : f32
      %sub3A_548 = vector.broadcast %sub3A_547 : f32 to vector<16xf32>
      %sub3A_549 = arith.subf %sub3A_548, %mul3A_546 : vector<16xf32>
      %mul3A_550 = arith.mulf %bitcast3A_541, %sub3A_549 : vector<16xf32>
      %mul3A_551 = arith.constant 5.000000e-01 : f32
      %mul3A_552 = vector.broadcast %mul3A_551 : f32 to vector<16xf32>
      %mul3A_553 = arith.mulf %mul3A_552, %add3A_533 : vector<16xf32>
      %mul3A_554 = arith.mulf %mul3A_553, %mul3A_550 : vector<16xf32>
      %mul3A_555 = arith.mulf %mul3A_554, %mul3A_550 : vector<16xf32>
      %sub3A_556 = arith.constant 1.500000e+00 : f32
      %sub3A_557 = vector.broadcast %sub3A_556 : f32 to vector<16xf32>
      %sub3A_558 = arith.subf %sub3A_557, %mul3A_555 : vector<16xf32>
      %mul3A_559 = arith.mulf %mul3A_550, %sub3A_558 : vector<16xf32>
      %mul3A_560 = arith.constant 5.000000e-01 : f32
      %mul3A_561 = vector.broadcast %mul3A_560 : f32 to vector<16xf32>
      %mul3A_562 = arith.mulf %mul3A_561, %add3A_533 : vector<16xf32>
      %mul3A_563 = arith.mulf %mul3A_562, %mul3A_559 : vector<16xf32>
      %mul3A_564 = arith.mulf %mul3A_563, %mul3A_559 : vector<16xf32>
      %sub3A_565 = arith.constant 1.500000e+00 : f32
      %sub3A_566 = vector.broadcast %sub3A_565 : f32 to vector<16xf32>
      %sub3A_567 = arith.subf %sub3A_566, %mul3A_564 : vector<16xf32>
      %mul3A_568 = arith.mulf %mul3A_559, %sub3A_567 : vector<16xf32>
      %lt3A_569 = arith.constant 1.000000e-24 : f32
      %lt3A_570 = vector.broadcast %lt3A_569 : f32 to vector<16xf32>
      %lt3A_571 = arith.cmpf olt, %add3A_533, %lt3A_570 : vector<16xf32>
      %broadcast_in_dim3A_572 = arith.constant 9.99999995E+11 : f32
      %broadcast_in_dim3A_573 = vector.broadcast %broadcast_in_dim3A_572 : f32 to vector<16xf32>
      %select_n3A_574 = arith.select %lt3A_571, %broadcast_in_dim3A_573, %mul3A_568 : vector<16xi1>, vector<16xf32>
      %scan3A_575 = arith.constant 0 : i32
      %scan3A_576 = arith.constant 0 : i32
      %scan3A_577 = arith.constant 48 : i32
      %scan3A_578 = arith.addi %scan3A_576, %scan3A_577 : i32
      %scan3A_579 = arith.constant 1 : i32
      %scan3A_580 = scf.for %scan3A_771 = %scan3A_576 to %scan3A_578 step %scan3A_579 iter_args(%scan3A_772 = %scan3A_575) -> (i32)  : i32 {
        %mul3A_773 = arith.constant 16 : i32
        %mul3A_774 = arith.muli %scan3A_771, %mul3A_773 : i32
        %add3A_775 = arith.constant 4608 : i32
        %add3A_776 = arith.addi %add3A_775, %mul3A_774 : i32
        %get3A = arith.index_cast %add3A_776 : i32 to index
        %get3A_777 = tpu.vector_load %arg6[%get3A] {strides = array<i32>} : memref<6144xf32, #tpu.memory_space<vmem>>, vector<16xf32>,
        %mul3A_778 = arith.mulf %get3A_777, %select_n3A_574 : vector<16xf32>
        %bitcast3A_779 = vector.bitcast %mul3A_778 : vector<16xf32> to vector<16xi32>
        %shift_right_logical3A = arith.constant 16 : i32
        %shift_right_logical3A_780 = vector.broadcast %shift_right_logical3A : i32 to vector<16xi32>
        %shift_right_logical3A_781 = arith.shrui %bitcast3A_779, %shift_right_logical3A_780 : vector<16xi32>
        %and3A = arith.constant 1 : i32
        %and3A_782 = vector.broadcast %and3A : i32 to vector<16xi32>
        %and3A_783 = arith.andi %shift_right_logical3A_781, %and3A_782 : vector<16xi32>
        %add3A_784 = arith.constant 32767 : i32
        %add3A_785 = vector.broadcast %add3A_784 : i32 to vector<16xi32>
        %add3A_786 = arith.addi %bitcast3A_779, %add3A_785 : vector<16xi32>
        %add3A_787 = arith.addi %add3A_786, %and3A_783 : vector<16xi32>
        %and3A_788 = arith.constant -65536 : i32
        %and3A_789 = vector.broadcast %and3A_788 : i32 to vector<16xi32>
        %and3A_790 = arith.andi %add3A_787, %and3A_789 : vector<16xi32>
        %bitcast3A_791 = vector.bitcast %and3A_790 : vector<16xi32> to vector<16xf32>
        %swap3A_792 = arith.index_cast %add3A_776 : i32 to index
        %swap3A_793 = tpu.vector_load %arg6[%swap3A_792] {strides = array<i32>} : memref<6144xf32, #tpu.memory_space<vmem>>, vector<16xf32>,
        tpu.vector_store %arg6[%swap3A_792], %bitcast3A_791 {strides = array<i32>} : memref<6144xf32, #tpu.memory_space<vmem>>, vector<16xf32>,
        %scan3A_794 = arith.constant 0 : i32
        scf.yield %scan3A_794 : i32
      }
      %scan3A_581 = arith.constant 48 : i32
      %broadcast_in_dim3A_582 = arith.constant 0.000000e+00 : f32
      %broadcast_in_dim3A_583 = vector.broadcast %broadcast_in_dim3A_582 : f32 to vector<16xf32>
      %scan3A_584 = arith.constant 0 : i32
      %scan3A_585 = arith.constant 48 : i32
      %scan3A_586 = arith.addi %scan3A_584, %scan3A_585 : i32
      %scan3A_587 = arith.constant 1 : i32
      %scan3A_588 = scf.for %scan3A_771 = %scan3A_584 to %scan3A_586 step %scan3A_587 iter_args(%scan3A_772 = %broadcast_in_dim3A_583) -> (vector<16xf32>)  : i32 {
        %mul3A_773 = arith.constant 16 : i32
        %mul3A_774 = arith.muli %scan3A_771, %mul3A_773 : i32
        %add3A_775 = arith.constant 5376 : i32
        %add3A_776 = arith.addi %add3A_775, %mul3A_774 : i32
        %get3A = arith.index_cast %add3A_776 : i32 to index
        %get3A_777 = tpu.vector_load %arg6[%get3A] {strides = array<i32>} : memref<6144xf32, #tpu.memory_space<vmem>>, vector<16xf32>,
        %mul3A_778 = arith.mulf %get3A_777, %get3A_777 : vector<16xf32>
        %add3A_779 = arith.addf %scan3A_772, %mul3A_778 : vector<16xf32>
        scf.yield %add3A_779 : vector<16xf32>
      }
      %scan3A_589 = arith.constant 48 : i32
      %swap3A_590 = arith.constant 0 : index
      %swap3A_591 = tpu.vector_load %arg10[%swap3A_590] {strides = array<i32>} : memref<16xf32, #tpu.memory_space<vmem>>, vector<16xf32>,
      tpu.vector_store %arg10[%swap3A_590], %scan3A_588 {strides = array<i32>} : memref<16xf32, #tpu.memory_space<vmem>>, vector<16xf32>,
      %xor3A_592 = arith.constant 8 : i32
      %xor3A_593 = vector.broadcast %xor3A_592 : i32 to vector<16xi32>
      %xor3A_594 = arith.xori %iota3A, %xor3A_593 : vector<16xi32>
      %gather3A_595 = tpu.vector_load_idx %arg10[%xor3A_594] : memref<16xf32, #tpu.memory_space<vmem>>[vector<16xi32>], vector<16xf32>,
      %add3A_596 = arith.addf %scan3A_588, %gather3A_595 : vector<16xf32>
      %swap3A_597 = arith.constant 0 : index
      %swap3A_598 = tpu.vector_load %arg10[%swap3A_597] {strides = array<i32>} : memref<16xf32, #tpu.memory_space<vmem>>, vector<16xf32>,
      tpu.vector_store %arg10[%swap3A_597], %add3A_596 {strides = array<i32>} : memref<16xf32, #tpu.memory_space<vmem>>, vector<16xf32>,
      %xor3A_599 = arith.constant 4 : i32
      %xor3A_600 = vector.broadcast %xor3A_599 : i32 to vector<16xi32>
      %xor3A_601 = arith.xori %iota3A, %xor3A_600 : vector<16xi32>
      %gather3A_602 = tpu.vector_load_idx %arg10[%xor3A_601] : memref<16xf32, #tpu.memory_space<vmem>>[vector<16xi32>], vector<16xf32>,
      %add3A_603 = arith.addf %add3A_596, %gather3A_602 : vector<16xf32>
      %swap3A_604 = arith.constant 0 : index
      %swap3A_605 = tpu.vector_load %arg10[%swap3A_604] {strides = array<i32>} : memref<16xf32, #tpu.memory_space<vmem>>, vector<16xf32>,
      tpu.vector_store %arg10[%swap3A_604], %add3A_603 {strides = array<i32>} : memref<16xf32, #tpu.memory_space<vmem>>, vector<16xf32>,
      %xor3A_606 = arith.constant 2 : i32
      %xor3A_607 = vector.broadcast %xor3A_606 : i32 to vector<16xi32>
      %xor3A_608 = arith.xori %iota3A, %xor3A_607 : vector<16xi32>
      %gather3A_609 = tpu.vector_load_idx %arg10[%xor3A_608] : memref<16xf32, #tpu.memory_space<vmem>>[vector<16xi32>], vector<16xf32>,
      %add3A_610 = arith.addf %add3A_603, %gather3A_609 : vector<16xf32>
      %swap3A_611 = arith.constant 0 : index
      %swap3A_612 = tpu.vector_load %arg10[%swap3A_611] {strides = array<i32>} : memref<16xf32, #tpu.memory_space<vmem>>, vector<16xf32>,
      tpu.vector_store %arg10[%swap3A_611], %add3A_610 {strides = array<i32>} : memref<16xf32, #tpu.memory_space<vmem>>, vector<16xf32>,
      %xor3A_613 = arith.constant 1 : i32
      %xor3A_614 = vector.broadcast %xor3A_613 : i32 to vector<16xi32>
      %xor3A_615 = arith.xori %iota3A, %xor3A_614 : vector<16xi32>
      %gather3A_616 = tpu.vector_load_idx %arg10[%xor3A_615] : memref<16xf32, #tpu.memory_space<vmem>>[vector<16xi32>], vector<16xf32>,
      %add3A_617 = arith.addf %add3A_610, %gather3A_616 : vector<16xf32>
      %bitcast3A_618 = vector.bitcast %add3A_617 : vector<16xf32> to vector<16xi32>
      %shift_right_arithmetic3A_619 = arith.constant 1 : i32
      %shift_right_arithmetic3A_620 = vector.broadcast %shift_right_arithmetic3A_619 : i32 to vector<16xi32>
      %shift_right_arithmetic3A_621 = arith.shrsi %bitcast3A_618, %shift_right_arithmetic3A_620 : vector<16xi32>
      %sub3A_622 = arith.constant 1597463007 : i32
      %sub3A_623 = vector.broadcast %sub3A_622 : i32 to vector<16xi32>
      %sub3A_624 = arith.subi %sub3A_623, %shift_right_arithmetic3A_621 : vector<16xi32>
      %bitcast3A_625 = vector.bitcast %sub3A_624 : vector<16xi32> to vector<16xf32>
      %mul3A_626 = arith.constant 5.000000e-01 : f32
      %mul3A_627 = vector.broadcast %mul3A_626 : f32 to vector<16xf32>
      %mul3A_628 = arith.mulf %mul3A_627, %add3A_617 : vector<16xf32>
      %mul3A_629 = arith.mulf %mul3A_628, %bitcast3A_625 : vector<16xf32>
      %mul3A_630 = arith.mulf %mul3A_629, %bitcast3A_625 : vector<16xf32>
      %sub3A_631 = arith.constant 1.500000e+00 : f32
      %sub3A_632 = vector.broadcast %sub3A_631 : f32 to vector<16xf32>
      %sub3A_633 = arith.subf %sub3A_632, %mul3A_630 : vector<16xf32>
      %mul3A_634 = arith.mulf %bitcast3A_625, %sub3A_633 : vector<16xf32>
      %mul3A_635 = arith.constant 5.000000e-01 : f32
      %mul3A_636 = vector.broadcast %mul3A_635 : f32 to vector<16xf32>
      %mul3A_637 = arith.mulf %mul3A_636, %add3A_617 : vector<16xf32>
      %mul3A_638 = arith.mulf %mul3A_637, %mul3A_634 : vector<16xf32>
      %mul3A_639 = arith.mulf %mul3A_638, %mul3A_634 : vector<16xf32>
      %sub3A_640 = arith.constant 1.500000e+00 : f32
      %sub3A_641 = vector.broadcast %sub3A_640 : f32 to vector<16xf32>
      %sub3A_642 = arith.subf %sub3A_641, %mul3A_639 : vector<16xf32>
      %mul3A_643 = arith.mulf %mul3A_634, %sub3A_642 : vector<16xf32>
      %mul3A_644 = arith.constant 5.000000e-01 : f32
      %mul3A_645 = vector.broadcast %mul3A_644 : f32 to vector<16xf32>
      %mul3A_646 = arith.mulf %mul3A_645, %add3A_617 : vector<16xf32>
      %mul3A_647 = arith.mulf %mul3A_646, %mul3A_643 : vector<16xf32>
      %mul3A_648 = arith.mulf %mul3A_647, %mul3A_643 : vector<16xf32>
      %sub3A_649 = arith.constant 1.500000e+00 : f32
      %sub3A_650 = vector.broadcast %sub3A_649 : f32 to vector<16xf32>
      %sub3A_651 = arith.subf %sub3A_650, %mul3A_648 : vector<16xf32>
      %mul3A_652 = arith.mulf %mul3A_643, %sub3A_651 : vector<16xf32>
      %lt3A_653 = arith.constant 1.000000e-24 : f32
      %lt3A_654 = vector.broadcast %lt3A_653 : f32 to vector<16xf32>
      %lt3A_655 = arith.cmpf olt, %add3A_617, %lt3A_654 : vector<16xf32>
      %broadcast_in_dim3A_656 = arith.constant 9.99999995E+11 : f32
      %broadcast_in_dim3A_657 = vector.broadcast %broadcast_in_dim3A_656 : f32 to vector<16xf32>
      %select_n3A_658 = arith.select %lt3A_655, %broadcast_in_dim3A_657, %mul3A_652 : vector<16xi1>, vector<16xf32>
      %scan3A_659 = arith.constant 0 : i32
      %scan3A_660 = arith.constant 0 : i32
      %scan3A_661 = arith.constant 48 : i32
      %scan3A_662 = arith.addi %scan3A_660, %scan3A_661 : i32
      %scan3A_663 = arith.constant 1 : i32
      %scan3A_664 = scf.for %scan3A_771 = %scan3A_660 to %scan3A_662 step %scan3A_663 iter_args(%scan3A_772 = %scan3A_659) -> (i32)  : i32 {
        %mul3A_773 = arith.constant 16 : i32
        %mul3A_774 = arith.muli %scan3A_771, %mul3A_773 : i32
        %add3A_775 = arith.constant 5376 : i32
        %add3A_776 = arith.addi %add3A_775, %mul3A_774 : i32
        %get3A = arith.index_cast %add3A_776 : i32 to index
        %get3A_777 = tpu.vector_load %arg6[%get3A] {strides = array<i32>} : memref<6144xf32, #tpu.memory_space<vmem>>, vector<16xf32>,
        %mul3A_778 = arith.mulf %get3A_777, %select_n3A_658 : vector<16xf32>
        %bitcast3A_779 = vector.bitcast %mul3A_778 : vector<16xf32> to vector<16xi32>
        %shift_right_logical3A = arith.constant 16 : i32
        %shift_right_logical3A_780 = vector.broadcast %shift_right_logical3A : i32 to vector<16xi32>
        %shift_right_logical3A_781 = arith.shrui %bitcast3A_779, %shift_right_logical3A_780 : vector<16xi32>
        %and3A = arith.constant 1 : i32
        %and3A_782 = vector.broadcast %and3A : i32 to vector<16xi32>
        %and3A_783 = arith.andi %shift_right_logical3A_781, %and3A_782 : vector<16xi32>
        %add3A_784 = arith.constant 32767 : i32
        %add3A_785 = vector.broadcast %add3A_784 : i32 to vector<16xi32>
        %add3A_786 = arith.addi %bitcast3A_779, %add3A_785 : vector<16xi32>
        %add3A_787 = arith.addi %add3A_786, %and3A_783 : vector<16xi32>
        %and3A_788 = arith.constant -65536 : i32
        %and3A_789 = vector.broadcast %and3A_788 : i32 to vector<16xi32>
        %and3A_790 = arith.andi %add3A_787, %and3A_789 : vector<16xi32>
        %bitcast3A_791 = vector.bitcast %and3A_790 : vector<16xi32> to vector<16xf32>
        %swap3A_792 = arith.index_cast %add3A_776 : i32 to index
        %swap3A_793 = tpu.vector_load %arg6[%swap3A_792] {strides = array<i32>} : memref<6144xf32, #tpu.memory_space<vmem>>, vector<16xf32>,
        tpu.vector_store %arg6[%swap3A_792], %bitcast3A_791 {strides = array<i32>} : memref<6144xf32, #tpu.memory_space<vmem>>, vector<16xf32>,
        %scan3A_794 = arith.constant 0 : i32
        scf.yield %scan3A_794 : i32
      }
      %scan3A_665 = arith.constant 48 : i32
      %broadcast_in_dim3A_666 = arith.constant 0xFF800000 : f32
      %broadcast_in_dim3A_667 = vector.broadcast %broadcast_in_dim3A_666 : f32 to vector<16xf32>
      %swap3A_668 = arith.constant 0 : index
      %swap3A_669 = tpu.vector_load %arg8[%swap3A_668] {strides = array<i32>} : memref<16xf32, #tpu.memory_space<vmem>>, vector<16xf32>,
      tpu.vector_store %arg8[%swap3A_668], %broadcast_in_dim3A_667 {strides = array<i32>} : memref<16xf32, #tpu.memory_space<vmem>>, vector<16xf32>,
      %broadcast_in_dim3A_670 = arith.constant 0 : i32
      %broadcast_in_dim3A_671 = vector.broadcast %broadcast_in_dim3A_670 : i32 to vector<16xi32>
      %swap3A_672 = arith.constant 0 : index
      %swap3A_673 = tpu.vector_load %arg9[%swap3A_672] {strides = array<i32>} : memref<16xi32, #tpu.memory_space<vmem>>, vector<16xi32>,
      tpu.vector_store %arg9[%swap3A_672], %broadcast_in_dim3A_671 {strides = array<i32>} : memref<16xi32, #tpu.memory_space<vmem>>, vector<16xi32>,
      %dma_start3A = arith.constant 0 : i32
      %dma_start3A_674 = arith.constant 0 : i32
      %dma_start3A_675 = arith.constant 0 : i32
      %dma_start3A_676 = tpu.memref_slice %arg7[%dma_start3A, %dma_start3A_674, %dma_start3A_675] : memref<2x16x768xf32, #tpu.memory_space<vmem>> -> memref<1x16x768xf32, #tpu.memory_space<vmem>>
      %dma_start3A_677 = tpu.memref_squeeze %dma_start3A_676 : memref<1x16x768xf32, #tpu.memory_space<vmem>> -> memref<16x768xf32, #tpu.memory_space<vmem>>
      %dma_start3A_678 = arith.constant 2016 : i32
      %dma_start3A_679 = arith.constant 0 : i32
      %dma_start3A_680 = tpu.memref_slice %arg3[%add3A, %dma_start3A_678, %dma_start3A_679] : memref<29x2048x768xf32, #tpu.memory_space<hbm>> -> memref<1x16x768xf32, #tpu.memory_space<hbm>>
      %dma_start3A_681 = tpu.memref_squeeze %dma_start3A_680 : memref<1x16x768xf32, #tpu.memory_space<hbm>> -> memref<16x768xf32, #tpu.memory_space<hbm>>
      %dma_start3A_682 = arith.constant 0 : i32
      %dma_start3A_683 = arith.constant 0 : i32
      %dma_start3A_684 = tpu.memref_slice %arg7[%dma_start3A, %dma_start3A_682, %dma_start3A_683] : memref<2x16x768xf32, #tpu.memory_space<vmem>> -> memref<1x16x768xf32, #tpu.memory_space<vmem>>
      %dma_start3A_685 = tpu.memref_squeeze %dma_start3A_684 : memref<1x16x768xf32, #tpu.memory_space<vmem>> -> memref<16x768xf32, #tpu.memory_space<vmem>>
      %dma_start3A_686 = arith.constant 2016 : i32
      %dma_start3A_687 = arith.constant 0 : i32
      %dma_start3A_688 = tpu.memref_slice %arg3[%add3A, %dma_start3A_686, %dma_start3A_687] : memref<29x2048x768xf32, #tpu.memory_space<hbm>> -> memref<1x16x768xf32, #tpu.memory_space<hbm>>
      %dma_start3A_689 = tpu.memref_squeeze %dma_start3A_688 : memref<1x16x768xf32, #tpu.memory_space<hbm>> -> memref<16x768xf32, #tpu.memory_space<hbm>>
      tpu.enqueue_dma source(%dma_start3A_689 : memref<16x768xf32, #tpu.memory_space<hbm>>) target(%dma_start3A_685 : memref<16x768xf32, #tpu.memory_space<vmem>>) target_semaphore(%arg11 : memref<!tpu.dma_semaphore, #tpu.memory_space<semaphore_mem>>)
      %scan3A_690 = arith.constant 0 : i32
      %scan3A_691 = arith.constant 0 : i32
      %mul3A_692 = arith.constant 2 : i32
      %mul3A_693 = arith.muli %scan3A_691, %mul3A_692 : i32
      %add3A_694 = arith.constant 0 : i32
      %add3A_695 = arith.addi %mul3A_693, %add3A_694 : i32
      %mul3A_696 = arith.constant 16 : i32
      %mul3A_697 = arith.muli %add3A_695, %mul3A_696 : i32
      %add3A_698 = arith.constant 2016 : i32
      %add3A_699 = arith.addi %add3A_698, %mul3A_697 : i32
      %dma_wait3A = arith.constant 0 : i32
      %dma_wait3A_700 = arith.constant 0 : i32
      %dma_wait3A_701 = arith.constant 0 : i32
      %dma_wait3A_702 = tpu.memref_slice %arg7[%dma_wait3A, %dma_wait3A_700, %dma_wait3A_701] : memref<2x16x768xf32, #tpu.memory_space<vmem>> -> memref<1x16x768xf32, #tpu.memory_space<vmem>>
      %dma_wait3A_703 = tpu.memref_squeeze %dma_wait3A_702 : memref<1x16x768xf32, #tpu.memory_space<vmem>> -> memref<16x768xf32, #tpu.memory_space<vmem>>
      %dma_wait3A_704 = arith.constant 0 : i32
      %dma_wait3A_705 = tpu.memref_slice %arg3[%add3A, %add3A_699, %dma_wait3A_704] : memref<29x2048x768xf32, #tpu.memory_space<hbm>> -> memref<1x16x768xf32, #tpu.memory_space<hbm>>
      %dma_wait3A_706 = tpu.memref_squeeze %dma_wait3A_705 : memref<1x16x768xf32, #tpu.memory_space<hbm>> -> memref<16x768xf32, #tpu.memory_space<hbm>>
      %dma_wait3A_707 = arith.constant 0 : i32
      %dma_wait3A_708 = arith.constant 0 : i32
      %dma_wait3A_709 = tpu.memref_slice %arg7[%dma_wait3A, %dma_wait3A_707, %dma_wait3A_708] : memref<2x16x768xf32, #tpu.memory_space<vmem>> -> memref<1x16x768xf32, #tpu.memory_space<vmem>>
      %dma_wait3A_710 = tpu.memref_squeeze %dma_wait3A_709 : memref<1x16x768xf32, #tpu.memory_space<vmem>> -> memref<16x768xf32, #tpu.memory_space<vmem>>
      %dma_wait3A_711 = arith.constant 0 : i32
      %dma_wait3A_712 = tpu.memref_slice %arg3[%add3A, %add3A_699, %dma_wait3A_711] : memref<29x2048x768xf32, #tpu.memory_space<hbm>> -> memref<1x16x768xf32, #tpu.memory_space<hbm>>
      %dma_wait3A_713 = tpu.memref_squeeze %dma_wait3A_712 : memref<1x16x768xf32, #tpu.memory_space<hbm>> -> memref<16x768xf32, #tpu.memory_space<hbm>>
      tpu.wait_dma2 semaphore(%arg11 : memref<!tpu.dma_semaphore, #tpu.memory_space<semaphore_mem>>) src(%dma_wait3A_713 : memref<16x768xf32, #tpu.memory_space<hbm>>) dst(%dma_wait3A_710 : memref<16x768xf32, #tpu.memory_space<vmem>>)
      %add3A_714 = arith.constant 1 : i32
      %add3A_715 = arith.addi %add3A_695, %add3A_714 : i32
      %lt3A_716 = arith.constant 2 : i32
      %lt3A_717 = arith.cmpi slt, %add3A_715, %lt3A_716 : i32
      %convert_element_type3A_718 = arith.extui %lt3A_717 : i1 to i32
      %cond3A_719 = arith.constant 0 : i32
      %cond3A_720 = arith.cmpi ne, %convert_element_type3A_718, %cond3A_719 : i32
      scf.if %cond3A_720 {
        %add3A_771 = arith.constant 1 : i32
        %add3A_772 = arith.addi %add3A_695, %add3A_771 : i32
        %mul3A_773 = arith.constant 16 : i32
        %mul3A_774 = arith.muli %add3A_772, %mul3A_773 : i32
        %add3A_775 = arith.constant 2016 : i32
        %add3A_776 = arith.addi %add3A_775, %mul3A_774 : i32
        %dma_start3A_777 = arith.constant 1 : i32
        %dma_start3A_778 = arith.constant 0 : i32
        %dma_start3A_779 = arith.constant 0 : i32
        %dma_start3A_780 = tpu.memref_slice %arg7[%dma_start3A_777, %dma_start3A_778, %dma_start3A_779] : memref<2x16x768xf32, #tpu.memory_space<vmem>> -> memref<1x16x768xf32, #tpu.memory_space<vmem>>
        %dma_start3A_781 = tpu.memref_squeeze %dma_start3A_780 : memref<1x16x768xf32, #tpu.memory_space<vmem>> -> memref<16x768xf32, #tpu.memory_space<vmem>>
        %dma_start3A_782 = arith.constant 0 : i32
        %dma_start3A_783 = tpu.memref_slice %arg3[%add3A, %add3A_776, %dma_start3A_782] : memref<29x2048x768xf32, #tpu.memory_space<hbm>> -> memref<1x16x768xf32, #tpu.memory_space<hbm>>
        %dma_start3A_784 = tpu.memref_squeeze %dma_start3A_783 : memref<1x16x768xf32, #tpu.memory_space<hbm>> -> memref<16x768xf32, #tpu.memory_space<hbm>>
        %dma_start3A_785 = arith.constant 0 : i32
        %dma_start3A_786 = arith.constant 0 : i32
        %dma_start3A_787 = tpu.memref_slice %arg7[%dma_start3A_777, %dma_start3A_785, %dma_start3A_786] : memref<2x16x768xf32, #tpu.memory_space<vmem>> -> memref<1x16x768xf32, #tpu.memory_space<vmem>>
        %dma_start3A_788 = tpu.memref_squeeze %dma_start3A_787 : memref<1x16x768xf32, #tpu.memory_space<vmem>> -> memref<16x768xf32, #tpu.memory_space<vmem>>
        %dma_start3A_789 = arith.constant 0 : i32
        %dma_start3A_790 = tpu.memref_slice %arg3[%add3A, %add3A_776, %dma_start3A_789] : memref<29x2048x768xf32, #tpu.memory_space<hbm>> -> memref<1x16x768xf32, #tpu.memory_space<hbm>>
        %dma_start3A_791 = tpu.memref_squeeze %dma_start3A_790 : memref<1x16x768xf32, #tpu.memory_space<hbm>> -> memref<16x768xf32, #tpu.memory_space<hbm>>
        tpu.enqueue_dma source(%dma_start3A_791 : memref<16x768xf32, #tpu.memory_space<hbm>>) target(%dma_start3A_788 : memref<16x768xf32, #tpu.memory_space<vmem>>) target_semaphore(%arg12 : memref<!tpu.dma_semaphore, #tpu.memory_space<semaphore_mem>>)
      } else {
      }
      %scan3A_721 = arith.constant 0 : i32
      %scan3A_722 = arith.constant 0 : i32
      %scan3A_723 = arith.constant 8 : i32
      %scan3A_724 = arith.addi %scan3A_722, %scan3A_723 : i32
      %scan3A_725 = arith.constant 1 : i32
      %scan3A_726 = scf.for %scan3A_771 = %scan3A_722 to %scan3A_724 step %scan3A_725 iter_args(%scan3A_772 = %scan3A_721) -> (i32)  : i32 {
        %mul3A_773 = arith.constant 2 : i32
        %mul3A_774 = arith.muli %scan3A_771, %mul3A_773 : i32
        %broadcast_in_dim3A_775 = arith.constant 0.000000e+00 : f32
        %broadcast_in_dim3A_776 = vector.broadcast %broadcast_in_dim3A_775 : f32 to vector<16xf32>
        %broadcast_in_dim3A_777 = arith.constant 0.000000e+00 : f32
        %broadcast_in_dim3A_778 = vector.broadcast %broadcast_in_dim3A_777 : f32 to vector<16xf32>
        %scan3A_779 = arith.constant 0 : i32
        %scan3A_780 = arith.constant 48 : i32
        %scan3A_781 = arith.addi %scan3A_779, %scan3A_780 : i32
        %scan3A_782 = arith.constant 1 : i32
        %scan3A_783:2 = scf.for %scan3A_1513 = %scan3A_779 to %scan3A_781 step %scan3A_782 iter_args(%scan3A_1514 = %broadcast_in_dim3A_776, %scan3A_1515 = %broadcast_in_dim3A_778) -> (vector<16xf32>, vector<16xf32>)  : i32 {
          %add3A_1516 = arith.constant 0 : i32
          %add3A_1517 = arith.addi %mul3A_774, %add3A_1516 : i32
          %mul3A_1518 = arith.constant 16 : i32
          %mul3A_1519 = arith.muli %scan3A_1513, %mul3A_1518 : i32
          %get3A_1520 = arith.constant 0 : i32
          %get3A_1521 = arith.index_cast %get3A_1520 : i32 to index
          %get3A_1522 = arith.index_cast %add3A_1517 : i32 to index
          %get3A_1523 = arith.index_cast %mul3A_1519 : i32 to index
          %get3A_1524 = tpu.vector_load %arg7[%get3A_1521, %get3A_1522, %get3A_1523] {strides = array<i32>} : memref<2x16x768xf32, #tpu.memory_space<vmem>>, vector<16xf32>,
          %add3A_1525 = arith.constant 1 : i32
          %add3A_1526 = arith.addi %mul3A_774, %add3A_1525 : i32
          %mul3A_1527 = arith.constant 16 : i32
          %mul3A_1528 = arith.muli %scan3A_1513, %mul3A_1527 : i32
          %get3A_1529 = arith.constant 0 : i32
          %get3A_1530 = arith.index_cast %get3A_1529 : i32 to index
          %get3A_1531 = arith.index_cast %add3A_1526 : i32 to index
          %get3A_1532 = arith.index_cast %mul3A_1528 : i32 to index
          %get3A_1533 = tpu.vector_load %arg7[%get3A_1530, %get3A_1531, %get3A_1532] {strides = array<i32>} : memref<2x16x768xf32, #tpu.memory_space<vmem>>, vector<16xf32>,
          %mul3A_1534 = arith.mulf %get3A_1524, %get3A_1524 : vector<16xf32>
          %add3A_1535 = arith.addf %scan3A_1514, %mul3A_1534 : vector<16xf32>
          %mul3A_1536 = arith.mulf %get3A_1533, %get3A_1533 : vector<16xf32>
          %add3A_1537 = arith.addf %scan3A_1515, %mul3A_1536 : vector<16xf32>
          scf.yield %add3A_1535, %add3A_1537 : vector<16xf32>, vector<16xf32>
        }
        %scan3A_784 = arith.constant 48 : i32
        %swap3A_785 = arith.constant 0 : index
        %swap3A_786 = tpu.vector_load %arg10[%swap3A_785] {strides = array<i32>} : memref<16xf32, #tpu.memory_space<vmem>>, vector<16xf32>,
        tpu.vector_store %arg10[%swap3A_785], %scan3A_783#0 {strides = array<i32>} : memref<16xf32, #tpu.memory_space<vmem>>, vector<16xf32>,
        %xor3A_787 = arith.constant 8 : i32
        %xor3A_788 = vector.broadcast %xor3A_787 : i32 to vector<16xi32>
        %xor3A_789 = arith.xori %iota3A, %xor3A_788 : vector<16xi32>
        %gather3A_790 = tpu.vector_load_idx %arg10[%xor3A_789] : memref<16xf32, #tpu.memory_space<vmem>>[vector<16xi32>], vector<16xf32>,
        %add3A_791 = arith.addf %scan3A_783#0, %gather3A_790 : vector<16xf32>
        %swap3A_792 = arith.constant 0 : index
        %swap3A_793 = tpu.vector_load %arg10[%swap3A_792] {strides = array<i32>} : memref<16xf32, #tpu.memory_space<vmem>>, vector<16xf32>,
        tpu.vector_store %arg10[%swap3A_792], %add3A_791 {strides = array<i32>} : memref<16xf32, #tpu.memory_space<vmem>>, vector<16xf32>,
        %xor3A_794 = arith.constant 4 : i32
        %xor3A_795 = vector.broadcast %xor3A_794 : i32 to vector<16xi32>
        %xor3A_796 = arith.xori %iota3A, %xor3A_795 : vector<16xi32>
        %gather3A_797 = tpu.vector_load_idx %arg10[%xor3A_796] : memref<16xf32, #tpu.memory_space<vmem>>[vector<16xi32>], vector<16xf32>,
        %add3A_798 = arith.addf %add3A_791, %gather3A_797 : vector<16xf32>
        %swap3A_799 = arith.constant 0 : index
        %swap3A_800 = tpu.vector_load %arg10[%swap3A_799] {strides = array<i32>} : memref<16xf32, #tpu.memory_space<vmem>>, vector<16xf32>,
        tpu.vector_store %arg10[%swap3A_799], %add3A_798 {strides = array<i32>} : memref<16xf32, #tpu.memory_space<vmem>>, vector<16xf32>,
        %xor3A_801 = arith.constant 2 : i32
        %xor3A_802 = vector.broadcast %xor3A_801 : i32 to vector<16xi32>
        %xor3A_803 = arith.xori %iota3A, %xor3A_802 : vector<16xi32>
        %gather3A_804 = tpu.vector_load_idx %arg10[%xor3A_803] : memref<16xf32, #tpu.memory_space<vmem>>[vector<16xi32>], vector<16xf32>,
        %add3A_805 = arith.addf %add3A_798, %gather3A_804 : vector<16xf32>
        %swap3A_806 = arith.constant 0 : index
        %swap3A_807 = tpu.vector_load %arg10[%swap3A_806] {strides = array<i32>} : memref<16xf32, #tpu.memory_space<vmem>>, vector<16xf32>,
        tpu.vector_store %arg10[%swap3A_806], %add3A_805 {strides = array<i32>} : memref<16xf32, #tpu.memory_space<vmem>>, vector<16xf32>,
        %xor3A_808 = arith.constant 1 : i32
        %xor3A_809 = vector.broadcast %xor3A_808 : i32 to vector<16xi32>
        %xor3A_810 = arith.xori %iota3A, %xor3A_809 : vector<16xi32>
        %gather3A_811 = tpu.vector_load_idx %arg10[%xor3A_810] : memref<16xf32, #tpu.memory_space<vmem>>[vector<16xi32>], vector<16xf32>,
        %add3A_812 = arith.addf %add3A_805, %gather3A_811 : vector<16xf32>
        %bitcast3A_813 = vector.bitcast %add3A_812 : vector<16xf32> to vector<16xi32>
        %shift_right_arithmetic3A_814 = arith.constant 1 : i32
        %shift_right_arithmetic3A_815 = vector.broadcast %shift_right_arithmetic3A_814 : i32 to vector<16xi32>
        %shift_right_arithmetic3A_816 = arith.shrsi %bitcast3A_813, %shift_right_arithmetic3A_815 : vector<16xi32>
        %sub3A_817 = arith.constant 1597463007 : i32
        %sub3A_818 = vector.broadcast %sub3A_817 : i32 to vector<16xi32>
        %sub3A_819 = arith.subi %sub3A_818, %shift_right_arithmetic3A_816 : vector<16xi32>
        %bitcast3A_820 = vector.bitcast %sub3A_819 : vector<16xi32> to vector<16xf32>
        %mul3A_821 = arith.constant 5.000000e-01 : f32
        %mul3A_822 = vector.broadcast %mul3A_821 : f32 to vector<16xf32>
        %mul3A_823 = arith.mulf %mul3A_822, %add3A_812 : vector<16xf32>
        %mul3A_824 = arith.mulf %mul3A_823, %bitcast3A_820 : vector<16xf32>
        %mul3A_825 = arith.mulf %mul3A_824, %bitcast3A_820 : vector<16xf32>
        %sub3A_826 = arith.constant 1.500000e+00 : f32
        %sub3A_827 = vector.broadcast %sub3A_826 : f32 to vector<16xf32>
        %sub3A_828 = arith.subf %sub3A_827, %mul3A_825 : vector<16xf32>
        %mul3A_829 = arith.mulf %bitcast3A_820, %sub3A_828 : vector<16xf32>
        %mul3A_830 = arith.constant 5.000000e-01 : f32
        %mul3A_831 = vector.broadcast %mul3A_830 : f32 to vector<16xf32>
        %mul3A_832 = arith.mulf %mul3A_831, %add3A_812 : vector<16xf32>
        %mul3A_833 = arith.mulf %mul3A_832, %mul3A_829 : vector<16xf32>
        %mul3A_834 = arith.mulf %mul3A_833, %mul3A_829 : vector<16xf32>
        %sub3A_835 = arith.constant 1.500000e+00 : f32
        %sub3A_836 = vector.broadcast %sub3A_835 : f32 to vector<16xf32>
        %sub3A_837 = arith.subf %sub3A_836, %mul3A_834 : vector<16xf32>
        %mul3A_838 = arith.mulf %mul3A_829, %sub3A_837 : vector<16xf32>
        %mul3A_839 = arith.constant 5.000000e-01 : f32
        %mul3A_840 = vector.broadcast %mul3A_839 : f32 to vector<16xf32>
        %mul3A_841 = arith.mulf %mul3A_840, %add3A_812 : vector<16xf32>
        %mul3A_842 = arith.mulf %mul3A_841, %mul3A_838 : vector<16xf32>
        %mul3A_843 = arith.mulf %mul3A_842, %mul3A_838 : vector<16xf32>
        %sub3A_844 = arith.constant 1.500000e+00 : f32
        %sub3A_845 = vector.broadcast %sub3A_844 : f32 to vector<16xf32>
        %sub3A_846 = arith.subf %sub3A_845, %mul3A_843 : vector<16xf32>
        %mul3A_847 = arith.mulf %mul3A_838, %sub3A_846 : vector<16xf32>
        %lt3A_848 = arith.constant 1.000000e-24 : f32
        %lt3A_849 = vector.broadcast %lt3A_848 : f32 to vector<16xf32>
        %lt3A_850 = arith.cmpf olt, %add3A_812, %lt3A_849 : vector<16xf32>
        %broadcast_in_dim3A_851 = arith.constant 9.99999995E+11 : f32
        %broadcast_in_dim3A_852 = vector.broadcast %broadcast_in_dim3A_851 : f32 to vector<16xf32>
        %select_n3A_853 = arith.select %lt3A_850, %broadcast_in_dim3A_852, %mul3A_847 : vector<16xi1>, vector<16xf32>
        %swap3A_854 = arith.constant 0 : index
        %swap3A_855 = tpu.vector_load %arg10[%swap3A_854] {strides = array<i32>} : memref<16xf32, #tpu.memory_space<vmem>>, vector<16xf32>,
        tpu.vector_store %arg10[%swap3A_854], %scan3A_783#1 {strides = array<i32>} : memref<16xf32, #tpu.memory_space<vmem>>, vector<16xf32>,
        %xor3A_856 = arith.constant 8 : i32
        %xor3A_857 = vector.broadcast %xor3A_856 : i32 to vector<16xi32>
        %xor3A_858 = arith.xori %iota3A, %xor3A_857 : vector<16xi32>
        %gather3A_859 = tpu.vector_load_idx %arg10[%xor3A_858] : memref<16xf32, #tpu.memory_space<vmem>>[vector<16xi32>], vector<16xf32>,
        %add3A_860 = arith.addf %scan3A_783#1, %gather3A_859 : vector<16xf32>
        %swap3A_861 = arith.constant 0 : index
        %swap3A_862 = tpu.vector_load %arg10[%swap3A_861] {strides = array<i32>} : memref<16xf32, #tpu.memory_space<vmem>>, vector<16xf32>,
        tpu.vector_store %arg10[%swap3A_861], %add3A_860 {strides = array<i32>} : memref<16xf32, #tpu.memory_space<vmem>>, vector<16xf32>,
        %xor3A_863 = arith.constant 4 : i32
        %xor3A_864 = vector.broadcast %xor3A_863 : i32 to vector<16xi32>
        %xor3A_865 = arith.xori %iota3A, %xor3A_864 : vector<16xi32>
        %gather3A_866 = tpu.vector_load_idx %arg10[%xor3A_865] : memref<16xf32, #tpu.memory_space<vmem>>[vector<16xi32>], vector<16xf32>,
        %add3A_867 = arith.addf %add3A_860, %gather3A_866 : vector<16xf32>
        %swap3A_868 = arith.constant 0 : index
        %swap3A_869 = tpu.vector_load %arg10[%swap3A_868] {strides = array<i32>} : memref<16xf32, #tpu.memory_space<vmem>>, vector<16xf32>,
        tpu.vector_store %arg10[%swap3A_868], %add3A_867 {strides = array<i32>} : memref<16xf32, #tpu.memory_space<vmem>>, vector<16xf32>,
        %xor3A_870 = arith.constant 2 : i32
        %xor3A_871 = vector.broadcast %xor3A_870 : i32 to vector<16xi32>
        %xor3A_872 = arith.xori %iota3A, %xor3A_871 : vector<16xi32>
        %gather3A_873 = tpu.vector_load_idx %arg10[%xor3A_872] : memref<16xf32, #tpu.memory_space<vmem>>[vector<16xi32>], vector<16xf32>,
        %add3A_874 = arith.addf %add3A_867, %gather3A_873 : vector<16xf32>
        %swap3A_875 = arith.constant 0 : index
        %swap3A_876 = tpu.vector_load %arg10[%swap3A_875] {strides = array<i32>} : memref<16xf32, #tpu.memory_space<vmem>>, vector<16xf32>,
        tpu.vector_store %arg10[%swap3A_875], %add3A_874 {strides = array<i32>} : memref<16xf32, #tpu.memory_space<vmem>>, vector<16xf32>,
        %xor3A_877 = arith.constant 1 : i32
        %xor3A_878 = vector.broadcast %xor3A_877 : i32 to vector<16xi32>
        %xor3A_879 = arith.xori %iota3A, %xor3A_878 : vector<16xi32>
        %gather3A_880 = tpu.vector_load_idx %arg10[%xor3A_879] : memref<16xf32, #tpu.memory_space<vmem>>[vector<16xi32>], vector<16xf32>,
        %add3A_881 = arith.addf %add3A_874, %gather3A_880 : vector<16xf32>
        %bitcast3A_882 = vector.bitcast %add3A_881 : vector<16xf32> to vector<16xi32>
        %shift_right_arithmetic3A_883 = arith.constant 1 : i32
        %shift_right_arithmetic3A_884 = vector.broadcast %shift_right_arithmetic3A_883 : i32 to vector<16xi32>
        %shift_right_arithmetic3A_885 = arith.shrsi %bitcast3A_882, %shift_right_arithmetic3A_884 : vector<16xi32>
        %sub3A_886 = arith.constant 1597463007 : i32
        %sub3A_887 = vector.broadcast %sub3A_886 : i32 to vector<16xi32>
        %sub3A_888 = arith.subi %sub3A_887, %shift_right_arithmetic3A_885 : vector<16xi32>
        %bitcast3A_889 = vector.bitcast %sub3A_888 : vector<16xi32> to vector<16xf32>
        %mul3A_890 = arith.constant 5.000000e-01 : f32
        %mul3A_891 = vector.broadcast %mul3A_890 : f32 to vector<16xf32>
        %mul3A_892 = arith.mulf %mul3A_891, %add3A_881 : vector<16xf32>
        %mul3A_893 = arith.mulf %mul3A_892, %bitcast3A_889 : vector<16xf32>
        %mul3A_894 = arith.mulf %mul3A_893, %bitcast3A_889 : vector<16xf32>
        %sub3A_895 = arith.constant 1.500000e+00 : f32
        %sub3A_896 = vector.broadcast %sub3A_895 : f32 to vector<16xf32>
        %sub3A_897 = arith.subf %sub3A_896, %mul3A_894 : vector<16xf32>
        %mul3A_898 = arith.mulf %bitcast3A_889, %sub3A_897 : vector<16xf32>
        %mul3A_899 = arith.constant 5.000000e-01 : f32
        %mul3A_900 = vector.broadcast %mul3A_899 : f32 to vector<16xf32>
        %mul3A_901 = arith.mulf %mul3A_900, %add3A_881 : vector<16xf32>
        %mul3A_902 = arith.mulf %mul3A_901, %mul3A_898 : vector<16xf32>
        %mul3A_903 = arith.mulf %mul3A_902, %mul3A_898 : vector<16xf32>
        %sub3A_904 = arith.constant 1.500000e+00 : f32
        %sub3A_905 = vector.broadcast %sub3A_904 : f32 to vector<16xf32>
        %sub3A_906 = arith.subf %sub3A_905, %mul3A_903 : vector<16xf32>
        %mul3A_907 = arith.mulf %mul3A_898, %sub3A_906 : vector<16xf32>
        %mul3A_908 = arith.constant 5.000000e-01 : f32
        %mul3A_909 = vector.broadcast %mul3A_908 : f32 to vector<16xf32>
        %mul3A_910 = arith.mulf %mul3A_909, %add3A_881 : vector<16xf32>
        %mul3A_911 = arith.mulf %mul3A_910, %mul3A_907 : vector<16xf32>
        %mul3A_912 = arith.mulf %mul3A_911, %mul3A_907 : vector<16xf32>
        %sub3A_913 = arith.constant 1.500000e+00 : f32
        %sub3A_914 = vector.broadcast %sub3A_913 : f32 to vector<16xf32>
        %sub3A_915 = arith.subf %sub3A_914, %mul3A_912 : vector<16xf32>
        %mul3A_916 = arith.mulf %mul3A_907, %sub3A_915 : vector<16xf32>
        %lt3A_917 = arith.constant 1.000000e-24 : f32
        %lt3A_918 = vector.broadcast %lt3A_917 : f32 to vector<16xf32>
        %lt3A_919 = arith.cmpf olt, %add3A_881, %lt3A_918 : vector<16xf32>
        %broadcast_in_dim3A_920 = arith.constant 9.99999995E+11 : f32
        %broadcast_in_dim3A_921 = vector.broadcast %broadcast_in_dim3A_920 : f32 to vector<16xf32>
        %select_n3A_922 = arith.select %lt3A_919, %broadcast_in_dim3A_921, %mul3A_916 : vector<16xi1>, vector<16xf32>
        %broadcast_in_dim3A_923 = arith.constant 0.000000e+00 : f32
        %broadcast_in_dim3A_924 = vector.broadcast %broadcast_in_dim3A_923 : f32 to vector<16xf32>
        %broadcast_in_dim3A_925 = arith.constant 0.000000e+00 : f32
        %broadcast_in_dim3A_926 = vector.broadcast %broadcast_in_dim3A_925 : f32 to vector<16xf32>
        %broadcast_in_dim3A_927 = arith.constant 0.000000e+00 : f32
        %broadcast_in_dim3A_928 = vector.broadcast %broadcast_in_dim3A_927 : f32 to vector<16xf32>
        %broadcast_in_dim3A_929 = arith.constant 0.000000e+00 : f32
        %broadcast_in_dim3A_930 = vector.broadcast %broadcast_in_dim3A_929 : f32 to vector<16xf32>
        %broadcast_in_dim3A_931 = arith.constant 0.000000e+00 : f32
        %broadcast_in_dim3A_932 = vector.broadcast %broadcast_in_dim3A_931 : f32 to vector<16xf32>
        %broadcast_in_dim3A_933 = arith.constant 0.000000e+00 : f32
        %broadcast_in_dim3A_934 = vector.broadcast %broadcast_in_dim3A_933 : f32 to vector<16xf32>
        %broadcast_in_dim3A_935 = arith.constant 0.000000e+00 : f32
        %broadcast_in_dim3A_936 = vector.broadcast %broadcast_in_dim3A_935 : f32 to vector<16xf32>
        %broadcast_in_dim3A_937 = arith.constant 0.000000e+00 : f32
        %broadcast_in_dim3A_938 = vector.broadcast %broadcast_in_dim3A_937 : f32 to vector<16xf32>
        %broadcast_in_dim3A_939 = arith.constant 0.000000e+00 : f32
        %broadcast_in_dim3A_940 = vector.broadcast %broadcast_in_dim3A_939 : f32 to vector<16xf32>
        %broadcast_in_dim3A_941 = arith.constant 0.000000e+00 : f32
        %broadcast_in_dim3A_942 = vector.broadcast %broadcast_in_dim3A_941 : f32 to vector<16xf32>
        %broadcast_in_dim3A_943 = arith.constant 0.000000e+00 : f32
        %broadcast_in_dim3A_944 = vector.broadcast %broadcast_in_dim3A_943 : f32 to vector<16xf32>
        %broadcast_in_dim3A_945 = arith.constant 0.000000e+00 : f32
        %broadcast_in_dim3A_946 = vector.broadcast %broadcast_in_dim3A_945 : f32 to vector<16xf32>
        %broadcast_in_dim3A_947 = arith.constant 0.000000e+00 : f32
        %broadcast_in_dim3A_948 = vector.broadcast %broadcast_in_dim3A_947 : f32 to vector<16xf32>
        %broadcast_in_dim3A_949 = arith.constant 0.000000e+00 : f32
        %broadcast_in_dim3A_950 = vector.broadcast %broadcast_in_dim3A_949 : f32 to vector<16xf32>
        %broadcast_in_dim3A_951 = arith.constant 0.000000e+00 : f32
        %broadcast_in_dim3A_952 = vector.broadcast %broadcast_in_dim3A_951 : f32 to vector<16xf32>
        %broadcast_in_dim3A_953 = arith.constant 0.000000e+00 : f32
        %broadcast_in_dim3A_954 = vector.broadcast %broadcast_in_dim3A_953 : f32 to vector<16xf32>
        %scan3A_955 = arith.constant 0 : i32
        %scan3A_956 = arith.constant 48 : i32
        %scan3A_957 = arith.addi %scan3A_955, %scan3A_956 : i32
        %scan3A_958 = arith.constant 1 : i32
        %scan3A_959:16 = scf.for %scan3A_1513 = %scan3A_955 to %scan3A_957 step %scan3A_958 iter_args(%scan3A_1514 = %broadcast_in_dim3A_924, %scan3A_1515 = %broadcast_in_dim3A_926, %scan3A_1516 = %broadcast_in_dim3A_928, %scan3A_1517 = %broadcast_in_dim3A_930, %scan3A_1518 = %broadcast_in_dim3A_932, %scan3A_1519 = %broadcast_in_dim3A_934, %scan3A_1520 = %broadcast_in_dim3A_936, %scan3A_1521 = %broadcast_in_dim3A_938, %scan3A_1522 = %broadcast_in_dim3A_940, %scan3A_1523 = %broadcast_in_dim3A_942, %scan3A_1524 = %broadcast_in_dim3A_944, %scan3A_1525 = %broadcast_in_dim3A_946, %scan3A_1526 = %broadcast_in_dim3A_948, %scan3A_1527 = %broadcast_in_dim3A_950, %scan3A_1528 = %broadcast_in_dim3A_952, %scan3A_1529 = %broadcast_in_dim3A_954) -> (vector<16xf32>, vector<16xf32>, vector<16xf32>, vector<16xf32>, vector<16xf32>, vector<16xf32>, vector<16xf32>, vector<16xf32>, vector<16xf32>, vector<16xf32>, vector<16xf32>, vector<16xf32>, vector<16xf32>, vector<16xf32>, vector<16xf32>, vector<16xf32>)  : i32 {
          %mul3A_1530 = arith.constant 16 : i32
          %mul3A_1531 = arith.muli %scan3A_1513, %mul3A_1530 : i32
          %add3A_1532 = arith.constant 0 : i32
          %add3A_1533 = arith.addi %add3A_1532, %mul3A_1531 : i32
          %get3A_1534 = arith.index_cast %add3A_1533 : i32 to index
          %get3A_1535 = tpu.vector_load %arg6[%get3A_1534] {strides = array<i32>} : memref<6144xf32, #tpu.memory_space<vmem>>, vector<16xf32>,
          %mul3A_1536 = arith.constant 16 : i32
          %mul3A_1537 = arith.muli %scan3A_1513, %mul3A_1536 : i32
          %add3A_1538 = arith.constant 768 : i32
          %add3A_1539 = arith.addi %add3A_1538, %mul3A_1537 : i32
          %get3A_1540 = arith.index_cast %add3A_1539 : i32 to index
          %get3A_1541 = tpu.vector_load %arg6[%get3A_1540] {strides = array<i32>} : memref<6144xf32, #tpu.memory_space<vmem>>, vector<16xf32>,
          %mul3A_1542 = arith.constant 16 : i32
          %mul3A_1543 = arith.muli %scan3A_1513, %mul3A_1542 : i32
          %add3A_1544 = arith.constant 1536 : i32
          %add3A_1545 = arith.addi %add3A_1544, %mul3A_1543 : i32
          %get3A_1546 = arith.index_cast %add3A_1545 : i32 to index
          %get3A_1547 = tpu.vector_load %arg6[%get3A_1546] {strides = array<i32>} : memref<6144xf32, #tpu.memory_space<vmem>>, vector<16xf32>,
          %mul3A_1548 = arith.constant 16 : i32
          %mul3A_1549 = arith.muli %scan3A_1513, %mul3A_1548 : i32
          %add3A_1550 = arith.constant 2304 : i32
          %add3A_1551 = arith.addi %add3A_1550, %mul3A_1549 : i32
          %get3A_1552 = arith.index_cast %add3A_1551 : i32 to index
          %get3A_1553 = tpu.vector_load %arg6[%get3A_1552] {strides = array<i32>} : memref<6144xf32, #tpu.memory_space<vmem>>, vector<16xf32>,
          %mul3A_1554 = arith.constant 16 : i32
          %mul3A_1555 = arith.muli %scan3A_1513, %mul3A_1554 : i32
          %add3A_1556 = arith.constant 3072 : i32
          %add3A_1557 = arith.addi %add3A_1556, %mul3A_1555 : i32
          %get3A_1558 = arith.index_cast %add3A_1557 : i32 to index
          %get3A_1559 = tpu.vector_load %arg6[%get3A_1558] {strides = array<i32>} : memref<6144xf32, #tpu.memory_space<vmem>>, vector<16xf32>,
          %mul3A_1560 = arith.constant 16 : i32
          %mul3A_1561 = arith.muli %scan3A_1513, %mul3A_1560 : i32
          %add3A_1562 = arith.constant 3840 : i32
          %add3A_1563 = arith.addi %add3A_1562, %mul3A_1561 : i32
          %get3A_1564 = arith.index_cast %add3A_1563 : i32 to index
          %get3A_1565 = tpu.vector_load %arg6[%get3A_1564] {strides = array<i32>} : memref<6144xf32, #tpu.memory_space<vmem>>, vector<16xf32>,
          %mul3A_1566 = arith.constant 16 : i32
          %mul3A_1567 = arith.muli %scan3A_1513, %mul3A_1566 : i32
          %add3A_1568 = arith.constant 4608 : i32
          %add3A_1569 = arith.addi %add3A_1568, %mul3A_1567 : i32
          %get3A_1570 = arith.index_cast %add3A_1569 : i32 to index
          %get3A_1571 = tpu.vector_load %arg6[%get3A_1570] {strides = array<i32>} : memref<6144xf32, #tpu.memory_space<vmem>>, vector<16xf32>,
          %mul3A_1572 = arith.constant 16 : i32
          %mul3A_1573 = arith.muli %scan3A_1513, %mul3A_1572 : i32
          %add3A_1574 = arith.constant 5376 : i32
          %add3A_1575 = arith.addi %add3A_1574, %mul3A_1573 : i32
          %get3A_1576 = arith.index_cast %add3A_1575 : i32 to index
          %get3A_1577 = tpu.vector_load %arg6[%get3A_1576] {strides = array<i32>} : memref<6144xf32, #tpu.memory_space<vmem>>, vector<16xf32>,
          %add3A_1578 = arith.constant 0 : i32
          %add3A_1579 = arith.addi %mul3A_774, %add3A_1578 : i32
          %mul3A_1580 = arith.constant 16 : i32
          %mul3A_1581 = arith.muli %scan3A_1513, %mul3A_1580 : i32
          %get3A_1582 = arith.constant 0 : i32
          %get3A_1583 = arith.index_cast %get3A_1582 : i32 to index
          %get3A_1584 = arith.index_cast %add3A_1579 : i32 to index
          %get3A_1585 = arith.index_cast %mul3A_1581 : i32 to index
          %get3A_1586 = tpu.vector_load %arg7[%get3A_1583, %get3A_1584, %get3A_1585] {strides = array<i32>} : memref<2x16x768xf32, #tpu.memory_space<vmem>>, vector<16xf32>,
          %mul3A_1587 = arith.mulf %get3A_1586, %select_n3A_853 : vector<16xf32>
          %bitcast3A_1588 = vector.bitcast %mul3A_1587 : vector<16xf32> to vector<16xi32>
          %shift_right_logical3A = arith.constant 16 : i32
          %shift_right_logical3A_1589 = vector.broadcast %shift_right_logical3A : i32 to vector<16xi32>
          %shift_right_logical3A_1590 = arith.shrui %bitcast3A_1588, %shift_right_logical3A_1589 : vector<16xi32>
          %and3A = arith.constant 1 : i32
          %and3A_1591 = vector.broadcast %and3A : i32 to vector<16xi32>
          %and3A_1592 = arith.andi %shift_right_logical3A_1590, %and3A_1591 : vector<16xi32>
          %add3A_1593 = arith.constant 32767 : i32
          %add3A_1594 = vector.broadcast %add3A_1593 : i32 to vector<16xi32>
          %add3A_1595 = arith.addi %bitcast3A_1588, %add3A_1594 : vector<16xi32>
          %add3A_1596 = arith.addi %add3A_1595, %and3A_1592 : vector<16xi32>
          %and3A_1597 = arith.constant -65536 : i32
          %and3A_1598 = vector.broadcast %and3A_1597 : i32 to vector<16xi32>
          %and3A_1599 = arith.andi %add3A_1596, %and3A_1598 : vector<16xi32>
          %bitcast3A_1600 = vector.bitcast %and3A_1599 : vector<16xi32> to vector<16xf32>
          %add3A_1601 = arith.constant 1 : i32
          %add3A_1602 = arith.addi %mul3A_774, %add3A_1601 : i32
          %mul3A_1603 = arith.constant 16 : i32
          %mul3A_1604 = arith.muli %scan3A_1513, %mul3A_1603 : i32
          %get3A_1605 = arith.constant 0 : i32
          %get3A_1606 = arith.index_cast %get3A_1605 : i32 to index
          %get3A_1607 = arith.index_cast %add3A_1602 : i32 to index
          %get3A_1608 = arith.index_cast %mul3A_1604 : i32 to index
          %get3A_1609 = tpu.vector_load %arg7[%get3A_1606, %get3A_1607, %get3A_1608] {strides = array<i32>} : memref<2x16x768xf32, #tpu.memory_space<vmem>>, vector<16xf32>,
          %mul3A_1610 = arith.mulf %get3A_1609, %select_n3A_922 : vector<16xf32>
          %bitcast3A_1611 = vector.bitcast %mul3A_1610 : vector<16xf32> to vector<16xi32>
          %shift_right_logical3A_1612 = arith.constant 16 : i32
          %shift_right_logical3A_1613 = vector.broadcast %shift_right_logical3A_1612 : i32 to vector<16xi32>
          %shift_right_logical3A_1614 = arith.shrui %bitcast3A_1611, %shift_right_logical3A_1613 : vector<16xi32>
          %and3A_1615 = arith.constant 1 : i32
          %and3A_1616 = vector.broadcast %and3A_1615 : i32 to vector<16xi32>
          %and3A_1617 = arith.andi %shift_right_logical3A_1614, %and3A_1616 : vector<16xi32>
          %add3A_1618 = arith.constant 32767 : i32
          %add3A_1619 = vector.broadcast %add3A_1618 : i32 to vector<16xi32>
          %add3A_1620 = arith.addi %bitcast3A_1611, %add3A_1619 : vector<16xi32>
          %add3A_1621 = arith.addi %add3A_1620, %and3A_1617 : vector<16xi32>
          %and3A_1622 = arith.constant -65536 : i32
          %and3A_1623 = vector.broadcast %and3A_1622 : i32 to vector<16xi32>
          %and3A_1624 = arith.andi %add3A_1621, %and3A_1623 : vector<16xi32>
          %bitcast3A_1625 = vector.bitcast %and3A_1624 : vector<16xi32> to vector<16xf32>
          %mul3A_1626 = arith.mulf %bitcast3A_1600, %get3A_1535 : vector<16xf32>
          %add3A_1627 = arith.addf %scan3A_1514, %mul3A_1626 : vector<16xf32>
          %mul3A_1628 = arith.mulf %bitcast3A_1600, %get3A_1541 : vector<16xf32>
          %add3A_1629 = arith.addf %scan3A_1515, %mul3A_1628 : vector<16xf32>
          %mul3A_1630 = arith.mulf %bitcast3A_1600, %get3A_1547 : vector<16xf32>
          %add3A_1631 = arith.addf %scan3A_1516, %mul3A_1630 : vector<16xf32>
          %mul3A_1632 = arith.mulf %bitcast3A_1600, %get3A_1553 : vector<16xf32>
          %add3A_1633 = arith.addf %scan3A_1517, %mul3A_1632 : vector<16xf32>
          %mul3A_1634 = arith.mulf %bitcast3A_1600, %get3A_1559 : vector<16xf32>
          %add3A_1635 = arith.addf %scan3A_1518, %mul3A_1634 : vector<16xf32>
          %mul3A_1636 = arith.mulf %bitcast3A_1600, %get3A_1565 : vector<16xf32>
          %add3A_1637 = arith.addf %scan3A_1519, %mul3A_1636 : vector<16xf32>
          %mul3A_1638 = arith.mulf %bitcast3A_1600, %get3A_1571 : vector<16xf32>
          %add3A_1639 = arith.addf %scan3A_1520, %mul3A_1638 : vector<16xf32>
          %mul3A_1640 = arith.mulf %bitcast3A_1600, %get3A_1577 : vector<16xf32>
          %add3A_1641 = arith.addf %scan3A_1521, %mul3A_1640 : vector<16xf32>
          %mul3A_1642 = arith.mulf %bitcast3A_1625, %get3A_1535 : vector<16xf32>
          %add3A_1643 = arith.addf %scan3A_1522, %mul3A_1642 : vector<16xf32>
          %mul3A_1644 = arith.mulf %bitcast3A_1625, %get3A_1541 : vector<16xf32>
          %add3A_1645 = arith.addf %scan3A_1523, %mul3A_1644 : vector<16xf32>
          %mul3A_1646 = arith.mulf %bitcast3A_1625, %get3A_1547 : vector<16xf32>
          %add3A_1647 = arith.addf %scan3A_1524, %mul3A_1646 : vector<16xf32>
          %mul3A_1648 = arith.mulf %bitcast3A_1625, %get3A_1553 : vector<16xf32>
          %add3A_1649 = arith.addf %scan3A_1525, %mul3A_1648 : vector<16xf32>
          %mul3A_1650 = arith.mulf %bitcast3A_1625, %get3A_1559 : vector<16xf32>
          %add3A_1651 = arith.addf %scan3A_1526, %mul3A_1650 : vector<16xf32>
          %mul3A_1652 = arith.mulf %bitcast3A_1625, %get3A_1565 : vector<16xf32>
          %add3A_1653 = arith.addf %scan3A_1527, %mul3A_1652 : vector<16xf32>
          %mul3A_1654 = arith.mulf %bitcast3A_1625, %get3A_1571 : vector<16xf32>
          %add3A_1655 = arith.addf %scan3A_1528, %mul3A_1654 : vector<16xf32>
          %mul3A_1656 = arith.mulf %bitcast3A_1625, %get3A_1577 : vector<16xf32>
          %add3A_1657 = arith.addf %scan3A_1529, %mul3A_1656 : vector<16xf32>
          scf.yield %add3A_1627, %add3A_1629, %add3A_1631, %add3A_1633, %add3A_1635, %add3A_1637, %add3A_1639, %add3A_1641, %add3A_1643, %add3A_1645, %add3A_1647, %add3A_1649, %add3A_1651, %add3A_1653, %add3A_1655, %add3A_1657 : vector<16xf32>, vector<16xf32>, vector<16xf32>, vector<16xf32>, vector<16xf32>, vector<16xf32>, vector<16xf32>, vector<16xf32>, vector<16xf32>, vector<16xf32>, vector<16xf32>, vector<16xf32>, vector<16xf32>, vector<16xf32>, vector<16xf32>, vector<16xf32>
        }
        %scan3A_960 = arith.constant 48 : i32
        %broadcast_in_dim3A_961 = arith.constant 0xFF800000 : f32
        %broadcast_in_dim3A_962 = vector.broadcast %broadcast_in_dim3A_961 : f32 to vector<16xf32>
        %swap3A_963 = arith.constant 0 : index
        %swap3A_964 = tpu.vector_load %arg10[%swap3A_963] {strides = array<i32>} : memref<16xf32, #tpu.memory_space<vmem>>, vector<16xf32>,
        tpu.vector_store %arg10[%swap3A_963], %scan3A_959#0 {strides = array<i32>} : memref<16xf32, #tpu.memory_space<vmem>>, vector<16xf32>,
        %xor3A_965 = arith.constant 8 : i32
        %xor3A_966 = vector.broadcast %xor3A_965 : i32 to vector<16xi32>
        %xor3A_967 = arith.xori %iota3A, %xor3A_966 : vector<16xi32>
        %gather3A_968 = tpu.vector_load_idx %arg10[%xor3A_967] : memref<16xf32, #tpu.memory_space<vmem>>[vector<16xi32>], vector<16xf32>,
        %add3A_969 = arith.addf %scan3A_959#0, %gather3A_968 : vector<16xf32>
        %swap3A_970 = arith.constant 0 : index
        %swap3A_971 = tpu.vector_load %arg10[%swap3A_970] {strides = array<i32>} : memref<16xf32, #tpu.memory_space<vmem>>, vector<16xf32>,
        tpu.vector_store %arg10[%swap3A_970], %add3A_969 {strides = array<i32>} : memref<16xf32, #tpu.memory_space<vmem>>, vector<16xf32>,
        %xor3A_972 = arith.constant 4 : i32
        %xor3A_973 = vector.broadcast %xor3A_972 : i32 to vector<16xi32>
        %xor3A_974 = arith.xori %iota3A, %xor3A_973 : vector<16xi32>
        %gather3A_975 = tpu.vector_load_idx %arg10[%xor3A_974] : memref<16xf32, #tpu.memory_space<vmem>>[vector<16xi32>], vector<16xf32>,
        %add3A_976 = arith.addf %add3A_969, %gather3A_975 : vector<16xf32>
        %swap3A_977 = arith.constant 0 : index
        %swap3A_978 = tpu.vector_load %arg10[%swap3A_977] {strides = array<i32>} : memref<16xf32, #tpu.memory_space<vmem>>, vector<16xf32>,
        tpu.vector_store %arg10[%swap3A_977], %add3A_976 {strides = array<i32>} : memref<16xf32, #tpu.memory_space<vmem>>, vector<16xf32>,
        %xor3A_979 = arith.constant 2 : i32
        %xor3A_980 = vector.broadcast %xor3A_979 : i32 to vector<16xi32>
        %xor3A_981 = arith.xori %iota3A, %xor3A_980 : vector<16xi32>
        %gather3A_982 = tpu.vector_load_idx %arg10[%xor3A_981] : memref<16xf32, #tpu.memory_space<vmem>>[vector<16xi32>], vector<16xf32>,
        %add3A_983 = arith.addf %add3A_976, %gather3A_982 : vector<16xf32>
        %swap3A_984 = arith.constant 0 : index
        %swap3A_985 = tpu.vector_load %arg10[%swap3A_984] {strides = array<i32>} : memref<16xf32, #tpu.memory_space<vmem>>, vector<16xf32>,
        tpu.vector_store %arg10[%swap3A_984], %add3A_983 {strides = array<i32>} : memref<16xf32, #tpu.memory_space<vmem>>, vector<16xf32>,
        %xor3A_986 = arith.constant 1 : i32
        %xor3A_987 = vector.broadcast %xor3A_986 : i32 to vector<16xi32>
        %xor3A_988 = arith.xori %iota3A, %xor3A_987 : vector<16xi32>
        %gather3A_989 = tpu.vector_load_idx %arg10[%xor3A_988] : memref<16xf32, #tpu.memory_space<vmem>>[vector<16xi32>], vector<16xf32>,
        %add3A_990 = arith.addf %add3A_983, %gather3A_989 : vector<16xf32>
        %eq3A = arith.constant 0 : i32
        %eq3A_991 = vector.broadcast %eq3A : i32 to vector<16xi32>
        %eq3A_992 = arith.cmpi eq, %iota3A, %eq3A_991 : vector<16xi32>
        %select_n3A_993 = arith.select %eq3A_992, %add3A_990, %broadcast_in_dim3A_962 : vector<16xi1>, vector<16xf32>
        %swap3A_994 = arith.constant 0 : index
        %swap3A_995 = tpu.vector_load %arg10[%swap3A_994] {strides = array<i32>} : memref<16xf32, #tpu.memory_space<vmem>>, vector<16xf32>,
        tpu.vector_store %arg10[%swap3A_994], %scan3A_959#1 {strides = array<i32>} : memref<16xf32, #tpu.memory_space<vmem>>, vector<16xf32>,
        %xor3A_996 = arith.constant 8 : i32
        %xor3A_997 = vector.broadcast %xor3A_996 : i32 to vector<16xi32>
        %xor3A_998 = arith.xori %iota3A, %xor3A_997 : vector<16xi32>
        %gather3A_999 = tpu.vector_load_idx %arg10[%xor3A_998] : memref<16xf32, #tpu.memory_space<vmem>>[vector<16xi32>], vector<16xf32>,
        %add3A_1000 = arith.addf %scan3A_959#1, %gather3A_999 : vector<16xf32>
        %swap3A_1001 = arith.constant 0 : index
        %swap3A_1002 = tpu.vector_load %arg10[%swap3A_1001] {strides = array<i32>} : memref<16xf32, #tpu.memory_space<vmem>>, vector<16xf32>,
        tpu.vector_store %arg10[%swap3A_1001], %add3A_1000 {strides = array<i32>} : memref<16xf32, #tpu.memory_space<vmem>>, vector<16xf32>,
        %xor3A_1003 = arith.constant 4 : i32
        %xor3A_1004 = vector.broadcast %xor3A_1003 : i32 to vector<16xi32>
        %xor3A_1005 = arith.xori %iota3A, %xor3A_1004 : vector<16xi32>
        %gather3A_1006 = tpu.vector_load_idx %arg10[%xor3A_1005] : memref<16xf32, #tpu.memory_space<vmem>>[vector<16xi32>], vector<16xf32>,
        %add3A_1007 = arith.addf %add3A_1000, %gather3A_1006 : vector<16xf32>
        %swap3A_1008 = arith.constant 0 : index
        %swap3A_1009 = tpu.vector_load %arg10[%swap3A_1008] {strides = array<i32>} : memref<16xf32, #tpu.memory_space<vmem>>, vector<16xf32>,
        tpu.vector_store %arg10[%swap3A_1008], %add3A_1007 {strides = array<i32>} : memref<16xf32, #tpu.memory_space<vmem>>, vector<16xf32>,
        %xor3A_1010 = arith.constant 2 : i32
        %xor3A_1011 = vector.broadcast %xor3A_1010 : i32 to vector<16xi32>
        %xor3A_1012 = arith.xori %iota3A, %xor3A_1011 : vector<16xi32>
        %gather3A_1013 = tpu.vector_load_idx %arg10[%xor3A_1012] : memref<16xf32, #tpu.memory_space<vmem>>[vector<16xi32>], vector<16xf32>,
        %add3A_1014 = arith.addf %add3A_1007, %gather3A_1013 : vector<16xf32>
        %swap3A_1015 = arith.constant 0 : index
        %swap3A_1016 = tpu.vector_load %arg10[%swap3A_1015] {strides = array<i32>} : memref<16xf32, #tpu.memory_space<vmem>>, vector<16xf32>,
        tpu.vector_store %arg10[%swap3A_1015], %add3A_1014 {strides = array<i32>} : memref<16xf32, #tpu.memory_space<vmem>>, vector<16xf32>,
        %xor3A_1017 = arith.constant 1 : i32
        %xor3A_1018 = vector.broadcast %xor3A_1017 : i32 to vector<16xi32>
        %xor3A_1019 = arith.xori %iota3A, %xor3A_1018 : vector<16xi32>
        %gather3A_1020 = tpu.vector_load_idx %arg10[%xor3A_1019] : memref<16xf32, #tpu.memory_space<vmem>>[vector<16xi32>], vector<16xf32>,
        %add3A_1021 = arith.addf %add3A_1014, %gather3A_1020 : vector<16xf32>
        %eq3A_1022 = arith.constant 1 : i32
        %eq3A_1023 = vector.broadcast %eq3A_1022 : i32 to vector<16xi32>
        %eq3A_1024 = arith.cmpi eq, %iota3A, %eq3A_1023 : vector<16xi32>
        %select_n3A_1025 = arith.select %eq3A_1024, %add3A_1021, %select_n3A_993 : vector<16xi1>, vector<16xf32>
        %swap3A_1026 = arith.constant 0 : index
        %swap3A_1027 = tpu.vector_load %arg10[%swap3A_1026] {strides = array<i32>} : memref<16xf32, #tpu.memory_space<vmem>>, vector<16xf32>,
        tpu.vector_store %arg10[%swap3A_1026], %scan3A_959#2 {strides = array<i32>} : memref<16xf32, #tpu.memory_space<vmem>>, vector<16xf32>,
        %xor3A_1028 = arith.constant 8 : i32
        %xor3A_1029 = vector.broadcast %xor3A_1028 : i32 to vector<16xi32>
        %xor3A_1030 = arith.xori %iota3A, %xor3A_1029 : vector<16xi32>
        %gather3A_1031 = tpu.vector_load_idx %arg10[%xor3A_1030] : memref<16xf32, #tpu.memory_space<vmem>>[vector<16xi32>], vector<16xf32>,
        %add3A_1032 = arith.addf %scan3A_959#2, %gather3A_1031 : vector<16xf32>
        %swap3A_1033 = arith.constant 0 : index
        %swap3A_1034 = tpu.vector_load %arg10[%swap3A_1033] {strides = array<i32>} : memref<16xf32, #tpu.memory_space<vmem>>, vector<16xf32>,
        tpu.vector_store %arg10[%swap3A_1033], %add3A_1032 {strides = array<i32>} : memref<16xf32, #tpu.memory_space<vmem>>, vector<16xf32>,
        %xor3A_1035 = arith.constant 4 : i32
        %xor3A_1036 = vector.broadcast %xor3A_1035 : i32 to vector<16xi32>
        %xor3A_1037 = arith.xori %iota3A, %xor3A_1036 : vector<16xi32>
        %gather3A_1038 = tpu.vector_load_idx %arg10[%xor3A_1037] : memref<16xf32, #tpu.memory_space<vmem>>[vector<16xi32>], vector<16xf32>,
        %add3A_1039 = arith.addf %add3A_1032, %gather3A_1038 : vector<16xf32>
        %swap3A_1040 = arith.constant 0 : index
        %swap3A_1041 = tpu.vector_load %arg10[%swap3A_1040] {strides = array<i32>} : memref<16xf32, #tpu.memory_space<vmem>>, vector<16xf32>,
        tpu.vector_store %arg10[%swap3A_1040], %add3A_1039 {strides = array<i32>} : memref<16xf32, #tpu.memory_space<vmem>>, vector<16xf32>,
        %xor3A_1042 = arith.constant 2 : i32
        %xor3A_1043 = vector.broadcast %xor3A_1042 : i32 to vector<16xi32>
        %xor3A_1044 = arith.xori %iota3A, %xor3A_1043 : vector<16xi32>
        %gather3A_1045 = tpu.vector_load_idx %arg10[%xor3A_1044] : memref<16xf32, #tpu.memory_space<vmem>>[vector<16xi32>], vector<16xf32>,
        %add3A_1046 = arith.addf %add3A_1039, %gather3A_1045 : vector<16xf32>
        %swap3A_1047 = arith.constant 0 : index
        %swap3A_1048 = tpu.vector_load %arg10[%swap3A_1047] {strides = array<i32>} : memref<16xf32, #tpu.memory_space<vmem>>, vector<16xf32>,
        tpu.vector_store %arg10[%swap3A_1047], %add3A_1046 {strides = array<i32>} : memref<16xf32, #tpu.memory_space<vmem>>, vector<16xf32>,
        %xor3A_1049 = arith.constant 1 : i32
        %xor3A_1050 = vector.broadcast %xor3A_1049 : i32 to vector<16xi32>
        %xor3A_1051 = arith.xori %iota3A, %xor3A_1050 : vector<16xi32>
        %gather3A_1052 = tpu.vector_load_idx %arg10[%xor3A_1051] : memref<16xf32, #tpu.memory_space<vmem>>[vector<16xi32>], vector<16xf32>,
        %add3A_1053 = arith.addf %add3A_1046, %gather3A_1052 : vector<16xf32>
        %eq3A_1054 = arith.constant 2 : i32
        %eq3A_1055 = vector.broadcast %eq3A_1054 : i32 to vector<16xi32>
        %eq3A_1056 = arith.cmpi eq, %iota3A, %eq3A_1055 : vector<16xi32>
        %select_n3A_1057 = arith.select %eq3A_1056, %add3A_1053, %select_n3A_1025 : vector<16xi1>, vector<16xf32>
        %swap3A_1058 = arith.constant 0 : index
        %swap3A_1059 = tpu.vector_load %arg10[%swap3A_1058] {strides = array<i32>} : memref<16xf32, #tpu.memory_space<vmem>>, vector<16xf32>,
        tpu.vector_store %arg10[%swap3A_1058], %scan3A_959#3 {strides = array<i32>} : memref<16xf32, #tpu.memory_space<vmem>>, vector<16xf32>,
        %xor3A_1060 = arith.constant 8 : i32
        %xor3A_1061 = vector.broadcast %xor3A_1060 : i32 to vector<16xi32>
        %xor3A_1062 = arith.xori %iota3A, %xor3A_1061 : vector<16xi32>
        %gather3A_1063 = tpu.vector_load_idx %arg10[%xor3A_1062] : memref<16xf32, #tpu.memory_space<vmem>>[vector<16xi32>], vector<16xf32>,
        %add3A_1064 = arith.addf %scan3A_959#3, %gather3A_1063 : vector<16xf32>
        %swap3A_1065 = arith.constant 0 : index
        %swap3A_1066 = tpu.vector_load %arg10[%swap3A_1065] {strides = array<i32>} : memref<16xf32, #tpu.memory_space<vmem>>, vector<16xf32>,
        tpu.vector_store %arg10[%swap3A_1065], %add3A_1064 {strides = array<i32>} : memref<16xf32, #tpu.memory_space<vmem>>, vector<16xf32>,
        %xor3A_1067 = arith.constant 4 : i32
        %xor3A_1068 = vector.broadcast %xor3A_1067 : i32 to vector<16xi32>
        %xor3A_1069 = arith.xori %iota3A, %xor3A_1068 : vector<16xi32>
        %gather3A_1070 = tpu.vector_load_idx %arg10[%xor3A_1069] : memref<16xf32, #tpu.memory_space<vmem>>[vector<16xi32>], vector<16xf32>,
        %add3A_1071 = arith.addf %add3A_1064, %gather3A_1070 : vector<16xf32>
        %swap3A_1072 = arith.constant 0 : index
        %swap3A_1073 = tpu.vector_load %arg10[%swap3A_1072] {strides = array<i32>} : memref<16xf32, #tpu.memory_space<vmem>>, vector<16xf32>,
        tpu.vector_store %arg10[%swap3A_1072], %add3A_1071 {strides = array<i32>} : memref<16xf32, #tpu.memory_space<vmem>>, vector<16xf32>,
        %xor3A_1074 = arith.constant 2 : i32
        %xor3A_1075 = vector.broadcast %xor3A_1074 : i32 to vector<16xi32>
        %xor3A_1076 = arith.xori %iota3A, %xor3A_1075 : vector<16xi32>
        %gather3A_1077 = tpu.vector_load_idx %arg10[%xor3A_1076] : memref<16xf32, #tpu.memory_space<vmem>>[vector<16xi32>], vector<16xf32>,
        %add3A_1078 = arith.addf %add3A_1071, %gather3A_1077 : vector<16xf32>
        %swap3A_1079 = arith.constant 0 : index
        %swap3A_1080 = tpu.vector_load %arg10[%swap3A_1079] {strides = array<i32>} : memref<16xf32, #tpu.memory_space<vmem>>, vector<16xf32>,
        tpu.vector_store %arg10[%swap3A_1079], %add3A_1078 {strides = array<i32>} : memref<16xf32, #tpu.memory_space<vmem>>, vector<16xf32>,
        %xor3A_1081 = arith.constant 1 : i32
        %xor3A_1082 = vector.broadcast %xor3A_1081 : i32 to vector<16xi32>
        %xor3A_1083 = arith.xori %iota3A, %xor3A_1082 : vector<16xi32>
        %gather3A_1084 = tpu.vector_load_idx %arg10[%xor3A_1083] : memref<16xf32, #tpu.memory_space<vmem>>[vector<16xi32>], vector<16xf32>,
        %add3A_1085 = arith.addf %add3A_1078, %gather3A_1084 : vector<16xf32>
        %eq3A_1086 = arith.constant 3 : i32
        %eq3A_1087 = vector.broadcast %eq3A_1086 : i32 to vector<16xi32>
        %eq3A_1088 = arith.cmpi eq, %iota3A, %eq3A_1087 : vector<16xi32>
        %select_n3A_1089 = arith.select %eq3A_1088, %add3A_1085, %select_n3A_1057 : vector<16xi1>, vector<16xf32>
        %swap3A_1090 = arith.constant 0 : index
        %swap3A_1091 = tpu.vector_load %arg10[%swap3A_1090] {strides = array<i32>} : memref<16xf32, #tpu.memory_space<vmem>>, vector<16xf32>,
        tpu.vector_store %arg10[%swap3A_1090], %scan3A_959#4 {strides = array<i32>} : memref<16xf32, #tpu.memory_space<vmem>>, vector<16xf32>,
        %xor3A_1092 = arith.constant 8 : i32
        %xor3A_1093 = vector.broadcast %xor3A_1092 : i32 to vector<16xi32>
        %xor3A_1094 = arith.xori %iota3A, %xor3A_1093 : vector<16xi32>
        %gather3A_1095 = tpu.vector_load_idx %arg10[%xor3A_1094] : memref<16xf32, #tpu.memory_space<vmem>>[vector<16xi32>], vector<16xf32>,
        %add3A_1096 = arith.addf %scan3A_959#4, %gather3A_1095 : vector<16xf32>
        %swap3A_1097 = arith.constant 0 : index
        %swap3A_1098 = tpu.vector_load %arg10[%swap3A_1097] {strides = array<i32>} : memref<16xf32, #tpu.memory_space<vmem>>, vector<16xf32>,
        tpu.vector_store %arg10[%swap3A_1097], %add3A_1096 {strides = array<i32>} : memref<16xf32, #tpu.memory_space<vmem>>, vector<16xf32>,
        %xor3A_1099 = arith.constant 4 : i32
        %xor3A_1100 = vector.broadcast %xor3A_1099 : i32 to vector<16xi32>
        %xor3A_1101 = arith.xori %iota3A, %xor3A_1100 : vector<16xi32>
        %gather3A_1102 = tpu.vector_load_idx %arg10[%xor3A_1101] : memref<16xf32, #tpu.memory_space<vmem>>[vector<16xi32>], vector<16xf32>,
        %add3A_1103 = arith.addf %add3A_1096, %gather3A_1102 : vector<16xf32>
        %swap3A_1104 = arith.constant 0 : index
        %swap3A_1105 = tpu.vector_load %arg10[%swap3A_1104] {strides = array<i32>} : memref<16xf32, #tpu.memory_space<vmem>>, vector<16xf32>,
        tpu.vector_store %arg10[%swap3A_1104], %add3A_1103 {strides = array<i32>} : memref<16xf32, #tpu.memory_space<vmem>>, vector<16xf32>,
        %xor3A_1106 = arith.constant 2 : i32
        %xor3A_1107 = vector.broadcast %xor3A_1106 : i32 to vector<16xi32>
        %xor3A_1108 = arith.xori %iota3A, %xor3A_1107 : vector<16xi32>
        %gather3A_1109 = tpu.vector_load_idx %arg10[%xor3A_1108] : memref<16xf32, #tpu.memory_space<vmem>>[vector<16xi32>], vector<16xf32>,
        %add3A_1110 = arith.addf %add3A_1103, %gather3A_1109 : vector<16xf32>
        %swap3A_1111 = arith.constant 0 : index
        %swap3A_1112 = tpu.vector_load %arg10[%swap3A_1111] {strides = array<i32>} : memref<16xf32, #tpu.memory_space<vmem>>, vector<16xf32>,
        tpu.vector_store %arg10[%swap3A_1111], %add3A_1110 {strides = array<i32>} : memref<16xf32, #tpu.memory_space<vmem>>, vector<16xf32>,
        %xor3A_1113 = arith.constant 1 : i32
        %xor3A_1114 = vector.broadcast %xor3A_1113 : i32 to vector<16xi32>
        %xor3A_1115 = arith.xori %iota3A, %xor3A_1114 : vector<16xi32>
        %gather3A_1116 = tpu.vector_load_idx %arg10[%xor3A_1115] : memref<16xf32, #tpu.memory_space<vmem>>[vector<16xi32>], vector<16xf32>,
        %add3A_1117 = arith.addf %add3A_1110, %gather3A_1116 : vector<16xf32>
        %eq3A_1118 = arith.constant 4 : i32
        %eq3A_1119 = vector.broadcast %eq3A_1118 : i32 to vector<16xi32>
        %eq3A_1120 = arith.cmpi eq, %iota3A, %eq3A_1119 : vector<16xi32>
        %select_n3A_1121 = arith.select %eq3A_1120, %add3A_1117, %select_n3A_1089 : vector<16xi1>, vector<16xf32>
        %swap3A_1122 = arith.constant 0 : index
        %swap3A_1123 = tpu.vector_load %arg10[%swap3A_1122] {strides = array<i32>} : memref<16xf32, #tpu.memory_space<vmem>>, vector<16xf32>,
        tpu.vector_store %arg10[%swap3A_1122], %scan3A_959#5 {strides = array<i32>} : memref<16xf32, #tpu.memory_space<vmem>>, vector<16xf32>,
        %xor3A_1124 = arith.constant 8 : i32
        %xor3A_1125 = vector.broadcast %xor3A_1124 : i32 to vector<16xi32>
        %xor3A_1126 = arith.xori %iota3A, %xor3A_1125 : vector<16xi32>
        %gather3A_1127 = tpu.vector_load_idx %arg10[%xor3A_1126] : memref<16xf32, #tpu.memory_space<vmem>>[vector<16xi32>], vector<16xf32>,
        %add3A_1128 = arith.addf %scan3A_959#5, %gather3A_1127 : vector<16xf32>
        %swap3A_1129 = arith.constant 0 : index
        %swap3A_1130 = tpu.vector_load %arg10[%swap3A_1129] {strides = array<i32>} : memref<16xf32, #tpu.memory_space<vmem>>, vector<16xf32>,
        tpu.vector_store %arg10[%swap3A_1129], %add3A_1128 {strides = array<i32>} : memref<16xf32, #tpu.memory_space<vmem>>, vector<16xf32>,
        %xor3A_1131 = arith.constant 4 : i32
        %xor3A_1132 = vector.broadcast %xor3A_1131 : i32 to vector<16xi32>
        %xor3A_1133 = arith.xori %iota3A, %xor3A_1132 : vector<16xi32>
        %gather3A_1134 = tpu.vector_load_idx %arg10[%xor3A_1133] : memref<16xf32, #tpu.memory_space<vmem>>[vector<16xi32>], vector<16xf32>,
        %add3A_1135 = arith.addf %add3A_1128, %gather3A_1134 : vector<16xf32>
        %swap3A_1136 = arith.constant 0 : index
        %swap3A_1137 = tpu.vector_load %arg10[%swap3A_1136] {strides = array<i32>} : memref<16xf32, #tpu.memory_space<vmem>>, vector<16xf32>,
        tpu.vector_store %arg10[%swap3A_1136], %add3A_1135 {strides = array<i32>} : memref<16xf32, #tpu.memory_space<vmem>>, vector<16xf32>,
        %xor3A_1138 = arith.constant 2 : i32
        %xor3A_1139 = vector.broadcast %xor3A_1138 : i32 to vector<16xi32>
        %xor3A_1140 = arith.xori %iota3A, %xor3A_1139 : vector<16xi32>
        %gather3A_1141 = tpu.vector_load_idx %arg10[%xor3A_1140] : memref<16xf32, #tpu.memory_space<vmem>>[vector<16xi32>], vector<16xf32>,
        %add3A_1142 = arith.addf %add3A_1135, %gather3A_1141 : vector<16xf32>
        %swap3A_1143 = arith.constant 0 : index
        %swap3A_1144 = tpu.vector_load %arg10[%swap3A_1143] {strides = array<i32>} : memref<16xf32, #tpu.memory_space<vmem>>, vector<16xf32>,
        tpu.vector_store %arg10[%swap3A_1143], %add3A_1142 {strides = array<i32>} : memref<16xf32, #tpu.memory_space<vmem>>, vector<16xf32>,
        %xor3A_1145 = arith.constant 1 : i32
        %xor3A_1146 = vector.broadcast %xor3A_1145 : i32 to vector<16xi32>
        %xor3A_1147 = arith.xori %iota3A, %xor3A_1146 : vector<16xi32>
        %gather3A_1148 = tpu.vector_load_idx %arg10[%xor3A_1147] : memref<16xf32, #tpu.memory_space<vmem>>[vector<16xi32>], vector<16xf32>,
        %add3A_1149 = arith.addf %add3A_1142, %gather3A_1148 : vector<16xf32>
        %eq3A_1150 = arith.constant 5 : i32
        %eq3A_1151 = vector.broadcast %eq3A_1150 : i32 to vector<16xi32>
        %eq3A_1152 = arith.cmpi eq, %iota3A, %eq3A_1151 : vector<16xi32>
        %select_n3A_1153 = arith.select %eq3A_1152, %add3A_1149, %select_n3A_1121 : vector<16xi1>, vector<16xf32>
        %swap3A_1154 = arith.constant 0 : index
        %swap3A_1155 = tpu.vector_load %arg10[%swap3A_1154] {strides = array<i32>} : memref<16xf32, #tpu.memory_space<vmem>>, vector<16xf32>,
        tpu.vector_store %arg10[%swap3A_1154], %scan3A_959#6 {strides = array<i32>} : memref<16xf32, #tpu.memory_space<vmem>>, vector<16xf32>,
        %xor3A_1156 = arith.constant 8 : i32
        %xor3A_1157 = vector.broadcast %xor3A_1156 : i32 to vector<16xi32>
        %xor3A_1158 = arith.xori %iota3A, %xor3A_1157 : vector<16xi32>
        %gather3A_1159 = tpu.vector_load_idx %arg10[%xor3A_1158] : memref<16xf32, #tpu.memory_space<vmem>>[vector<16xi32>], vector<16xf32>,
        %add3A_1160 = arith.addf %scan3A_959#6, %gather3A_1159 : vector<16xf32>
        %swap3A_1161 = arith.constant 0 : index
        %swap3A_1162 = tpu.vector_load %arg10[%swap3A_1161] {strides = array<i32>} : memref<16xf32, #tpu.memory_space<vmem>>, vector<16xf32>,
        tpu.vector_store %arg10[%swap3A_1161], %add3A_1160 {strides = array<i32>} : memref<16xf32, #tpu.memory_space<vmem>>, vector<16xf32>,
        %xor3A_1163 = arith.constant 4 : i32
        %xor3A_1164 = vector.broadcast %xor3A_1163 : i32 to vector<16xi32>
        %xor3A_1165 = arith.xori %iota3A, %xor3A_1164 : vector<16xi32>
        %gather3A_1166 = tpu.vector_load_idx %arg10[%xor3A_1165] : memref<16xf32, #tpu.memory_space<vmem>>[vector<16xi32>], vector<16xf32>,
        %add3A_1167 = arith.addf %add3A_1160, %gather3A_1166 : vector<16xf32>
        %swap3A_1168 = arith.constant 0 : index
        %swap3A_1169 = tpu.vector_load %arg10[%swap3A_1168] {strides = array<i32>} : memref<16xf32, #tpu.memory_space<vmem>>, vector<16xf32>,
        tpu.vector_store %arg10[%swap3A_1168], %add3A_1167 {strides = array<i32>} : memref<16xf32, #tpu.memory_space<vmem>>, vector<16xf32>,
        %xor3A_1170 = arith.constant 2 : i32
        %xor3A_1171 = vector.broadcast %xor3A_1170 : i32 to vector<16xi32>
        %xor3A_1172 = arith.xori %iota3A, %xor3A_1171 : vector<16xi32>
        %gather3A_1173 = tpu.vector_load_idx %arg10[%xor3A_1172] : memref<16xf32, #tpu.memory_space<vmem>>[vector<16xi32>], vector<16xf32>,
        %add3A_1174 = arith.addf %add3A_1167, %gather3A_1173 : vector<16xf32>
        %swap3A_1175 = arith.constant 0 : index
        %swap3A_1176 = tpu.vector_load %arg10[%swap3A_1175] {strides = array<i32>} : memref<16xf32, #tpu.memory_space<vmem>>, vector<16xf32>,
        tpu.vector_store %arg10[%swap3A_1175], %add3A_1174 {strides = array<i32>} : memref<16xf32, #tpu.memory_space<vmem>>, vector<16xf32>,
        %xor3A_1177 = arith.constant 1 : i32
        %xor3A_1178 = vector.broadcast %xor3A_1177 : i32 to vector<16xi32>
        %xor3A_1179 = arith.xori %iota3A, %xor3A_1178 : vector<16xi32>
        %gather3A_1180 = tpu.vector_load_idx %arg10[%xor3A_1179] : memref<16xf32, #tpu.memory_space<vmem>>[vector<16xi32>], vector<16xf32>,
        %add3A_1181 = arith.addf %add3A_1174, %gather3A_1180 : vector<16xf32>
        %eq3A_1182 = arith.constant 6 : i32
        %eq3A_1183 = vector.broadcast %eq3A_1182 : i32 to vector<16xi32>
        %eq3A_1184 = arith.cmpi eq, %iota3A, %eq3A_1183 : vector<16xi32>
        %select_n3A_1185 = arith.select %eq3A_1184, %add3A_1181, %select_n3A_1153 : vector<16xi1>, vector<16xf32>
        %swap3A_1186 = arith.constant 0 : index
        %swap3A_1187 = tpu.vector_load %arg10[%swap3A_1186] {strides = array<i32>} : memref<16xf32, #tpu.memory_space<vmem>>, vector<16xf32>,
        tpu.vector_store %arg10[%swap3A_1186], %scan3A_959#7 {strides = array<i32>} : memref<16xf32, #tpu.memory_space<vmem>>, vector<16xf32>,
        %xor3A_1188 = arith.constant 8 : i32
        %xor3A_1189 = vector.broadcast %xor3A_1188 : i32 to vector<16xi32>
        %xor3A_1190 = arith.xori %iota3A, %xor3A_1189 : vector<16xi32>
        %gather3A_1191 = tpu.vector_load_idx %arg10[%xor3A_1190] : memref<16xf32, #tpu.memory_space<vmem>>[vector<16xi32>], vector<16xf32>,
        %add3A_1192 = arith.addf %scan3A_959#7, %gather3A_1191 : vector<16xf32>
        %swap3A_1193 = arith.constant 0 : index
        %swap3A_1194 = tpu.vector_load %arg10[%swap3A_1193] {strides = array<i32>} : memref<16xf32, #tpu.memory_space<vmem>>, vector<16xf32>,
        tpu.vector_store %arg10[%swap3A_1193], %add3A_1192 {strides = array<i32>} : memref<16xf32, #tpu.memory_space<vmem>>, vector<16xf32>,
        %xor3A_1195 = arith.constant 4 : i32
        %xor3A_1196 = vector.broadcast %xor3A_1195 : i32 to vector<16xi32>
        %xor3A_1197 = arith.xori %iota3A, %xor3A_1196 : vector<16xi32>
        %gather3A_1198 = tpu.vector_load_idx %arg10[%xor3A_1197] : memref<16xf32, #tpu.memory_space<vmem>>[vector<16xi32>], vector<16xf32>,
        %add3A_1199 = arith.addf %add3A_1192, %gather3A_1198 : vector<16xf32>
        %swap3A_1200 = arith.constant 0 : index
        %swap3A_1201 = tpu.vector_load %arg10[%swap3A_1200] {strides = array<i32>} : memref<16xf32, #tpu.memory_space<vmem>>, vector<16xf32>,
        tpu.vector_store %arg10[%swap3A_1200], %add3A_1199 {strides = array<i32>} : memref<16xf32, #tpu.memory_space<vmem>>, vector<16xf32>,
        %xor3A_1202 = arith.constant 2 : i32
        %xor3A_1203 = vector.broadcast %xor3A_1202 : i32 to vector<16xi32>
        %xor3A_1204 = arith.xori %iota3A, %xor3A_1203 : vector<16xi32>
        %gather3A_1205 = tpu.vector_load_idx %arg10[%xor3A_1204] : memref<16xf32, #tpu.memory_space<vmem>>[vector<16xi32>], vector<16xf32>,
        %add3A_1206 = arith.addf %add3A_1199, %gather3A_1205 : vector<16xf32>
        %swap3A_1207 = arith.constant 0 : index
        %swap3A_1208 = tpu.vector_load %arg10[%swap3A_1207] {strides = array<i32>} : memref<16xf32, #tpu.memory_space<vmem>>, vector<16xf32>,
        tpu.vector_store %arg10[%swap3A_1207], %add3A_1206 {strides = array<i32>} : memref<16xf32, #tpu.memory_space<vmem>>, vector<16xf32>,
        %xor3A_1209 = arith.constant 1 : i32
        %xor3A_1210 = vector.broadcast %xor3A_1209 : i32 to vector<16xi32>
        %xor3A_1211 = arith.xori %iota3A, %xor3A_1210 : vector<16xi32>
        %gather3A_1212 = tpu.vector_load_idx %arg10[%xor3A_1211] : memref<16xf32, #tpu.memory_space<vmem>>[vector<16xi32>], vector<16xf32>,
        %add3A_1213 = arith.addf %add3A_1206, %gather3A_1212 : vector<16xf32>
        %eq3A_1214 = arith.constant 7 : i32
        %eq3A_1215 = vector.broadcast %eq3A_1214 : i32 to vector<16xi32>
        %eq3A_1216 = arith.cmpi eq, %iota3A, %eq3A_1215 : vector<16xi32>
        %select_n3A_1217 = arith.select %eq3A_1216, %add3A_1213, %select_n3A_1185 : vector<16xi1>, vector<16xf32>
        %mul3A_1218 = arith.constant 16 : i32
        %mul3A_1219 = arith.muli %add3A_695, %mul3A_1218 : i32
        %add3A_1220 = arith.constant 2016 : i32
        %add3A_1221 = arith.addi %add3A_1220, %mul3A_1219 : i32
        %add3A_1222 = arith.addi %add3A_1221, %mul3A_774 : i32
        %add3A_1223 = arith.constant 0 : i32
        %add3A_1224 = arith.addi %add3A_1222, %add3A_1223 : i32
        %get3A = arith.constant 0 : index
        %get3A_1225 = tpu.vector_load %arg8[%get3A] {strides = array<i32>} : memref<16xf32, #tpu.memory_space<vmem>>, vector<16xf32>,
        %gt3A = arith.cmpf ogt, %select_n3A_1217, %get3A_1225 : vector<16xf32>
        %select_n3A_1226 = arith.select %gt3A, %select_n3A_1217, %get3A_1225 : vector<16xi1>, vector<16xf32>
        %swap3A_1227 = arith.constant 0 : index
        %swap3A_1228 = tpu.vector_load %arg8[%swap3A_1227] {strides = array<i32>} : memref<16xf32, #tpu.memory_space<vmem>>, vector<16xf32>,
        tpu.vector_store %arg8[%swap3A_1227], %select_n3A_1226 {strides = array<i32>} : memref<16xf32, #tpu.memory_space<vmem>>, vector<16xf32>,
        %broadcast_in_dim3A_1229 = vector.broadcast %add3A_1224 : i32 to vector<16xi32>
        %get3A_1230 = arith.constant 0 : index
        %get3A_1231 = tpu.vector_load %arg9[%get3A_1230] {strides = array<i32>} : memref<16xi32, #tpu.memory_space<vmem>>, vector<16xi32>,
        %select_n3A_1232 = arith.select %gt3A, %broadcast_in_dim3A_1229, %get3A_1231 : vector<16xi1>, vector<16xi32>
        %swap3A_1233 = arith.constant 0 : index
        %swap3A_1234 = tpu.vector_load %arg9[%swap3A_1233] {strides = array<i32>} : memref<16xi32, #tpu.memory_space<vmem>>, vector<16xi32>,
        tpu.vector_store %arg9[%swap3A_1233], %select_n3A_1232 {strides = array<i32>} : memref<16xi32, #tpu.memory_space<vmem>>, vector<16xi32>,
        %broadcast_in_dim3A_1235 = arith.constant 0xFF800000 : f32
        %broadcast_in_dim3A_1236 = vector.broadcast %broadcast_in_dim3A_1235 : f32 to vector<16xf32>
        %swap3A_1237 = arith.constant 0 : index
        %swap3A_1238 = tpu.vector_load %arg10[%swap3A_1237] {strides = array<i32>} : memref<16xf32, #tpu.memory_space<vmem>>, vector<16xf32>,
        tpu.vector_store %arg10[%swap3A_1237], %scan3A_959#8 {strides = array<i32>} : memref<16xf32, #tpu.memory_space<vmem>>, vector<16xf32>,
        %xor3A_1239 = arith.constant 8 : i32
        %xor3A_1240 = vector.broadcast %xor3A_1239 : i32 to vector<16xi32>
        %xor3A_1241 = arith.xori %iota3A, %xor3A_1240 : vector<16xi32>
        %gather3A_1242 = tpu.vector_load_idx %arg10[%xor3A_1241] : memref<16xf32, #tpu.memory_space<vmem>>[vector<16xi32>], vector<16xf32>,
        %add3A_1243 = arith.addf %scan3A_959#8, %gather3A_1242 : vector<16xf32>
        %swap3A_1244 = arith.constant 0 : index
        %swap3A_1245 = tpu.vector_load %arg10[%swap3A_1244] {strides = array<i32>} : memref<16xf32, #tpu.memory_space<vmem>>, vector<16xf32>,
        tpu.vector_store %arg10[%swap3A_1244], %add3A_1243 {strides = array<i32>} : memref<16xf32, #tpu.memory_space<vmem>>, vector<16xf32>,
        %xor3A_1246 = arith.constant 4 : i32
        %xor3A_1247 = vector.broadcast %xor3A_1246 : i32 to vector<16xi32>
        %xor3A_1248 = arith.xori %iota3A, %xor3A_1247 : vector<16xi32>
        %gather3A_1249 = tpu.vector_load_idx %arg10[%xor3A_1248] : memref<16xf32, #tpu.memory_space<vmem>>[vector<16xi32>], vector<16xf32>,
        %add3A_1250 = arith.addf %add3A_1243, %gather3A_1249 : vector<16xf32>
        %swap3A_1251 = arith.constant 0 : index
        %swap3A_1252 = tpu.vector_load %arg10[%swap3A_1251] {strides = array<i32>} : memref<16xf32, #tpu.memory_space<vmem>>, vector<16xf32>,
        tpu.vector_store %arg10[%swap3A_1251], %add3A_1250 {strides = array<i32>} : memref<16xf32, #tpu.memory_space<vmem>>, vector<16xf32>,
        %xor3A_1253 = arith.constant 2 : i32
        %xor3A_1254 = vector.broadcast %xor3A_1253 : i32 to vector<16xi32>
        %xor3A_1255 = arith.xori %iota3A, %xor3A_1254 : vector<16xi32>
        %gather3A_1256 = tpu.vector_load_idx %arg10[%xor3A_1255] : memref<16xf32, #tpu.memory_space<vmem>>[vector<16xi32>], vector<16xf32>,
        %add3A_1257 = arith.addf %add3A_1250, %gather3A_1256 : vector<16xf32>
        %swap3A_1258 = arith.constant 0 : index
        %swap3A_1259 = tpu.vector_load %arg10[%swap3A_1258] {strides = array<i32>} : memref<16xf32, #tpu.memory_space<vmem>>, vector<16xf32>,
        tpu.vector_store %arg10[%swap3A_1258], %add3A_1257 {strides = array<i32>} : memref<16xf32, #tpu.memory_space<vmem>>, vector<16xf32>,
        %xor3A_1260 = arith.constant 1 : i32
        %xor3A_1261 = vector.broadcast %xor3A_1260 : i32 to vector<16xi32>
        %xor3A_1262 = arith.xori %iota3A, %xor3A_1261 : vector<16xi32>
        %gather3A_1263 = tpu.vector_load_idx %arg10[%xor3A_1262] : memref<16xf32, #tpu.memory_space<vmem>>[vector<16xi32>], vector<16xf32>,
        %add3A_1264 = arith.addf %add3A_1257, %gather3A_1263 : vector<16xf32>
        %eq3A_1265 = arith.constant 0 : i32
        %eq3A_1266 = vector.broadcast %eq3A_1265 : i32 to vector<16xi32>
        %eq3A_1267 = arith.cmpi eq, %iota3A, %eq3A_1266 : vector<16xi32>
        %select_n3A_1268 = arith.select %eq3A_1267, %add3A_1264, %broadcast_in_dim3A_1236 : vector<16xi1>, vector<16xf32>
        %swap3A_1269 = arith.constant 0 : index
        %swap3A_1270 = tpu.vector_load %arg10[%swap3A_1269] {strides = array<i32>} : memref<16xf32, #tpu.memory_space<vmem>>, vector<16xf32>,
        tpu.vector_store %arg10[%swap3A_1269], %scan3A_959#9 {strides = array<i32>} : memref<16xf32, #tpu.memory_space<vmem>>, vector<16xf32>,
        %xor3A_1271 = arith.constant 8 : i32
        %xor3A_1272 = vector.broadcast %xor3A_1271 : i32 to vector<16xi32>
        %xor3A_1273 = arith.xori %iota3A, %xor3A_1272 : vector<16xi32>
        %gather3A_1274 = tpu.vector_load_idx %arg10[%xor3A_1273] : memref<16xf32, #tpu.memory_space<vmem>>[vector<16xi32>], vector<16xf32>,
        %add3A_1275 = arith.addf %scan3A_959#9, %gather3A_1274 : vector<16xf32>
        %swap3A_1276 = arith.constant 0 : index
        %swap3A_1277 = tpu.vector_load %arg10[%swap3A_1276] {strides = array<i32>} : memref<16xf32, #tpu.memory_space<vmem>>, vector<16xf32>,
        tpu.vector_store %arg10[%swap3A_1276], %add3A_1275 {strides = array<i32>} : memref<16xf32, #tpu.memory_space<vmem>>, vector<16xf32>,
        %xor3A_1278 = arith.constant 4 : i32
        %xor3A_1279 = vector.broadcast %xor3A_1278 : i32 to vector<16xi32>
        %xor3A_1280 = arith.xori %iota3A, %xor3A_1279 : vector<16xi32>
        %gather3A_1281 = tpu.vector_load_idx %arg10[%xor3A_1280] : memref<16xf32, #tpu.memory_space<vmem>>[vector<16xi32>], vector<16xf32>,
        %add3A_1282 = arith.addf %add3A_1275, %gather3A_1281 : vector<16xf32>
        %swap3A_1283 = arith.constant 0 : index
        %swap3A_1284 = tpu.vector_load %arg10[%swap3A_1283] {strides = array<i32>} : memref<16xf32, #tpu.memory_space<vmem>>, vector<16xf32>,
        tpu.vector_store %arg10[%swap3A_1283], %add3A_1282 {strides = array<i32>} : memref<16xf32, #tpu.memory_space<vmem>>, vector<16xf32>,
        %xor3A_1285 = arith.constant 2 : i32
        %xor3A_1286 = vector.broadcast %xor3A_1285 : i32 to vector<16xi32>
        %xor3A_1287 = arith.xori %iota3A, %xor3A_1286 : vector<16xi32>
        %gather3A_1288 = tpu.vector_load_idx %arg10[%xor3A_1287] : memref<16xf32, #tpu.memory_space<vmem>>[vector<16xi32>], vector<16xf32>,
        %add3A_1289 = arith.addf %add3A_1282, %gather3A_1288 : vector<16xf32>
        %swap3A_1290 = arith.constant 0 : index
        %swap3A_1291 = tpu.vector_load %arg10[%swap3A_1290] {strides = array<i32>} : memref<16xf32, #tpu.memory_space<vmem>>, vector<16xf32>,
        tpu.vector_store %arg10[%swap3A_1290], %add3A_1289 {strides = array<i32>} : memref<16xf32, #tpu.memory_space<vmem>>, vector<16xf32>,
        %xor3A_1292 = arith.constant 1 : i32
        %xor3A_1293 = vector.broadcast %xor3A_1292 : i32 to vector<16xi32>
        %xor3A_1294 = arith.xori %iota3A, %xor3A_1293 : vector<16xi32>
        %gather3A_1295 = tpu.vector_load_idx %arg10[%xor3A_1294] : memref<16xf32, #tpu.memory_space<vmem>>[vector<16xi32>], vector<16xf32>,
        %add3A_1296 = arith.addf %add3A_1289, %gather3A_1295 : vector<16xf32>
        %eq3A_1297 = arith.constant 1 : i32
        %eq3A_1298 = vector.broadcast %eq3A_1297 : i32 to vector<16xi32>
        %eq3A_1299 = arith.cmpi eq, %iota3A, %eq3A_1298 : vector<16xi32>
        %select_n3A_1300 = arith.select %eq3A_1299, %add3A_1296, %select_n3A_1268 : vector<16xi1>, vector<16xf32>
        %swap3A_1301 = arith.constant 0 : index
        %swap3A_1302 = tpu.vector_load %arg10[%swap3A_1301] {strides = array<i32>} : memref<16xf32, #tpu.memory_space<vmem>>, vector<16xf32>,
        tpu.vector_store %arg10[%swap3A_1301], %scan3A_959#10 {strides = array<i32>} : memref<16xf32, #tpu.memory_space<vmem>>, vector<16xf32>,
        %xor3A_1303 = arith.constant 8 : i32
        %xor3A_1304 = vector.broadcast %xor3A_1303 : i32 to vector<16xi32>
        %xor3A_1305 = arith.xori %iota3A, %xor3A_1304 : vector<16xi32>
        %gather3A_1306 = tpu.vector_load_idx %arg10[%xor3A_1305] : memref<16xf32, #tpu.memory_space<vmem>>[vector<16xi32>], vector<16xf32>,
        %add3A_1307 = arith.addf %scan3A_959#10, %gather3A_1306 : vector<16xf32>
        %swap3A_1308 = arith.constant 0 : index
        %swap3A_1309 = tpu.vector_load %arg10[%swap3A_1308] {strides = array<i32>} : memref<16xf32, #tpu.memory_space<vmem>>, vector<16xf32>,
        tpu.vector_store %arg10[%swap3A_1308], %add3A_1307 {strides = array<i32>} : memref<16xf32, #tpu.memory_space<vmem>>, vector<16xf32>,
        %xor3A_1310 = arith.constant 4 : i32
        %xor3A_1311 = vector.broadcast %xor3A_1310 : i32 to vector<16xi32>
        %xor3A_1312 = arith.xori %iota3A, %xor3A_1311 : vector<16xi32>
        %gather3A_1313 = tpu.vector_load_idx %arg10[%xor3A_1312] : memref<16xf32, #tpu.memory_space<vmem>>[vector<16xi32>], vector<16xf32>,
        %add3A_1314 = arith.addf %add3A_1307, %gather3A_1313 : vector<16xf32>
        %swap3A_1315 = arith.constant 0 : index
        %swap3A_1316 = tpu.vector_load %arg10[%swap3A_1315] {strides = array<i32>} : memref<16xf32, #tpu.memory_space<vmem>>, vector<16xf32>,
        tpu.vector_store %arg10[%swap3A_1315], %add3A_1314 {strides = array<i32>} : memref<16xf32, #tpu.memory_space<vmem>>, vector<16xf32>,
        %xor3A_1317 = arith.constant 2 : i32
        %xor3A_1318 = vector.broadcast %xor3A_1317 : i32 to vector<16xi32>
        %xor3A_1319 = arith.xori %iota3A, %xor3A_1318 : vector<16xi32>
        %gather3A_1320 = tpu.vector_load_idx %arg10[%xor3A_1319] : memref<16xf32, #tpu.memory_space<vmem>>[vector<16xi32>], vector<16xf32>,
        %add3A_1321 = arith.addf %add3A_1314, %gather3A_1320 : vector<16xf32>
        %swap3A_1322 = arith.constant 0 : index
        %swap3A_1323 = tpu.vector_load %arg10[%swap3A_1322] {strides = array<i32>} : memref<16xf32, #tpu.memory_space<vmem>>, vector<16xf32>,
        tpu.vector_store %arg10[%swap3A_1322], %add3A_1321 {strides = array<i32>} : memref<16xf32, #tpu.memory_space<vmem>>, vector<16xf32>,
        %xor3A_1324 = arith.constant 1 : i32
        %xor3A_1325 = vector.broadcast %xor3A_1324 : i32 to vector<16xi32>
        %xor3A_1326 = arith.xori %iota3A, %xor3A_1325 : vector<16xi32>
        %gather3A_1327 = tpu.vector_load_idx %arg10[%xor3A_1326] : memref<16xf32, #tpu.memory_space<vmem>>[vector<16xi32>], vector<16xf32>,
        %add3A_1328 = arith.addf %add3A_1321, %gather3A_1327 : vector<16xf32>
        %eq3A_1329 = arith.constant 2 : i32
        %eq3A_1330 = vector.broadcast %eq3A_1329 : i32 to vector<16xi32>
        %eq3A_1331 = arith.cmpi eq, %iota3A, %eq3A_1330 : vector<16xi32>
        %select_n3A_1332 = arith.select %eq3A_1331, %add3A_1328, %select_n3A_1300 : vector<16xi1>, vector<16xf32>
        %swap3A_1333 = arith.constant 0 : index
        %swap3A_1334 = tpu.vector_load %arg10[%swap3A_1333] {strides = array<i32>} : memref<16xf32, #tpu.memory_space<vmem>>, vector<16xf32>,
        tpu.vector_store %arg10[%swap3A_1333], %scan3A_959#11 {strides = array<i32>} : memref<16xf32, #tpu.memory_space<vmem>>, vector<16xf32>,
        %xor3A_1335 = arith.constant 8 : i32
        %xor3A_1336 = vector.broadcast %xor3A_1335 : i32 to vector<16xi32>
        %xor3A_1337 = arith.xori %iota3A, %xor3A_1336 : vector<16xi32>
        %gather3A_1338 = tpu.vector_load_idx %arg10[%xor3A_1337] : memref<16xf32, #tpu.memory_space<vmem>>[vector<16xi32>], vector<16xf32>,
        %add3A_1339 = arith.addf %scan3A_959#11, %gather3A_1338 : vector<16xf32>
        %swap3A_1340 = arith.constant 0 : index
        %swap3A_1341 = tpu.vector_load %arg10[%swap3A_1340] {strides = array<i32>} : memref<16xf32, #tpu.memory_space<vmem>>, vector<16xf32>,
        tpu.vector_store %arg10[%swap3A_1340], %add3A_1339 {strides = array<i32>} : memref<16xf32, #tpu.memory_space<vmem>>, vector<16xf32>,
        %xor3A_1342 = arith.constant 4 : i32
        %xor3A_1343 = vector.broadcast %xor3A_1342 : i32 to vector<16xi32>
        %xor3A_1344 = arith.xori %iota3A, %xor3A_1343 : vector<16xi32>
        %gather3A_1345 = tpu.vector_load_idx %arg10[%xor3A_1344] : memref<16xf32, #tpu.memory_space<vmem>>[vector<16xi32>], vector<16xf32>,
        %add3A_1346 = arith.addf %add3A_1339, %gather3A_1345 : vector<16xf32>
        %swap3A_1347 = arith.constant 0 : index
        %swap3A_1348 = tpu.vector_load %arg10[%swap3A_1347] {strides = array<i32>} : memref<16xf32, #tpu.memory_space<vmem>>, vector<16xf32>,
        tpu.vector_store %arg10[%swap3A_1347], %add3A_1346 {strides = array<i32>} : memref<16xf32, #tpu.memory_space<vmem>>, vector<16xf32>,
        %xor3A_1349 = arith.constant 2 : i32
        %xor3A_1350 = vector.broadcast %xor3A_1349 : i32 to vector<16xi32>
        %xor3A_1351 = arith.xori %iota3A, %xor3A_1350 : vector<16xi32>
        %gather3A_1352 = tpu.vector_load_idx %arg10[%xor3A_1351] : memref<16xf32, #tpu.memory_space<vmem>>[vector<16xi32>], vector<16xf32>,
        %add3A_1353 = arith.addf %add3A_1346, %gather3A_1352 : vector<16xf32>
        %swap3A_1354 = arith.constant 0 : index
        %swap3A_1355 = tpu.vector_load %arg10[%swap3A_1354] {strides = array<i32>} : memref<16xf32, #tpu.memory_space<vmem>>, vector<16xf32>,
        tpu.vector_store %arg10[%swap3A_1354], %add3A_1353 {strides = array<i32>} : memref<16xf32, #tpu.memory_space<vmem>>, vector<16xf32>,
        %xor3A_1356 = arith.constant 1 : i32
        %xor3A_1357 = vector.broadcast %xor3A_1356 : i32 to vector<16xi32>
        %xor3A_1358 = arith.xori %iota3A, %xor3A_1357 : vector<16xi32>
        %gather3A_1359 = tpu.vector_load_idx %arg10[%xor3A_1358] : memref<16xf32, #tpu.memory_space<vmem>>[vector<16xi32>], vector<16xf32>,
        %add3A_1360 = arith.addf %add3A_1353, %gather3A_1359 : vector<16xf32>
        %eq3A_1361 = arith.constant 3 : i32
        %eq3A_1362 = vector.broadcast %eq3A_1361 : i32 to vector<16xi32>
        %eq3A_1363 = arith.cmpi eq, %iota3A, %eq3A_1362 : vector<16xi32>
        %select_n3A_1364 = arith.select %eq3A_1363, %add3A_1360, %select_n3A_1332 : vector<16xi1>, vector<16xf32>
        %swap3A_1365 = arith.constant 0 : index
        %swap3A_1366 = tpu.vector_load %arg10[%swap3A_1365] {strides = array<i32>} : memref<16xf32, #tpu.memory_space<vmem>>, vector<16xf32>,
        tpu.vector_store %arg10[%swap3A_1365], %scan3A_959#12 {strides = array<i32>} : memref<16xf32, #tpu.memory_space<vmem>>, vector<16xf32>,
        %xor3A_1367 = arith.constant 8 : i32
        %xor3A_1368 = vector.broadcast %xor3A_1367 : i32 to vector<16xi32>
        %xor3A_1369 = arith.xori %iota3A, %xor3A_1368 : vector<16xi32>
        %gather3A_1370 = tpu.vector_load_idx %arg10[%xor3A_1369] : memref<16xf32, #tpu.memory_space<vmem>>[vector<16xi32>], vector<16xf32>,
        %add3A_1371 = arith.addf %scan3A_959#12, %gather3A_1370 : vector<16xf32>
        %swap3A_1372 = arith.constant 0 : index
        %swap3A_1373 = tpu.vector_load %arg10[%swap3A_1372] {strides = array<i32>} : memref<16xf32, #tpu.memory_space<vmem>>, vector<16xf32>,
        tpu.vector_store %arg10[%swap3A_1372], %add3A_1371 {strides = array<i32>} : memref<16xf32, #tpu.memory_space<vmem>>, vector<16xf32>,
        %xor3A_1374 = arith.constant 4 : i32
        %xor3A_1375 = vector.broadcast %xor3A_1374 : i32 to vector<16xi32>
        %xor3A_1376 = arith.xori %iota3A, %xor3A_1375 : vector<16xi32>
        %gather3A_1377 = tpu.vector_load_idx %arg10[%xor3A_1376] : memref<16xf32, #tpu.memory_space<vmem>>[vector<16xi32>], vector<16xf32>,
        %add3A_1378 = arith.addf %add3A_1371, %gather3A_1377 : vector<16xf32>
        %swap3A_1379 = arith.constant 0 : index
        %swap3A_1380 = tpu.vector_load %arg10[%swap3A_1379] {strides = array<i32>} : memref<16xf32, #tpu.memory_space<vmem>>, vector<16xf32>,
        tpu.vector_store %arg10[%swap3A_1379], %add3A_1378 {strides = array<i32>} : memref<16xf32, #tpu.memory_space<vmem>>, vector<16xf32>,
        %xor3A_1381 = arith.constant 2 : i32
        %xor3A_1382 = vector.broadcast %xor3A_1381 : i32 to vector<16xi32>
        %xor3A_1383 = arith.xori %iota3A, %xor3A_1382 : vector<16xi32>
        %gather3A_1384 = tpu.vector_load_idx %arg10[%xor3A_1383] : memref<16xf32, #tpu.memory_space<vmem>>[vector<16xi32>], vector<16xf32>,
        %add3A_1385 = arith.addf %add3A_1378, %gather3A_1384 : vector<16xf32>
        %swap3A_1386 = arith.constant 0 : index
        %swap3A_1387 = tpu.vector_load %arg10[%swap3A_1386] {strides = array<i32>} : memref<16xf32, #tpu.memory_space<vmem>>, vector<16xf32>,
        tpu.vector_store %arg10[%swap3A_1386], %add3A_1385 {strides = array<i32>} : memref<16xf32, #tpu.memory_space<vmem>>, vector<16xf32>,
        %xor3A_1388 = arith.constant 1 : i32
        %xor3A_1389 = vector.broadcast %xor3A_1388 : i32 to vector<16xi32>
        %xor3A_1390 = arith.xori %iota3A, %xor3A_1389 : vector<16xi32>
        %gather3A_1391 = tpu.vector_load_idx %arg10[%xor3A_1390] : memref<16xf32, #tpu.memory_space<vmem>>[vector<16xi32>], vector<16xf32>,
        %add3A_1392 = arith.addf %add3A_1385, %gather3A_1391 : vector<16xf32>
        %eq3A_1393 = arith.constant 4 : i32
        %eq3A_1394 = vector.broadcast %eq3A_1393 : i32 to vector<16xi32>
        %eq3A_1395 = arith.cmpi eq, %iota3A, %eq3A_1394 : vector<16xi32>
        %select_n3A_1396 = arith.select %eq3A_1395, %add3A_1392, %select_n3A_1364 : vector<16xi1>, vector<16xf32>
        %swap3A_1397 = arith.constant 0 : index
        %swap3A_1398 = tpu.vector_load %arg10[%swap3A_1397] {strides = array<i32>} : memref<16xf32, #tpu.memory_space<vmem>>, vector<16xf32>,
        tpu.vector_store %arg10[%swap3A_1397], %scan3A_959#13 {strides = array<i32>} : memref<16xf32, #tpu.memory_space<vmem>>, vector<16xf32>,
        %xor3A_1399 = arith.constant 8 : i32
        %xor3A_1400 = vector.broadcast %xor3A_1399 : i32 to vector<16xi32>
        %xor3A_1401 = arith.xori %iota3A, %xor3A_1400 : vector<16xi32>
        %gather3A_1402 = tpu.vector_load_idx %arg10[%xor3A_1401] : memref<16xf32, #tpu.memory_space<vmem>>[vector<16xi32>], vector<16xf32>,
        %add3A_1403 = arith.addf %scan3A_959#13, %gather3A_1402 : vector<16xf32>
        %swap3A_1404 = arith.constant 0 : index
        %swap3A_1405 = tpu.vector_load %arg10[%swap3A_1404] {strides = array<i32>} : memref<16xf32, #tpu.memory_space<vmem>>, vector<16xf32>,
        tpu.vector_store %arg10[%swap3A_1404], %add3A_1403 {strides = array<i32>} : memref<16xf32, #tpu.memory_space<vmem>>, vector<16xf32>,
        %xor3A_1406 = arith.constant 4 : i32
        %xor3A_1407 = vector.broadcast %xor3A_1406 : i32 to vector<16xi32>
        %xor3A_1408 = arith.xori %iota3A, %xor3A_1407 : vector<16xi32>
        %gather3A_1409 = tpu.vector_load_idx %arg10[%xor3A_1408] : memref<16xf32, #tpu.memory_space<vmem>>[vector<16xi32>], vector<16xf32>,
        %add3A_1410 = arith.addf %add3A_1403, %gather3A_1409 : vector<16xf32>
        %swap3A_1411 = arith.constant 0 : index
        %swap3A_1412 = tpu.vector_load %arg10[%swap3A_1411] {strides = array<i32>} : memref<16xf32, #tpu.memory_space<vmem>>, vector<16xf32>,
        tpu.vector_store %arg10[%swap3A_1411], %add3A_1410 {strides = array<i32>} : memref<16xf32, #tpu.memory_space<vmem>>, vector<16xf32>,
        %xor3A_1413 = arith.constant 2 : i32
        %xor3A_1414 = vector.broadcast %xor3A_1413 : i32 to vector<16xi32>
        %xor3A_1415 = arith.xori %iota3A, %xor3A_1414 : vector<16xi32>
        %gather3A_1416 = tpu.vector_load_idx %arg10[%xor3A_1415] : memref<16xf32, #tpu.memory_space<vmem>>[vector<16xi32>], vector<16xf32>,
        %add3A_1417 = arith.addf %add3A_1410, %gather3A_1416 : vector<16xf32>
        %swap3A_1418 = arith.constant 0 : index
        %swap3A_1419 = tpu.vector_load %arg10[%swap3A_1418] {strides = array<i32>} : memref<16xf32, #tpu.memory_space<vmem>>, vector<16xf32>,
        tpu.vector_store %arg10[%swap3A_1418], %add3A_1417 {strides = array<i32>} : memref<16xf32, #tpu.memory_space<vmem>>, vector<16xf32>,
        %xor3A_1420 = arith.constant 1 : i32
        %xor3A_1421 = vector.broadcast %xor3A_1420 : i32 to vector<16xi32>
        %xor3A_1422 = arith.xori %iota3A, %xor3A_1421 : vector<16xi32>
        %gather3A_1423 = tpu.vector_load_idx %arg10[%xor3A_1422] : memref<16xf32, #tpu.memory_space<vmem>>[vector<16xi32>], vector<16xf32>,
        %add3A_1424 = arith.addf %add3A_1417, %gather3A_1423 : vector<16xf32>
        %eq3A_1425 = arith.constant 5 : i32
        %eq3A_1426 = vector.broadcast %eq3A_1425 : i32 to vector<16xi32>
        %eq3A_1427 = arith.cmpi eq, %iota3A, %eq3A_1426 : vector<16xi32>
        %select_n3A_1428 = arith.select %eq3A_1427, %add3A_1424, %select_n3A_1396 : vector<16xi1>, vector<16xf32>
        %swap3A_1429 = arith.constant 0 : index
        %swap3A_1430 = tpu.vector_load %arg10[%swap3A_1429] {strides = array<i32>} : memref<16xf32, #tpu.memory_space<vmem>>, vector<16xf32>,
        tpu.vector_store %arg10[%swap3A_1429], %scan3A_959#14 {strides = array<i32>} : memref<16xf32, #tpu.memory_space<vmem>>, vector<16xf32>,
        %xor3A_1431 = arith.constant 8 : i32
        %xor3A_1432 = vector.broadcast %xor3A_1431 : i32 to vector<16xi32>
        %xor3A_1433 = arith.xori %iota3A, %xor3A_1432 : vector<16xi32>
        %gather3A_1434 = tpu.vector_load_idx %arg10[%xor3A_1433] : memref<16xf32, #tpu.memory_space<vmem>>[vector<16xi32>], vector<16xf32>,
        %add3A_1435 = arith.addf %scan3A_959#14, %gather3A_1434 : vector<16xf32>
        %swap3A_1436 = arith.constant 0 : index
        %swap3A_1437 = tpu.vector_load %arg10[%swap3A_1436] {strides = array<i32>} : memref<16xf32, #tpu.memory_space<vmem>>, vector<16xf32>,
        tpu.vector_store %arg10[%swap3A_1436], %add3A_1435 {strides = array<i32>} : memref<16xf32, #tpu.memory_space<vmem>>, vector<16xf32>,
        %xor3A_1438 = arith.constant 4 : i32
        %xor3A_1439 = vector.broadcast %xor3A_1438 : i32 to vector<16xi32>
        %xor3A_1440 = arith.xori %iota3A, %xor3A_1439 : vector<16xi32>
        %gather3A_1441 = tpu.vector_load_idx %arg10[%xor3A_1440] : memref<16xf32, #tpu.memory_space<vmem>>[vector<16xi32>], vector<16xf32>,
        %add3A_1442 = arith.addf %add3A_1435, %gather3A_1441 : vector<16xf32>
        %swap3A_1443 = arith.constant 0 : index
        %swap3A_1444 = tpu.vector_load %arg10[%swap3A_1443] {strides = array<i32>} : memref<16xf32, #tpu.memory_space<vmem>>, vector<16xf32>,
        tpu.vector_store %arg10[%swap3A_1443], %add3A_1442 {strides = array<i32>} : memref<16xf32, #tpu.memory_space<vmem>>, vector<16xf32>,
        %xor3A_1445 = arith.constant 2 : i32
        %xor3A_1446 = vector.broadcast %xor3A_1445 : i32 to vector<16xi32>
        %xor3A_1447 = arith.xori %iota3A, %xor3A_1446 : vector<16xi32>
        %gather3A_1448 = tpu.vector_load_idx %arg10[%xor3A_1447] : memref<16xf32, #tpu.memory_space<vmem>>[vector<16xi32>], vector<16xf32>,
        %add3A_1449 = arith.addf %add3A_1442, %gather3A_1448 : vector<16xf32>
        %swap3A_1450 = arith.constant 0 : index
        %swap3A_1451 = tpu.vector_load %arg10[%swap3A_1450] {strides = array<i32>} : memref<16xf32, #tpu.memory_space<vmem>>, vector<16xf32>,
        tpu.vector_store %arg10[%swap3A_1450], %add3A_1449 {strides = array<i32>} : memref<16xf32, #tpu.memory_space<vmem>>, vector<16xf32>,
        %xor3A_1452 = arith.constant 1 : i32
        %xor3A_1453 = vector.broadcast %xor3A_1452 : i32 to vector<16xi32>
        %xor3A_1454 = arith.xori %iota3A, %xor3A_1453 : vector<16xi32>
        %gather3A_1455 = tpu.vector_load_idx %arg10[%xor3A_1454] : memref<16xf32, #tpu.memory_space<vmem>>[vector<16xi32>], vector<16xf32>,
        %add3A_1456 = arith.addf %add3A_1449, %gather3A_1455 : vector<16xf32>
        %eq3A_1457 = arith.constant 6 : i32
        %eq3A_1458 = vector.broadcast %eq3A_1457 : i32 to vector<16xi32>
        %eq3A_1459 = arith.cmpi eq, %iota3A, %eq3A_1458 : vector<16xi32>
        %select_n3A_1460 = arith.select %eq3A_1459, %add3A_1456, %select_n3A_1428 : vector<16xi1>, vector<16xf32>
        %swap3A_1461 = arith.constant 0 : index
        %swap3A_1462 = tpu.vector_load %arg10[%swap3A_1461] {strides = array<i32>} : memref<16xf32, #tpu.memory_space<vmem>>, vector<16xf32>,
        tpu.vector_store %arg10[%swap3A_1461], %scan3A_959#15 {strides = array<i32>} : memref<16xf32, #tpu.memory_space<vmem>>, vector<16xf32>,
        %xor3A_1463 = arith.constant 8 : i32
        %xor3A_1464 = vector.broadcast %xor3A_1463 : i32 to vector<16xi32>
        %xor3A_1465 = arith.xori %iota3A, %xor3A_1464 : vector<16xi32>
        %gather3A_1466 = tpu.vector_load_idx %arg10[%xor3A_1465] : memref<16xf32, #tpu.memory_space<vmem>>[vector<16xi32>], vector<16xf32>,
        %add3A_1467 = arith.addf %scan3A_959#15, %gather3A_1466 : vector<16xf32>
        %swap3A_1468 = arith.constant 0 : index
        %swap3A_1469 = tpu.vector_load %arg10[%swap3A_1468] {strides = array<i32>} : memref<16xf32, #tpu.memory_space<vmem>>, vector<16xf32>,
        tpu.vector_store %arg10[%swap3A_1468], %add3A_1467 {strides = array<i32>} : memref<16xf32, #tpu.memory_space<vmem>>, vector<16xf32>,
        %xor3A_1470 = arith.constant 4 : i32
        %xor3A_1471 = vector.broadcast %xor3A_1470 : i32 to vector<16xi32>
        %xor3A_1472 = arith.xori %iota3A, %xor3A_1471 : vector<16xi32>
        %gather3A_1473 = tpu.vector_load_idx %arg10[%xor3A_1472] : memref<16xf32, #tpu.memory_space<vmem>>[vector<16xi32>], vector<16xf32>,
        %add3A_1474 = arith.addf %add3A_1467, %gather3A_1473 : vector<16xf32>
        %swap3A_1475 = arith.constant 0 : index
        %swap3A_1476 = tpu.vector_load %arg10[%swap3A_1475] {strides = array<i32>} : memref<16xf32, #tpu.memory_space<vmem>>, vector<16xf32>,
        tpu.vector_store %arg10[%swap3A_1475], %add3A_1474 {strides = array<i32>} : memref<16xf32, #tpu.memory_space<vmem>>, vector<16xf32>,
        %xor3A_1477 = arith.constant 2 : i32
        %xor3A_1478 = vector.broadcast %xor3A_1477 : i32 to vector<16xi32>
        %xor3A_1479 = arith.xori %iota3A, %xor3A_1478 : vector<16xi32>
        %gather3A_1480 = tpu.vector_load_idx %arg10[%xor3A_1479] : memref<16xf32, #tpu.memory_space<vmem>>[vector<16xi32>], vector<16xf32>,
        %add3A_1481 = arith.addf %add3A_1474, %gather3A_1480 : vector<16xf32>
        %swap3A_1482 = arith.constant 0 : index
        %swap3A_1483 = tpu.vector_load %arg10[%swap3A_1482] {strides = array<i32>} : memref<16xf32, #tpu.memory_space<vmem>>, vector<16xf32>,
        tpu.vector_store %arg10[%swap3A_1482], %add3A_1481 {strides = array<i32>} : memref<16xf32, #tpu.memory_space<vmem>>, vector<16xf32>,
        %xor3A_1484 = arith.constant 1 : i32
        %xor3A_1485 = vector.broadcast %xor3A_1484 : i32 to vector<16xi32>
        %xor3A_1486 = arith.xori %iota3A, %xor3A_1485 : vector<16xi32>
        %gather3A_1487 = tpu.vector_load_idx %arg10[%xor3A_1486] : memref<16xf32, #tpu.memory_space<vmem>>[vector<16xi32>], vector<16xf32>,
        %add3A_1488 = arith.addf %add3A_1481, %gather3A_1487 : vector<16xf32>
        %eq3A_1489 = arith.constant 7 : i32
        %eq3A_1490 = vector.broadcast %eq3A_1489 : i32 to vector<16xi32>
        %eq3A_1491 = arith.cmpi eq, %iota3A, %eq3A_1490 : vector<16xi32>
        %select_n3A_1492 = arith.select %eq3A_1491, %add3A_1488, %select_n3A_1460 : vector<16xi1>, vector<16xf32>
        %mul3A_1493 = arith.constant 16 : i32
        %mul3A_1494 = arith.muli %add3A_695, %mul3A_1493 : i32
        %add3A_1495 = arith.constant 2016 : i32
        %add3A_1496 = arith.addi %add3A_1495, %mul3A_1494 : i32
        %add3A_1497 = arith.addi %add3A_1496, %mul3A_774 : i32
        %add3A_1498 = arith.constant 1 : i32
        %add3A_1499 = arith.addi %add3A_1497, %add3A_1498 : i32
        %get3A_1500 = arith.constant 0 : index
        %get3A_1501 = tpu.vector_load %arg8[%get3A_1500] {strides = array<i32>} : memref<16xf32, #tpu.memory_space<vmem>>, vector<16xf32>,
        %gt3A_1502 = arith.cmpf ogt, %select_n3A_1492, %get3A_1501 : vector<16xf32>
        %select_n3A_1503 = arith.select %gt3A_1502, %select_n3A_1492, %get3A_1501 : vector<16xi1>, vector<16xf32>
        %swap3A_1504 = arith.constant 0 : index
        %swap3A_1505 = tpu.vector_load %arg8[%swap3A_1504] {strides = array<i32>} : memref<16xf32, #tpu.memory_space<vmem>>, vector<16xf32>,
        tpu.vector_store %arg8[%swap3A_1504], %select_n3A_1503 {strides = array<i32>} : memref<16xf32, #tpu.memory_space<vmem>>, vector<16xf32>,
        %broadcast_in_dim3A_1506 = vector.broadcast %add3A_1499 : i32 to vector<16xi32>
        %get3A_1507 = arith.constant 0 : index
        %get3A_1508 = tpu.vector_load %arg9[%get3A_1507] {strides = array<i32>} : memref<16xi32, #tpu.memory_space<vmem>>, vector<16xi32>,
        %select_n3A_1509 = arith.select %gt3A_1502, %broadcast_in_dim3A_1506, %get3A_1508 : vector<16xi1>, vector<16xi32>
        %swap3A_1510 = arith.constant 0 : index
        %swap3A_1511 = tpu.vector_load %arg9[%swap3A_1510] {strides = array<i32>} : memref<16xi32, #tpu.memory_space<vmem>>, vector<16xi32>,
        tpu.vector_store %arg9[%swap3A_1510], %select_n3A_1509 {strides = array<i32>} : memref<16xi32, #tpu.memory_space<vmem>>, vector<16xi32>,
        %scan3A_1512 = arith.constant 0 : i32
        scf.yield %scan3A_1512 : i32
      }
      %scan3A_727 = arith.constant 8 : i32
      %mul3A_728 = arith.constant 2 : i32
      %mul3A_729 = arith.muli %scan3A_691, %mul3A_728 : i32
      %add3A_730 = arith.constant 1 : i32
      %add3A_731 = arith.addi %mul3A_729, %add3A_730 : i32
      %mul3A_732 = arith.constant 16 : i32
      %mul3A_733 = arith.muli %add3A_731, %mul3A_732 : i32
      %add3A_734 = arith.constant 2016 : i32
      %add3A_735 = arith.addi %add3A_734, %mul3A_733 : i32
      %dma_wait3A_736 = arith.constant 1 : i32
      %dma_wait3A_737 = arith.constant 0 : i32
      %dma_wait3A_738 = arith.constant 0 : i32
      %dma_wait3A_739 = tpu.memref_slice %arg7[%dma_wait3A_736, %dma_wait3A_737, %dma_wait3A_738] : memref<2x16x768xf32, #tpu.memory_space<vmem>> -> memref<1x16x768xf32, #tpu.memory_space<vmem>>
      %dma_wait3A_740 = tpu.memref_squeeze %dma_wait3A_739 : memref<1x16x768xf32, #tpu.memory_space<vmem>> -> memref<16x768xf32, #tpu.memory_space<vmem>>
      %dma_wait3A_741 = arith.constant 0 : i32
      %dma_wait3A_742 = tpu.memref_slice %arg3[%add3A, %add3A_735, %dma_wait3A_741] : memref<29x2048x768xf32, #tpu.memory_space<hbm>> -> memref<1x16x768xf32, #tpu.memory_space<hbm>>
      %dma_wait3A_743 = tpu.memref_squeeze %dma_wait3A_742 : memref<1x16x768xf32, #tpu.memory_space<hbm>> -> memref<16x768xf32, #tpu.memory_space<hbm>>
      %dma_wait3A_744 = arith.constant 0 : i32
      %dma_wait3A_745 = arith.constant 0 : i32
      %dma_wait3A_746 = tpu.memref_slice %arg7[%dma_wait3A_736, %dma_wait3A_744, %dma_wait3A_745] : memref<2x16x768xf32, #tpu.memory_space<vmem>> -> memref<1x16x768xf32, #tpu.memory_space<vmem>>
      %dma_wait3A_747 = tpu.memref_squeeze %dma_wait3A_746 : memref<1x16x768xf32, #tpu.memory_space<vmem>> -> memref<16x768xf32, #tpu.memory_space<vmem>>
      %dma_wait3A_748 = arith.constant 0 : i32
      %dma_wait3A_749 = tpu.memref_slice %arg3[%add3A, %add3A_735, %dma_wait3A_748] : memref<29x2048x768xf32, #tpu.memory_space<hbm>> -> memref<1x16x768xf32, #tpu.memory_space<hbm>>
      %dma_wait3A_750 = tpu.memref_squeeze %dma_wait3A_749 : memref<1x16x768xf32, #tpu.memory_space<hbm>> -> memref<16x768xf32, #tpu.memory_space<hbm>>
      tpu.wait_dma2 semaphore(%arg12 : memref<!tpu.dma_semaphore, #tpu.memory_space<semaphore_mem>>) src(%dma_wait3A_750 : memref<16x768xf32, #tpu.memory_space<hbm>>) dst(%dma_wait3A_747 : memref<16x768xf32, #tpu.memory_space<vmem>>)
      %add3A_751 = arith.constant 1 : i32
      %add3A_752 = arith.addi %add3A_731, %add3A_751 : i32
      %lt3A_753 = arith.constant 2 : i32
      %lt3A_754 = arith.cmpi slt, %add3A_752, %lt3A_753 : i32
      %convert_element_type3A_755 = arith.extui %lt3A_754 : i1 to i32
      %cond3A_756 = arith.constant 0 : i32
      %cond3A_757 = arith.cmpi ne, %convert_element_type3A_755, %cond3A_756 : i32
      scf.if %cond3A_757 {
        %add3A_771 = arith.constant 1 : i32
        %add3A_772 = arith.addi %add3A_731, %add3A_771 : i32
        %mul3A_773 = arith.constant 16 : i32
        %mul3A_774 = arith.muli %add3A_772, %mul3A_773 : i32
        %add3A_775 = arith.constant 2016 : i32
        %add3A_776 = arith.addi %add3A_775, %mul3A_774 : i32
        %dma_start3A_777 = arith.constant 0 : i32
        %dma_start3A_778 = arith.constant 0 : i32
        %dma_start3A_779 = arith.constant 0 : i32
        %dma_start3A_780 = tpu.memref_slice %arg7[%dma_start3A_777, %dma_start3A_778, %dma_start3A_779] : memref<2x16x768xf32, #tpu.memory_space<vmem>> -> memref<1x16x768xf32, #tpu.memory_space<vmem>>
        %dma_start3A_781 = tpu.memref_squeeze %dma_start3A_780 : memref<1x16x768xf32, #tpu.memory_space<vmem>> -> memref<16x768xf32, #tpu.memory_space<vmem>>
        %dma_start3A_782 = arith.constant 0 : i32
        %dma_start3A_783 = tpu.memref_slice %arg3[%add3A, %add3A_776, %dma_start3A_782] : memref<29x2048x768xf32, #tpu.memory_space<hbm>> -> memref<1x16x768xf32, #tpu.memory_space<hbm>>
        %dma_start3A_784 = tpu.memref_squeeze %dma_start3A_783 : memref<1x16x768xf32, #tpu.memory_space<hbm>> -> memref<16x768xf32, #tpu.memory_space<hbm>>
        %dma_start3A_785 = arith.constant 0 : i32
        %dma_start3A_786 = arith.constant 0 : i32
        %dma_start3A_787 = tpu.memref_slice %arg7[%dma_start3A_777, %dma_start3A_785, %dma_start3A_786] : memref<2x16x768xf32, #tpu.memory_space<vmem>> -> memref<1x16x768xf32, #tpu.memory_space<vmem>>
        %dma_start3A_788 = tpu.memref_squeeze %dma_start3A_787 : memref<1x16x768xf32, #tpu.memory_space<vmem>> -> memref<16x768xf32, #tpu.memory_space<vmem>>
        %dma_start3A_789 = arith.constant 0 : i32
        %dma_start3A_790 = tpu.memref_slice %arg3[%add3A, %add3A_776, %dma_start3A_789] : memref<29x2048x768xf32, #tpu.memory_space<hbm>> -> memref<1x16x768xf32, #tpu.memory_space<hbm>>
        %dma_start3A_791 = tpu.memref_squeeze %dma_start3A_790 : memref<1x16x768xf32, #tpu.memory_space<hbm>> -> memref<16x768xf32, #tpu.memory_space<hbm>>
        tpu.enqueue_dma source(%dma_start3A_791 : memref<16x768xf32, #tpu.memory_space<hbm>>) target(%dma_start3A_788 : memref<16x768xf32, #tpu.memory_space<vmem>>) target_semaphore(%arg11 : memref<!tpu.dma_semaphore, #tpu.memory_space<semaphore_mem>>)
      } else {
      }
      %scan3A_758 = arith.constant 0 : i32
      %scan3A_759 = arith.constant 0 : i32
      %scan3A_760 = arith.constant 8 : i32
      %scan3A_761 = arith.addi %scan3A_759, %scan3A_760 : i32
      %scan3A_762 = arith.constant 1 : i32
      %scan3A_763 = scf.for %scan3A_771 = %scan3A_759 to %scan3A_761 step %scan3A_762 iter_args(%scan3A_772 = %scan3A_758) -> (i32)  : i32 {
        %mul3A_773 = arith.constant 2 : i32
        %mul3A_774 = arith.muli %scan3A_771, %mul3A_773 : i32
        %broadcast_in_dim3A_775 = arith.constant 0.000000e+00 : f32
        %broadcast_in_dim3A_776 = vector.broadcast %broadcast_in_dim3A_775 : f32 to vector<16xf32>
        %broadcast_in_dim3A_777 = arith.constant 0.000000e+00 : f32
        %broadcast_in_dim3A_778 = vector.broadcast %broadcast_in_dim3A_777 : f32 to vector<16xf32>
        %scan3A_779 = arith.constant 0 : i32
        %scan3A_780 = arith.constant 48 : i32
        %scan3A_781 = arith.addi %scan3A_779, %scan3A_780 : i32
        %scan3A_782 = arith.constant 1 : i32
        %scan3A_783:2 = scf.for %scan3A_1513 = %scan3A_779 to %scan3A_781 step %scan3A_782 iter_args(%scan3A_1514 = %broadcast_in_dim3A_776, %scan3A_1515 = %broadcast_in_dim3A_778) -> (vector<16xf32>, vector<16xf32>)  : i32 {
          %add3A_1516 = arith.constant 0 : i32
          %add3A_1517 = arith.addi %mul3A_774, %add3A_1516 : i32
          %mul3A_1518 = arith.constant 16 : i32
          %mul3A_1519 = arith.muli %scan3A_1513, %mul3A_1518 : i32
          %get3A_1520 = arith.constant 1 : i32
          %get3A_1521 = arith.index_cast %get3A_1520 : i32 to index
          %get3A_1522 = arith.index_cast %add3A_1517 : i32 to index
          %get3A_1523 = arith.index_cast %mul3A_1519 : i32 to index
          %get3A_1524 = tpu.vector_load %arg7[%get3A_1521, %get3A_1522, %get3A_1523] {strides = array<i32>} : memref<2x16x768xf32, #tpu.memory_space<vmem>>, vector<16xf32>,
          %add3A_1525 = arith.constant 1 : i32
          %add3A_1526 = arith.addi %mul3A_774, %add3A_1525 : i32
          %mul3A_1527 = arith.constant 16 : i32
          %mul3A_1528 = arith.muli %scan3A_1513, %mul3A_1527 : i32
          %get3A_1529 = arith.constant 1 : i32
          %get3A_1530 = arith.index_cast %get3A_1529 : i32 to index
          %get3A_1531 = arith.index_cast %add3A_1526 : i32 to index
          %get3A_1532 = arith.index_cast %mul3A_1528 : i32 to index
          %get3A_1533 = tpu.vector_load %arg7[%get3A_1530, %get3A_1531, %get3A_1532] {strides = array<i32>} : memref<2x16x768xf32, #tpu.memory_space<vmem>>, vector<16xf32>,
          %mul3A_1534 = arith.mulf %get3A_1524, %get3A_1524 : vector<16xf32>
          %add3A_1535 = arith.addf %scan3A_1514, %mul3A_1534 : vector<16xf32>
          %mul3A_1536 = arith.mulf %get3A_1533, %get3A_1533 : vector<16xf32>
          %add3A_1537 = arith.addf %scan3A_1515, %mul3A_1536 : vector<16xf32>
          scf.yield %add3A_1535, %add3A_1537 : vector<16xf32>, vector<16xf32>
        }
        %scan3A_784 = arith.constant 48 : i32
        %swap3A_785 = arith.constant 0 : index
        %swap3A_786 = tpu.vector_load %arg10[%swap3A_785] {strides = array<i32>} : memref<16xf32, #tpu.memory_space<vmem>>, vector<16xf32>,
        tpu.vector_store %arg10[%swap3A_785], %scan3A_783#0 {strides = array<i32>} : memref<16xf32, #tpu.memory_space<vmem>>, vector<16xf32>,
        %xor3A_787 = arith.constant 8 : i32
        %xor3A_788 = vector.broadcast %xor3A_787 : i32 to vector<16xi32>
        %xor3A_789 = arith.xori %iota3A, %xor3A_788 : vector<16xi32>
        %gather3A_790 = tpu.vector_load_idx %arg10[%xor3A_789] : memref<16xf32, #tpu.memory_space<vmem>>[vector<16xi32>], vector<16xf32>,
        %add3A_791 = arith.addf %scan3A_783#0, %gather3A_790 : vector<16xf32>
        %swap3A_792 = arith.constant 0 : index
        %swap3A_793 = tpu.vector_load %arg10[%swap3A_792] {strides = array<i32>} : memref<16xf32, #tpu.memory_space<vmem>>, vector<16xf32>,
        tpu.vector_store %arg10[%swap3A_792], %add3A_791 {strides = array<i32>} : memref<16xf32, #tpu.memory_space<vmem>>, vector<16xf32>,
        %xor3A_794 = arith.constant 4 : i32
        %xor3A_795 = vector.broadcast %xor3A_794 : i32 to vector<16xi32>
        %xor3A_796 = arith.xori %iota3A, %xor3A_795 : vector<16xi32>
        %gather3A_797 = tpu.vector_load_idx %arg10[%xor3A_796] : memref<16xf32, #tpu.memory_space<vmem>>[vector<16xi32>], vector<16xf32>,
        %add3A_798 = arith.addf %add3A_791, %gather3A_797 : vector<16xf32>
        %swap3A_799 = arith.constant 0 : index
        %swap3A_800 = tpu.vector_load %arg10[%swap3A_799] {strides = array<i32>} : memref<16xf32, #tpu.memory_space<vmem>>, vector<16xf32>,
        tpu.vector_store %arg10[%swap3A_799], %add3A_798 {strides = array<i32>} : memref<16xf32, #tpu.memory_space<vmem>>, vector<16xf32>,
        %xor3A_801 = arith.constant 2 : i32
        %xor3A_802 = vector.broadcast %xor3A_801 : i32 to vector<16xi32>
        %xor3A_803 = arith.xori %iota3A, %xor3A_802 : vector<16xi32>
        %gather3A_804 = tpu.vector_load_idx %arg10[%xor3A_803] : memref<16xf32, #tpu.memory_space<vmem>>[vector<16xi32>], vector<16xf32>,
        %add3A_805 = arith.addf %add3A_798, %gather3A_804 : vector<16xf32>
        %swap3A_806 = arith.constant 0 : index
        %swap3A_807 = tpu.vector_load %arg10[%swap3A_806] {strides = array<i32>} : memref<16xf32, #tpu.memory_space<vmem>>, vector<16xf32>,
        tpu.vector_store %arg10[%swap3A_806], %add3A_805 {strides = array<i32>} : memref<16xf32, #tpu.memory_space<vmem>>, vector<16xf32>,
        %xor3A_808 = arith.constant 1 : i32
        %xor3A_809 = vector.broadcast %xor3A_808 : i32 to vector<16xi32>
        %xor3A_810 = arith.xori %iota3A, %xor3A_809 : vector<16xi32>
        %gather3A_811 = tpu.vector_load_idx %arg10[%xor3A_810] : memref<16xf32, #tpu.memory_space<vmem>>[vector<16xi32>], vector<16xf32>,
        %add3A_812 = arith.addf %add3A_805, %gather3A_811 : vector<16xf32>
        %bitcast3A_813 = vector.bitcast %add3A_812 : vector<16xf32> to vector<16xi32>
        %shift_right_arithmetic3A_814 = arith.constant 1 : i32
        %shift_right_arithmetic3A_815 = vector.broadcast %shift_right_arithmetic3A_814 : i32 to vector<16xi32>
        %shift_right_arithmetic3A_816 = arith.shrsi %bitcast3A_813, %shift_right_arithmetic3A_815 : vector<16xi32>
        %sub3A_817 = arith.constant 1597463007 : i32
        %sub3A_818 = vector.broadcast %sub3A_817 : i32 to vector<16xi32>
        %sub3A_819 = arith.subi %sub3A_818, %shift_right_arithmetic3A_816 : vector<16xi32>
        %bitcast3A_820 = vector.bitcast %sub3A_819 : vector<16xi32> to vector<16xf32>
        %mul3A_821 = arith.constant 5.000000e-01 : f32
        %mul3A_822 = vector.broadcast %mul3A_821 : f32 to vector<16xf32>
        %mul3A_823 = arith.mulf %mul3A_822, %add3A_812 : vector<16xf32>
        %mul3A_824 = arith.mulf %mul3A_823, %bitcast3A_820 : vector<16xf32>
        %mul3A_825 = arith.mulf %mul3A_824, %bitcast3A_820 : vector<16xf32>
        %sub3A_826 = arith.constant 1.500000e+00 : f32
        %sub3A_827 = vector.broadcast %sub3A_826 : f32 to vector<16xf32>
        %sub3A_828 = arith.subf %sub3A_827, %mul3A_825 : vector<16xf32>
        %mul3A_829 = arith.mulf %bitcast3A_820, %sub3A_828 : vector<16xf32>
        %mul3A_830 = arith.constant 5.000000e-01 : f32
        %mul3A_831 = vector.broadcast %mul3A_830 : f32 to vector<16xf32>
        %mul3A_832 = arith.mulf %mul3A_831, %add3A_812 : vector<16xf32>
        %mul3A_833 = arith.mulf %mul3A_832, %mul3A_829 : vector<16xf32>
        %mul3A_834 = arith.mulf %mul3A_833, %mul3A_829 : vector<16xf32>
        %sub3A_835 = arith.constant 1.500000e+00 : f32
        %sub3A_836 = vector.broadcast %sub3A_835 : f32 to vector<16xf32>
        %sub3A_837 = arith.subf %sub3A_836, %mul3A_834 : vector<16xf32>
        %mul3A_838 = arith.mulf %mul3A_829, %sub3A_837 : vector<16xf32>
        %mul3A_839 = arith.constant 5.000000e-01 : f32
        %mul3A_840 = vector.broadcast %mul3A_839 : f32 to vector<16xf32>
        %mul3A_841 = arith.mulf %mul3A_840, %add3A_812 : vector<16xf32>
        %mul3A_842 = arith.mulf %mul3A_841, %mul3A_838 : vector<16xf32>
        %mul3A_843 = arith.mulf %mul3A_842, %mul3A_838 : vector<16xf32>
        %sub3A_844 = arith.constant 1.500000e+00 : f32
        %sub3A_845 = vector.broadcast %sub3A_844 : f32 to vector<16xf32>
        %sub3A_846 = arith.subf %sub3A_845, %mul3A_843 : vector<16xf32>
        %mul3A_847 = arith.mulf %mul3A_838, %sub3A_846 : vector<16xf32>
        %lt3A_848 = arith.constant 1.000000e-24 : f32
        %lt3A_849 = vector.broadcast %lt3A_848 : f32 to vector<16xf32>
        %lt3A_850 = arith.cmpf olt, %add3A_812, %lt3A_849 : vector<16xf32>
        %broadcast_in_dim3A_851 = arith.constant 9.99999995E+11 : f32
        %broadcast_in_dim3A_852 = vector.broadcast %broadcast_in_dim3A_851 : f32 to vector<16xf32>
        %select_n3A_853 = arith.select %lt3A_850, %broadcast_in_dim3A_852, %mul3A_847 : vector<16xi1>, vector<16xf32>
        %swap3A_854 = arith.constant 0 : index
        %swap3A_855 = tpu.vector_load %arg10[%swap3A_854] {strides = array<i32>} : memref<16xf32, #tpu.memory_space<vmem>>, vector<16xf32>,
        tpu.vector_store %arg10[%swap3A_854], %scan3A_783#1 {strides = array<i32>} : memref<16xf32, #tpu.memory_space<vmem>>, vector<16xf32>,
        %xor3A_856 = arith.constant 8 : i32
        %xor3A_857 = vector.broadcast %xor3A_856 : i32 to vector<16xi32>
        %xor3A_858 = arith.xori %iota3A, %xor3A_857 : vector<16xi32>
        %gather3A_859 = tpu.vector_load_idx %arg10[%xor3A_858] : memref<16xf32, #tpu.memory_space<vmem>>[vector<16xi32>], vector<16xf32>,
        %add3A_860 = arith.addf %scan3A_783#1, %gather3A_859 : vector<16xf32>
        %swap3A_861 = arith.constant 0 : index
        %swap3A_862 = tpu.vector_load %arg10[%swap3A_861] {strides = array<i32>} : memref<16xf32, #tpu.memory_space<vmem>>, vector<16xf32>,
        tpu.vector_store %arg10[%swap3A_861], %add3A_860 {strides = array<i32>} : memref<16xf32, #tpu.memory_space<vmem>>, vector<16xf32>,
        %xor3A_863 = arith.constant 4 : i32
        %xor3A_864 = vector.broadcast %xor3A_863 : i32 to vector<16xi32>
        %xor3A_865 = arith.xori %iota3A, %xor3A_864 : vector<16xi32>
        %gather3A_866 = tpu.vector_load_idx %arg10[%xor3A_865] : memref<16xf32, #tpu.memory_space<vmem>>[vector<16xi32>], vector<16xf32>,
        %add3A_867 = arith.addf %add3A_860, %gather3A_866 : vector<16xf32>
        %swap3A_868 = arith.constant 0 : index
        %swap3A_869 = tpu.vector_load %arg10[%swap3A_868] {strides = array<i32>} : memref<16xf32, #tpu.memory_space<vmem>>, vector<16xf32>,
        tpu.vector_store %arg10[%swap3A_868], %add3A_867 {strides = array<i32>} : memref<16xf32, #tpu.memory_space<vmem>>, vector<16xf32>,
        %xor3A_870 = arith.constant 2 : i32
        %xor3A_871 = vector.broadcast %xor3A_870 : i32 to vector<16xi32>
        %xor3A_872 = arith.xori %iota3A, %xor3A_871 : vector<16xi32>
        %gather3A_873 = tpu.vector_load_idx %arg10[%xor3A_872] : memref<16xf32, #tpu.memory_space<vmem>>[vector<16xi32>], vector<16xf32>,
        %add3A_874 = arith.addf %add3A_867, %gather3A_873 : vector<16xf32>
        %swap3A_875 = arith.constant 0 : index
        %swap3A_876 = tpu.vector_load %arg10[%swap3A_875] {strides = array<i32>} : memref<16xf32, #tpu.memory_space<vmem>>, vector<16xf32>,
        tpu.vector_store %arg10[%swap3A_875], %add3A_874 {strides = array<i32>} : memref<16xf32, #tpu.memory_space<vmem>>, vector<16xf32>,
        %xor3A_877 = arith.constant 1 : i32
        %xor3A_878 = vector.broadcast %xor3A_877 : i32 to vector<16xi32>
        %xor3A_879 = arith.xori %iota3A, %xor3A_878 : vector<16xi32>
        %gather3A_880 = tpu.vector_load_idx %arg10[%xor3A_879] : memref<16xf32, #tpu.memory_space<vmem>>[vector<16xi32>], vector<16xf32>,
        %add3A_881 = arith.addf %add3A_874, %gather3A_880 : vector<16xf32>
        %bitcast3A_882 = vector.bitcast %add3A_881 : vector<16xf32> to vector<16xi32>
        %shift_right_arithmetic3A_883 = arith.constant 1 : i32
        %shift_right_arithmetic3A_884 = vector.broadcast %shift_right_arithmetic3A_883 : i32 to vector<16xi32>
        %shift_right_arithmetic3A_885 = arith.shrsi %bitcast3A_882, %shift_right_arithmetic3A_884 : vector<16xi32>
        %sub3A_886 = arith.constant 1597463007 : i32
        %sub3A_887 = vector.broadcast %sub3A_886 : i32 to vector<16xi32>
        %sub3A_888 = arith.subi %sub3A_887, %shift_right_arithmetic3A_885 : vector<16xi32>
        %bitcast3A_889 = vector.bitcast %sub3A_888 : vector<16xi32> to vector<16xf32>
        %mul3A_890 = arith.constant 5.000000e-01 : f32
        %mul3A_891 = vector.broadcast %mul3A_890 : f32 to vector<16xf32>
        %mul3A_892 = arith.mulf %mul3A_891, %add3A_881 : vector<16xf32>
        %mul3A_893 = arith.mulf %mul3A_892, %bitcast3A_889 : vector<16xf32>
        %mul3A_894 = arith.mulf %mul3A_893, %bitcast3A_889 : vector<16xf32>
        %sub3A_895 = arith.constant 1.500000e+00 : f32
        %sub3A_896 = vector.broadcast %sub3A_895 : f32 to vector<16xf32>
        %sub3A_897 = arith.subf %sub3A_896, %mul3A_894 : vector<16xf32>
        %mul3A_898 = arith.mulf %bitcast3A_889, %sub3A_897 : vector<16xf32>
        %mul3A_899 = arith.constant 5.000000e-01 : f32
        %mul3A_900 = vector.broadcast %mul3A_899 : f32 to vector<16xf32>
        %mul3A_901 = arith.mulf %mul3A_900, %add3A_881 : vector<16xf32>
        %mul3A_902 = arith.mulf %mul3A_901, %mul3A_898 : vector<16xf32>
        %mul3A_903 = arith.mulf %mul3A_902, %mul3A_898 : vector<16xf32>
        %sub3A_904 = arith.constant 1.500000e+00 : f32
        %sub3A_905 = vector.broadcast %sub3A_904 : f32 to vector<16xf32>
        %sub3A_906 = arith.subf %sub3A_905, %mul3A_903 : vector<16xf32>
        %mul3A_907 = arith.mulf %mul3A_898, %sub3A_906 : vector<16xf32>
        %mul3A_908 = arith.constant 5.000000e-01 : f32
        %mul3A_909 = vector.broadcast %mul3A_908 : f32 to vector<16xf32>
        %mul3A_910 = arith.mulf %mul3A_909, %add3A_881 : vector<16xf32>
        %mul3A_911 = arith.mulf %mul3A_910, %mul3A_907 : vector<16xf32>
        %mul3A_912 = arith.mulf %mul3A_911, %mul3A_907 : vector<16xf32>
        %sub3A_913 = arith.constant 1.500000e+00 : f32
        %sub3A_914 = vector.broadcast %sub3A_913 : f32 to vector<16xf32>
        %sub3A_915 = arith.subf %sub3A_914, %mul3A_912 : vector<16xf32>
        %mul3A_916 = arith.mulf %mul3A_907, %sub3A_915 : vector<16xf32>
        %lt3A_917 = arith.constant 1.000000e-24 : f32
        %lt3A_918 = vector.broadcast %lt3A_917 : f32 to vector<16xf32>
        %lt3A_919 = arith.cmpf olt, %add3A_881, %lt3A_918 : vector<16xf32>
        %broadcast_in_dim3A_920 = arith.constant 9.99999995E+11 : f32
        %broadcast_in_dim3A_921 = vector.broadcast %broadcast_in_dim3A_920 : f32 to vector<16xf32>
        %select_n3A_922 = arith.select %lt3A_919, %broadcast_in_dim3A_921, %mul3A_916 : vector<16xi1>, vector<16xf32>
        %broadcast_in_dim3A_923 = arith.constant 0.000000e+00 : f32
        %broadcast_in_dim3A_924 = vector.broadcast %broadcast_in_dim3A_923 : f32 to vector<16xf32>
        %broadcast_in_dim3A_925 = arith.constant 0.000000e+00 : f32
        %broadcast_in_dim3A_926 = vector.broadcast %broadcast_in_dim3A_925 : f32 to vector<16xf32>
        %broadcast_in_dim3A_927 = arith.constant 0.000000e+00 : f32
        %broadcast_in_dim3A_928 = vector.broadcast %broadcast_in_dim3A_927 : f32 to vector<16xf32>
        %broadcast_in_dim3A_929 = arith.constant 0.000000e+00 : f32
        %broadcast_in_dim3A_930 = vector.broadcast %broadcast_in_dim3A_929 : f32 to vector<16xf32>
        %broadcast_in_dim3A_931 = arith.constant 0.000000e+00 : f32
        %broadcast_in_dim3A_932 = vector.broadcast %broadcast_in_dim3A_931 : f32 to vector<16xf32>
        %broadcast_in_dim3A_933 = arith.constant 0.000000e+00 : f32
        %broadcast_in_dim3A_934 = vector.broadcast %broadcast_in_dim3A_933 : f32 to vector<16xf32>
        %broadcast_in_dim3A_935 = arith.constant 0.000000e+00 : f32
        %broadcast_in_dim3A_936 = vector.broadcast %broadcast_in_dim3A_935 : f32 to vector<16xf32>
        %broadcast_in_dim3A_937 = arith.constant 0.000000e+00 : f32
        %broadcast_in_dim3A_938 = vector.broadcast %broadcast_in_dim3A_937 : f32 to vector<16xf32>
        %broadcast_in_dim3A_939 = arith.constant 0.000000e+00 : f32
        %broadcast_in_dim3A_940 = vector.broadcast %broadcast_in_dim3A_939 : f32 to vector<16xf32>
        %broadcast_in_dim3A_941 = arith.constant 0.000000e+00 : f32
        %broadcast_in_dim3A_942 = vector.broadcast %broadcast_in_dim3A_941 : f32 to vector<16xf32>
        %broadcast_in_dim3A_943 = arith.constant 0.000000e+00 : f32
        %broadcast_in_dim3A_944 = vector.broadcast %broadcast_in_dim3A_943 : f32 to vector<16xf32>
        %broadcast_in_dim3A_945 = arith.constant 0.000000e+00 : f32
        %broadcast_in_dim3A_946 = vector.broadcast %broadcast_in_dim3A_945 : f32 to vector<16xf32>
        %broadcast_in_dim3A_947 = arith.constant 0.000000e+00 : f32
        %broadcast_in_dim3A_948 = vector.broadcast %broadcast_in_dim3A_947 : f32 to vector<16xf32>
        %broadcast_in_dim3A_949 = arith.constant 0.000000e+00 : f32
        %broadcast_in_dim3A_950 = vector.broadcast %broadcast_in_dim3A_949 : f32 to vector<16xf32>
        %broadcast_in_dim3A_951 = arith.constant 0.000000e+00 : f32
        %broadcast_in_dim3A_952 = vector.broadcast %broadcast_in_dim3A_951 : f32 to vector<16xf32>
        %broadcast_in_dim3A_953 = arith.constant 0.000000e+00 : f32
        %broadcast_in_dim3A_954 = vector.broadcast %broadcast_in_dim3A_953 : f32 to vector<16xf32>
        %scan3A_955 = arith.constant 0 : i32
        %scan3A_956 = arith.constant 48 : i32
        %scan3A_957 = arith.addi %scan3A_955, %scan3A_956 : i32
        %scan3A_958 = arith.constant 1 : i32
        %scan3A_959:16 = scf.for %scan3A_1513 = %scan3A_955 to %scan3A_957 step %scan3A_958 iter_args(%scan3A_1514 = %broadcast_in_dim3A_924, %scan3A_1515 = %broadcast_in_dim3A_926, %scan3A_1516 = %broadcast_in_dim3A_928, %scan3A_1517 = %broadcast_in_dim3A_930, %scan3A_1518 = %broadcast_in_dim3A_932, %scan3A_1519 = %broadcast_in_dim3A_934, %scan3A_1520 = %broadcast_in_dim3A_936, %scan3A_1521 = %broadcast_in_dim3A_938, %scan3A_1522 = %broadcast_in_dim3A_940, %scan3A_1523 = %broadcast_in_dim3A_942, %scan3A_1524 = %broadcast_in_dim3A_944, %scan3A_1525 = %broadcast_in_dim3A_946, %scan3A_1526 = %broadcast_in_dim3A_948, %scan3A_1527 = %broadcast_in_dim3A_950, %scan3A_1528 = %broadcast_in_dim3A_952, %scan3A_1529 = %broadcast_in_dim3A_954) -> (vector<16xf32>, vector<16xf32>, vector<16xf32>, vector<16xf32>, vector<16xf32>, vector<16xf32>, vector<16xf32>, vector<16xf32>, vector<16xf32>, vector<16xf32>, vector<16xf32>, vector<16xf32>, vector<16xf32>, vector<16xf32>, vector<16xf32>, vector<16xf32>)  : i32 {
          %mul3A_1530 = arith.constant 16 : i32
          %mul3A_1531 = arith.muli %scan3A_1513, %mul3A_1530 : i32
          %add3A_1532 = arith.constant 0 : i32
          %add3A_1533 = arith.addi %add3A_1532, %mul3A_1531 : i32
          %get3A_1534 = arith.index_cast %add3A_1533 : i32 to index
          %get3A_1535 = tpu.vector_load %arg6[%get3A_1534] {strides = array<i32>} : memref<6144xf32, #tpu.memory_space<vmem>>, vector<16xf32>,
          %mul3A_1536 = arith.constant 16 : i32
          %mul3A_1537 = arith.muli %scan3A_1513, %mul3A_1536 : i32
          %add3A_1538 = arith.constant 768 : i32
          %add3A_1539 = arith.addi %add3A_1538, %mul3A_1537 : i32
          %get3A_1540 = arith.index_cast %add3A_1539 : i32 to index
          %get3A_1541 = tpu.vector_load %arg6[%get3A_1540] {strides = array<i32>} : memref<6144xf32, #tpu.memory_space<vmem>>, vector<16xf32>,
          %mul3A_1542 = arith.constant 16 : i32
          %mul3A_1543 = arith.muli %scan3A_1513, %mul3A_1542 : i32
          %add3A_1544 = arith.constant 1536 : i32
          %add3A_1545 = arith.addi %add3A_1544, %mul3A_1543 : i32
          %get3A_1546 = arith.index_cast %add3A_1545 : i32 to index
          %get3A_1547 = tpu.vector_load %arg6[%get3A_1546] {strides = array<i32>} : memref<6144xf32, #tpu.memory_space<vmem>>, vector<16xf32>,
          %mul3A_1548 = arith.constant 16 : i32
          %mul3A_1549 = arith.muli %scan3A_1513, %mul3A_1548 : i32
          %add3A_1550 = arith.constant 2304 : i32
          %add3A_1551 = arith.addi %add3A_1550, %mul3A_1549 : i32
          %get3A_1552 = arith.index_cast %add3A_1551 : i32 to index
          %get3A_1553 = tpu.vector_load %arg6[%get3A_1552] {strides = array<i32>} : memref<6144xf32, #tpu.memory_space<vmem>>, vector<16xf32>,
          %mul3A_1554 = arith.constant 16 : i32
          %mul3A_1555 = arith.muli %scan3A_1513, %mul3A_1554 : i32
          %add3A_1556 = arith.constant 3072 : i32
          %add3A_1557 = arith.addi %add3A_1556, %mul3A_1555 : i32
          %get3A_1558 = arith.index_cast %add3A_1557 : i32 to index
          %get3A_1559 = tpu.vector_load %arg6[%get3A_1558] {strides = array<i32>} : memref<6144xf32, #tpu.memory_space<vmem>>, vector<16xf32>,
          %mul3A_1560 = arith.constant 16 : i32
          %mul3A_1561 = arith.muli %scan3A_1513, %mul3A_1560 : i32
          %add3A_1562 = arith.constant 3840 : i32
          %add3A_1563 = arith.addi %add3A_1562, %mul3A_1561 : i32
          %get3A_1564 = arith.index_cast %add3A_1563 : i32 to index
          %get3A_1565 = tpu.vector_load %arg6[%get3A_1564] {strides = array<i32>} : memref<6144xf32, #tpu.memory_space<vmem>>, vector<16xf32>,
          %mul3A_1566 = arith.constant 16 : i32
          %mul3A_1567 = arith.muli %scan3A_1513, %mul3A_1566 : i32
          %add3A_1568 = arith.constant 4608 : i32
          %add3A_1569 = arith.addi %add3A_1568, %mul3A_1567 : i32
          %get3A_1570 = arith.index_cast %add3A_1569 : i32 to index
          %get3A_1571 = tpu.vector_load %arg6[%get3A_1570] {strides = array<i32>} : memref<6144xf32, #tpu.memory_space<vmem>>, vector<16xf32>,
          %mul3A_1572 = arith.constant 16 : i32
          %mul3A_1573 = arith.muli %scan3A_1513, %mul3A_1572 : i32
          %add3A_1574 = arith.constant 5376 : i32
          %add3A_1575 = arith.addi %add3A_1574, %mul3A_1573 : i32
          %get3A_1576 = arith.index_cast %add3A_1575 : i32 to index
          %get3A_1577 = tpu.vector_load %arg6[%get3A_1576] {strides = array<i32>} : memref<6144xf32, #tpu.memory_space<vmem>>, vector<16xf32>,
          %add3A_1578 = arith.constant 0 : i32
          %add3A_1579 = arith.addi %mul3A_774, %add3A_1578 : i32
          %mul3A_1580 = arith.constant 16 : i32
          %mul3A_1581 = arith.muli %scan3A_1513, %mul3A_1580 : i32
          %get3A_1582 = arith.constant 1 : i32
          %get3A_1583 = arith.index_cast %get3A_1582 : i32 to index
          %get3A_1584 = arith.index_cast %add3A_1579 : i32 to index
          %get3A_1585 = arith.index_cast %mul3A_1581 : i32 to index
          %get3A_1586 = tpu.vector_load %arg7[%get3A_1583, %get3A_1584, %get3A_1585] {strides = array<i32>} : memref<2x16x768xf32, #tpu.memory_space<vmem>>, vector<16xf32>,
          %mul3A_1587 = arith.mulf %get3A_1586, %select_n3A_853 : vector<16xf32>
          %bitcast3A_1588 = vector.bitcast %mul3A_1587 : vector<16xf32> to vector<16xi32>
          %shift_right_logical3A = arith.constant 16 : i32
          %shift_right_logical3A_1589 = vector.broadcast %shift_right_logical3A : i32 to vector<16xi32>
          %shift_right_logical3A_1590 = arith.shrui %bitcast3A_1588, %shift_right_logical3A_1589 : vector<16xi32>
          %and3A = arith.constant 1 : i32
          %and3A_1591 = vector.broadcast %and3A : i32 to vector<16xi32>
          %and3A_1592 = arith.andi %shift_right_logical3A_1590, %and3A_1591 : vector<16xi32>
          %add3A_1593 = arith.constant 32767 : i32
          %add3A_1594 = vector.broadcast %add3A_1593 : i32 to vector<16xi32>
          %add3A_1595 = arith.addi %bitcast3A_1588, %add3A_1594 : vector<16xi32>
          %add3A_1596 = arith.addi %add3A_1595, %and3A_1592 : vector<16xi32>
          %and3A_1597 = arith.constant -65536 : i32
          %and3A_1598 = vector.broadcast %and3A_1597 : i32 to vector<16xi32>
          %and3A_1599 = arith.andi %add3A_1596, %and3A_1598 : vector<16xi32>
          %bitcast3A_1600 = vector.bitcast %and3A_1599 : vector<16xi32> to vector<16xf32>
          %add3A_1601 = arith.constant 1 : i32
          %add3A_1602 = arith.addi %mul3A_774, %add3A_1601 : i32
          %mul3A_1603 = arith.constant 16 : i32
          %mul3A_1604 = arith.muli %scan3A_1513, %mul3A_1603 : i32
          %get3A_1605 = arith.constant 1 : i32
          %get3A_1606 = arith.index_cast %get3A_1605 : i32 to index
          %get3A_1607 = arith.index_cast %add3A_1602 : i32 to index
          %get3A_1608 = arith.index_cast %mul3A_1604 : i32 to index
          %get3A_1609 = tpu.vector_load %arg7[%get3A_1606, %get3A_1607, %get3A_1608] {strides = array<i32>} : memref<2x16x768xf32, #tpu.memory_space<vmem>>, vector<16xf32>,
          %mul3A_1610 = arith.mulf %get3A_1609, %select_n3A_922 : vector<16xf32>
          %bitcast3A_1611 = vector.bitcast %mul3A_1610 : vector<16xf32> to vector<16xi32>
          %shift_right_logical3A_1612 = arith.constant 16 : i32
          %shift_right_logical3A_1613 = vector.broadcast %shift_right_logical3A_1612 : i32 to vector<16xi32>
          %shift_right_logical3A_1614 = arith.shrui %bitcast3A_1611, %shift_right_logical3A_1613 : vector<16xi32>
          %and3A_1615 = arith.constant 1 : i32
          %and3A_1616 = vector.broadcast %and3A_1615 : i32 to vector<16xi32>
          %and3A_1617 = arith.andi %shift_right_logical3A_1614, %and3A_1616 : vector<16xi32>
          %add3A_1618 = arith.constant 32767 : i32
          %add3A_1619 = vector.broadcast %add3A_1618 : i32 to vector<16xi32>
          %add3A_1620 = arith.addi %bitcast3A_1611, %add3A_1619 : vector<16xi32>
          %add3A_1621 = arith.addi %add3A_1620, %and3A_1617 : vector<16xi32>
          %and3A_1622 = arith.constant -65536 : i32
          %and3A_1623 = vector.broadcast %and3A_1622 : i32 to vector<16xi32>
          %and3A_1624 = arith.andi %add3A_1621, %and3A_1623 : vector<16xi32>
          %bitcast3A_1625 = vector.bitcast %and3A_1624 : vector<16xi32> to vector<16xf32>
          %mul3A_1626 = arith.mulf %bitcast3A_1600, %get3A_1535 : vector<16xf32>
          %add3A_1627 = arith.addf %scan3A_1514, %mul3A_1626 : vector<16xf32>
          %mul3A_1628 = arith.mulf %bitcast3A_1600, %get3A_1541 : vector<16xf32>
          %add3A_1629 = arith.addf %scan3A_1515, %mul3A_1628 : vector<16xf32>
          %mul3A_1630 = arith.mulf %bitcast3A_1600, %get3A_1547 : vector<16xf32>
          %add3A_1631 = arith.addf %scan3A_1516, %mul3A_1630 : vector<16xf32>
          %mul3A_1632 = arith.mulf %bitcast3A_1600, %get3A_1553 : vector<16xf32>
          %add3A_1633 = arith.addf %scan3A_1517, %mul3A_1632 : vector<16xf32>
          %mul3A_1634 = arith.mulf %bitcast3A_1600, %get3A_1559 : vector<16xf32>
          %add3A_1635 = arith.addf %scan3A_1518, %mul3A_1634 : vector<16xf32>
          %mul3A_1636 = arith.mulf %bitcast3A_1600, %get3A_1565 : vector<16xf32>
          %add3A_1637 = arith.addf %scan3A_1519, %mul3A_1636 : vector<16xf32>
          %mul3A_1638 = arith.mulf %bitcast3A_1600, %get3A_1571 : vector<16xf32>
          %add3A_1639 = arith.addf %scan3A_1520, %mul3A_1638 : vector<16xf32>
          %mul3A_1640 = arith.mulf %bitcast3A_1600, %get3A_1577 : vector<16xf32>
          %add3A_1641 = arith.addf %scan3A_1521, %mul3A_1640 : vector<16xf32>
          %mul3A_1642 = arith.mulf %bitcast3A_1625, %get3A_1535 : vector<16xf32>
          %add3A_1643 = arith.addf %scan3A_1522, %mul3A_1642 : vector<16xf32>
          %mul3A_1644 = arith.mulf %bitcast3A_1625, %get3A_1541 : vector<16xf32>
          %add3A_1645 = arith.addf %scan3A_1523, %mul3A_1644 : vector<16xf32>
          %mul3A_1646 = arith.mulf %bitcast3A_1625, %get3A_1547 : vector<16xf32>
          %add3A_1647 = arith.addf %scan3A_1524, %mul3A_1646 : vector<16xf32>
          %mul3A_1648 = arith.mulf %bitcast3A_1625, %get3A_1553 : vector<16xf32>
          %add3A_1649 = arith.addf %scan3A_1525, %mul3A_1648 : vector<16xf32>
          %mul3A_1650 = arith.mulf %bitcast3A_1625, %get3A_1559 : vector<16xf32>
          %add3A_1651 = arith.addf %scan3A_1526, %mul3A_1650 : vector<16xf32>
          %mul3A_1652 = arith.mulf %bitcast3A_1625, %get3A_1565 : vector<16xf32>
          %add3A_1653 = arith.addf %scan3A_1527, %mul3A_1652 : vector<16xf32>
          %mul3A_1654 = arith.mulf %bitcast3A_1625, %get3A_1571 : vector<16xf32>
          %add3A_1655 = arith.addf %scan3A_1528, %mul3A_1654 : vector<16xf32>
          %mul3A_1656 = arith.mulf %bitcast3A_1625, %get3A_1577 : vector<16xf32>
          %add3A_1657 = arith.addf %scan3A_1529, %mul3A_1656 : vector<16xf32>
          scf.yield %add3A_1627, %add3A_1629, %add3A_1631, %add3A_1633, %add3A_1635, %add3A_1637, %add3A_1639, %add3A_1641, %add3A_1643, %add3A_1645, %add3A_1647, %add3A_1649, %add3A_1651, %add3A_1653, %add3A_1655, %add3A_1657 : vector<16xf32>, vector<16xf32>, vector<16xf32>, vector<16xf32>, vector<16xf32>, vector<16xf32>, vector<16xf32>, vector<16xf32>, vector<16xf32>, vector<16xf32>, vector<16xf32>, vector<16xf32>, vector<16xf32>, vector<16xf32>, vector<16xf32>, vector<16xf32>
        }
        %scan3A_960 = arith.constant 48 : i32
        %broadcast_in_dim3A_961 = arith.constant 0xFF800000 : f32
        %broadcast_in_dim3A_962 = vector.broadcast %broadcast_in_dim3A_961 : f32 to vector<16xf32>
        %swap3A_963 = arith.constant 0 : index
        %swap3A_964 = tpu.vector_load %arg10[%swap3A_963] {strides = array<i32>} : memref<16xf32, #tpu.memory_space<vmem>>, vector<16xf32>,
        tpu.vector_store %arg10[%swap3A_963], %scan3A_959#0 {strides = array<i32>} : memref<16xf32, #tpu.memory_space<vmem>>, vector<16xf32>,
        %xor3A_965 = arith.constant 8 : i32
        %xor3A_966 = vector.broadcast %xor3A_965 : i32 to vector<16xi32>
        %xor3A_967 = arith.xori %iota3A, %xor3A_966 : vector<16xi32>
        %gather3A_968 = tpu.vector_load_idx %arg10[%xor3A_967] : memref<16xf32, #tpu.memory_space<vmem>>[vector<16xi32>], vector<16xf32>,
        %add3A_969 = arith.addf %scan3A_959#0, %gather3A_968 : vector<16xf32>
        %swap3A_970 = arith.constant 0 : index
        %swap3A_971 = tpu.vector_load %arg10[%swap3A_970] {strides = array<i32>} : memref<16xf32, #tpu.memory_space<vmem>>, vector<16xf32>,
        tpu.vector_store %arg10[%swap3A_970], %add3A_969 {strides = array<i32>} : memref<16xf32, #tpu.memory_space<vmem>>, vector<16xf32>,
        %xor3A_972 = arith.constant 4 : i32
        %xor3A_973 = vector.broadcast %xor3A_972 : i32 to vector<16xi32>
        %xor3A_974 = arith.xori %iota3A, %xor3A_973 : vector<16xi32>
        %gather3A_975 = tpu.vector_load_idx %arg10[%xor3A_974] : memref<16xf32, #tpu.memory_space<vmem>>[vector<16xi32>], vector<16xf32>,
        %add3A_976 = arith.addf %add3A_969, %gather3A_975 : vector<16xf32>
        %swap3A_977 = arith.constant 0 : index
        %swap3A_978 = tpu.vector_load %arg10[%swap3A_977] {strides = array<i32>} : memref<16xf32, #tpu.memory_space<vmem>>, vector<16xf32>,
        tpu.vector_store %arg10[%swap3A_977], %add3A_976 {strides = array<i32>} : memref<16xf32, #tpu.memory_space<vmem>>, vector<16xf32>,
        %xor3A_979 = arith.constant 2 : i32
        %xor3A_980 = vector.broadcast %xor3A_979 : i32 to vector<16xi32>
        %xor3A_981 = arith.xori %iota3A, %xor3A_980 : vector<16xi32>
        %gather3A_982 = tpu.vector_load_idx %arg10[%xor3A_981] : memref<16xf32, #tpu.memory_space<vmem>>[vector<16xi32>], vector<16xf32>,
        %add3A_983 = arith.addf %add3A_976, %gather3A_982 : vector<16xf32>
        %swap3A_984 = arith.constant 0 : index
        %swap3A_985 = tpu.vector_load %arg10[%swap3A_984] {strides = array<i32>} : memref<16xf32, #tpu.memory_space<vmem>>, vector<16xf32>,
        tpu.vector_store %arg10[%swap3A_984], %add3A_983 {strides = array<i32>} : memref<16xf32, #tpu.memory_space<vmem>>, vector<16xf32>,
        %xor3A_986 = arith.constant 1 : i32
        %xor3A_987 = vector.broadcast %xor3A_986 : i32 to vector<16xi32>
        %xor3A_988 = arith.xori %iota3A, %xor3A_987 : vector<16xi32>
        %gather3A_989 = tpu.vector_load_idx %arg10[%xor3A_988] : memref<16xf32, #tpu.memory_space<vmem>>[vector<16xi32>], vector<16xf32>,
        %add3A_990 = arith.addf %add3A_983, %gather3A_989 : vector<16xf32>
        %eq3A = arith.constant 0 : i32
        %eq3A_991 = vector.broadcast %eq3A : i32 to vector<16xi32>
        %eq3A_992 = arith.cmpi eq, %iota3A, %eq3A_991 : vector<16xi32>
        %select_n3A_993 = arith.select %eq3A_992, %add3A_990, %broadcast_in_dim3A_962 : vector<16xi1>, vector<16xf32>
        %swap3A_994 = arith.constant 0 : index
        %swap3A_995 = tpu.vector_load %arg10[%swap3A_994] {strides = array<i32>} : memref<16xf32, #tpu.memory_space<vmem>>, vector<16xf32>,
        tpu.vector_store %arg10[%swap3A_994], %scan3A_959#1 {strides = array<i32>} : memref<16xf32, #tpu.memory_space<vmem>>, vector<16xf32>,
        %xor3A_996 = arith.constant 8 : i32
        %xor3A_997 = vector.broadcast %xor3A_996 : i32 to vector<16xi32>
        %xor3A_998 = arith.xori %iota3A, %xor3A_997 : vector<16xi32>
        %gather3A_999 = tpu.vector_load_idx %arg10[%xor3A_998] : memref<16xf32, #tpu.memory_space<vmem>>[vector<16xi32>], vector<16xf32>,
        %add3A_1000 = arith.addf %scan3A_959#1, %gather3A_999 : vector<16xf32>
        %swap3A_1001 = arith.constant 0 : index
        %swap3A_1002 = tpu.vector_load %arg10[%swap3A_1001] {strides = array<i32>} : memref<16xf32, #tpu.memory_space<vmem>>, vector<16xf32>,
        tpu.vector_store %arg10[%swap3A_1001], %add3A_1000 {strides = array<i32>} : memref<16xf32, #tpu.memory_space<vmem>>, vector<16xf32>,
        %xor3A_1003 = arith.constant 4 : i32
        %xor3A_1004 = vector.broadcast %xor3A_1003 : i32 to vector<16xi32>
        %xor3A_1005 = arith.xori %iota3A, %xor3A_1004 : vector<16xi32>
        %gather3A_1006 = tpu.vector_load_idx %arg10[%xor3A_1005] : memref<16xf32, #tpu.memory_space<vmem>>[vector<16xi32>], vector<16xf32>,
        %add3A_1007 = arith.addf %add3A_1000, %gather3A_1006 : vector<16xf32>
        %swap3A_1008 = arith.constant 0 : index
        %swap3A_1009 = tpu.vector_load %arg10[%swap3A_1008] {strides = array<i32>} : memref<16xf32, #tpu.memory_space<vmem>>, vector<16xf32>,
        tpu.vector_store %arg10[%swap3A_1008], %add3A_1007 {strides = array<i32>} : memref<16xf32, #tpu.memory_space<vmem>>, vector<16xf32>,
        %xor3A_1010 = arith.constant 2 : i32
        %xor3A_1011 = vector.broadcast %xor3A_1010 : i32 to vector<16xi32>
        %xor3A_1012 = arith.xori %iota3A, %xor3A_1011 : vector<16xi32>
        %gather3A_1013 = tpu.vector_load_idx %arg10[%xor3A_1012] : memref<16xf32, #tpu.memory_space<vmem>>[vector<16xi32>], vector<16xf32>,
        %add3A_1014 = arith.addf %add3A_1007, %gather3A_1013 : vector<16xf32>
        %swap3A_1015 = arith.constant 0 : index
        %swap3A_1016 = tpu.vector_load %arg10[%swap3A_1015] {strides = array<i32>} : memref<16xf32, #tpu.memory_space<vmem>>, vector<16xf32>,
        tpu.vector_store %arg10[%swap3A_1015], %add3A_1014 {strides = array<i32>} : memref<16xf32, #tpu.memory_space<vmem>>, vector<16xf32>,
        %xor3A_1017 = arith.constant 1 : i32
        %xor3A_1018 = vector.broadcast %xor3A_1017 : i32 to vector<16xi32>
        %xor3A_1019 = arith.xori %iota3A, %xor3A_1018 : vector<16xi32>
        %gather3A_1020 = tpu.vector_load_idx %arg10[%xor3A_1019] : memref<16xf32, #tpu.memory_space<vmem>>[vector<16xi32>], vector<16xf32>,
        %add3A_1021 = arith.addf %add3A_1014, %gather3A_1020 : vector<16xf32>
        %eq3A_1022 = arith.constant 1 : i32
        %eq3A_1023 = vector.broadcast %eq3A_1022 : i32 to vector<16xi32>
        %eq3A_1024 = arith.cmpi eq, %iota3A, %eq3A_1023 : vector<16xi32>
        %select_n3A_1025 = arith.select %eq3A_1024, %add3A_1021, %select_n3A_993 : vector<16xi1>, vector<16xf32>
        %swap3A_1026 = arith.constant 0 : index
        %swap3A_1027 = tpu.vector_load %arg10[%swap3A_1026] {strides = array<i32>} : memref<16xf32, #tpu.memory_space<vmem>>, vector<16xf32>,
        tpu.vector_store %arg10[%swap3A_1026], %scan3A_959#2 {strides = array<i32>} : memref<16xf32, #tpu.memory_space<vmem>>, vector<16xf32>,
        %xor3A_1028 = arith.constant 8 : i32
        %xor3A_1029 = vector.broadcast %xor3A_1028 : i32 to vector<16xi32>
        %xor3A_1030 = arith.xori %iota3A, %xor3A_1029 : vector<16xi32>
        %gather3A_1031 = tpu.vector_load_idx %arg10[%xor3A_1030] : memref<16xf32, #tpu.memory_space<vmem>>[vector<16xi32>], vector<16xf32>,
        %add3A_1032 = arith.addf %scan3A_959#2, %gather3A_1031 : vector<16xf32>
        %swap3A_1033 = arith.constant 0 : index
        %swap3A_1034 = tpu.vector_load %arg10[%swap3A_1033] {strides = array<i32>} : memref<16xf32, #tpu.memory_space<vmem>>, vector<16xf32>,
        tpu.vector_store %arg10[%swap3A_1033], %add3A_1032 {strides = array<i32>} : memref<16xf32, #tpu.memory_space<vmem>>, vector<16xf32>,
        %xor3A_1035 = arith.constant 4 : i32
        %xor3A_1036 = vector.broadcast %xor3A_1035 : i32 to vector<16xi32>
        %xor3A_1037 = arith.xori %iota3A, %xor3A_1036 : vector<16xi32>
        %gather3A_1038 = tpu.vector_load_idx %arg10[%xor3A_1037] : memref<16xf32, #tpu.memory_space<vmem>>[vector<16xi32>], vector<16xf32>,
        %add3A_1039 = arith.addf %add3A_1032, %gather3A_1038 : vector<16xf32>
        %swap3A_1040 = arith.constant 0 : index
        %swap3A_1041 = tpu.vector_load %arg10[%swap3A_1040] {strides = array<i32>} : memref<16xf32, #tpu.memory_space<vmem>>, vector<16xf32>,
        tpu.vector_store %arg10[%swap3A_1040], %add3A_1039 {strides = array<i32>} : memref<16xf32, #tpu.memory_space<vmem>>, vector<16xf32>,
        %xor3A_1042 = arith.constant 2 : i32
        %xor3A_1043 = vector.broadcast %xor3A_1042 : i32 to vector<16xi32>
        %xor3A_1044 = arith.xori %iota3A, %xor3A_1043 : vector<16xi32>
        %gather3A_1045 = tpu.vector_load_idx %arg10[%xor3A_1044] : memref<16xf32, #tpu.memory_space<vmem>>[vector<16xi32>], vector<16xf32>,
        %add3A_1046 = arith.addf %add3A_1039, %gather3A_1045 : vector<16xf32>
        %swap3A_1047 = arith.constant 0 : index
        %swap3A_1048 = tpu.vector_load %arg10[%swap3A_1047] {strides = array<i32>} : memref<16xf32, #tpu.memory_space<vmem>>, vector<16xf32>,
        tpu.vector_store %arg10[%swap3A_1047], %add3A_1046 {strides = array<i32>} : memref<16xf32, #tpu.memory_space<vmem>>, vector<16xf32>,
        %xor3A_1049 = arith.constant 1 : i32
        %xor3A_1050 = vector.broadcast %xor3A_1049 : i32 to vector<16xi32>
        %xor3A_1051 = arith.xori %iota3A, %xor3A_1050 : vector<16xi32>
        %gather3A_1052 = tpu.vector_load_idx %arg10[%xor3A_1051] : memref<16xf32, #tpu.memory_space<vmem>>[vector<16xi32>], vector<16xf32>,
        %add3A_1053 = arith.addf %add3A_1046, %gather3A_1052 : vector<16xf32>
        %eq3A_1054 = arith.constant 2 : i32
        %eq3A_1055 = vector.broadcast %eq3A_1054 : i32 to vector<16xi32>
        %eq3A_1056 = arith.cmpi eq, %iota3A, %eq3A_1055 : vector<16xi32>
        %select_n3A_1057 = arith.select %eq3A_1056, %add3A_1053, %select_n3A_1025 : vector<16xi1>, vector<16xf32>
        %swap3A_1058 = arith.constant 0 : index
        %swap3A_1059 = tpu.vector_load %arg10[%swap3A_1058] {strides = array<i32>} : memref<16xf32, #tpu.memory_space<vmem>>, vector<16xf32>,
        tpu.vector_store %arg10[%swap3A_1058], %scan3A_959#3 {strides = array<i32>} : memref<16xf32, #tpu.memory_space<vmem>>, vector<16xf32>,
        %xor3A_1060 = arith.constant 8 : i32
        %xor3A_1061 = vector.broadcast %xor3A_1060 : i32 to vector<16xi32>
        %xor3A_1062 = arith.xori %iota3A, %xor3A_1061 : vector<16xi32>
        %gather3A_1063 = tpu.vector_load_idx %arg10[%xor3A_1062] : memref<16xf32, #tpu.memory_space<vmem>>[vector<16xi32>], vector<16xf32>,
        %add3A_1064 = arith.addf %scan3A_959#3, %gather3A_1063 : vector<16xf32>
        %swap3A_1065 = arith.constant 0 : index
        %swap3A_1066 = tpu.vector_load %arg10[%swap3A_1065] {strides = array<i32>} : memref<16xf32, #tpu.memory_space<vmem>>, vector<16xf32>,
        tpu.vector_store %arg10[%swap3A_1065], %add3A_1064 {strides = array<i32>} : memref<16xf32, #tpu.memory_space<vmem>>, vector<16xf32>,
        %xor3A_1067 = arith.constant 4 : i32
        %xor3A_1068 = vector.broadcast %xor3A_1067 : i32 to vector<16xi32>
        %xor3A_1069 = arith.xori %iota3A, %xor3A_1068 : vector<16xi32>
        %gather3A_1070 = tpu.vector_load_idx %arg10[%xor3A_1069] : memref<16xf32, #tpu.memory_space<vmem>>[vector<16xi32>], vector<16xf32>,
        %add3A_1071 = arith.addf %add3A_1064, %gather3A_1070 : vector<16xf32>
        %swap3A_1072 = arith.constant 0 : index
        %swap3A_1073 = tpu.vector_load %arg10[%swap3A_1072] {strides = array<i32>} : memref<16xf32, #tpu.memory_space<vmem>>, vector<16xf32>,
        tpu.vector_store %arg10[%swap3A_1072], %add3A_1071 {strides = array<i32>} : memref<16xf32, #tpu.memory_space<vmem>>, vector<16xf32>,
        %xor3A_1074 = arith.constant 2 : i32
        %xor3A_1075 = vector.broadcast %xor3A_1074 : i32 to vector<16xi32>
        %xor3A_1076 = arith.xori %iota3A, %xor3A_1075 : vector<16xi32>
        %gather3A_1077 = tpu.vector_load_idx %arg10[%xor3A_1076] : memref<16xf32, #tpu.memory_space<vmem>>[vector<16xi32>], vector<16xf32>,
        %add3A_1078 = arith.addf %add3A_1071, %gather3A_1077 : vector<16xf32>
        %swap3A_1079 = arith.constant 0 : index
        %swap3A_1080 = tpu.vector_load %arg10[%swap3A_1079] {strides = array<i32>} : memref<16xf32, #tpu.memory_space<vmem>>, vector<16xf32>,
        tpu.vector_store %arg10[%swap3A_1079], %add3A_1078 {strides = array<i32>} : memref<16xf32, #tpu.memory_space<vmem>>, vector<16xf32>,
        %xor3A_1081 = arith.constant 1 : i32
        %xor3A_1082 = vector.broadcast %xor3A_1081 : i32 to vector<16xi32>
        %xor3A_1083 = arith.xori %iota3A, %xor3A_1082 : vector<16xi32>
        %gather3A_1084 = tpu.vector_load_idx %arg10[%xor3A_1083] : memref<16xf32, #tpu.memory_space<vmem>>[vector<16xi32>], vector<16xf32>,
        %add3A_1085 = arith.addf %add3A_1078, %gather3A_1084 : vector<16xf32>
        %eq3A_1086 = arith.constant 3 : i32
        %eq3A_1087 = vector.broadcast %eq3A_1086 : i32 to vector<16xi32>
        %eq3A_1088 = arith.cmpi eq, %iota3A, %eq3A_1087 : vector<16xi32>
        %select_n3A_1089 = arith.select %eq3A_1088, %add3A_1085, %select_n3A_1057 : vector<16xi1>, vector<16xf32>
        %swap3A_1090 = arith.constant 0 : index
        %swap3A_1091 = tpu.vector_load %arg10[%swap3A_1090] {strides = array<i32>} : memref<16xf32, #tpu.memory_space<vmem>>, vector<16xf32>,
        tpu.vector_store %arg10[%swap3A_1090], %scan3A_959#4 {strides = array<i32>} : memref<16xf32, #tpu.memory_space<vmem>>, vector<16xf32>,
        %xor3A_1092 = arith.constant 8 : i32
        %xor3A_1093 = vector.broadcast %xor3A_1092 : i32 to vector<16xi32>
        %xor3A_1094 = arith.xori %iota3A, %xor3A_1093 : vector<16xi32>
        %gather3A_1095 = tpu.vector_load_idx %arg10[%xor3A_1094] : memref<16xf32, #tpu.memory_space<vmem>>[vector<16xi32>], vector<16xf32>,
        %add3A_1096 = arith.addf %scan3A_959#4, %gather3A_1095 : vector<16xf32>
        %swap3A_1097 = arith.constant 0 : index
        %swap3A_1098 = tpu.vector_load %arg10[%swap3A_1097] {strides = array<i32>} : memref<16xf32, #tpu.memory_space<vmem>>, vector<16xf32>,
        tpu.vector_store %arg10[%swap3A_1097], %add3A_1096 {strides = array<i32>} : memref<16xf32, #tpu.memory_space<vmem>>, vector<16xf32>,
        %xor3A_1099 = arith.constant 4 : i32
        %xor3A_1100 = vector.broadcast %xor3A_1099 : i32 to vector<16xi32>
        %xor3A_1101 = arith.xori %iota3A, %xor3A_1100 : vector<16xi32>
        %gather3A_1102 = tpu.vector_load_idx %arg10[%xor3A_1101] : memref<16xf32, #tpu.memory_space<vmem>>[vector<16xi32>], vector<16xf32>,
        %add3A_1103 = arith.addf %add3A_1096, %gather3A_1102 : vector<16xf32>
        %swap3A_1104 = arith.constant 0 : index
        %swap3A_1105 = tpu.vector_load %arg10[%swap3A_1104] {strides = array<i32>} : memref<16xf32, #tpu.memory_space<vmem>>, vector<16xf32>,
        tpu.vector_store %arg10[%swap3A_1104], %add3A_1103 {strides = array<i32>} : memref<16xf32, #tpu.memory_space<vmem>>, vector<16xf32>,
        %xor3A_1106 = arith.constant 2 : i32
        %xor3A_1107 = vector.broadcast %xor3A_1106 : i32 to vector<16xi32>
        %xor3A_1108 = arith.xori %iota3A, %xor3A_1107 : vector<16xi32>
        %gather3A_1109 = tpu.vector_load_idx %arg10[%xor3A_1108] : memref<16xf32, #tpu.memory_space<vmem>>[vector<16xi32>], vector<16xf32>,
        %add3A_1110 = arith.addf %add3A_1103, %gather3A_1109 : vector<16xf32>
        %swap3A_1111 = arith.constant 0 : index
        %swap3A_1112 = tpu.vector_load %arg10[%swap3A_1111] {strides = array<i32>} : memref<16xf32, #tpu.memory_space<vmem>>, vector<16xf32>,
        tpu.vector_store %arg10[%swap3A_1111], %add3A_1110 {strides = array<i32>} : memref<16xf32, #tpu.memory_space<vmem>>, vector<16xf32>,
        %xor3A_1113 = arith.constant 1 : i32
        %xor3A_1114 = vector.broadcast %xor3A_1113 : i32 to vector<16xi32>
        %xor3A_1115 = arith.xori %iota3A, %xor3A_1114 : vector<16xi32>
        %gather3A_1116 = tpu.vector_load_idx %arg10[%xor3A_1115] : memref<16xf32, #tpu.memory_space<vmem>>[vector<16xi32>], vector<16xf32>,
        %add3A_1117 = arith.addf %add3A_1110, %gather3A_1116 : vector<16xf32>
        %eq3A_1118 = arith.constant 4 : i32
        %eq3A_1119 = vector.broadcast %eq3A_1118 : i32 to vector<16xi32>
        %eq3A_1120 = arith.cmpi eq, %iota3A, %eq3A_1119 : vector<16xi32>
        %select_n3A_1121 = arith.select %eq3A_1120, %add3A_1117, %select_n3A_1089 : vector<16xi1>, vector<16xf32>
        %swap3A_1122 = arith.constant 0 : index
        %swap3A_1123 = tpu.vector_load %arg10[%swap3A_1122] {strides = array<i32>} : memref<16xf32, #tpu.memory_space<vmem>>, vector<16xf32>,
        tpu.vector_store %arg10[%swap3A_1122], %scan3A_959#5 {strides = array<i32>} : memref<16xf32, #tpu.memory_space<vmem>>, vector<16xf32>,
        %xor3A_1124 = arith.constant 8 : i32
        %xor3A_1125 = vector.broadcast %xor3A_1124 : i32 to vector<16xi32>
        %xor3A_1126 = arith.xori %iota3A, %xor3A_1125 : vector<16xi32>
        %gather3A_1127 = tpu.vector_load_idx %arg10[%xor3A_1126] : memref<16xf32, #tpu.memory_space<vmem>>[vector<16xi32>], vector<16xf32>,
        %add3A_1128 = arith.addf %scan3A_959#5, %gather3A_1127 : vector<16xf32>
        %swap3A_1129 = arith.constant 0 : index
        %swap3A_1130 = tpu.vector_load %arg10[%swap3A_1129] {strides = array<i32>} : memref<16xf32, #tpu.memory_space<vmem>>, vector<16xf32>,
        tpu.vector_store %arg10[%swap3A_1129], %add3A_1128 {strides = array<i32>} : memref<16xf32, #tpu.memory_space<vmem>>, vector<16xf32>,
        %xor3A_1131 = arith.constant 4 : i32
        %xor3A_1132 = vector.broadcast %xor3A_1131 : i32 to vector<16xi32>
        %xor3A_1133 = arith.xori %iota3A, %xor3A_1132 : vector<16xi32>
        %gather3A_1134 = tpu.vector_load_idx %arg10[%xor3A_1133] : memref<16xf32, #tpu.memory_space<vmem>>[vector<16xi32>], vector<16xf32>,
        %add3A_1135 = arith.addf %add3A_1128, %gather3A_1134 : vector<16xf32>
        %swap3A_1136 = arith.constant 0 : index
        %swap3A_1137 = tpu.vector_load %arg10[%swap3A_1136] {strides = array<i32>} : memref<16xf32, #tpu.memory_space<vmem>>, vector<16xf32>,
        tpu.vector_store %arg10[%swap3A_1136], %add3A_1135 {strides = array<i32>} : memref<16xf32, #tpu.memory_space<vmem>>, vector<16xf32>,
        %xor3A_1138 = arith.constant 2 : i32
        %xor3A_1139 = vector.broadcast %xor3A_1138 : i32 to vector<16xi32>
        %xor3A_1140 = arith.xori %iota3A, %xor3A_1139 : vector<16xi32>
        %gather3A_1141 = tpu.vector_load_idx %arg10[%xor3A_1140] : memref<16xf32, #tpu.memory_space<vmem>>[vector<16xi32>], vector<16xf32>,
        %add3A_1142 = arith.addf %add3A_1135, %gather3A_1141 : vector<16xf32>
        %swap3A_1143 = arith.constant 0 : index
        %swap3A_1144 = tpu.vector_load %arg10[%swap3A_1143] {strides = array<i32>} : memref<16xf32, #tpu.memory_space<vmem>>, vector<16xf32>,
        tpu.vector_store %arg10[%swap3A_1143], %add3A_1142 {strides = array<i32>} : memref<16xf32, #tpu.memory_space<vmem>>, vector<16xf32>,
        %xor3A_1145 = arith.constant 1 : i32
        %xor3A_1146 = vector.broadcast %xor3A_1145 : i32 to vector<16xi32>
        %xor3A_1147 = arith.xori %iota3A, %xor3A_1146 : vector<16xi32>
        %gather3A_1148 = tpu.vector_load_idx %arg10[%xor3A_1147] : memref<16xf32, #tpu.memory_space<vmem>>[vector<16xi32>], vector<16xf32>,
        %add3A_1149 = arith.addf %add3A_1142, %gather3A_1148 : vector<16xf32>
        %eq3A_1150 = arith.constant 5 : i32
        %eq3A_1151 = vector.broadcast %eq3A_1150 : i32 to vector<16xi32>
        %eq3A_1152 = arith.cmpi eq, %iota3A, %eq3A_1151 : vector<16xi32>
        %select_n3A_1153 = arith.select %eq3A_1152, %add3A_1149, %select_n3A_1121 : vector<16xi1>, vector<16xf32>
        %swap3A_1154 = arith.constant 0 : index
        %swap3A_1155 = tpu.vector_load %arg10[%swap3A_1154] {strides = array<i32>} : memref<16xf32, #tpu.memory_space<vmem>>, vector<16xf32>,
        tpu.vector_store %arg10[%swap3A_1154], %scan3A_959#6 {strides = array<i32>} : memref<16xf32, #tpu.memory_space<vmem>>, vector<16xf32>,
        %xor3A_1156 = arith.constant 8 : i32
        %xor3A_1157 = vector.broadcast %xor3A_1156 : i32 to vector<16xi32>
        %xor3A_1158 = arith.xori %iota3A, %xor3A_1157 : vector<16xi32>
        %gather3A_1159 = tpu.vector_load_idx %arg10[%xor3A_1158] : memref<16xf32, #tpu.memory_space<vmem>>[vector<16xi32>], vector<16xf32>,
        %add3A_1160 = arith.addf %scan3A_959#6, %gather3A_1159 : vector<16xf32>
        %swap3A_1161 = arith.constant 0 : index
        %swap3A_1162 = tpu.vector_load %arg10[%swap3A_1161] {strides = array<i32>} : memref<16xf32, #tpu.memory_space<vmem>>, vector<16xf32>,
        tpu.vector_store %arg10[%swap3A_1161], %add3A_1160 {strides = array<i32>} : memref<16xf32, #tpu.memory_space<vmem>>, vector<16xf32>,
        %xor3A_1163 = arith.constant 4 : i32
        %xor3A_1164 = vector.broadcast %xor3A_1163 : i32 to vector<16xi32>
        %xor3A_1165 = arith.xori %iota3A, %xor3A_1164 : vector<16xi32>
        %gather3A_1166 = tpu.vector_load_idx %arg10[%xor3A_1165] : memref<16xf32, #tpu.memory_space<vmem>>[vector<16xi32>], vector<16xf32>,
        %add3A_1167 = arith.addf %add3A_1160, %gather3A_1166 : vector<16xf32>
        %swap3A_1168 = arith.constant 0 : index
        %swap3A_1169 = tpu.vector_load %arg10[%swap3A_1168] {strides = array<i32>} : memref<16xf32, #tpu.memory_space<vmem>>, vector<16xf32>,
        tpu.vector_store %arg10[%swap3A_1168], %add3A_1167 {strides = array<i32>} : memref<16xf32, #tpu.memory_space<vmem>>, vector<16xf32>,
        %xor3A_1170 = arith.constant 2 : i32
        %xor3A_1171 = vector.broadcast %xor3A_1170 : i32 to vector<16xi32>
        %xor3A_1172 = arith.xori %iota3A, %xor3A_1171 : vector<16xi32>
        %gather3A_1173 = tpu.vector_load_idx %arg10[%xor3A_1172] : memref<16xf32, #tpu.memory_space<vmem>>[vector<16xi32>], vector<16xf32>,
        %add3A_1174 = arith.addf %add3A_1167, %gather3A_1173 : vector<16xf32>
        %swap3A_1175 = arith.constant 0 : index
        %swap3A_1176 = tpu.vector_load %arg10[%swap3A_1175] {strides = array<i32>} : memref<16xf32, #tpu.memory_space<vmem>>, vector<16xf32>,
        tpu.vector_store %arg10[%swap3A_1175], %add3A_1174 {strides = array<i32>} : memref<16xf32, #tpu.memory_space<vmem>>, vector<16xf32>,
        %xor3A_1177 = arith.constant 1 : i32
        %xor3A_1178 = vector.broadcast %xor3A_1177 : i32 to vector<16xi32>
        %xor3A_1179 = arith.xori %iota3A, %xor3A_1178 : vector<16xi32>
        %gather3A_1180 = tpu.vector_load_idx %arg10[%xor3A_1179] : memref<16xf32, #tpu.memory_space<vmem>>[vector<16xi32>], vector<16xf32>,
        %add3A_1181 = arith.addf %add3A_1174, %gather3A_1180 : vector<16xf32>
        %eq3A_1182 = arith.constant 6 : i32
        %eq3A_1183 = vector.broadcast %eq3A_1182 : i32 to vector<16xi32>
        %eq3A_1184 = arith.cmpi eq, %iota3A, %eq3A_1183 : vector<16xi32>
        %select_n3A_1185 = arith.select %eq3A_1184, %add3A_1181, %select_n3A_1153 : vector<16xi1>, vector<16xf32>
        %swap3A_1186 = arith.constant 0 : index
        %swap3A_1187 = tpu.vector_load %arg10[%swap3A_1186] {strides = array<i32>} : memref<16xf32, #tpu.memory_space<vmem>>, vector<16xf32>,
        tpu.vector_store %arg10[%swap3A_1186], %scan3A_959#7 {strides = array<i32>} : memref<16xf32, #tpu.memory_space<vmem>>, vector<16xf32>,
        %xor3A_1188 = arith.constant 8 : i32
        %xor3A_1189 = vector.broadcast %xor3A_1188 : i32 to vector<16xi32>
        %xor3A_1190 = arith.xori %iota3A, %xor3A_1189 : vector<16xi32>
        %gather3A_1191 = tpu.vector_load_idx %arg10[%xor3A_1190] : memref<16xf32, #tpu.memory_space<vmem>>[vector<16xi32>], vector<16xf32>,
        %add3A_1192 = arith.addf %scan3A_959#7, %gather3A_1191 : vector<16xf32>
        %swap3A_1193 = arith.constant 0 : index
        %swap3A_1194 = tpu.vector_load %arg10[%swap3A_1193] {strides = array<i32>} : memref<16xf32, #tpu.memory_space<vmem>>, vector<16xf32>,
        tpu.vector_store %arg10[%swap3A_1193], %add3A_1192 {strides = array<i32>} : memref<16xf32, #tpu.memory_space<vmem>>, vector<16xf32>,
        %xor3A_1195 = arith.constant 4 : i32
        %xor3A_1196 = vector.broadcast %xor3A_1195 : i32 to vector<16xi32>
        %xor3A_1197 = arith.xori %iota3A, %xor3A_1196 : vector<16xi32>
        %gather3A_1198 = tpu.vector_load_idx %arg10[%xor3A_1197] : memref<16xf32, #tpu.memory_space<vmem>>[vector<16xi32>], vector<16xf32>,
        %add3A_1199 = arith.addf %add3A_1192, %gather3A_1198 : vector<16xf32>
        %swap3A_1200 = arith.constant 0 : index
        %swap3A_1201 = tpu.vector_load %arg10[%swap3A_1200] {strides = array<i32>} : memref<16xf32, #tpu.memory_space<vmem>>, vector<16xf32>,
        tpu.vector_store %arg10[%swap3A_1200], %add3A_1199 {strides = array<i32>} : memref<16xf32, #tpu.memory_space<vmem>>, vector<16xf32>,
        %xor3A_1202 = arith.constant 2 : i32
        %xor3A_1203 = vector.broadcast %xor3A_1202 : i32 to vector<16xi32>
        %xor3A_1204 = arith.xori %iota3A, %xor3A_1203 : vector<16xi32>
        %gather3A_1205 = tpu.vector_load_idx %arg10[%xor3A_1204] : memref<16xf32, #tpu.memory_space<vmem>>[vector<16xi32>], vector<16xf32>,
        %add3A_1206 = arith.addf %add3A_1199, %gather3A_1205 : vector<16xf32>
        %swap3A_1207 = arith.constant 0 : index
        %swap3A_1208 = tpu.vector_load %arg10[%swap3A_1207] {strides = array<i32>} : memref<16xf32, #tpu.memory_space<vmem>>, vector<16xf32>,
        tpu.vector_store %arg10[%swap3A_1207], %add3A_1206 {strides = array<i32>} : memref<16xf32, #tpu.memory_space<vmem>>, vector<16xf32>,
        %xor3A_1209 = arith.constant 1 : i32
        %xor3A_1210 = vector.broadcast %xor3A_1209 : i32 to vector<16xi32>
        %xor3A_1211 = arith.xori %iota3A, %xor3A_1210 : vector<16xi32>
        %gather3A_1212 = tpu.vector_load_idx %arg10[%xor3A_1211] : memref<16xf32, #tpu.memory_space<vmem>>[vector<16xi32>], vector<16xf32>,
        %add3A_1213 = arith.addf %add3A_1206, %gather3A_1212 : vector<16xf32>
        %eq3A_1214 = arith.constant 7 : i32
        %eq3A_1215 = vector.broadcast %eq3A_1214 : i32 to vector<16xi32>
        %eq3A_1216 = arith.cmpi eq, %iota3A, %eq3A_1215 : vector<16xi32>
        %select_n3A_1217 = arith.select %eq3A_1216, %add3A_1213, %select_n3A_1185 : vector<16xi1>, vector<16xf32>
        %mul3A_1218 = arith.constant 16 : i32
        %mul3A_1219 = arith.muli %add3A_731, %mul3A_1218 : i32
        %add3A_1220 = arith.constant 2016 : i32
        %add3A_1221 = arith.addi %add3A_1220, %mul3A_1219 : i32
        %add3A_1222 = arith.addi %add3A_1221, %mul3A_774 : i32
        %add3A_1223 = arith.constant 0 : i32
        %add3A_1224 = arith.addi %add3A_1222, %add3A_1223 : i32
        %get3A = arith.constant 0 : index
        %get3A_1225 = tpu.vector_load %arg8[%get3A] {strides = array<i32>} : memref<16xf32, #tpu.memory_space<vmem>>, vector<16xf32>,
        %gt3A = arith.cmpf ogt, %select_n3A_1217, %get3A_1225 : vector<16xf32>
        %select_n3A_1226 = arith.select %gt3A, %select_n3A_1217, %get3A_1225 : vector<16xi1>, vector<16xf32>
        %swap3A_1227 = arith.constant 0 : index
        %swap3A_1228 = tpu.vector_load %arg8[%swap3A_1227] {strides = array<i32>} : memref<16xf32, #tpu.memory_space<vmem>>, vector<16xf32>,
        tpu.vector_store %arg8[%swap3A_1227], %select_n3A_1226 {strides = array<i32>} : memref<16xf32, #tpu.memory_space<vmem>>, vector<16xf32>,
        %broadcast_in_dim3A_1229 = vector.broadcast %add3A_1224 : i32 to vector<16xi32>
        %get3A_1230 = arith.constant 0 : index
        %get3A_1231 = tpu.vector_load %arg9[%get3A_1230] {strides = array<i32>} : memref<16xi32, #tpu.memory_space<vmem>>, vector<16xi32>,
        %select_n3A_1232 = arith.select %gt3A, %broadcast_in_dim3A_1229, %get3A_1231 : vector<16xi1>, vector<16xi32>
        %swap3A_1233 = arith.constant 0 : index
        %swap3A_1234 = tpu.vector_load %arg9[%swap3A_1233] {strides = array<i32>} : memref<16xi32, #tpu.memory_space<vmem>>, vector<16xi32>,
        tpu.vector_store %arg9[%swap3A_1233], %select_n3A_1232 {strides = array<i32>} : memref<16xi32, #tpu.memory_space<vmem>>, vector<16xi32>,
        %broadcast_in_dim3A_1235 = arith.constant 0xFF800000 : f32
        %broadcast_in_dim3A_1236 = vector.broadcast %broadcast_in_dim3A_1235 : f32 to vector<16xf32>
        %swap3A_1237 = arith.constant 0 : index
        %swap3A_1238 = tpu.vector_load %arg10[%swap3A_1237] {strides = array<i32>} : memref<16xf32, #tpu.memory_space<vmem>>, vector<16xf32>,
        tpu.vector_store %arg10[%swap3A_1237], %scan3A_959#8 {strides = array<i32>} : memref<16xf32, #tpu.memory_space<vmem>>, vector<16xf32>,
        %xor3A_1239 = arith.constant 8 : i32
        %xor3A_1240 = vector.broadcast %xor3A_1239 : i32 to vector<16xi32>
        %xor3A_1241 = arith.xori %iota3A, %xor3A_1240 : vector<16xi32>
        %gather3A_1242 = tpu.vector_load_idx %arg10[%xor3A_1241] : memref<16xf32, #tpu.memory_space<vmem>>[vector<16xi32>], vector<16xf32>,
        %add3A_1243 = arith.addf %scan3A_959#8, %gather3A_1242 : vector<16xf32>
        %swap3A_1244 = arith.constant 0 : index
        %swap3A_1245 = tpu.vector_load %arg10[%swap3A_1244] {strides = array<i32>} : memref<16xf32, #tpu.memory_space<vmem>>, vector<16xf32>,
        tpu.vector_store %arg10[%swap3A_1244], %add3A_1243 {strides = array<i32>} : memref<16xf32, #tpu.memory_space<vmem>>, vector<16xf32>,
        %xor3A_1246 = arith.constant 4 : i32
        %xor3A_1247 = vector.broadcast %xor3A_1246 : i32 to vector<16xi32>
        %xor3A_1248 = arith.xori %iota3A, %xor3A_1247 : vector<16xi32>
        %gather3A_1249 = tpu.vector_load_idx %arg10[%xor3A_1248] : memref<16xf32, #tpu.memory_space<vmem>>[vector<16xi32>], vector<16xf32>,
        %add3A_1250 = arith.addf %add3A_1243, %gather3A_1249 : vector<16xf32>
        %swap3A_1251 = arith.constant 0 : index
        %swap3A_1252 = tpu.vector_load %arg10[%swap3A_1251] {strides = array<i32>} : memref<16xf32, #tpu.memory_space<vmem>>, vector<16xf32>,
        tpu.vector_store %arg10[%swap3A_1251], %add3A_1250 {strides = array<i32>} : memref<16xf32, #tpu.memory_space<vmem>>, vector<16xf32>,
        %xor3A_1253 = arith.constant 2 : i32
        %xor3A_1254 = vector.broadcast %xor3A_1253 : i32 to vector<16xi32>
        %xor3A_1255 = arith.xori %iota3A, %xor3A_1254 : vector<16xi32>
        %gather3A_1256 = tpu.vector_load_idx %arg10[%xor3A_1255] : memref<16xf32, #tpu.memory_space<vmem>>[vector<16xi32>], vector<16xf32>,
        %add3A_1257 = arith.addf %add3A_1250, %gather3A_1256 : vector<16xf32>
        %swap3A_1258 = arith.constant 0 : index
        %swap3A_1259 = tpu.vector_load %arg10[%swap3A_1258] {strides = array<i32>} : memref<16xf32, #tpu.memory_space<vmem>>, vector<16xf32>,
        tpu.vector_store %arg10[%swap3A_1258], %add3A_1257 {strides = array<i32>} : memref<16xf32, #tpu.memory_space<vmem>>, vector<16xf32>,
        %xor3A_1260 = arith.constant 1 : i32
        %xor3A_1261 = vector.broadcast %xor3A_1260 : i32 to vector<16xi32>
        %xor3A_1262 = arith.xori %iota3A, %xor3A_1261 : vector<16xi32>
        %gather3A_1263 = tpu.vector_load_idx %arg10[%xor3A_1262] : memref<16xf32, #tpu.memory_space<vmem>>[vector<16xi32>], vector<16xf32>,
        %add3A_1264 = arith.addf %add3A_1257, %gather3A_1263 : vector<16xf32>
        %eq3A_1265 = arith.constant 0 : i32
        %eq3A_1266 = vector.broadcast %eq3A_1265 : i32 to vector<16xi32>
        %eq3A_1267 = arith.cmpi eq, %iota3A, %eq3A_1266 : vector<16xi32>
        %select_n3A_1268 = arith.select %eq3A_1267, %add3A_1264, %broadcast_in_dim3A_1236 : vector<16xi1>, vector<16xf32>
        %swap3A_1269 = arith.constant 0 : index
        %swap3A_1270 = tpu.vector_load %arg10[%swap3A_1269] {strides = array<i32>} : memref<16xf32, #tpu.memory_space<vmem>>, vector<16xf32>,
        tpu.vector_store %arg10[%swap3A_1269], %scan3A_959#9 {strides = array<i32>} : memref<16xf32, #tpu.memory_space<vmem>>, vector<16xf32>,
        %xor3A_1271 = arith.constant 8 : i32
        %xor3A_1272 = vector.broadcast %xor3A_1271 : i32 to vector<16xi32>
        %xor3A_1273 = arith.xori %iota3A, %xor3A_1272 : vector<16xi32>
        %gather3A_1274 = tpu.vector_load_idx %arg10[%xor3A_1273] : memref<16xf32, #tpu.memory_space<vmem>>[vector<16xi32>], vector<16xf32>,
        %add3A_1275 = arith.addf %scan3A_959#9, %gather3A_1274 : vector<16xf32>
        %swap3A_1276 = arith.constant 0 : index
        %swap3A_1277 = tpu.vector_load %arg10[%swap3A_1276] {strides = array<i32>} : memref<16xf32, #tpu.memory_space<vmem>>, vector<16xf32>,
        tpu.vector_store %arg10[%swap3A_1276], %add3A_1275 {strides = array<i32>} : memref<16xf32, #tpu.memory_space<vmem>>, vector<16xf32>,
        %xor3A_1278 = arith.constant 4 : i32
        %xor3A_1279 = vector.broadcast %xor3A_1278 : i32 to vector<16xi32>
        %xor3A_1280 = arith.xori %iota3A, %xor3A_1279 : vector<16xi32>
        %gather3A_1281 = tpu.vector_load_idx %arg10[%xor3A_1280] : memref<16xf32, #tpu.memory_space<vmem>>[vector<16xi32>], vector<16xf32>,
        %add3A_1282 = arith.addf %add3A_1275, %gather3A_1281 : vector<16xf32>
        %swap3A_1283 = arith.constant 0 : index
        %swap3A_1284 = tpu.vector_load %arg10[%swap3A_1283] {strides = array<i32>} : memref<16xf32, #tpu.memory_space<vmem>>, vector<16xf32>,
        tpu.vector_store %arg10[%swap3A_1283], %add3A_1282 {strides = array<i32>} : memref<16xf32, #tpu.memory_space<vmem>>, vector<16xf32>,
        %xor3A_1285 = arith.constant 2 : i32
        %xor3A_1286 = vector.broadcast %xor3A_1285 : i32 to vector<16xi32>
        %xor3A_1287 = arith.xori %iota3A, %xor3A_1286 : vector<16xi32>
        %gather3A_1288 = tpu.vector_load_idx %arg10[%xor3A_1287] : memref<16xf32, #tpu.memory_space<vmem>>[vector<16xi32>], vector<16xf32>,
        %add3A_1289 = arith.addf %add3A_1282, %gather3A_1288 : vector<16xf32>
        %swap3A_1290 = arith.constant 0 : index
        %swap3A_1291 = tpu.vector_load %arg10[%swap3A_1290] {strides = array<i32>} : memref<16xf32, #tpu.memory_space<vmem>>, vector<16xf32>,
        tpu.vector_store %arg10[%swap3A_1290], %add3A_1289 {strides = array<i32>} : memref<16xf32, #tpu.memory_space<vmem>>, vector<16xf32>,
        %xor3A_1292 = arith.constant 1 : i32
        %xor3A_1293 = vector.broadcast %xor3A_1292 : i32 to vector<16xi32>
        %xor3A_1294 = arith.xori %iota3A, %xor3A_1293 : vector<16xi32>
        %gather3A_1295 = tpu.vector_load_idx %arg10[%xor3A_1294] : memref<16xf32, #tpu.memory_space<vmem>>[vector<16xi32>], vector<16xf32>,
        %add3A_1296 = arith.addf %add3A_1289, %gather3A_1295 : vector<16xf32>
        %eq3A_1297 = arith.constant 1 : i32
        %eq3A_1298 = vector.broadcast %eq3A_1297 : i32 to vector<16xi32>
        %eq3A_1299 = arith.cmpi eq, %iota3A, %eq3A_1298 : vector<16xi32>
        %select_n3A_1300 = arith.select %eq3A_1299, %add3A_1296, %select_n3A_1268 : vector<16xi1>, vector<16xf32>
        %swap3A_1301 = arith.constant 0 : index
        %swap3A_1302 = tpu.vector_load %arg10[%swap3A_1301] {strides = array<i32>} : memref<16xf32, #tpu.memory_space<vmem>>, vector<16xf32>,
        tpu.vector_store %arg10[%swap3A_1301], %scan3A_959#10 {strides = array<i32>} : memref<16xf32, #tpu.memory_space<vmem>>, vector<16xf32>,
        %xor3A_1303 = arith.constant 8 : i32
        %xor3A_1304 = vector.broadcast %xor3A_1303 : i32 to vector<16xi32>
        %xor3A_1305 = arith.xori %iota3A, %xor3A_1304 : vector<16xi32>
        %gather3A_1306 = tpu.vector_load_idx %arg10[%xor3A_1305] : memref<16xf32, #tpu.memory_space<vmem>>[vector<16xi32>], vector<16xf32>,
        %add3A_1307 = arith.addf %scan3A_959#10, %gather3A_1306 : vector<16xf32>
        %swap3A_1308 = arith.constant 0 : index
        %swap3A_1309 = tpu.vector_load %arg10[%swap3A_1308] {strides = array<i32>} : memref<16xf32, #tpu.memory_space<vmem>>, vector<16xf32>,
        tpu.vector_store %arg10[%swap3A_1308], %add3A_1307 {strides = array<i32>} : memref<16xf32, #tpu.memory_space<vmem>>, vector<16xf32>,
        %xor3A_1310 = arith.constant 4 : i32
        %xor3A_1311 = vector.broadcast %xor3A_1310 : i32 to vector<16xi32>
        %xor3A_1312 = arith.xori %iota3A, %xor3A_1311 : vector<16xi32>
        %gather3A_1313 = tpu.vector_load_idx %arg10[%xor3A_1312] : memref<16xf32, #tpu.memory_space<vmem>>[vector<16xi32>], vector<16xf32>,
        %add3A_1314 = arith.addf %add3A_1307, %gather3A_1313 : vector<16xf32>
        %swap3A_1315 = arith.constant 0 : index
        %swap3A_1316 = tpu.vector_load %arg10[%swap3A_1315] {strides = array<i32>} : memref<16xf32, #tpu.memory_space<vmem>>, vector<16xf32>,
        tpu.vector_store %arg10[%swap3A_1315], %add3A_1314 {strides = array<i32>} : memref<16xf32, #tpu.memory_space<vmem>>, vector<16xf32>,
        %xor3A_1317 = arith.constant 2 : i32
        %xor3A_1318 = vector.broadcast %xor3A_1317 : i32 to vector<16xi32>
        %xor3A_1319 = arith.xori %iota3A, %xor3A_1318 : vector<16xi32>
        %gather3A_1320 = tpu.vector_load_idx %arg10[%xor3A_1319] : memref<16xf32, #tpu.memory_space<vmem>>[vector<16xi32>], vector<16xf32>,
        %add3A_1321 = arith.addf %add3A_1314, %gather3A_1320 : vector<16xf32>
        %swap3A_1322 = arith.constant 0 : index
        %swap3A_1323 = tpu.vector_load %arg10[%swap3A_1322] {strides = array<i32>} : memref<16xf32, #tpu.memory_space<vmem>>, vector<16xf32>,
        tpu.vector_store %arg10[%swap3A_1322], %add3A_1321 {strides = array<i32>} : memref<16xf32, #tpu.memory_space<vmem>>, vector<16xf32>,
        %xor3A_1324 = arith.constant 1 : i32
        %xor3A_1325 = vector.broadcast %xor3A_1324 : i32 to vector<16xi32>
        %xor3A_1326 = arith.xori %iota3A, %xor3A_1325 : vector<16xi32>
        %gather3A_1327 = tpu.vector_load_idx %arg10[%xor3A_1326] : memref<16xf32, #tpu.memory_space<vmem>>[vector<16xi32>], vector<16xf32>,
        %add3A_1328 = arith.addf %add3A_1321, %gather3A_1327 : vector<16xf32>
        %eq3A_1329 = arith.constant 2 : i32
        %eq3A_1330 = vector.broadcast %eq3A_1329 : i32 to vector<16xi32>
        %eq3A_1331 = arith.cmpi eq, %iota3A, %eq3A_1330 : vector<16xi32>
        %select_n3A_1332 = arith.select %eq3A_1331, %add3A_1328, %select_n3A_1300 : vector<16xi1>, vector<16xf32>
        %swap3A_1333 = arith.constant 0 : index
        %swap3A_1334 = tpu.vector_load %arg10[%swap3A_1333] {strides = array<i32>} : memref<16xf32, #tpu.memory_space<vmem>>, vector<16xf32>,
        tpu.vector_store %arg10[%swap3A_1333], %scan3A_959#11 {strides = array<i32>} : memref<16xf32, #tpu.memory_space<vmem>>, vector<16xf32>,
        %xor3A_1335 = arith.constant 8 : i32
        %xor3A_1336 = vector.broadcast %xor3A_1335 : i32 to vector<16xi32>
        %xor3A_1337 = arith.xori %iota3A, %xor3A_1336 : vector<16xi32>
        %gather3A_1338 = tpu.vector_load_idx %arg10[%xor3A_1337] : memref<16xf32, #tpu.memory_space<vmem>>[vector<16xi32>], vector<16xf32>,
        %add3A_1339 = arith.addf %scan3A_959#11, %gather3A_1338 : vector<16xf32>
        %swap3A_1340 = arith.constant 0 : index
        %swap3A_1341 = tpu.vector_load %arg10[%swap3A_1340] {strides = array<i32>} : memref<16xf32, #tpu.memory_space<vmem>>, vector<16xf32>,
        tpu.vector_store %arg10[%swap3A_1340], %add3A_1339 {strides = array<i32>} : memref<16xf32, #tpu.memory_space<vmem>>, vector<16xf32>,
        %xor3A_1342 = arith.constant 4 : i32
        %xor3A_1343 = vector.broadcast %xor3A_1342 : i32 to vector<16xi32>
        %xor3A_1344 = arith.xori %iota3A, %xor3A_1343 : vector<16xi32>
        %gather3A_1345 = tpu.vector_load_idx %arg10[%xor3A_1344] : memref<16xf32, #tpu.memory_space<vmem>>[vector<16xi32>], vector<16xf32>,
        %add3A_1346 = arith.addf %add3A_1339, %gather3A_1345 : vector<16xf32>
        %swap3A_1347 = arith.constant 0 : index
        %swap3A_1348 = tpu.vector_load %arg10[%swap3A_1347] {strides = array<i32>} : memref<16xf32, #tpu.memory_space<vmem>>, vector<16xf32>,
        tpu.vector_store %arg10[%swap3A_1347], %add3A_1346 {strides = array<i32>} : memref<16xf32, #tpu.memory_space<vmem>>, vector<16xf32>,
        %xor3A_1349 = arith.constant 2 : i32
        %xor3A_1350 = vector.broadcast %xor3A_1349 : i32 to vector<16xi32>
        %xor3A_1351 = arith.xori %iota3A, %xor3A_1350 : vector<16xi32>
        %gather3A_1352 = tpu.vector_load_idx %arg10[%xor3A_1351] : memref<16xf32, #tpu.memory_space<vmem>>[vector<16xi32>], vector<16xf32>,
        %add3A_1353 = arith.addf %add3A_1346, %gather3A_1352 : vector<16xf32>
        %swap3A_1354 = arith.constant 0 : index
        %swap3A_1355 = tpu.vector_load %arg10[%swap3A_1354] {strides = array<i32>} : memref<16xf32, #tpu.memory_space<vmem>>, vector<16xf32>,
        tpu.vector_store %arg10[%swap3A_1354], %add3A_1353 {strides = array<i32>} : memref<16xf32, #tpu.memory_space<vmem>>, vector<16xf32>,
        %xor3A_1356 = arith.constant 1 : i32
        %xor3A_1357 = vector.broadcast %xor3A_1356 : i32 to vector<16xi32>
        %xor3A_1358 = arith.xori %iota3A, %xor3A_1357 : vector<16xi32>
        %gather3A_1359 = tpu.vector_load_idx %arg10[%xor3A_1358] : memref<16xf32, #tpu.memory_space<vmem>>[vector<16xi32>], vector<16xf32>,
        %add3A_1360 = arith.addf %add3A_1353, %gather3A_1359 : vector<16xf32>
        %eq3A_1361 = arith.constant 3 : i32
        %eq3A_1362 = vector.broadcast %eq3A_1361 : i32 to vector<16xi32>
        %eq3A_1363 = arith.cmpi eq, %iota3A, %eq3A_1362 : vector<16xi32>
        %select_n3A_1364 = arith.select %eq3A_1363, %add3A_1360, %select_n3A_1332 : vector<16xi1>, vector<16xf32>
        %swap3A_1365 = arith.constant 0 : index
        %swap3A_1366 = tpu.vector_load %arg10[%swap3A_1365] {strides = array<i32>} : memref<16xf32, #tpu.memory_space<vmem>>, vector<16xf32>,
        tpu.vector_store %arg10[%swap3A_1365], %scan3A_959#12 {strides = array<i32>} : memref<16xf32, #tpu.memory_space<vmem>>, vector<16xf32>,
        %xor3A_1367 = arith.constant 8 : i32
        %xor3A_1368 = vector.broadcast %xor3A_1367 : i32 to vector<16xi32>
        %xor3A_1369 = arith.xori %iota3A, %xor3A_1368 : vector<16xi32>
        %gather3A_1370 = tpu.vector_load_idx %arg10[%xor3A_1369] : memref<16xf32, #tpu.memory_space<vmem>>[vector<16xi32>], vector<16xf32>,
        %add3A_1371 = arith.addf %scan3A_959#12, %gather3A_1370 : vector<16xf32>
        %swap3A_1372 = arith.constant 0 : index
        %swap3A_1373 = tpu.vector_load %arg10[%swap3A_1372] {strides = array<i32>} : memref<16xf32, #tpu.memory_space<vmem>>, vector<16xf32>,
        tpu.vector_store %arg10[%swap3A_1372], %add3A_1371 {strides = array<i32>} : memref<16xf32, #tpu.memory_space<vmem>>, vector<16xf32>,
        %xor3A_1374 = arith.constant 4 : i32
        %xor3A_1375 = vector.broadcast %xor3A_1374 : i32 to vector<16xi32>
        %xor3A_1376 = arith.xori %iota3A, %xor3A_1375 : vector<16xi32>
        %gather3A_1377 = tpu.vector_load_idx %arg10[%xor3A_1376] : memref<16xf32, #tpu.memory_space<vmem>>[vector<16xi32>], vector<16xf32>,
        %add3A_1378 = arith.addf %add3A_1371, %gather3A_1377 : vector<16xf32>
        %swap3A_1379 = arith.constant 0 : index
        %swap3A_1380 = tpu.vector_load %arg10[%swap3A_1379] {strides = array<i32>} : memref<16xf32, #tpu.memory_space<vmem>>, vector<16xf32>,
        tpu.vector_store %arg10[%swap3A_1379], %add3A_1378 {strides = array<i32>} : memref<16xf32, #tpu.memory_space<vmem>>, vector<16xf32>,
        %xor3A_1381 = arith.constant 2 : i32
        %xor3A_1382 = vector.broadcast %xor3A_1381 : i32 to vector<16xi32>
        %xor3A_1383 = arith.xori %iota3A, %xor3A_1382 : vector<16xi32>
        %gather3A_1384 = tpu.vector_load_idx %arg10[%xor3A_1383] : memref<16xf32, #tpu.memory_space<vmem>>[vector<16xi32>], vector<16xf32>,
        %add3A_1385 = arith.addf %add3A_1378, %gather3A_1384 : vector<16xf32>
        %swap3A_1386 = arith.constant 0 : index
        %swap3A_1387 = tpu.vector_load %arg10[%swap3A_1386] {strides = array<i32>} : memref<16xf32, #tpu.memory_space<vmem>>, vector<16xf32>,
        tpu.vector_store %arg10[%swap3A_1386], %add3A_1385 {strides = array<i32>} : memref<16xf32, #tpu.memory_space<vmem>>, vector<16xf32>,
        %xor3A_1388 = arith.constant 1 : i32
        %xor3A_1389 = vector.broadcast %xor3A_1388 : i32 to vector<16xi32>
        %xor3A_1390 = arith.xori %iota3A, %xor3A_1389 : vector<16xi32>
        %gather3A_1391 = tpu.vector_load_idx %arg10[%xor3A_1390] : memref<16xf32, #tpu.memory_space<vmem>>[vector<16xi32>], vector<16xf32>,
        %add3A_1392 = arith.addf %add3A_1385, %gather3A_1391 : vector<16xf32>
        %eq3A_1393 = arith.constant 4 : i32
        %eq3A_1394 = vector.broadcast %eq3A_1393 : i32 to vector<16xi32>
        %eq3A_1395 = arith.cmpi eq, %iota3A, %eq3A_1394 : vector<16xi32>
        %select_n3A_1396 = arith.select %eq3A_1395, %add3A_1392, %select_n3A_1364 : vector<16xi1>, vector<16xf32>
        %swap3A_1397 = arith.constant 0 : index
        %swap3A_1398 = tpu.vector_load %arg10[%swap3A_1397] {strides = array<i32>} : memref<16xf32, #tpu.memory_space<vmem>>, vector<16xf32>,
        tpu.vector_store %arg10[%swap3A_1397], %scan3A_959#13 {strides = array<i32>} : memref<16xf32, #tpu.memory_space<vmem>>, vector<16xf32>,
        %xor3A_1399 = arith.constant 8 : i32
        %xor3A_1400 = vector.broadcast %xor3A_1399 : i32 to vector<16xi32>
        %xor3A_1401 = arith.xori %iota3A, %xor3A_1400 : vector<16xi32>
        %gather3A_1402 = tpu.vector_load_idx %arg10[%xor3A_1401] : memref<16xf32, #tpu.memory_space<vmem>>[vector<16xi32>], vector<16xf32>,
        %add3A_1403 = arith.addf %scan3A_959#13, %gather3A_1402 : vector<16xf32>
        %swap3A_1404 = arith.constant 0 : index
        %swap3A_1405 = tpu.vector_load %arg10[%swap3A_1404] {strides = array<i32>} : memref<16xf32, #tpu.memory_space<vmem>>, vector<16xf32>,
        tpu.vector_store %arg10[%swap3A_1404], %add3A_1403 {strides = array<i32>} : memref<16xf32, #tpu.memory_space<vmem>>, vector<16xf32>,
        %xor3A_1406 = arith.constant 4 : i32
        %xor3A_1407 = vector.broadcast %xor3A_1406 : i32 to vector<16xi32>
        %xor3A_1408 = arith.xori %iota3A, %xor3A_1407 : vector<16xi32>
        %gather3A_1409 = tpu.vector_load_idx %arg10[%xor3A_1408] : memref<16xf32, #tpu.memory_space<vmem>>[vector<16xi32>], vector<16xf32>,
        %add3A_1410 = arith.addf %add3A_1403, %gather3A_1409 : vector<16xf32>
        %swap3A_1411 = arith.constant 0 : index
        %swap3A_1412 = tpu.vector_load %arg10[%swap3A_1411] {strides = array<i32>} : memref<16xf32, #tpu.memory_space<vmem>>, vector<16xf32>,
        tpu.vector_store %arg10[%swap3A_1411], %add3A_1410 {strides = array<i32>} : memref<16xf32, #tpu.memory_space<vmem>>, vector<16xf32>,
        %xor3A_1413 = arith.constant 2 : i32
        %xor3A_1414 = vector.broadcast %xor3A_1413 : i32 to vector<16xi32>
        %xor3A_1415 = arith.xori %iota3A, %xor3A_1414 : vector<16xi32>
        %gather3A_1416 = tpu.vector_load_idx %arg10[%xor3A_1415] : memref<16xf32, #tpu.memory_space<vmem>>[vector<16xi32>], vector<16xf32>,
        %add3A_1417 = arith.addf %add3A_1410, %gather3A_1416 : vector<16xf32>
        %swap3A_1418 = arith.constant 0 : index
        %swap3A_1419 = tpu.vector_load %arg10[%swap3A_1418] {strides = array<i32>} : memref<16xf32, #tpu.memory_space<vmem>>, vector<16xf32>,
        tpu.vector_store %arg10[%swap3A_1418], %add3A_1417 {strides = array<i32>} : memref<16xf32, #tpu.memory_space<vmem>>, vector<16xf32>,
        %xor3A_1420 = arith.constant 1 : i32
        %xor3A_1421 = vector.broadcast %xor3A_1420 : i32 to vector<16xi32>
        %xor3A_1422 = arith.xori %iota3A, %xor3A_1421 : vector<16xi32>
        %gather3A_1423 = tpu.vector_load_idx %arg10[%xor3A_1422] : memref<16xf32, #tpu.memory_space<vmem>>[vector<16xi32>], vector<16xf32>,
        %add3A_1424 = arith.addf %add3A_1417, %gather3A_1423 : vector<16xf32>
        %eq3A_1425 = arith.constant 5 : i32
        %eq3A_1426 = vector.broadcast %eq3A_1425 : i32 to vector<16xi32>
        %eq3A_1427 = arith.cmpi eq, %iota3A, %eq3A_1426 : vector<16xi32>
        %select_n3A_1428 = arith.select %eq3A_1427, %add3A_1424, %select_n3A_1396 : vector<16xi1>, vector<16xf32>
        %swap3A_1429 = arith.constant 0 : index
        %swap3A_1430 = tpu.vector_load %arg10[%swap3A_1429] {strides = array<i32>} : memref<16xf32, #tpu.memory_space<vmem>>, vector<16xf32>,
        tpu.vector_store %arg10[%swap3A_1429], %scan3A_959#14 {strides = array<i32>} : memref<16xf32, #tpu.memory_space<vmem>>, vector<16xf32>,
        %xor3A_1431 = arith.constant 8 : i32
        %xor3A_1432 = vector.broadcast %xor3A_1431 : i32 to vector<16xi32>
        %xor3A_1433 = arith.xori %iota3A, %xor3A_1432 : vector<16xi32>
        %gather3A_1434 = tpu.vector_load_idx %arg10[%xor3A_1433] : memref<16xf32, #tpu.memory_space<vmem>>[vector<16xi32>], vector<16xf32>,
        %add3A_1435 = arith.addf %scan3A_959#14, %gather3A_1434 : vector<16xf32>
        %swap3A_1436 = arith.constant 0 : index
        %swap3A_1437 = tpu.vector_load %arg10[%swap3A_1436] {strides = array<i32>} : memref<16xf32, #tpu.memory_space<vmem>>, vector<16xf32>,
        tpu.vector_store %arg10[%swap3A_1436], %add3A_1435 {strides = array<i32>} : memref<16xf32, #tpu.memory_space<vmem>>, vector<16xf32>,
        %xor3A_1438 = arith.constant 4 : i32
        %xor3A_1439 = vector.broadcast %xor3A_1438 : i32 to vector<16xi32>
        %xor3A_1440 = arith.xori %iota3A, %xor3A_1439 : vector<16xi32>
        %gather3A_1441 = tpu.vector_load_idx %arg10[%xor3A_1440] : memref<16xf32, #tpu.memory_space<vmem>>[vector<16xi32>], vector<16xf32>,
        %add3A_1442 = arith.addf %add3A_1435, %gather3A_1441 : vector<16xf32>
        %swap3A_1443 = arith.constant 0 : index
        %swap3A_1444 = tpu.vector_load %arg10[%swap3A_1443] {strides = array<i32>} : memref<16xf32, #tpu.memory_space<vmem>>, vector<16xf32>,
        tpu.vector_store %arg10[%swap3A_1443], %add3A_1442 {strides = array<i32>} : memref<16xf32, #tpu.memory_space<vmem>>, vector<16xf32>,
        %xor3A_1445 = arith.constant 2 : i32
        %xor3A_1446 = vector.broadcast %xor3A_1445 : i32 to vector<16xi32>
        %xor3A_1447 = arith.xori %iota3A, %xor3A_1446 : vector<16xi32>
        %gather3A_1448 = tpu.vector_load_idx %arg10[%xor3A_1447] : memref<16xf32, #tpu.memory_space<vmem>>[vector<16xi32>], vector<16xf32>,
        %add3A_1449 = arith.addf %add3A_1442, %gather3A_1448 : vector<16xf32>
        %swap3A_1450 = arith.constant 0 : index
        %swap3A_1451 = tpu.vector_load %arg10[%swap3A_1450] {strides = array<i32>} : memref<16xf32, #tpu.memory_space<vmem>>, vector<16xf32>,
        tpu.vector_store %arg10[%swap3A_1450], %add3A_1449 {strides = array<i32>} : memref<16xf32, #tpu.memory_space<vmem>>, vector<16xf32>,
        %xor3A_1452 = arith.constant 1 : i32
        %xor3A_1453 = vector.broadcast %xor3A_1452 : i32 to vector<16xi32>
        %xor3A_1454 = arith.xori %iota3A, %xor3A_1453 : vector<16xi32>
        %gather3A_1455 = tpu.vector_load_idx %arg10[%xor3A_1454] : memref<16xf32, #tpu.memory_space<vmem>>[vector<16xi32>], vector<16xf32>,
        %add3A_1456 = arith.addf %add3A_1449, %gather3A_1455 : vector<16xf32>
        %eq3A_1457 = arith.constant 6 : i32
        %eq3A_1458 = vector.broadcast %eq3A_1457 : i32 to vector<16xi32>
        %eq3A_1459 = arith.cmpi eq, %iota3A, %eq3A_1458 : vector<16xi32>
        %select_n3A_1460 = arith.select %eq3A_1459, %add3A_1456, %select_n3A_1428 : vector<16xi1>, vector<16xf32>
        %swap3A_1461 = arith.constant 0 : index
        %swap3A_1462 = tpu.vector_load %arg10[%swap3A_1461] {strides = array<i32>} : memref<16xf32, #tpu.memory_space<vmem>>, vector<16xf32>,
        tpu.vector_store %arg10[%swap3A_1461], %scan3A_959#15 {strides = array<i32>} : memref<16xf32, #tpu.memory_space<vmem>>, vector<16xf32>,
        %xor3A_1463 = arith.constant 8 : i32
        %xor3A_1464 = vector.broadcast %xor3A_1463 : i32 to vector<16xi32>
        %xor3A_1465 = arith.xori %iota3A, %xor3A_1464 : vector<16xi32>
        %gather3A_1466 = tpu.vector_load_idx %arg10[%xor3A_1465] : memref<16xf32, #tpu.memory_space<vmem>>[vector<16xi32>], vector<16xf32>,
        %add3A_1467 = arith.addf %scan3A_959#15, %gather3A_1466 : vector<16xf32>
        %swap3A_1468 = arith.constant 0 : index
        %swap3A_1469 = tpu.vector_load %arg10[%swap3A_1468] {strides = array<i32>} : memref<16xf32, #tpu.memory_space<vmem>>, vector<16xf32>,
        tpu.vector_store %arg10[%swap3A_1468], %add3A_1467 {strides = array<i32>} : memref<16xf32, #tpu.memory_space<vmem>>, vector<16xf32>,
        %xor3A_1470 = arith.constant 4 : i32
        %xor3A_1471 = vector.broadcast %xor3A_1470 : i32 to vector<16xi32>
        %xor3A_1472 = arith.xori %iota3A, %xor3A_1471 : vector<16xi32>
        %gather3A_1473 = tpu.vector_load_idx %arg10[%xor3A_1472] : memref<16xf32, #tpu.memory_space<vmem>>[vector<16xi32>], vector<16xf32>,
        %add3A_1474 = arith.addf %add3A_1467, %gather3A_1473 : vector<16xf32>
        %swap3A_1475 = arith.constant 0 : index
        %swap3A_1476 = tpu.vector_load %arg10[%swap3A_1475] {strides = array<i32>} : memref<16xf32, #tpu.memory_space<vmem>>, vector<16xf32>,
        tpu.vector_store %arg10[%swap3A_1475], %add3A_1474 {strides = array<i32>} : memref<16xf32, #tpu.memory_space<vmem>>, vector<16xf32>,
        %xor3A_1477 = arith.constant 2 : i32
        %xor3A_1478 = vector.broadcast %xor3A_1477 : i32 to vector<16xi32>
        %xor3A_1479 = arith.xori %iota3A, %xor3A_1478 : vector<16xi32>
        %gather3A_1480 = tpu.vector_load_idx %arg10[%xor3A_1479] : memref<16xf32, #tpu.memory_space<vmem>>[vector<16xi32>], vector<16xf32>,
        %add3A_1481 = arith.addf %add3A_1474, %gather3A_1480 : vector<16xf32>
        %swap3A_1482 = arith.constant 0 : index
        %swap3A_1483 = tpu.vector_load %arg10[%swap3A_1482] {strides = array<i32>} : memref<16xf32, #tpu.memory_space<vmem>>, vector<16xf32>,
        tpu.vector_store %arg10[%swap3A_1482], %add3A_1481 {strides = array<i32>} : memref<16xf32, #tpu.memory_space<vmem>>, vector<16xf32>,
        %xor3A_1484 = arith.constant 1 : i32
        %xor3A_1485 = vector.broadcast %xor3A_1484 : i32 to vector<16xi32>
        %xor3A_1486 = arith.xori %iota3A, %xor3A_1485 : vector<16xi32>
        %gather3A_1487 = tpu.vector_load_idx %arg10[%xor3A_1486] : memref<16xf32, #tpu.memory_space<vmem>>[vector<16xi32>], vector<16xf32>,
        %add3A_1488 = arith.addf %add3A_1481, %gather3A_1487 : vector<16xf32>
        %eq3A_1489 = arith.constant 7 : i32
        %eq3A_1490 = vector.broadcast %eq3A_1489 : i32 to vector<16xi32>
        %eq3A_1491 = arith.cmpi eq, %iota3A, %eq3A_1490 : vector<16xi32>
        %select_n3A_1492 = arith.select %eq3A_1491, %add3A_1488, %select_n3A_1460 : vector<16xi1>, vector<16xf32>
        %mul3A_1493 = arith.constant 16 : i32
        %mul3A_1494 = arith.muli %add3A_731, %mul3A_1493 : i32
        %add3A_1495 = arith.constant 2016 : i32
        %add3A_1496 = arith.addi %add3A_1495, %mul3A_1494 : i32
        %add3A_1497 = arith.addi %add3A_1496, %mul3A_774 : i32
        %add3A_1498 = arith.constant 1 : i32
        %add3A_1499 = arith.addi %add3A_1497, %add3A_1498 : i32
        %get3A_1500 = arith.constant 0 : index
        %get3A_1501 = tpu.vector_load %arg8[%get3A_1500] {strides = array<i32>} : memref<16xf32, #tpu.memory_space<vmem>>, vector<16xf32>,
        %gt3A_1502 = arith.cmpf ogt, %select_n3A_1492, %get3A_1501 : vector<16xf32>
        %select_n3A_1503 = arith.select %gt3A_1502, %select_n3A_1492, %get3A_1501 : vector<16xi1>, vector<16xf32>
        %swap3A_1504 = arith.constant 0 : index
        %swap3A_1505 = tpu.vector_load %arg8[%swap3A_1504] {strides = array<i32>} : memref<16xf32, #tpu.memory_space<vmem>>, vector<16xf32>,
        tpu.vector_store %arg8[%swap3A_1504], %select_n3A_1503 {strides = array<i32>} : memref<16xf32, #tpu.memory_space<vmem>>, vector<16xf32>,
        %broadcast_in_dim3A_1506 = vector.broadcast %add3A_1499 : i32 to vector<16xi32>
        %get3A_1507 = arith.constant 0 : index
        %get3A_1508 = tpu.vector_load %arg9[%get3A_1507] {strides = array<i32>} : memref<16xi32, #tpu.memory_space<vmem>>, vector<16xi32>,
        %select_n3A_1509 = arith.select %gt3A_1502, %broadcast_in_dim3A_1506, %get3A_1508 : vector<16xi1>, vector<16xi32>
        %swap3A_1510 = arith.constant 0 : index
        %swap3A_1511 = tpu.vector_load %arg9[%swap3A_1510] {strides = array<i32>} : memref<16xi32, #tpu.memory_space<vmem>>, vector<16xi32>,
        tpu.vector_store %arg9[%swap3A_1510], %select_n3A_1509 {strides = array<i32>} : memref<16xi32, #tpu.memory_space<vmem>>, vector<16xi32>,
        %scan3A_1512 = arith.constant 0 : i32
        scf.yield %scan3A_1512 : i32
      }
      %scan3A_764 = arith.constant 8 : i32
      %scan3A_765 = arith.constant 0 : i32
      %scan3A_766 = arith.constant 1 : i32
      %mul3A_767 = arith.constant 16 : i32
      %mul3A_768 = arith.muli %add3A, %mul3A_767 : i32
      "tpu.region"() ({
        %run_scoped3A = tpu.sem_alloc : memref<!tpu.dma_semaphore, #tpu.memory_space<semaphore_mem>>
        %dma_start3A_771 = tpu.memref_slice %arg4[%mul3A_768] : memref<464xf32, #tpu.memory_space<hbm>> -> memref<16xf32, #tpu.memory_space<hbm>>
        %dma_start3A_772 = tpu.memref_slice %arg4[%mul3A_768] : memref<464xf32, #tpu.memory_space<hbm>> -> memref<16xf32, #tpu.memory_space<hbm>>
        tpu.enqueue_dma source(%arg8 : memref<16xf32, #tpu.memory_space<vmem>>) target(%dma_start3A_772 : memref<16xf32, #tpu.memory_space<hbm>>) target_semaphore(%run_scoped3A : memref<!tpu.dma_semaphore, #tpu.memory_space<semaphore_mem>>)
        %dma_wait3A_773 = tpu.memref_slice %arg4[%mul3A_768] : memref<464xf32, #tpu.memory_space<hbm>> -> memref<16xf32, #tpu.memory_space<hbm>>
        %dma_wait3A_774 = tpu.memref_slice %arg4[%mul3A_768] : memref<464xf32, #tpu.memory_space<hbm>> -> memref<16xf32, #tpu.memory_space<hbm>>
        tpu.wait_dma2 semaphore(%run_scoped3A : memref<!tpu.dma_semaphore, #tpu.memory_space<semaphore_mem>>) src(%arg8 : memref<16xf32, #tpu.memory_space<vmem>>) dst(%dma_wait3A_774 : memref<16xf32, #tpu.memory_space<hbm>>)
        tpu.yield
      }) : () -> ()
      %mul3A_769 = arith.constant 16 : i32
      %mul3A_770 = arith.muli %add3A, %mul3A_769 : i32
      "tpu.region"() ({
        %run_scoped3A = tpu.sem_alloc : memref<!tpu.dma_semaphore, #tpu.memory_space<semaphore_mem>>
        %dma_start3A_771 = tpu.memref_slice %arg5[%mul3A_770] : memref<464xi32, #tpu.memory_space<hbm>> -> memref<16xi32, #tpu.memory_space<hbm>>
        %dma_start3A_772 = tpu.memref_slice %arg5[%mul3A_770] : memref<464xi32, #tpu.memory_space<hbm>> -> memref<16xi32, #tpu.memory_space<hbm>>
        tpu.enqueue_dma source(%arg9 : memref<16xi32, #tpu.memory_space<vmem>>) target(%dma_start3A_772 : memref<16xi32, #tpu.memory_space<hbm>>) target_semaphore(%run_scoped3A : memref<!tpu.dma_semaphore, #tpu.memory_space<semaphore_mem>>)
        %dma_wait3A_773 = tpu.memref_slice %arg5[%mul3A_770] : memref<464xi32, #tpu.memory_space<hbm>> -> memref<16xi32, #tpu.memory_space<hbm>>
        %dma_wait3A_774 = tpu.memref_slice %arg5[%mul3A_770] : memref<464xi32, #tpu.memory_space<hbm>> -> memref<16xi32, #tpu.memory_space<hbm>>
        tpu.wait_dma2 semaphore(%run_scoped3A : memref<!tpu.dma_semaphore, #tpu.memory_space<semaphore_mem>>) src(%arg9 : memref<16xi32, #tpu.memory_space<vmem>>) dst(%dma_wait3A_774 : memref<16xi32, #tpu.memory_space<hbm>>)
        tpu.yield
      }) : () -> ()
    } else {
    }
    return
  }
}

module attributes {stable_mosaic.version = 14 : i64} {
  func.func @_tc_body(%arg0: i32, %arg1: memref<1x8x768xf32, #tpu.memory_space<vmem>>, %arg2: memref<1x504x768xf32, #tpu.memory_space<vmem>>, %arg3: memref<1x504x768xf32, #tpu.memory_space<vmem>>, %arg4: memref<1x504x768xf32, #tpu.memory_space<vmem>>, %arg5: memref<1x504x768xf32, #tpu.memory_space<vmem>>, %arg6: memref<1x1x8xf32, #tpu.memory_space<vmem>>, %arg7: memref<1x1x8xi32, #tpu.memory_space<vmem>>) attributes {dimension_semantics = [#tpu.dimension_semantics<arbitrary>], iteration_bounds = array<i64: 29>, scalar_prefetch = 0 : i64, scratch_operands = 0 : i64, tpu.core_type = #tpu.core_type<tc>, window_params = [{transform_indices = @transform_0, window_bounds = array<i64: 1, 8, 768>}, {transform_indices = @transform_1, window_bounds = array<i64: 1, 504, 768>}, {transform_indices = @transform_2, window_bounds = array<i64: 1, 504, 768>}, {transform_indices = @transform_3, window_bounds = array<i64: 1, 504, 768>}, {transform_indices = @transform_4, window_bounds = array<i64: 1, 504, 768>}, {transform_indices = @transform_5, window_bounds = array<i64: 1, 1, 8>}, {transform_indices = @transform_6, window_bounds = array<i64: 1, 1, 8>}]} {
    %get3A = arith.constant 0 : index
    %get3A_0 = arith.constant 0 : index
    %get3A_1 = arith.constant 0 : index
    %get3A_2 = vector.load %arg1[%get3A, %get3A_0, %get3A_1] : memref<1x8x768xf32, #tpu.memory_space<vmem>>, vector<1x8x768xf32>
    %get3A_3 = vector.shape_cast %get3A_2 : vector<1x8x768xf32> to vector<8x768xf32>
    %mul3A = arith.mulf %get3A_3, %get3A_3 : vector<8x768xf32>
    %reduce_sum3A = arith.constant dense<0.000000e+00> : vector<8xf32>
    %reduce_sum3A_4 = vector.multi_reduction <add>, %mul3A, %reduce_sum3A [1] : vector<8x768xf32> to vector<8xf32>
    %broadcast_in_dim3A = vector.shape_cast %reduce_sum3A_4 : vector<8xf32> to vector<8x1xf32>
    %sqrt3A = math.sqrt %broadcast_in_dim3A : vector<8x1xf32>
    %max3A = arith.constant 9.99999996E-13 : f32
    %max3A_5 = vector.broadcast %max3A : f32 to vector<8x1xf32>
    %max3A_6 = arith.maximumf %sqrt3A, %max3A_5 : vector<8x1xf32>
    %div3A = vector.broadcast %max3A_6 : vector<8x1xf32> to vector<8x768xf32>
    %div3A_7 = arith.divf %get3A_3, %div3A : vector<8x768xf32>
    %get3A_8 = arith.constant 0 : index
    %get3A_9 = arith.constant 0 : index
    %get3A_10 = arith.constant 0 : index
    %get3A_11 = vector.load %arg2[%get3A_8, %get3A_9, %get3A_10] : memref<1x504x768xf32, #tpu.memory_space<vmem>>, vector<1x504x768xf32>
    %get3A_12 = vector.shape_cast %get3A_11 : vector<1x504x768xf32> to vector<504x768xf32>
    %mul3A_13 = arith.mulf %get3A_12, %get3A_12 : vector<504x768xf32>
    %reduce_sum3A_14 = arith.constant dense<0.000000e+00> : vector<504xf32>
    %reduce_sum3A_15 = vector.multi_reduction <add>, %mul3A_13, %reduce_sum3A_14 [1] : vector<504x768xf32> to vector<504xf32>
    %broadcast_in_dim3A_16 = vector.shape_cast %reduce_sum3A_15 : vector<504xf32> to vector<504x1xf32>
    %sqrt3A_17 = math.sqrt %broadcast_in_dim3A_16 : vector<504x1xf32>
    %max3A_18 = arith.constant 9.99999996E-13 : f32
    %max3A_19 = vector.broadcast %max3A_18 : f32 to vector<504x1xf32>
    %max3A_20 = arith.maximumf %sqrt3A_17, %max3A_19 : vector<504x1xf32>
    %div3A_21 = vector.broadcast %max3A_20 : vector<504x1xf32> to vector<504x768xf32>
    %div3A_22 = arith.divf %get3A_12, %div3A_21 : vector<504x768xf32>
    %dot_general3A = arith.constant dense<0.000000e+00> : vector<8x504xf32>
    %dot_general3A_23 = tpu.matmul %div3A_7, %div3A_22, %dot_general3A {dimension_numbers = #tpu.dot_dimension_numbers<[1], [1], [0], [0], [0, 0, 1, 0], [], []>, transpose_lhs_hint = false} : vector<8x768xf32>, vector<504x768xf32>, vector<8x504xf32> -> vector<8x504xf32>
    %reduce_max3A = arith.constant dense<0xFF800000> : vector<8xf32>
    %reduce_max3A_24 = vector.multi_reduction <maximumf>, %dot_general3A_23, %reduce_max3A [1] : vector<8x504xf32> to vector<8xf32>
    %iota3A = tpu.iota {dimensions = array<i32: 1>} : vector<8x504xi32>
    %broadcast_in_dim3A_25 = vector.shape_cast %reduce_max3A_24 : vector<8xf32> to vector<8x1xf32>
    %eq3A = vector.broadcast %broadcast_in_dim3A_25 : vector<8x1xf32> to vector<8x504xf32>
    %eq3A_26 = arith.cmpf oeq, %dot_general3A_23, %eq3A : vector<8x504xf32>
    %jit3A = arith.constant 504 : i32
    %broadcast_in_dim3A_27 = vector.broadcast %jit3A : i32 to vector<8x504xi32>
    %select_n3A = arith.select %eq3A_26, %iota3A, %broadcast_in_dim3A_27 : vector<8x504xi1>, vector<8x504xi32>
    %reduce_min3A = arith.constant dense<2147483647> : vector<8xi32>
    %reduce_min3A_28 = vector.multi_reduction <minsi>, %select_n3A, %reduce_min3A [1] : vector<8x504xi32> to vector<8xi32>
    %add3A = arith.constant 0 : i32
    %add3A_29 = vector.broadcast %add3A : i32 to vector<8xi32>
    %add3A_30 = arith.addi %reduce_min3A_28, %add3A_29 : vector<8xi32>
    %get3A_31 = arith.constant 0 : index
    %get3A_32 = arith.constant 0 : index
    %get3A_33 = arith.constant 0 : index
    %get3A_34 = vector.load %arg3[%get3A_31, %get3A_32, %get3A_33] : memref<1x504x768xf32, #tpu.memory_space<vmem>>, vector<1x504x768xf32>
    %get3A_35 = vector.shape_cast %get3A_34 : vector<1x504x768xf32> to vector<504x768xf32>
    %mul3A_36 = arith.mulf %get3A_35, %get3A_35 : vector<504x768xf32>
    %reduce_sum3A_37 = arith.constant dense<0.000000e+00> : vector<504xf32>
    %reduce_sum3A_38 = vector.multi_reduction <add>, %mul3A_36, %reduce_sum3A_37 [1] : vector<504x768xf32> to vector<504xf32>
    %broadcast_in_dim3A_39 = vector.shape_cast %reduce_sum3A_38 : vector<504xf32> to vector<504x1xf32>
    %sqrt3A_40 = math.sqrt %broadcast_in_dim3A_39 : vector<504x1xf32>
    %max3A_41 = arith.constant 9.99999996E-13 : f32
    %max3A_42 = vector.broadcast %max3A_41 : f32 to vector<504x1xf32>
    %max3A_43 = arith.maximumf %sqrt3A_40, %max3A_42 : vector<504x1xf32>
    %div3A_44 = vector.broadcast %max3A_43 : vector<504x1xf32> to vector<504x768xf32>
    %div3A_45 = arith.divf %get3A_35, %div3A_44 : vector<504x768xf32>
    %dot_general3A_46 = arith.constant dense<0.000000e+00> : vector<8x504xf32>
    %dot_general3A_47 = tpu.matmul %div3A_7, %div3A_45, %dot_general3A_46 {dimension_numbers = #tpu.dot_dimension_numbers<[1], [1], [0], [0], [0, 0, 1, 0], [], []>, transpose_lhs_hint = false} : vector<8x768xf32>, vector<504x768xf32>, vector<8x504xf32> -> vector<8x504xf32>
    %reduce_max3A_48 = arith.constant dense<0xFF800000> : vector<8xf32>
    %reduce_max3A_49 = vector.multi_reduction <maximumf>, %dot_general3A_47, %reduce_max3A_48 [1] : vector<8x504xf32> to vector<8xf32>
    %iota3A_50 = tpu.iota {dimensions = array<i32: 1>} : vector<8x504xi32>
    %broadcast_in_dim3A_51 = vector.shape_cast %reduce_max3A_49 : vector<8xf32> to vector<8x1xf32>
    %eq3A_52 = vector.broadcast %broadcast_in_dim3A_51 : vector<8x1xf32> to vector<8x504xf32>
    %eq3A_53 = arith.cmpf oeq, %dot_general3A_47, %eq3A_52 : vector<8x504xf32>
    %jit3A_54 = arith.constant 504 : i32
    %broadcast_in_dim3A_55 = vector.broadcast %jit3A_54 : i32 to vector<8x504xi32>
    %select_n3A_56 = arith.select %eq3A_53, %iota3A_50, %broadcast_in_dim3A_55 : vector<8x504xi1>, vector<8x504xi32>
    %reduce_min3A_57 = arith.constant dense<2147483647> : vector<8xi32>
    %reduce_min3A_58 = vector.multi_reduction <minsi>, %select_n3A_56, %reduce_min3A_57 [1] : vector<8x504xi32> to vector<8xi32>
    %add3A_59 = arith.constant 504 : i32
    %add3A_60 = vector.broadcast %add3A_59 : i32 to vector<8xi32>
    %add3A_61 = arith.addi %reduce_min3A_58, %add3A_60 : vector<8xi32>
    %gt3A = arith.cmpf ogt, %reduce_max3A_49, %reduce_max3A_24 : vector<8xf32>
    %select_n3A_62 = arith.select %gt3A, %reduce_max3A_49, %reduce_max3A_24 : vector<8xi1>, vector<8xf32>
    %select_n3A_63 = arith.select %gt3A, %add3A_61, %add3A_30 : vector<8xi1>, vector<8xi32>
    %get3A_64 = arith.constant 0 : index
    %get3A_65 = arith.constant 0 : index
    %get3A_66 = arith.constant 0 : index
    %get3A_67 = vector.load %arg4[%get3A_64, %get3A_65, %get3A_66] : memref<1x504x768xf32, #tpu.memory_space<vmem>>, vector<1x504x768xf32>
    %get3A_68 = vector.shape_cast %get3A_67 : vector<1x504x768xf32> to vector<504x768xf32>
    %mul3A_69 = arith.mulf %get3A_68, %get3A_68 : vector<504x768xf32>
    %reduce_sum3A_70 = arith.constant dense<0.000000e+00> : vector<504xf32>
    %reduce_sum3A_71 = vector.multi_reduction <add>, %mul3A_69, %reduce_sum3A_70 [1] : vector<504x768xf32> to vector<504xf32>
    %broadcast_in_dim3A_72 = vector.shape_cast %reduce_sum3A_71 : vector<504xf32> to vector<504x1xf32>
    %sqrt3A_73 = math.sqrt %broadcast_in_dim3A_72 : vector<504x1xf32>
    %max3A_74 = arith.constant 9.99999996E-13 : f32
    %max3A_75 = vector.broadcast %max3A_74 : f32 to vector<504x1xf32>
    %max3A_76 = arith.maximumf %sqrt3A_73, %max3A_75 : vector<504x1xf32>
    %div3A_77 = vector.broadcast %max3A_76 : vector<504x1xf32> to vector<504x768xf32>
    %div3A_78 = arith.divf %get3A_68, %div3A_77 : vector<504x768xf32>
    %dot_general3A_79 = arith.constant dense<0.000000e+00> : vector<8x504xf32>
    %dot_general3A_80 = tpu.matmul %div3A_7, %div3A_78, %dot_general3A_79 {dimension_numbers = #tpu.dot_dimension_numbers<[1], [1], [0], [0], [0, 0, 1, 0], [], []>, transpose_lhs_hint = false} : vector<8x768xf32>, vector<504x768xf32>, vector<8x504xf32> -> vector<8x504xf32>
    %reduce_max3A_81 = arith.constant dense<0xFF800000> : vector<8xf32>
    %reduce_max3A_82 = vector.multi_reduction <maximumf>, %dot_general3A_80, %reduce_max3A_81 [1] : vector<8x504xf32> to vector<8xf32>
    %iota3A_83 = tpu.iota {dimensions = array<i32: 1>} : vector<8x504xi32>
    %broadcast_in_dim3A_84 = vector.shape_cast %reduce_max3A_82 : vector<8xf32> to vector<8x1xf32>
    %eq3A_85 = vector.broadcast %broadcast_in_dim3A_84 : vector<8x1xf32> to vector<8x504xf32>
    %eq3A_86 = arith.cmpf oeq, %dot_general3A_80, %eq3A_85 : vector<8x504xf32>
    %jit3A_87 = arith.constant 504 : i32
    %broadcast_in_dim3A_88 = vector.broadcast %jit3A_87 : i32 to vector<8x504xi32>
    %select_n3A_89 = arith.select %eq3A_86, %iota3A_83, %broadcast_in_dim3A_88 : vector<8x504xi1>, vector<8x504xi32>
    %reduce_min3A_90 = arith.constant dense<2147483647> : vector<8xi32>
    %reduce_min3A_91 = vector.multi_reduction <minsi>, %select_n3A_89, %reduce_min3A_90 [1] : vector<8x504xi32> to vector<8xi32>
    %add3A_92 = arith.constant 1008 : i32
    %add3A_93 = vector.broadcast %add3A_92 : i32 to vector<8xi32>
    %add3A_94 = arith.addi %reduce_min3A_91, %add3A_93 : vector<8xi32>
    %gt3A_95 = arith.cmpf ogt, %reduce_max3A_82, %select_n3A_62 : vector<8xf32>
    %select_n3A_96 = arith.select %gt3A_95, %reduce_max3A_82, %select_n3A_62 : vector<8xi1>, vector<8xf32>
    %select_n3A_97 = arith.select %gt3A_95, %add3A_94, %select_n3A_63 : vector<8xi1>, vector<8xi32>
    %get3A_98 = arith.constant 0 : index
    %get3A_99 = arith.constant 0 : index
    %get3A_100 = arith.constant 0 : index
    %get3A_101 = vector.load %arg5[%get3A_98, %get3A_99, %get3A_100] : memref<1x504x768xf32, #tpu.memory_space<vmem>>, vector<1x504x768xf32>
    %get3A_102 = vector.shape_cast %get3A_101 : vector<1x504x768xf32> to vector<504x768xf32>
    %mul3A_103 = arith.mulf %get3A_102, %get3A_102 : vector<504x768xf32>
    %reduce_sum3A_104 = arith.constant dense<0.000000e+00> : vector<504xf32>
    %reduce_sum3A_105 = vector.multi_reduction <add>, %mul3A_103, %reduce_sum3A_104 [1] : vector<504x768xf32> to vector<504xf32>
    %broadcast_in_dim3A_106 = vector.shape_cast %reduce_sum3A_105 : vector<504xf32> to vector<504x1xf32>
    %sqrt3A_107 = math.sqrt %broadcast_in_dim3A_106 : vector<504x1xf32>
    %max3A_108 = arith.constant 9.99999996E-13 : f32
    %max3A_109 = vector.broadcast %max3A_108 : f32 to vector<504x1xf32>
    %max3A_110 = arith.maximumf %sqrt3A_107, %max3A_109 : vector<504x1xf32>
    %div3A_111 = vector.broadcast %max3A_110 : vector<504x1xf32> to vector<504x768xf32>
    %div3A_112 = arith.divf %get3A_102, %div3A_111 : vector<504x768xf32>
    %dot_general3A_113 = arith.constant dense<0.000000e+00> : vector<8x504xf32>
    %dot_general3A_114 = tpu.matmul %div3A_7, %div3A_112, %dot_general3A_113 {dimension_numbers = #tpu.dot_dimension_numbers<[1], [1], [0], [0], [0, 0, 1, 0], [], []>, transpose_lhs_hint = false} : vector<8x768xf32>, vector<504x768xf32>, vector<8x504xf32> -> vector<8x504xf32>
    %reduce_max3A_115 = arith.constant dense<0xFF800000> : vector<8xf32>
    %reduce_max3A_116 = vector.multi_reduction <maximumf>, %dot_general3A_114, %reduce_max3A_115 [1] : vector<8x504xf32> to vector<8xf32>
    %iota3A_117 = tpu.iota {dimensions = array<i32: 1>} : vector<8x504xi32>
    %broadcast_in_dim3A_118 = vector.shape_cast %reduce_max3A_116 : vector<8xf32> to vector<8x1xf32>
    %eq3A_119 = vector.broadcast %broadcast_in_dim3A_118 : vector<8x1xf32> to vector<8x504xf32>
    %eq3A_120 = arith.cmpf oeq, %dot_general3A_114, %eq3A_119 : vector<8x504xf32>
    %jit3A_121 = arith.constant 504 : i32
    %broadcast_in_dim3A_122 = vector.broadcast %jit3A_121 : i32 to vector<8x504xi32>
    %select_n3A_123 = arith.select %eq3A_120, %iota3A_117, %broadcast_in_dim3A_122 : vector<8x504xi1>, vector<8x504xi32>
    %reduce_min3A_124 = arith.constant dense<2147483647> : vector<8xi32>
    %reduce_min3A_125 = vector.multi_reduction <minsi>, %select_n3A_123, %reduce_min3A_124 [1] : vector<8x504xi32> to vector<8xi32>
    %add3A_126 = arith.constant 1512 : i32
    %add3A_127 = vector.broadcast %add3A_126 : i32 to vector<8xi32>
    %add3A_128 = arith.addi %reduce_min3A_125, %add3A_127 : vector<8xi32>
    %gt3A_129 = arith.cmpf ogt, %reduce_max3A_116, %select_n3A_96 : vector<8xf32>
    %select_n3A_130 = arith.select %gt3A_129, %reduce_max3A_116, %select_n3A_96 : vector<8xi1>, vector<8xf32>
    %select_n3A_131 = arith.select %gt3A_129, %add3A_128, %select_n3A_97 : vector<8xi1>, vector<8xi32>
    %swap3A = arith.constant 0 : index
    %swap3A_132 = arith.constant 0 : index
    %swap3A_133 = arith.constant 0 : index
    %swap3A_134 = vector.load %arg6[%swap3A, %swap3A_132, %swap3A_133] : memref<1x1x8xf32, #tpu.memory_space<vmem>>, vector<1x1x8xf32>
    %swap3A_135 = vector.shape_cast %swap3A_134 : vector<1x1x8xf32> to vector<8xf32>
    %swap3A_136 = vector.shape_cast %select_n3A_130 : vector<8xf32> to vector<1x1x8xf32>
    tpu.vector_store %arg6[%swap3A, %swap3A_132, %swap3A_133], %swap3A_136 {strides = array<i32>} : memref<1x1x8xf32, #tpu.memory_space<vmem>>, vector<1x1x8xf32>,
    %swap3A_137 = arith.constant 0 : index
    %swap3A_138 = arith.constant 0 : index
    %swap3A_139 = arith.constant 0 : index
    %swap3A_140 = vector.load %arg7[%swap3A_137, %swap3A_138, %swap3A_139] : memref<1x1x8xi32, #tpu.memory_space<vmem>>, vector<1x1x8xi32>
    %swap3A_141 = vector.shape_cast %swap3A_140 : vector<1x1x8xi32> to vector<8xi32>
    %swap3A_142 = vector.shape_cast %select_n3A_131 : vector<8xi32> to vector<1x1x8xi32>
    tpu.vector_store %arg7[%swap3A_137, %swap3A_138, %swap3A_139], %swap3A_142 {strides = array<i32>} : memref<1x1x8xi32, #tpu.memory_space<vmem>>, vector<1x1x8xi32>,
    return
  }
  func.func @transform_0(%arg0: i32) -> (i32, i32, i32) {
    %c0_i32 = arith.constant 0 : i32
    %c0_i32_0 = arith.constant 0 : i32
    %c0_i32_1 = arith.constant 0 : i32
    return %arg0, %c0_i32, %c0_i32_0 : i32, i32, i32
  }
  func.func @transform_1(%arg0: i32) -> (i32, i32, i32) {
    %c0_i32 = arith.constant 0 : i32
    %c0_i32_0 = arith.constant 0 : i32
    %c0_i32_1 = arith.constant 0 : i32
    return %arg0, %c0_i32, %c0_i32_0 : i32, i32, i32
  }
  func.func @transform_2(%arg0: i32) -> (i32, i32, i32) {
    %c1_i32 = arith.constant 1 : i32
    %c0_i32 = arith.constant 0 : i32
    %c0_i32_0 = arith.constant 0 : i32
    return %arg0, %c1_i32, %c0_i32 : i32, i32, i32
  }
  func.func @transform_3(%arg0: i32) -> (i32, i32, i32) {
    %c2_i32 = arith.constant 2 : i32
    %c0_i32 = arith.constant 0 : i32
    %c0_i32_0 = arith.constant 0 : i32
    return %arg0, %c2_i32, %c0_i32 : i32, i32, i32
  }
  func.func @transform_4(%arg0: i32) -> (i32, i32, i32) {
    %c3_i32 = arith.constant 3 : i32
    %c0_i32 = arith.constant 0 : i32
    %c0_i32_0 = arith.constant 0 : i32
    return %arg0, %c3_i32, %c0_i32 : i32, i32, i32
  }
  func.func @transform_5(%arg0: i32) -> (i32, i32, i32) {
    %c0_i32 = arith.constant 0 : i32
    %c0_i32_0 = arith.constant 0 : i32
    %c0_i32_1 = arith.constant 0 : i32
    return %arg0, %c0_i32, %c0_i32_0 : i32, i32, i32
  }
  func.func @transform_6(%arg0: i32) -> (i32, i32, i32) {
    %c0_i32 = arith.constant 0 : i32
    %c0_i32_0 = arith.constant 0 : i32
    %c0_i32_1 = arith.constant 0 : i32
    return %arg0, %c0_i32, %c0_i32_0 : i32, i32, i32
  }
}

</mosaic_0001>

<sc_bundles>
// kernel: _retrieve.4.cloned.1.call-start
scs
__scs_entry_jumppad:
0x0: {  	(pc) =	sbr.rel $0x88, $3  }
0x1: {  	(tag) =	ssettag $0x0;
	lr =	simm.s32 $0x1  }
0x2: {  	[smem:$0x3F9F] =	sst lr;
	_ =	strace $0xD0000000  }
0x3: {  	_ = 	snop  }
0x4: {  	_ = 	snop  }
0x5: {  	_ = 	snop  }
0x6: {  	_ = 	snop  }
0x7: {  	_ = 	snop  }
__scs_overlays_trampoline_lowered:
0x8: {  	[smem:$0x3FAE] =	sst s0  }
0x9: {  	[smem:$0x3FAF] =	sst s1  }
0xa: {  	[smem:$0x3FB0] =	sst s2  }
0xb: {  	[smem:$0x3FB1] =	sst s3  }
0xc: {  	[smem:$0x3FB2] =	sst s4  }
0xd: {  	[smem:$0x3FB3] =	sst s5  }
0xe: {  	[smem:$0x3FB4] =	sst s6  }
0xf: {  	[smem:$0x3FB5] =	sst s7  }
0x10: {  	[smem:$0x3FB6] =	sst s8  }
0x11: {  	[smem:$0x3FB7] =	sst s9;
	s0 =	simm.s32 @!p0 $0x0  }
0x12: {  	s1 =	sld [smem:$0x3F9D];
	s0 =	simm.s32 @p0 $0x1  }
0x13: {  	[smem:$0x3FB8] =	sst s0;
	s0 =	simm.s32 @!p1 $0x0  }
0x14: {  	s2 =	sld [smem:$0x3F9C];
	s0 =	simm.s32 @p1 $0x1  }
0x15: {  	[smem:$0x3FB9] =	sst s0;
	s0 =	simm.s32 @!p2 $0x0  }
0x16: {  	s3 =	sld [smem:$0x3FDB];
	s0 =	simm.s32 @p2 $0x1  }
0x17: {  	s4 =	simm.s32 $0x1BF5;
	[smem:$0x3FBB] =	sst s0  }
0x18: {  	s0 =	sld [smem:$0x3F9E];
	_ =	swait.ge [sflag:s4], $0x0  }
0x19: {  	s7 =	sld [smem:$0x3F9F]  }
0x1a: {  	s8 =	sadd.s32 $0xFFFFE003, lr  }
0x1b: {  	s9 =	sadd.s32 $0xFFFFFEF7, lr;
	s5 =	simm.s32 $0xFFFFFFFF;
	p2 =	slt.u32 s8, $0xFFFFF086  }
0x1c: {  	p1 =	slt.u32 s9, $0xF7A;
	s5 =	simm.s32 @!p2 $0x0  }
0x1d: {  	s5 =	simm.s32 @p1 $0x1;
	p0 =	seq.s32 s7, s2  }
0x1e: {  	s7 =	smul.u32 @!p0 $0xF7A, s2;
	p2 =	seq.s32 @!p0 s5, $0x0  }
0x1f: {  	s9 =	smul.u32 $0xF7A, s1;
	s8 =	simm.s32 @!p0 $0x1BF5;
	p2 =	por !p2, p0  }
0x20: {  	[sflag:s8] =	ssyncset.s32 @!p0 $0xFFFFF086;
	s6 =	sadd.s32 @!p0 s3, s7;
	s7 =	simm.s32 @!p0 $0x108  }
0x21: {  	s3 =	sadd.s32 s3, s9;
	s6 =	sadd.s32 @!p0 $0x88, s6;
	s7 =	simm.s32 @p2 $0x1082  }
0x22: {  	[simem:s7], [sflag:s8] =	dma.local @!p0 [hbm:s6], $0xF7A  }
0x23: {  	s9 =	sor.u32 $0xD0000000, s2;
	s6 =	simm.s32 $0x108;
	_ =	swait.ge @!p0 [sflag:s8], $0x0  }
0x24: {  	s3 =	sadd.s32 $0x88, s3;
	s6 =	simm.s32 @!p1 $0x1082;
	[sflag:s4] =	ssyncset.s32 $0xFFFFF086  }
0x25: {  	[simem:s6], [sflag:s4] =	dma.local [hbm:s3], $0xF7A  }
0x26: {  	[smem:$0x3F9F] =	sst s1;
	(tag) =	ssettag s2;
	_ =	strace s9  }
0x27: {  	s1 =	sld [smem:$0x3FAF]  }
0x28: {  	s2 =	sld [smem:$0x3FB0]  }
0x29: {  	s4 =	sld [smem:$0x3FB2]  }
0x2a: {  	p0 =	seq.s32 s5, $0x0;
	s5 =	sld [smem:$0x3FB3]  }
0x2b: {  	s6 =	sld [smem:$0x3FB4]  }
0x2c: {  	s7 =	sld [smem:$0x3FB5]  }
0x2d: {  	s3 =	simm.s32 $0x108;
	s8 =	sld [smem:$0x3FB6]  }
0x2e: {  	s3 =	simm.s32 @!p0 $0x1082;
	s9 =	sld [smem:$0x3FB7]  }
0x2f: {  	lr =	sadd.s32 s0, s3;
	s0 =	sld [smem:$0x3FAE]  }
0x30: {  	s3 =	sld [smem:$0x3FB1]  }
0x31: {  	[smem:$0x3FBA] =	sst s10  }
0x32: {  	s10 =	sld [smem:$0x3FB8];
	_ =	sdelay $0x3  }
0x33: {  	p0 =	seq.s32 s10, $0x1;
	s10 =	sld [smem:$0x3FBA];
	_ =	sdelay $0x3  }
0x34: {  	[smem:$0x3FBA] =	sst s10  }
0x35: {  	s10 =	sld [smem:$0x3FB9];
	_ =	sdelay $0x3  }
0x36: {  	p1 =	seq.s32 s10, $0x1;
	s10 =	sld [smem:$0x3FBA];
	_ =	sdelay $0x3  }
0x37: {  	[smem:$0x3FBA] =	sst s10  }
0x38: {  	s10 =	sld [smem:$0x3FBB]  }
0x39: {  	_ = 	snop;
	(pc) =	sbr.ind lr, $3  }
0x3a: {  	_ = 	snop  }
0x3b: {  	_ = 	snop  }
0x3c: {  	p2 =	seq.s32 s10, $0x1;
	s10 =	sld [smem:$0x3FBA]  }
0x3d: {  	_ =	shalt  }
0x3e: {  	_ =	shalt  }
0x3f: {  	_ =	shalt  }
0x40: {  	_ =	shalt  }
0x41: {  	_ =	shalt  }
0x42: {  	_ =	shalt  }
0x43: {  	_ =	shalt  }
0x44: {  	_ =	shalt  }
0x45: {  	_ =	shalt  }
0x46: {  	_ =	shalt  }
0x47: {  	_ =	shalt  }
0x48: {  	_ =	shalt  }
0x49: {  	_ =	shalt  }
0x4a: {  	_ =	shalt  }
0x4b: {  	_ =	shalt  }
0x4c: {  	_ =	shalt  }
0x4d: {  	_ =	shalt  }
0x4e: {  	_ =	shalt  }
0x4f: {  	_ =	shalt  }
0x50: {  	_ =	shalt  }
0x51: {  	_ =	shalt  }
0x52: {  	_ =	shalt  }
0x53: {  	_ =	shalt  }
0x54: {  	_ =	shalt  }
0x55: {  	_ =	shalt  }
0x56: {  	_ =	shalt  }
0x57: {  	_ =	shalt  }
0x58: {  	_ =	shalt  }
0x59: {  	_ =	shalt  }
0x5a: {  	_ =	shalt  }
0x5b: {  	_ =	shalt  }
0x5c: {  	_ =	shalt  }
0x5d: {  	_ =	shalt  }
0x5e: {  	_ =	shalt  }
0x5f: {  	_ =	shalt  }
0x60: {  	_ =	shalt  }
0x61: {  	_ =	shalt  }
0x62: {  	_ =	shalt  }
0x63: {  	_ =	shalt  }
0x64: {  	_ =	shalt  }
0x65: {  	_ =	shalt  }
0x66: {  	_ =	shalt  }
0x67: {  	_ =	shalt  }
0x68: {  	_ =	shalt  }
0x69: {  	_ =	shalt  }
0x6a: {  	_ =	shalt  }
0x6b: {  	_ =	shalt  }
0x6c: {  	_ =	shalt  }
0x6d: {  	_ =	shalt  }
0x6e: {  	_ =	shalt  }
0x6f: {  	_ =	shalt  }
0x70: {  	_ =	shalt  }
0x71: {  	_ =	shalt  }
0x72: {  	_ =	shalt  }
0x73: {  	_ =	shalt  }
0x74: {  	_ =	shalt  }
0x75: {  	_ =	shalt  }
0x76: {  	_ =	shalt  }
0x77: {  	_ =	shalt  }
0x78: {  	_ =	shalt  }
0x79: {  	_ =	shalt  }
0x7a: {  	_ =	shalt  }
0x7b: {  	_ =	shalt  }
0x7c: {  	_ =	shalt  }
0x7d: {  	_ =	shalt  }
0x7e: {  	_ =	shalt  }
0x7f: {  	_ =	shalt  }
0x80: {  	_ =	shalt  }
0x81: {  	_ =	shalt  }
0x82: {  	_ =	shalt  }
0x83: {  	_ =	shalt  }
0x84: {  	_ =	shalt  }
0x85: {  	_ =	shalt  }
0x86: {  	_ =	shalt  }
0x87: {  	_ =	shalt  }
.Lfunc_end0:
.L_simem_size_0:
called_computation_lowered:
.L_overlay_start_0:
0x88: {  	s2 =	sld [smem:$0x3FD9]  }
0x89: {  	s3 =	sld [smem:$0x3FFE];
	_ =	sdelay $0x1  }
0x8a: {  	s1 =	srdreg.scid  }
0x8b: {  	s0 =	sand.u32 $0x1, s1  }
0x8c: {  	s14 =	sshll.u32 s0, $0xA;
	s2 =	sadd.s32 s3, s2  }
0x8d: {  	s2 =	sadd.s32 s2, s14  }
0x8e: {  	[smem:$0x3FC6] =	sst s2  }
0x8f: {  	_ = 	snop  }
0x90: {  	s2 =	sld [smem:$0x3FD0];
	_ =	sdelay $0x2  }
0x91: {  	s4 =	simm.s32 $0xA;
	s5 =	simm.s32 $0x10;
	s15 =	sld [smem:$0x3FC8]  }
0x92: {  	[smem:s5], [sflag:s4] =	dma.local [hbm:s2], $0x1  }
0x93: {  	_ =	swait.eq [sflag:s4], $0x1  }
0x94: {  	[sflag:s4] =	ssyncset.done $0x0  }
0x95: {  	s16 =	sld [smem:$0x10];
	[sflag:s4] =	ssyncadd.s32 $0xFFFFFFFF  }
0x96: {  	s17 =	sld [smem:$0x11];
	(tm) =	ssettm $0x1  }
0x97: {  	s18 =	sld [smem:$0x3FFB];
	_ =	sdelay $0x3  }
0x98: {  	_ =	strace s18  }
0x99: {  	s5 =	sld [smem:$0x3FFC];
	_ =	sdelay $0x3  }
0x9a: {  	_ =	strace s5  }
0x9b: {  	s5 =	sld [smem:$0x3FFD];
	_ =	sdelay $0x3  }
0x9c: {  	_ =	strace s5  }
0x9d: {  	_ =	strace $0x8FFFFFFF  }
0x9e: {  	s19 =	sld [smem:$0x3FDB];
	_ =	sdelay $0x1  }
0x9f: {  	s6 =	simm.s32 $_scs_section_size  }
0xa0: {  	s7 =	simm.s32 $_size__tile_overlayer_lowered;
	s8 =	simm.s32 $_tile_overlayer_lowered  }
0xa1: {  	s22 =	simm.s32 $0x1BFF;
	s21 =	sshll.u32 s8, $0x1;
	s5 =	sadd.s32 s6, s19  }
0xa2: {  	s9 =	simm.s32 $0x0;
	s20 =	sshll.u32 s7, $0x1;
	s7 =	sadd.s32 s21, s5  }
0xa3: {  	[timem:s9], [sflag:s22] =	dma.local [hbm:s7], s20  }
0xa4: {  	_ =	swait.ge [sflag:s22], s20  }
0xa5: {  	s6 =	ssub.s32 $0x0, s20;
	[sflag:s22] =	ssyncset.done $0x0  }
0xa6: {  	[sflag:s22] =	ssyncadd.s32 s6;
	_ =	sdelay $0x1  }
0xa7: {  	s23 =	simm.s32 $0x1B8B  }
0xa8: {  	_ =	swait.ge [sflag:s23], $0x1  }
0xa9: {  	[sflag:s23] =	ssyncset.done $0x0  }
0xaa: {  	s25 =	simm.s32 $0x1B8E;
	s24 =	sld [smem:$0x3FFE];
	[sflag:s23] =	ssyncadd.s32 $0xFFFFFFFF  }
0xab: {  	s26 =	simm.s32 $execute0_lowered;
	[smem:$0x3FD2] =	sst s25  }
0xac: {  	s7 =	sshll.u32 s26, $0x1;
	_ =	strace $0x80000046;
	[dreg:$0x1] =	wrdreg $0xFFFFFFFF  }
0xad: {  	s28 =	simm.s32 $_size_execute0_lowered;
	s5 =	sadd.s32 s5, s7;
	[dreg:$0x0] =	wrdreg $0x0  }
0xae: {  	s7 =	sshll.u32 s28, $0x1;
	[dreg:$0x2] =	wrdreg s5  }
0xaf: {  	[dreg:$0x3] =	wrdreg s7  }
0xb0: {  	[dreg:$0x4] =	wrdreg $0xC0  }
0xb1: {  	_ =	task [dreg:s9], $0x5FFFF  }
0xb2: {  	[dreg:$0x1] =	wrdreg $0xFFFFFFFF  }
0xb3: {  	[dreg:$0x0] =	wrdreg $0x60  }
0xb4: {  	[dreg:$0x2] =	wrdreg s24  }
0xb5: {  	[dreg:$0x3] =	wrdreg s15  }
0xb6: {  	[dreg:$0x4] =	wrdreg s17  }
0xb7: {  	[dreg:$0x5] =	wrdreg s16  }
0xb8: {  	[dreg:$0x6] =	wrdreg $0x9  }
0xb9: {  	_ =	task.clear_ibuf [dreg:s9], $0x7FFFF;
	_ =	strace $0x90000046  }
0xba: {  	s29 =	simm.s32 $0x9;
	_ =	strace $0x80000048  }
0xbb: {  	_ =	swait.ge [sflag:s29], $0x1  }
0xbc: {  	[sflag:s29] =	ssyncadd.s32 $0xFFFFFFFF  }
0xbd: {  	_ =	strace $0x90000048  }
0xbe: {  	_ =	sfence  }
0xbf: {  	s30 =	sld [smem:$0x0];
	_ =	sdelay $0x2  }
0xc0: {  	s31 =	sshll.u32 s1, $0xD;
	s1 =	sshrl.u32 s1, $0x2  }
0xc1: {  	s3 =	sand.u32 $0x4000, s31;
	s1 =	sadd.s32 s1, s30  }
0xc2: {  	s0 =	sor.u32 s3, s0;
	s1 =	sshll.u32 s1, $0x11  }
0xc3: {  	s0 =	sor.u32 s1, s0  }
0xc4: {  	s0 =	sadd.s32 $0x8F2B, s0  }
0xc5: {  	[sflag:s0] =	ssyncadd.remote.s32 $0x1  }
0xc6: {  	_ =	sfence.sel $0xFFFF  }
0xc7: {  	[dreg:$0x0] =	wrdreg $0xFFFFFFFF;
	(pc) =	sbr.abs _section_cstart, $3  }
0xc8: {  	[dreg:$0x1] =	wrdreg $0xFFFFFFFF  }
0xc9: {  	_ =	task.clear_ibuf [dreg:s9], $0x2FFFF;
	_ =	strace $0x9FFFFFFF  }
0xca: {  	(tm) =	ssettm $0x7FFFFFFF  }
0xcb: {  	_ =	shalt  }
tec
execute0_lowered:
.L_overlay_start_1:
0x0: {  	(tag) =	ssettag $0x1  }
0x1: {  	s1 =	srdreg.scid;
	s0 =	stileid.u32  }
0x2: {  	s7 =	sand.u32 $0x1, s1;
	s8 =	sshll.u32 s0, $0x1  }
0x3: {  	s8 =	sor.u32 s7, s8  }
0x4: {  	p0 =	sgt.u32 s8, $0x1C  }
.Ltmp0:
0x5: {  	s4 =	rddreg [dreg:$0x0];
	(pc) =	sbr.rel @p0 .LBB2_47-.Ltmp0, $4  }
0x6: {  	s3 =	rddreg [dreg:$0x1]  }
0x7: {  	s5 =	rddreg [dreg:$0x2];
	s2 =	simm.s32 $0x0  }
0x8: {  	[smem:$0x7FF] =	sst s2  }
0x9: {  	s6 =	rddreg [dreg:$0x3];
	_ =	strace $0x80000047  }
0xa: {  	v0 =	vimm.s32 $0xFEDCBA98;
	v1 =	vimm.s32 $0x76543210  }
0xb: {  	v2 =	vimm.s32 $0xBA98FEDC;
	v3 =	vimm.s32 $0x32107654;
	v4 =	vimm.s32 $0xDCFE98BA  }
0xc: {  	v5 =	vimm.s32 $0x54761032;
	v6 =	vimm.s32 $0xEFCDAB89;
	v7 =	vimm.s32 $0x67452301  }
0xd: {  	s9 =	smul.u32 $0x180000, s8;
	vm0 =	vcmask $0x320;
	vm1 =	vcmask $0x720;
	vm2 =	vcmask $0xB20  }
0xe: {  	s10 =	sadd.s32 $0xC00, s4;
	s28 =	sshrl.u32 s0, $0x2;
	s11 =	sshll.u32 s8, $0x7;
	vm3 =	vcmask $0xF20;
	vm4 =	vcmask $0x1320;
	vm5 =	vcmask $0x1720  }
0xf: {  	s29 =	sshll.u32 s8, $0x1;
	s7 =	ssub.s32 $0x2, s7;
	s12 =	simm.s32 $0x7900;
	v0 =	vunpack.c.l.s4.s8 v0;
	v1 =	vunpack.c.l.s4.s8 v1;
	v2 =	vunpack.c.l.s4.s8 v2  }
0x10: {  	s13 =	simm.s32 $0x1800;
	s14 =	simm.s32 $0x1;
	s15 =	simm.s32 $0x4800;
	v3 =	vunpack.c.l.s4.s8 v3;
	v4 =	vunpack.c.l.s4.s8 v4;
	v5 =	vunpack.c.l.s4.s8 v5  }
0x11: {  	s16 =	simm.s32 $0x2;
	s17 =	simm.s32 $0x7800;
	s18 =	simm.s32 $0x7880;
	v6 =	vunpack.c.l.s4.s8 v6;
	v7 =	vunpack.c.l.s4.s8 v7;
	v0 =	vunpack.c.0.s8.s32 v0  }
0x12: {  	s19 =	simm.s32 $0x0;
	s11 =	sand.u32 $0x380, s11;
	s5 =	sadd.s32 s5, s29;
	v2 =	vunpack.c.0.s8.s32 v2;
	v3 =	vunpack.c.0.s8.s32 v3;
	v4 =	vunpack.c.0.s8.s32 v4  }
0x13: {  	s30 =	sshrl.u32 s7, $0x1;
	s26 =	sshrl.u32 s9, $0x3;
	s9 =	smul.u32 $0xC000, s28;
	v5 =	vunpack.c.0.s8.s32 v5;
	v6 =	vunpack.c.0.s8.s32 v6;
	v7 =	vunpack.c.0.s8.s32 v7  }
0x14: {  	vm6 =	vcmask $0x1B20;
	s6 =	sadd.s32 s6, s29;
	s31 =	ssub.s32 s7, s30;
	s4 =	sadd.s32 s3, s26;
	v1 =	vunpack.c.0.s8.s32 v1;
	v2 =	vcombine.low v3, v2  }
0x15: {  	s8 =	smax.u32 s31, $0x1;
	s3 =	sadd.s32 $0x2F400, s4;
	s9 =	sor.u32 s9, s11;
	v3 =	vcombine.low v5, v4;
	v0 =	vand.u32 $0xF, v0;
	v4 =	vcombine.low v7, v6  }
0x16: {  	s4 =	sadd.s32 $0x2FA00, s4;
	s11 =	simm.s32 $0x3;
	s9 =	sshrl.u32 s9, $0x3;
	v5 =	vimm.s32 $0x0;
	v0 =	vcombine.low v0, v1;
	v1 =	vand.u32 $0xF, v2  }
0x17: {  	s7 =	sadd.s32 s10, s9;
	s9 =	simm.s32 $0x80;
	s10 =	simm.s32 $0x400;
	v2 =	vand.u32 $0xF, v3;
	v3 =	vand.u32 $0xF, v4;
	v4 =	vimm.f32 $-Inf  }
.LBB2_2:
0x18: {  	s20 =	simm.s32 $0x0  }
0x19: {  	[tilespmem:s20], [sflag:$0x3] =	stream.strided.gather [hbm4b:s7+s9], $0x1800, s10, s9, $0x38;
	[tilespmem:$0x7980] =	vst v63  }
0x1a: {  	_ =	swait.ge [sflag:s11], $0x1800  }
0x1b: {  	[sflag:s11] =	ssyncset.done $0x0  }
0x1c: {  	s21 =	simm.s32 $0x0;
	[sflag:s11] =	ssyncadd.s32 $0xFFFFE800  }
0x1d: {  	v7 =	vld [tilespmem:s21+$0x0]  }
0x1e: {  	v6 =	vimm.f32 $0.0e+00;
	s20 =	simm.s32 $0x40  }
.LBB2_3:
0x1f: {  	p0 =	sne.s32 s20, $0xBC0  }
.Ltmp1:
0x20: {  	_ = 	snop;
	(pc) =	sbr.rel @p0 .LBB2_3-.Ltmp1, $4  }
0x21: {  	_ = 	snop  }
0x22: {  	s21 =	sshra.s32 s20, $0x2;
	s20 =	sadd.s32 $0x40, s20;
	v8 =	vmul.f32 v7, v7  }
0x23: {  	v7 =	vld [tilespmem:s21+$0x0]  }
0x24: {  	v6 =	vadd.f32 v8, v6  }
0x25: {  	_ =	sdelay $0x2  }
0x26: {  	v7 =	vmul.f32 v7, v7;
	_ =	sdelay $0x1  }
0x27: {  	v6 =	vadd.f32 v7, v6;
	_ =	sdelay $0x1  }
0x28: {  	[tilespmem:$0x7900] =	vst v6  }
0x29: {  	v7 =	vld.idx.msk [tilespmem:v0+s12+$0x0], $0xffff;
	_ =	sdelay $0x4  }
0x2a: {  	v6 =	vadd.f32 v7, v6;
	_ =	sdelay $0x1  }
0x2b: {  	[tilespmem:$0x7900] =	vst v6  }
0x2c: {  	v7 =	vld.idx.msk [tilespmem:v1+s12+$0x0], $0xffff;
	_ =	sdelay $0x4  }
0x2d: {  	v6 =	vadd.f32 v7, v6;
	_ =	sdelay $0x1  }
0x2e: {  	[tilespmem:$0x7900] =	vst v6  }
0x2f: {  	v7 =	vld.idx.msk [tilespmem:v2+s12+$0x0], $0xffff;
	_ =	sdelay $0x4  }
0x30: {  	v6 =	vadd.f32 v7, v6;
	_ =	sdelay $0x1  }
0x31: {  	[tilespmem:$0x7900] =	vst v6  }
0x32: {  	v7 =	vld.idx.msk [tilespmem:v3+s12+$0x0], $0xffff;
	_ =	sdelay $0x4  }
0x33: {  	v6 =	vadd.f32 v7, v6;
	_ =	sdelay $0x1  }
0x34: {  	v7 =	vshra.s32 v6, $0x1;
	v8 =	vmul.f32 $5.000000000e-01, v6  }
0x35: {  	v7 =	vsub.s32 $0x5F3759DF, v7  }
0x36: {  	v9 =	vmul.f32 v7, v8;
	_ =	sdelay $0x1  }
0x37: {  	v9 =	vmul.f32 v7, v9;
	_ =	sdelay $0x1  }
0x38: {  	v9 =	vsub.f32 $1.500000000e+00, v9;
	_ =	sdelay $0x1  }
0x39: {  	v7 =	vmul.f32 v7, v9;
	_ =	sdelay $0x1  }
0x3a: {  	v9 =	vmul.f32 v7, v8;
	_ =	sdelay $0x1  }
0x3b: {  	v9 =	vmul.f32 v9, v7;
	_ =	sdelay $0x1  }
0x3c: {  	v9 =	vsub.f32 $1.500000000e+00, v9;
	_ =	sdelay $0x1  }
0x3d: {  	v7 =	vmul.f32 v9, v7;
	_ =	sdelay $0x1  }
0x3e: {  	v8 =	vmul.f32 v7, v8;
	_ =	sdelay $0x1  }
0x3f: {  	v8 =	vmul.f32 v8, v7;
	_ =	sdelay $0x1  }
0x40: {  	v8 =	vsub.f32 $1.500000000e+00, v8;
	_ =	sdelay $0x1  }
0x41: {  	v7 =	vmul.f32 v8, v7  }
0x42: {  	vm7 =	vlt.f32 v6, $1.000000020e-24  }
0x43: {  	s20 =	simm.s32 $0x0;
	s21 =	simm.s32 $0x0;
	s22 =	simm.s32 $0x40;
	v6 =	vsel vm7, $0x5368D4A5, v7  }
.LBB2_5:
0x44: {  	p0 =	sne.s32 s22, $0xBC0;
	v7 =	vld [tilespmem:s21+$0x0];
	_ =	sdelay $0x4  }
0x45: {  	v7 =	vmul.f32 v7, v6;
	_ =	sdelay $0x1  }
0x46: {  	v8 =	vshrl.u32 v7, $0x10  }
.Ltmp2:
0x47: {  	v8 =	vand.u32 $0x1, v8;
	(pc) =	sbr.rel @p0 .LBB2_5-.Ltmp2, $4  }
0x48: {  	v7 =	vadd.s32 v8, v7  }
0x49: {  	v7 =	vadd.s32 $0x7FFF, v7  }
0x4a: {  	v7 =	vand.u32 $0xFFFF0000, v7  }
0x4b: {  	[tilespmem:s21+$0x0] =	vst v7;
	s21 =	sshra.s32 s22, $0x2;
	s22 =	sadd.s32 $0x40, s22  }
0x4c: {  	v7 =	vld [tilespmem:s21+$0x0];
	_ =	sdelay $0x4  }
0x4d: {  	v6 =	vmul.f32 v7, v6;
	_ =	sdelay $0x1  }
0x4e: {  	v7 =	vshrl.u32 v6, $0x10  }
0x4f: {  	v7 =	vand.u32 $0x1, v7  }
0x50: {  	v6 =	vadd.s32 v7, v6  }
0x51: {  	v6 =	vadd.s32 $0x7FFF, v6  }
0x52: {  	v6 =	vand.u32 $0xFFFF0000, v6  }
0x53: {  	s31 =	sand.u32 $0x3F0, s20;
	[tilespmem:s21+$0x0] =	vst v6  }
0x54: {  	v7 =	vld [tilespmem:s31+$0x300]  }
0x55: {  	s20 =	simm.s32 $0x10;
	v6 =	vimm.f32 $0.0e+00  }
.LBB2_7:
0x56: {  	p0 =	sne.s32 s20, $0x2F0  }
.Ltmp3:
0x57: {  	_ = 	snop;
	(pc) =	sbr.rel @p0 .LBB2_7-.Ltmp3, $4  }
0x58: {  	_ = 	snop  }
0x59: {  	s21 =	sand.u32 $0x3F0, s20;
	s20 =	sadd.s32 $0x10, s20;
	v8 =	vmul.f32 v7, v7  }
0x5a: {  	v7 =	vld [tilespmem:s21+$0x300]  }
0x5b: {  	v6 =	vadd.f32 v8, v6  }
0x5c: {  	_ =	sdelay $0x2  }
0x5d: {  	v7 =	vmul.f32 v7, v7;
	_ =	sdelay $0x1  }
0x5e: {  	v6 =	vadd.f32 v7, v6;
	_ =	sdelay $0x1  }
0x5f: {  	[tilespmem:$0x7900] =	vst v6  }
0x60: {  	v7 =	vld.idx.msk [tilespmem:v0+s12+$0x0], $0xffff;
	_ =	sdelay $0x4  }
0x61: {  	v6 =	vadd.f32 v7, v6;
	_ =	sdelay $0x1  }
0x62: {  	[tilespmem:$0x7900] =	vst v6  }
0x63: {  	v7 =	vld.idx.msk [tilespmem:v1+s12+$0x0], $0xffff;
	_ =	sdelay $0x4  }
0x64: {  	v6 =	vadd.f32 v7, v6;
	_ =	sdelay $0x1  }
0x65: {  	[tilespmem:$0x7900] =	vst v6  }
0x66: {  	v7 =	vld.idx.msk [tilespmem:v2+s12+$0x0], $0xffff;
	_ =	sdelay $0x4  }
0x67: {  	v6 =	vadd.f32 v7, v6;
	_ =	sdelay $0x1  }
0x68: {  	[tilespmem:$0x7900] =	vst v6  }
0x69: {  	v7 =	vld.idx.msk [tilespmem:v3+s12+$0x0], $0xffff;
	_ =	sdelay $0x4  }
0x6a: {  	v6 =	vadd.f32 v7, v6;
	_ =	sdelay $0x1  }
0x6b: {  	v7 =	vshra.s32 v6, $0x1;
	v8 =	vmul.f32 $5.000000000e-01, v6  }
0x6c: {  	v7 =	vsub.s32 $0x5F3759DF, v7  }
0x6d: {  	v9 =	vmul.f32 v7, v8;
	_ =	sdelay $0x1  }
0x6e: {  	v9 =	vmul.f32 v7, v9;
	_ =	sdelay $0x1  }
0x6f: {  	v9 =	vsub.f32 $1.500000000e+00, v9;
	_ =	sdelay $0x1  }
0x70: {  	v7 =	vmul.f32 v7, v9;
	_ =	sdelay $0x1  }
0x71: {  	v9 =	vmul.f32 v7, v8;
	_ =	sdelay $0x1  }
0x72: {  	v9 =	vmul.f32 v9, v7;
	_ =	sdelay $0x1  }
0x73: {  	v9 =	vsub.f32 $1.500000000e+00, v9;
	_ =	sdelay $0x1  }
0x74: {  	v7 =	vmul.f32 v9, v7;
	_ =	sdelay $0x1  }
0x75: {  	v8 =	vmul.f32 v7, v8;
	_ =	sdelay $0x1  }
0x76: {  	v8 =	vmul.f32 v8, v7;
	_ =	sdelay $0x1  }
0x77: {  	v8 =	vsub.f32 $1.500000000e+00, v8;
	_ =	sdelay $0x1  }
0x78: {  	v7 =	vmul.f32 v8, v7  }
0x79: {  	s20 =	simm.s32 $0x0;
	vm7 =	vlt.f32 v6, $1.000000020e-24  }
0x7a: {  	s22 =	simm.s32 $0x10;
	s21 =	sand.u32 $0x3F0, s20;
	v6 =	vsel vm7, $0x5368D4A5, v7  }
.LBB2_9:
0x7b: {  	p0 =	sne.s32 s22, $0x2F0;
	v7 =	vld [tilespmem:s21+$0x300];
	_ =	sdelay $0x4  }
0x7c: {  	v7 =	vmul.f32 v7, v6;
	_ =	sdelay $0x1  }
0x7d: {  	v8 =	vshrl.u32 v7, $0x10  }
.Ltmp4:
0x7e: {  	v8 =	vand.u32 $0x1, v8;
	(pc) =	sbr.rel @p0 .LBB2_9-.Ltmp4, $4  }
0x7f: {  	v7 =	vadd.s32 v8, v7  }
0x80: {  	v7 =	vadd.s32 $0x7FFF, v7  }
0x81: {  	v7 =	vand.u32 $0xFFFF0000, v7  }
0x82: {  	[tilespmem:s21+$0x300] =	vst v7;
	s21 =	sand.u32 $0x3F0, s22;
	s22 =	sadd.s32 $0x10, s22  }
0x83: {  	v7 =	vld [tilespmem:s21+$0x300];
	_ =	sdelay $0x4  }
0x84: {  	v6 =	vmul.f32 v7, v6;
	_ =	sdelay $0x1  }
0x85: {  	v7 =	vshrl.u32 v6, $0x10  }
0x86: {  	v7 =	vand.u32 $0x1, v7  }
0x87: {  	v6 =	vadd.s32 v7, v6  }
0x88: {  	v6 =	vadd.s32 $0x7FFF, v6  }
0x89: {  	v6 =	vand.u32 $0xFFFF0000, v6  }
0x8a: {  	s31 =	sand.u32 $0x3F0, s20;
	[tilespmem:s21+$0x300] =	vst v6  }
0x8b: {  	v7 =	vld [tilespmem:s31+$0x600]  }
0x8c: {  	s20 =	simm.s32 $0x10;
	v6 =	vimm.f32 $0.0e+00  }
.LBB2_11:
0x8d: {  	p0 =	sne.s32 s20, $0x2F0  }
.Ltmp5:
0x8e: {  	_ = 	snop;
	(pc) =	sbr.rel @p0 .LBB2_11-.Ltmp5, $4  }
0x8f: {  	_ = 	snop  }
0x90: {  	s21 =	sand.u32 $0x3F0, s20;
	s20 =	sadd.s32 $0x10, s20;
	v8 =	vmul.f32 v7, v7  }
0x91: {  	v7 =	vld [tilespmem:s21+$0x600]  }
0x92: {  	v6 =	vadd.f32 v8, v6  }
0x93: {  	_ =	sdelay $0x2  }
0x94: {  	v7 =	vmul.f32 v7, v7;
	_ =	sdelay $0x1  }
0x95: {  	v6 =	vadd.f32 v7, v6;
	_ =	sdelay $0x1  }
0x96: {  	[tilespmem:$0x7900] =	vst v6  }
0x97: {  	v7 =	vld.idx.msk [tilespmem:v0+s12+$0x0], $0xffff;
	_ =	sdelay $0x4  }
0x98: {  	v6 =	vadd.f32 v7, v6;
	_ =	sdelay $0x1  }
0x99: {  	[tilespmem:$0x7900] =	vst v6  }
0x9a: {  	v7 =	vld.idx.msk [tilespmem:v1+s12+$0x0], $0xffff;
	_ =	sdelay $0x4  }
0x9b: {  	v6 =	vadd.f32 v7, v6;
	_ =	sdelay $0x1  }
0x9c: {  	[tilespmem:$0x7900] =	vst v6  }
0x9d: {  	v7 =	vld.idx.msk [tilespmem:v2+s12+$0x0], $0xffff;
	_ =	sdelay $0x4  }
0x9e: {  	v6 =	vadd.f32 v7, v6;
	_ =	sdelay $0x1  }
0x9f: {  	[tilespmem:$0x7900] =	vst v6  }
0xa0: {  	v7 =	vld.idx.msk [tilespmem:v3+s12+$0x0], $0xffff;
	_ =	sdelay $0x4  }
0xa1: {  	v6 =	vadd.f32 v7, v6;
	_ =	sdelay $0x1  }
0xa2: {  	v7 =	vshra.s32 v6, $0x1;
	v8 =	vmul.f32 $5.000000000e-01, v6  }
0xa3: {  	v7 =	vsub.s32 $0x5F3759DF, v7  }
0xa4: {  	v9 =	vmul.f32 v7, v8;
	_ =	sdelay $0x1  }
0xa5: {  	v9 =	vmul.f32 v7, v9;
	_ =	sdelay $0x1  }
0xa6: {  	v9 =	vsub.f32 $1.500000000e+00, v9;
	_ =	sdelay $0x1  }
0xa7: {  	v7 =	vmul.f32 v7, v9;
	_ =	sdelay $0x1  }
0xa8: {  	v9 =	vmul.f32 v7, v8;
	_ =	sdelay $0x1  }
0xa9: {  	v9 =	vmul.f32 v9, v7;
	_ =	sdelay $0x1  }
0xaa: {  	v9 =	vsub.f32 $1.500000000e+00, v9;
	_ =	sdelay $0x1  }
0xab: {  	v7 =	vmul.f32 v9, v7;
	_ =	sdelay $0x1  }
0xac: {  	v8 =	vmul.f32 v7, v8;
	_ =	sdelay $0x1  }
0xad: {  	v8 =	vmul.f32 v8, v7;
	_ =	sdelay $0x1  }
0xae: {  	v8 =	vsub.f32 $1.500000000e+00, v8;
	_ =	sdelay $0x1  }
0xaf: {  	v7 =	vmul.f32 v8, v7  }
0xb0: {  	s20 =	simm.s32 $0x0;
	vm7 =	vlt.f32 v6, $1.000000020e-24  }
0xb1: {  	s22 =	simm.s32 $0x10;
	s21 =	sand.u32 $0x3F0, s20;
	v6 =	vsel vm7, $0x5368D4A5, v7  }
.LBB2_13:
0xb2: {  	p0 =	sne.s32 s22, $0x2F0;
	v7 =	vld [tilespmem:s21+$0x600];
	_ =	sdelay $0x4  }
0xb3: {  	v7 =	vmul.f32 v7, v6;
	_ =	sdelay $0x1  }
0xb4: {  	v8 =	vshrl.u32 v7, $0x10  }
.Ltmp6:
0xb5: {  	v8 =	vand.u32 $0x1, v8;
	(pc) =	sbr.rel @p0 .LBB2_13-.Ltmp6, $4  }
0xb6: {  	v7 =	vadd.s32 v8, v7  }
0xb7: {  	v7 =	vadd.s32 $0x7FFF, v7  }
0xb8: {  	v7 =	vand.u32 $0xFFFF0000, v7  }
0xb9: {  	[tilespmem:s21+$0x600] =	vst v7;
	s21 =	sand.u32 $0x3F0, s22;
	s22 =	sadd.s32 $0x10, s22  }
0xba: {  	v7 =	vld [tilespmem:s21+$0x600];
	_ =	sdelay $0x4  }
0xbb: {  	v6 =	vmul.f32 v7, v6;
	_ =	sdelay $0x1  }
0xbc: {  	v7 =	vshrl.u32 v6, $0x10  }
0xbd: {  	v7 =	vand.u32 $0x1, v7  }
0xbe: {  	v6 =	vadd.s32 v7, v6  }
0xbf: {  	v6 =	vadd.s32 $0x7FFF, v6  }
0xc0: {  	v6 =	vand.u32 $0xFFFF0000, v6  }
0xc1: {  	s31 =	sand.u32 $0x3F0, s20;
	[tilespmem:s21+$0x600] =	vst v6  }
0xc2: {  	v7 =	vld [tilespmem:s31+$0x900]  }
0xc3: {  	s20 =	simm.s32 $0x10;
	v6 =	vimm.f32 $0.0e+00  }
.LBB2_15:
0xc4: {  	p0 =	sne.s32 s20, $0x2F0  }
.Ltmp7:
0xc5: {  	_ = 	snop;
	(pc) =	sbr.rel @p0 .LBB2_15-.Ltmp7, $4  }
0xc6: {  	_ = 	snop  }
0xc7: {  	s21 =	sand.u32 $0x3F0, s20;
	s20 =	sadd.s32 $0x10, s20;
	v8 =	vmul.f32 v7, v7  }
0xc8: {  	v7 =	vld [tilespmem:s21+$0x900]  }
0xc9: {  	v6 =	vadd.f32 v8, v6  }
0xca: {  	_ =	sdelay $0x2  }
0xcb: {  	v7 =	vmul.f32 v7, v7;
	_ =	sdelay $0x1  }
0xcc: {  	v6 =	vadd.f32 v7, v6;
	_ =	sdelay $0x1  }
0xcd: {  	[tilespmem:$0x7900] =	vst v6  }
0xce: {  	v7 =	vld.idx.msk [tilespmem:v0+s12+$0x0], $0xffff;
	_ =	sdelay $0x4  }
0xcf: {  	v6 =	vadd.f32 v7, v6;
	_ =	sdelay $0x1  }
0xd0: {  	[tilespmem:$0x7900] =	vst v6  }
0xd1: {  	v7 =	vld.idx.msk [tilespmem:v1+s12+$0x0], $0xffff;
	_ =	sdelay $0x4  }
0xd2: {  	v6 =	vadd.f32 v7, v6;
	_ =	sdelay $0x1  }
0xd3: {  	[tilespmem:$0x7900] =	vst v6  }
0xd4: {  	v7 =	vld.idx.msk [tilespmem:v2+s12+$0x0], $0xffff;
	_ =	sdelay $0x4  }
0xd5: {  	v6 =	vadd.f32 v7, v6;
	_ =	sdelay $0x1  }
0xd6: {  	[tilespmem:$0x7900] =	vst v6  }
0xd7: {  	v7 =	vld.idx.msk [tilespmem:v3+s12+$0x0], $0xffff;
	_ =	sdelay $0x4  }
0xd8: {  	v6 =	vadd.f32 v7, v6;
	_ =	sdelay $0x1  }
0xd9: {  	v7 =	vshra.s32 v6, $0x1;
	v8 =	vmul.f32 $5.000000000e-01, v6  }
0xda: {  	v7 =	vsub.s32 $0x5F3759DF, v7  }
0xdb: {  	v9 =	vmul.f32 v7, v8;
	_ =	sdelay $0x1  }
0xdc: {  	v9 =	vmul.f32 v7, v9;
	_ =	sdelay $0x1  }
0xdd: {  	v9 =	vsub.f32 $1.500000000e+00, v9;
	_ =	sdelay $0x1  }
0xde: {  	v7 =	vmul.f32 v7, v9;
	_ =	sdelay $0x1  }
0xdf: {  	v9 =	vmul.f32 v7, v8;
	_ =	sdelay $0x1  }
0xe0: {  	v9 =	vmul.f32 v9, v7;
	_ =	sdelay $0x1  }
0xe1: {  	v9 =	vsub.f32 $1.500000000e+00, v9;
	_ =	sdelay $0x1  }
0xe2: {  	v7 =	vmul.f32 v9, v7;
	_ =	sdelay $0x1  }
0xe3: {  	v8 =	vmul.f32 v7, v8;
	_ =	sdelay $0x1  }
0xe4: {  	v8 =	vmul.f32 v8, v7;
	_ =	sdelay $0x1  }
0xe5: {  	v8 =	vsub.f32 $1.500000000e+00, v8;
	_ =	sdelay $0x1  }
0xe6: {  	v7 =	vmul.f32 v8, v7  }
0xe7: {  	s20 =	simm.s32 $0x0;
	vm7 =	vlt.f32 v6, $1.000000020e-24  }
0xe8: {  	s22 =	simm.s32 $0x10;
	s21 =	sand.u32 $0x3F0, s20;
	v6 =	vsel vm7, $0x5368D4A5, v7  }
.LBB2_17:
0xe9: {  	p0 =	sne.s32 s22, $0x2F0;
	v7 =	vld [tilespmem:s21+$0x900];
	_ =	sdelay $0x4  }
0xea: {  	v7 =	vmul.f32 v7, v6;
	_ =	sdelay $0x1  }
0xeb: {  	v8 =	vshrl.u32 v7, $0x10  }
.Ltmp8:
0xec: {  	v8 =	vand.u32 $0x1, v8;
	(pc) =	sbr.rel @p0 .LBB2_17-.Ltmp8, $4  }
0xed: {  	v7 =	vadd.s32 v8, v7  }
0xee: {  	v7 =	vadd.s32 $0x7FFF, v7  }
0xef: {  	v7 =	vand.u32 $0xFFFF0000, v7  }
0xf0: {  	[tilespmem:s21+$0x900] =	vst v7;
	s21 =	sand.u32 $0x3F0, s22;
	s22 =	sadd.s32 $0x10, s22  }
0xf1: {  	v7 =	vld [tilespmem:s21+$0x900];
	_ =	sdelay $0x4  }
0xf2: {  	v6 =	vmul.f32 v7, v6;
	_ =	sdelay $0x1  }
0xf3: {  	v7 =	vshrl.u32 v6, $0x10  }
0xf4: {  	v7 =	vand.u32 $0x1, v7  }
0xf5: {  	v6 =	vadd.s32 v7, v6  }
0xf6: {  	v6 =	vadd.s32 $0x7FFF, v6  }
0xf7: {  	v6 =	vand.u32 $0xFFFF0000, v6  }
0xf8: {  	s31 =	sand.u32 $0x3F0, s20;
	[tilespmem:s21+$0x900] =	vst v6  }
0xf9: {  	v7 =	vld [tilespmem:s31+$0xC00]  }
0xfa: {  	s20 =	simm.s32 $0x10;
	v6 =	vimm.f32 $0.0e+00  }
.LBB2_19:
0xfb: {  	p0 =	sne.s32 s20, $0x2F0  }
.Ltmp9:
0xfc: {  	_ = 	snop;
	(pc) =	sbr.rel @p0 .LBB2_19-.Ltmp9, $4  }
0xfd: {  	_ = 	snop  }
0xfe: {  	s21 =	sand.u32 $0x3F0, s20;
	s20 =	sadd.s32 $0x10, s20;
	v8 =	vmul.f32 v7, v7  }
0xff: {  	v7 =	vld [tilespmem:s21+$0xC00]  }
0x100: {  	v6 =	vadd.f32 v8, v6  }
0x101: {  	_ =	sdelay $0x2  }
0x102: {  	v7 =	vmul.f32 v7, v7;
	_ =	sdelay $0x1  }
0x103: {  	v6 =	vadd.f32 v7, v6;
	_ =	sdelay $0x1  }
0x104: {  	[tilespmem:$0x7900] =	vst v6  }
0x105: {  	v7 =	vld.idx.msk [tilespmem:v0+s12+$0x0], $0xffff;
	_ =	sdelay $0x4  }
0x106: {  	v6 =	vadd.f32 v7, v6;
	_ =	sdelay $0x1  }
0x107: {  	[tilespmem:$0x7900] =	vst v6  }
0x108: {  	v7 =	vld.idx.msk [tilespmem:v1+s12+$0x0], $0xffff;
	_ =	sdelay $0x4  }
0x109: {  	v6 =	vadd.f32 v7, v6;
	_ =	sdelay $0x1  }
0x10a: {  	[tilespmem:$0x7900] =	vst v6  }
0x10b: {  	v7 =	vld.idx.msk [tilespmem:v2+s12+$0x0], $0xffff;
	_ =	sdelay $0x4  }
0x10c: {  	v6 =	vadd.f32 v7, v6;
	_ =	sdelay $0x1  }
0x10d: {  	[tilespmem:$0x7900] =	vst v6  }
0x10e: {  	v7 =	vld.idx.msk [tilespmem:v3+s12+$0x0], $0xffff;
	_ =	sdelay $0x4  }
0x10f: {  	v6 =	vadd.f32 v7, v6;
	_ =	sdelay $0x1  }
0x110: {  	v7 =	vshra.s32 v6, $0x1;
	v8 =	vmul.f32 $5.000000000e-01, v6  }
0x111: {  	v7 =	vsub.s32 $0x5F3759DF, v7  }
0x112: {  	v9 =	vmul.f32 v7, v8;
	_ =	sdelay $0x1  }
0x113: {  	v9 =	vmul.f32 v7, v9;
	_ =	sdelay $0x1  }
0x114: {  	v9 =	vsub.f32 $1.500000000e+00, v9;
	_ =	sdelay $0x1  }
0x115: {  	v7 =	vmul.f32 v7, v9;
	_ =	sdelay $0x1  }
0x116: {  	v9 =	vmul.f32 v7, v8;
	_ =	sdelay $0x1  }
0x117: {  	v9 =	vmul.f32 v9, v7;
	_ =	sdelay $0x1  }
0x118: {  	v9 =	vsub.f32 $1.500000000e+00, v9;
	_ =	sdelay $0x1  }
0x119: {  	v7 =	vmul.f32 v9, v7;
	_ =	sdelay $0x1  }
0x11a: {  	v8 =	vmul.f32 v7, v8;
	_ =	sdelay $0x1  }
0x11b: {  	v8 =	vmul.f32 v8, v7;
	_ =	sdelay $0x1  }
0x11c: {  	v8 =	vsub.f32 $1.500000000e+00, v8;
	_ =	sdelay $0x1  }
0x11d: {  	v7 =	vmul.f32 v8, v7  }
0x11e: {  	s20 =	simm.s32 $0x0;
	vm7 =	vlt.f32 v6, $1.000000020e-24  }
0x11f: {  	s22 =	simm.s32 $0x10;
	s21 =	sand.u32 $0x3F0, s20;
	v6 =	vsel vm7, $0x5368D4A5, v7  }
.LBB2_21:
0x120: {  	p0 =	sne.s32 s22, $0x2F0;
	v7 =	vld [tilespmem:s21+$0xC00];
	_ =	sdelay $0x4  }
0x121: {  	v7 =	vmul.f32 v7, v6;
	_ =	sdelay $0x1  }
0x122: {  	v8 =	vshrl.u32 v7, $0x10  }
.Ltmp10:
0x123: {  	v8 =	vand.u32 $0x1, v8;
	(pc) =	sbr.rel @p0 .LBB2_21-.Ltmp10, $4  }
0x124: {  	v7 =	vadd.s32 v8, v7  }
0x125: {  	v7 =	vadd.s32 $0x7FFF, v7  }
0x126: {  	v7 =	vand.u32 $0xFFFF0000, v7  }
0x127: {  	[tilespmem:s21+$0xC00] =	vst v7;
	s21 =	sand.u32 $0x3F0, s22;
	s22 =	sadd.s32 $0x10, s22  }
0x128: {  	v7 =	vld [tilespmem:s21+$0xC00];
	_ =	sdelay $0x4  }
0x129: {  	v6 =	vmul.f32 v7, v6;
	_ =	sdelay $0x1  }
0x12a: {  	v7 =	vshrl.u32 v6, $0x10  }
0x12b: {  	v7 =	vand.u32 $0x1, v7  }
0x12c: {  	v6 =	vadd.s32 v7, v6  }
0x12d: {  	v6 =	vadd.s32 $0x7FFF, v6  }
0x12e: {  	v6 =	vand.u32 $0xFFFF0000, v6  }
0x12f: {  	s31 =	sand.u32 $0x3F0, s20;
	[tilespmem:s21+$0xC00] =	vst v6  }
0x130: {  	v7 =	vld [tilespmem:s31+$0xF00]  }
0x131: {  	s20 =	simm.s32 $0x10;
	v6 =	vimm.f32 $0.0e+00  }
.LBB2_23:
0x132: {  	p0 =	sne.s32 s20, $0x2F0  }
.Ltmp11:
0x133: {  	_ = 	snop;
	(pc) =	sbr.rel @p0 .LBB2_23-.Ltmp11, $4  }
0x134: {  	_ = 	snop  }
0x135: {  	s21 =	sand.u32 $0x3F0, s20;
	s20 =	sadd.s32 $0x10, s20;
	v8 =	vmul.f32 v7, v7  }
0x136: {  	v7 =	vld [tilespmem:s21+$0xF00]  }
0x137: {  	v6 =	vadd.f32 v8, v6  }
0x138: {  	_ =	sdelay $0x2  }
0x139: {  	v7 =	vmul.f32 v7, v7;
	_ =	sdelay $0x1  }
0x13a: {  	v6 =	vadd.f32 v7, v6;
	_ =	sdelay $0x1  }
0x13b: {  	[tilespmem:$0x7900] =	vst v6  }
0x13c: {  	v7 =	vld.idx.msk [tilespmem:v0+s12+$0x0], $0xffff;
	_ =	sdelay $0x4  }
0x13d: {  	v6 =	vadd.f32 v7, v6;
	_ =	sdelay $0x1  }
0x13e: {  	[tilespmem:$0x7900] =	vst v6  }
0x13f: {  	v7 =	vld.idx.msk [tilespmem:v1+s12+$0x0], $0xffff;
	_ =	sdelay $0x4  }
0x140: {  	v6 =	vadd.f32 v7, v6;
	_ =	sdelay $0x1  }
0x141: {  	[tilespmem:$0x7900] =	vst v6  }
0x142: {  	v7 =	vld.idx.msk [tilespmem:v2+s12+$0x0], $0xffff;
	_ =	sdelay $0x4  }
0x143: {  	v6 =	vadd.f32 v7, v6;
	_ =	sdelay $0x1  }
0x144: {  	[tilespmem:$0x7900] =	vst v6  }
0x145: {  	v7 =	vld.idx.msk [tilespmem:v3+s12+$0x0], $0xffff;
	_ =	sdelay $0x4  }
0x146: {  	v6 =	vadd.f32 v7, v6;
	_ =	sdelay $0x1  }
0x147: {  	v7 =	vshra.s32 v6, $0x1;
	v8 =	vmul.f32 $5.000000000e-01, v6  }
0x148: {  	v7 =	vsub.s32 $0x5F3759DF, v7  }
0x149: {  	v9 =	vmul.f32 v7, v8;
	_ =	sdelay $0x1  }
0x14a: {  	v9 =	vmul.f32 v7, v9;
	_ =	sdelay $0x1  }
0x14b: {  	v9 =	vsub.f32 $1.500000000e+00, v9;
	_ =	sdelay $0x1  }
0x14c: {  	v7 =	vmul.f32 v7, v9;
	_ =	sdelay $0x1  }
0x14d: {  	v9 =	vmul.f32 v7, v8;
	_ =	sdelay $0x1  }
0x14e: {  	v9 =	vmul.f32 v9, v7;
	_ =	sdelay $0x1  }
0x14f: {  	v9 =	vsub.f32 $1.500000000e+00, v9;
	_ =	sdelay $0x1  }
0x150: {  	v7 =	vmul.f32 v9, v7;
	_ =	sdelay $0x1  }
0x151: {  	v8 =	vmul.f32 v7, v8;
	_ =	sdelay $0x1  }
0x152: {  	v8 =	vmul.f32 v8, v7;
	_ =	sdelay $0x1  }
0x153: {  	v8 =	vsub.f32 $1.500000000e+00, v8;
	_ =	sdelay $0x1  }
0x154: {  	v7 =	vmul.f32 v8, v7  }
0x155: {  	s20 =	simm.s32 $0x0;
	vm7 =	vlt.f32 v6, $1.000000020e-24  }
0x156: {  	s22 =	simm.s32 $0x10;
	s21 =	sand.u32 $0x3F0, s20;
	v6 =	vsel vm7, $0x5368D4A5, v7  }
.LBB2_25:
0x157: {  	p0 =	sne.s32 s22, $0x2F0;
	v7 =	vld [tilespmem:s21+$0xF00];
	_ =	sdelay $0x4  }
0x158: {  	v7 =	vmul.f32 v7, v6;
	_ =	sdelay $0x1  }
0x159: {  	v8 =	vshrl.u32 v7, $0x10  }
.Ltmp12:
0x15a: {  	v8 =	vand.u32 $0x1, v8;
	(pc) =	sbr.rel @p0 .LBB2_25-.Ltmp12, $4  }
0x15b: {  	v7 =	vadd.s32 v8, v7  }
0x15c: {  	v7 =	vadd.s32 $0x7FFF, v7  }
0x15d: {  	v7 =	vand.u32 $0xFFFF0000, v7  }
0x15e: {  	[tilespmem:s21+$0xF00] =	vst v7;
	s21 =	sand.u32 $0x3F0, s22;
	s22 =	sadd.s32 $0x10, s22  }
0x15f: {  	v7 =	vld [tilespmem:s21+$0xF00];
	_ =	sdelay $0x4  }
0x160: {  	v6 =	vmul.f32 v7, v6;
	_ =	sdelay $0x1  }
0x161: {  	v7 =	vshrl.u32 v6, $0x10  }
0x162: {  	v7 =	vand.u32 $0x1, v7  }
0x163: {  	v6 =	vadd.s32 v7, v6  }
0x164: {  	v6 =	vadd.s32 $0x7FFF, v6  }
0x165: {  	v6 =	vand.u32 $0xFFFF0000, v6  }
0x166: {  	s31 =	sand.u32 $0x3F0, s20;
	[tilespmem:s21+$0xF00] =	vst v6  }
0x167: {  	v7 =	vld [tilespmem:s31+$0x1200]  }
0x168: {  	s20 =	simm.s32 $0x10;
	v6 =	vimm.f32 $0.0e+00  }
.LBB2_27:
0x169: {  	p0 =	sne.s32 s20, $0x2F0  }
.Ltmp13:
0x16a: {  	_ = 	snop;
	(pc) =	sbr.rel @p0 .LBB2_27-.Ltmp13, $4  }
0x16b: {  	_ = 	snop  }
0x16c: {  	s21 =	sand.u32 $0x3F0, s20;
	s20 =	sadd.s32 $0x10, s20;
	v8 =	vmul.f32 v7, v7  }
0x16d: {  	v7 =	vld [tilespmem:s21+$0x1200]  }
0x16e: {  	v6 =	vadd.f32 v8, v6  }
0x16f: {  	_ =	sdelay $0x2  }
0x170: {  	v7 =	vmul.f32 v7, v7;
	_ =	sdelay $0x1  }
0x171: {  	v6 =	vadd.f32 v7, v6;
	_ =	sdelay $0x1  }
0x172: {  	[tilespmem:$0x7900] =	vst v6  }
0x173: {  	v7 =	vld.idx.msk [tilespmem:v0+s12+$0x0], $0xffff;
	_ =	sdelay $0x4  }
0x174: {  	v6 =	vadd.f32 v7, v6;
	_ =	sdelay $0x1  }
0x175: {  	[tilespmem:$0x7900] =	vst v6  }
0x176: {  	v7 =	vld.idx.msk [tilespmem:v1+s12+$0x0], $0xffff;
	_ =	sdelay $0x4  }
0x177: {  	v6 =	vadd.f32 v7, v6;
	_ =	sdelay $0x1  }
0x178: {  	[tilespmem:$0x7900] =	vst v6  }
0x179: {  	v7 =	vld.idx.msk [tilespmem:v2+s12+$0x0], $0xffff;
	_ =	sdelay $0x4  }
0x17a: {  	v6 =	vadd.f32 v7, v6;
	_ =	sdelay $0x1  }
0x17b: {  	[tilespmem:$0x7900] =	vst v6  }
0x17c: {  	v7 =	vld.idx.msk [tilespmem:v3+s12+$0x0], $0xffff;
	_ =	sdelay $0x4  }
0x17d: {  	v6 =	vadd.f32 v7, v6;
	_ =	sdelay $0x1  }
0x17e: {  	v7 =	vshra.s32 v6, $0x1;
	v8 =	vmul.f32 $5.000000000e-01, v6  }
0x17f: {  	v7 =	vsub.s32 $0x5F3759DF, v7  }
0x180: {  	v9 =	vmul.f32 v7, v8;
	_ =	sdelay $0x1  }
0x181: {  	v9 =	vmul.f32 v7, v9;
	_ =	sdelay $0x1  }
0x182: {  	v9 =	vsub.f32 $1.500000000e+00, v9;
	_ =	sdelay $0x1  }
0x183: {  	v7 =	vmul.f32 v7, v9;
	_ =	sdelay $0x1  }
0x184: {  	v9 =	vmul.f32 v7, v8;
	_ =	sdelay $0x1  }
0x185: {  	v9 =	vmul.f32 v9, v7;
	_ =	sdelay $0x1  }
0x186: {  	v9 =	vsub.f32 $1.500000000e+00, v9;
	_ =	sdelay $0x1  }
0x187: {  	v7 =	vmul.f32 v9, v7;
	_ =	sdelay $0x1  }
0x188: {  	v8 =	vmul.f32 v7, v8;
	_ =	sdelay $0x1  }
0x189: {  	v8 =	vmul.f32 v8, v7;
	_ =	sdelay $0x1  }
0x18a: {  	v8 =	vsub.f32 $1.500000000e+00, v8;
	_ =	sdelay $0x1  }
0x18b: {  	v7 =	vmul.f32 v8, v7  }
0x18c: {  	s20 =	simm.s32 $0x0;
	vm7 =	vlt.f32 v6, $1.000000020e-24  }
0x18d: {  	s22 =	simm.s32 $0x10;
	s21 =	sand.u32 $0x3F0, s20;
	v6 =	vsel vm7, $0x5368D4A5, v7  }
.LBB2_29:
0x18e: {  	p0 =	sne.s32 s22, $0x2F0;
	v7 =	vld [tilespmem:s21+$0x1200];
	_ =	sdelay $0x4  }
0x18f: {  	v7 =	vmul.f32 v7, v6;
	_ =	sdelay $0x1  }
0x190: {  	v8 =	vshrl.u32 v7, $0x10  }
.Ltmp14:
0x191: {  	v8 =	vand.u32 $0x1, v8;
	(pc) =	sbr.rel @p0 .LBB2_29-.Ltmp14, $4  }
0x192: {  	v7 =	vadd.s32 v8, v7  }
0x193: {  	v7 =	vadd.s32 $0x7FFF, v7  }
0x194: {  	v7 =	vand.u32 $0xFFFF0000, v7  }
0x195: {  	[tilespmem:s21+$0x1200] =	vst v7;
	s21 =	sand.u32 $0x3F0, s22;
	s22 =	sadd.s32 $0x10, s22  }
0x196: {  	v7 =	vld [tilespmem:s21+$0x1200];
	_ =	sdelay $0x4  }
0x197: {  	v6 =	vmul.f32 v7, v6;
	_ =	sdelay $0x1  }
0x198: {  	v7 =	vshrl.u32 v6, $0x10  }
0x199: {  	v7 =	vand.u32 $0x1, v7  }
0x19a: {  	v6 =	vadd.s32 v7, v6  }
0x19b: {  	v6 =	vadd.s32 $0x7FFF, v6  }
0x19c: {  	v6 =	vand.u32 $0xFFFF0000, v6  }
0x19d: {  	s31 =	sand.u32 $0x3F0, s20;
	[tilespmem:s21+$0x1200] =	vst v6  }
0x19e: {  	v7 =	vld [tilespmem:s31+$0x1500]  }
0x19f: {  	s20 =	simm.s32 $0x10;
	v6 =	vimm.f32 $0.0e+00  }
.LBB2_31:
0x1a0: {  	p0 =	sne.s32 s20, $0x2F0  }
.Ltmp15:
0x1a1: {  	_ = 	snop;
	(pc) =	sbr.rel @p0 .LBB2_31-.Ltmp15, $4  }
0x1a2: {  	_ = 	snop  }
0x1a3: {  	s21 =	sand.u32 $0x3F0, s20;
	s20 =	sadd.s32 $0x10, s20;
	v8 =	vmul.f32 v7, v7  }
0x1a4: {  	v7 =	vld [tilespmem:s21+$0x1500]  }
0x1a5: {  	v6 =	vadd.f32 v8, v6  }
0x1a6: {  	_ =	sdelay $0x2  }
0x1a7: {  	v7 =	vmul.f32 v7, v7;
	_ =	sdelay $0x1  }
0x1a8: {  	v6 =	vadd.f32 v7, v6;
	_ =	sdelay $0x1  }
0x1a9: {  	[tilespmem:$0x7900] =	vst v6  }
0x1aa: {  	v7 =	vld.idx.msk [tilespmem:v0+s12+$0x0], $0xffff;
	_ =	sdelay $0x4  }
0x1ab: {  	v6 =	vadd.f32 v7, v6;
	_ =	sdelay $0x1  }
0x1ac: {  	[tilespmem:$0x7900] =	vst v6  }
0x1ad: {  	v7 =	vld.idx.msk [tilespmem:v1+s12+$0x0], $0xffff;
	_ =	sdelay $0x4  }
0x1ae: {  	v6 =	vadd.f32 v7, v6;
	_ =	sdelay $0x1  }
0x1af: {  	[tilespmem:$0x7900] =	vst v6  }
0x1b0: {  	v7 =	vld.idx.msk [tilespmem:v2+s12+$0x0], $0xffff;
	_ =	sdelay $0x4  }
0x1b1: {  	v6 =	vadd.f32 v7, v6;
	_ =	sdelay $0x1  }
0x1b2: {  	[tilespmem:$0x7900] =	vst v6  }
0x1b3: {  	v7 =	vld.idx.msk [tilespmem:v3+s12+$0x0], $0xffff;
	_ =	sdelay $0x4  }
0x1b4: {  	v6 =	vadd.f32 v7, v6;
	_ =	sdelay $0x1  }
0x1b5: {  	v7 =	vshra.s32 v6, $0x1;
	v8 =	vmul.f32 $5.000000000e-01, v6  }
0x1b6: {  	v7 =	vsub.s32 $0x5F3759DF, v7  }
0x1b7: {  	v9 =	vmul.f32 v7, v8;
	_ =	sdelay $0x1  }
0x1b8: {  	v9 =	vmul.f32 v7, v9;
	_ =	sdelay $0x1  }
0x1b9: {  	v9 =	vsub.f32 $1.500000000e+00, v9;
	_ =	sdelay $0x1  }
0x1ba: {  	v7 =	vmul.f32 v7, v9;
	_ =	sdelay $0x1  }
0x1bb: {  	v9 =	vmul.f32 v7, v8;
	_ =	sdelay $0x1  }
0x1bc: {  	v9 =	vmul.f32 v9, v7;
	_ =	sdelay $0x1  }
0x1bd: {  	v9 =	vsub.f32 $1.500000000e+00, v9;
	_ =	sdelay $0x1  }
0x1be: {  	v7 =	vmul.f32 v9, v7;
	_ =	sdelay $0x1  }
0x1bf: {  	v8 =	vmul.f32 v7, v8;
	_ =	sdelay $0x1  }
0x1c0: {  	v8 =	vmul.f32 v8, v7;
	_ =	sdelay $0x1  }
0x1c1: {  	v8 =	vsub.f32 $1.500000000e+00, v8;
	_ =	sdelay $0x1  }
0x1c2: {  	v7 =	vmul.f32 v8, v7  }
0x1c3: {  	s20 =	simm.s32 $0x0;
	vm7 =	vlt.f32 v6, $1.000000020e-24  }
0x1c4: {  	s21 =	simm.s32 $0x10;
	s20 =	sand.u32 $0x3F0, s20;
	v6 =	vsel vm7, $0x5368D4A5, v7  }
.LBB2_33:
0x1c5: {  	p0 =	sne.s32 s21, $0x2F0;
	v7 =	vld [tilespmem:s20+$0x1500];
	_ =	sdelay $0x4  }
0x1c6: {  	v7 =	vmul.f32 v7, v6;
	_ =	sdelay $0x1  }
0x1c7: {  	v8 =	vshrl.u32 v7, $0x10  }
.Ltmp16:
0x1c8: {  	v8 =	vand.u32 $0x1, v8;
	(pc) =	sbr.rel @p0 .LBB2_33-.Ltmp16, $4  }
0x1c9: {  	v7 =	vadd.s32 v8, v7  }
0x1ca: {  	v7 =	vadd.s32 $0x7FFF, v7  }
0x1cb: {  	v7 =	vand.u32 $0xFFFF0000, v7  }
0x1cc: {  	[tilespmem:s20+$0x1500] =	vst v7;
	s20 =	sand.u32 $0x3F0, s21;
	s21 =	sadd.s32 $0x10, s21  }
0x1cd: {  	v7 =	vld [tilespmem:s20+$0x1500];
	_ =	sdelay $0x4  }
0x1ce: {  	v6 =	vmul.f32 v7, v6;
	_ =	sdelay $0x1  }
0x1cf: {  	v7 =	vshrl.u32 v6, $0x10  }
0x1d0: {  	v7 =	vand.u32 $0x1, v7  }
0x1d1: {  	v6 =	vadd.s32 v7, v6  }
0x1d2: {  	v6 =	vadd.s32 $0x7FFF, v6  }
0x1d3: {  	v6 =	vand.u32 $0xFFFF0000, v6  }
0x1d4: {  	[tilespmem:s20+$0x1500] =	vst v6  }
0x1d5: {  	[tilespmem:$0x7800] =	vst v4  }
0x1d6: {  	s20 =	simm.s32 $0x0;
	[tilespmem:$0x7880] =	vst v5  }
0x1d7: {  	[tilespmem:s13], [sflag:$0x1] =	stream.linear.gather [hbm4b:s3+s20], $0x3000, $0x38;
	[tilespmem:$0x7980] =	vst v63  }
0x1d8: {  	_ =	swait.ge [sflag:s14], $0x3000  }
0x1d9: {  	[sflag:s14] =	ssyncset.done $0x0  }
0x1da: {  	s21 =	simm.s32 $0x0;
	[sflag:s14] =	ssyncadd.s32 $0xFFFFD000  }
0x1db: {  	[tilespmem:s15], [sflag:$0x2] =	stream.linear.gather [hbm4b:s4+s20], $0x3000, $0x38;
	[tilespmem:$0x7980] =	vst v63  }
.LBB2_35:
0x1dc: {  	s22 =	sshrl.u32 s21, $0x2  }
0x1dd: {  	s22 =	smul.u32 $0x6000, s22  }
0x1de: {  	s23 =	sshll.u32 s21, $0x8  }
0x1df: {  	s23 =	sand.u32 $0x300, s23;
	s22 =	sshra.s32 s22, $0x2  }
0x1e0: {  	s22 =	sor.u32 s23, s22  }
0x1e1: {  	s31 =	sand.u32 $0x1C00, s20;
	s22 =	sadd.s32 $0x1800, s22  }
0x1e2: {  	s24 =	sand.u32 $0x70, s20;
	s23 =	sadd.s32 s31, s22  }
0x1e3: {  	s24 =	sadd.s32 s24, s23  }
0x1e4: {  	v7 =	vld [tilespmem:s24+$0x80]  }
0x1e5: {  	v6 =	vimm.f32 $0.0e+00;
	v8 =	vimm.f32 $0.0e+00;
	s23 =	simm.s32 $0x10;
	v9 =	vld [tilespmem:s24+$0x0];
	s24 =	simm.s32 $0x80  }
.LBB2_36:
0x1e6: {  	s25 =	sand.u32 $0x1C00, s24  }
0x1e7: {  	p0 =	sne.s32 s23, $0x2F0;
	s26 =	smov.u32 s23;
	s23 =	sadd.s32 $0x10, s23  }
.Ltmp17:
0x1e8: {  	s26 =	sand.u32 $0x70, s26;
	s25 =	sadd.s32 s25, s22;
	(pc) =	sbr.rel @p0 .LBB2_36-.Ltmp17, $4  }
0x1e9: {  	s25 =	sadd.s32 s26, s25;
	v10 =	vmul.f32 v7, v7  }
0x1ea: {  	v7 =	vld [tilespmem:s25+$0x80];
	v11 =	vmul.f32 v9, v9  }
0x1eb: {  	v9 =	vld [tilespmem:s25+$0x0];
	v6 =	vadd.f32 v10, v6  }
0x1ec: {  	s24 =	sadd.s32 $0x80, s24;
	v8 =	vadd.f32 v11, v8  }
0x1ed: {  	_ =	sdelay $0x2  }
0x1ee: {  	v9 =	vmul.f32 v9, v9;
	_ =	sdelay $0x1  }
0x1ef: {  	v8 =	vadd.f32 v9, v8;
	_ =	sdelay $0x1  }
0x1f0: {  	[tilespmem:$0x7900] =	vst v8  }
0x1f1: {  	v9 =	vld.idx.msk [tilespmem:v0+s12+$0x0], $0xffff;
	_ =	sdelay $0x4  }
0x1f2: {  	v8 =	vadd.f32 v9, v8;
	_ =	sdelay $0x1  }
0x1f3: {  	[tilespmem:$0x7900] =	vst v8  }
0x1f4: {  	v9 =	vld.idx.msk [tilespmem:v1+s12+$0x0], $0xffff;
	_ =	sdelay $0x4  }
0x1f5: {  	v8 =	vadd.f32 v9, v8;
	_ =	sdelay $0x1  }
0x1f6: {  	[tilespmem:$0x7900] =	vst v8  }
0x1f7: {  	v9 =	vld.idx.msk [tilespmem:v2+s12+$0x0], $0xffff;
	_ =	sdelay $0x3  }
0x1f8: {  	v7 =	vmul.f32 v7, v7  }
0x1f9: {  	v8 =	vadd.f32 v9, v8  }
0x1fa: {  	v6 =	vadd.f32 v7, v6  }
0x1fb: {  	[tilespmem:$0x7900] =	vst v8  }
0x1fc: {  	v7 =	vld.idx.msk [tilespmem:v3+s12+$0x0], $0xffff;
	[tilespmem:$0x7900] =	vst v6  }
0x1fd: {  	v9 =	vld.idx.msk [tilespmem:v0+s12+$0x0], $0xffff;
	_ =	sdelay $0x4  }
0x1fe: {  	v6 =	vadd.f32 v9, v6;
	_ =	sdelay $0x1  }
0x1ff: {  	[tilespmem:$0x7900] =	vst v6  }
0x200: {  	v9 =	vld.idx.msk [tilespmem:v1+s12+$0x0], $0xffff;
	_ =	sdelay $0x4  }
0x201: {  	v6 =	vadd.f32 v9, v6;
	_ =	sdelay $0x1  }
0x202: {  	[tilespmem:$0x7900] =	vst v6  }
0x203: {  	v9 =	vld.idx.msk [tilespmem:v2+s12+$0x0], $0xffff;
	_ =	sdelay $0x4  }
0x204: {  	v6 =	vadd.f32 v9, v6;
	_ =	sdelay $0x1  }
0x205: {  	[tilespmem:$0x7900] =	vst v6  }
0x206: {  	v9 =	vld.idx.msk [tilespmem:v3+s12+$0x0], $0xffff;
	_ =	sdelay $0x4  }
0x207: {  	v6 =	vadd.f32 v9, v6  }
0x208: {  	v7 =	vadd.f32 v7, v8  }
0x209: {  	v8 =	vshra.s32 v6, $0x1;
	v9 =	vmul.f32 $5.000000000e-01, v6  }
0x20a: {  	v10 =	vshra.s32 v7, $0x1;
	v11 =	vmul.f32 $5.000000000e-01, v7;
	v8 =	vsub.s32 $0x5F3759DF, v8  }
0x20b: {  	v10 =	vsub.s32 $0x5F3759DF, v10;
	v12 =	vmul.f32 v8, v9  }
0x20c: {  	v13 =	vmul.f32 v10, v11  }
0x20d: {  	v12 =	vmul.f32 v8, v12  }
0x20e: {  	v13 =	vmul.f32 v10, v13  }
0x20f: {  	v12 =	vsub.f32 $1.500000000e+00, v12  }
0x210: {  	v13 =	vsub.f32 $1.500000000e+00, v13  }
0x211: {  	v8 =	vmul.f32 v8, v12  }
0x212: {  	v10 =	vmul.f32 v10, v13  }
0x213: {  	v12 =	vmul.f32 v8, v9  }
0x214: {  	v13 =	vmul.f32 v10, v11  }
0x215: {  	v12 =	vmul.f32 v12, v8  }
0x216: {  	v13 =	vmul.f32 v13, v10  }
0x217: {  	v12 =	vsub.f32 $1.500000000e+00, v12  }
0x218: {  	v13 =	vsub.f32 $1.500000000e+00, v13  }
0x219: {  	v8 =	vmul.f32 v12, v8  }
0x21a: {  	v10 =	vmul.f32 v13, v10  }
0x21b: {  	s23 =	simm.s32 $0x0;
	v9 =	vmul.f32 v8, v9  }
0x21c: {  	s24 =	sand.u32 $0x1C00, s23;
	v11 =	vmul.f32 v10, v11  }
0x21d: {  	s25 =	sand.u32 $0x70, s23;
	s24 =	sadd.s32 s24, s22;
	v9 =	vmul.f32 v9, v8  }
0x21e: {  	s24 =	sadd.s32 s25, s24;
	v11 =	vmul.f32 v11, v10  }
0x21f: {  	v13 =	vld [tilespmem:s24+$0x0];
	v9 =	vsub.f32 $1.500000000e+00, v9  }
0x220: {  	v11 =	vsub.f32 $1.500000000e+00, v11;
	v12 =	vld [tilespmem:s24+$0x80]  }
0x221: {  	v25 =	vimm.f32 $0.0e+00;
	v40 =	vimm.f32 $0.0e+00;
	v8 =	vmul.f32 v9, v8  }
0x222: {  	v39 =	vimm.f32 $0.0e+00;
	vm7 =	vlt.f32 v6, $1.000000020e-24;
	v9 =	vmul.f32 v11, v10  }
0x223: {  	v37 =	vimm.f32 $0.0e+00;
	v18 =	vsel vm7, $0x5368D4A5, v8;
	vm7 =	vlt.f32 v7, $1.000000020e-24  }
0x224: {  	v35 =	vimm.f32 $0.0e+00;
	v32 =	vimm.f32 $0.0e+00;
	v20 =	vsel vm7, $0x5368D4A5, v9  }
0x225: {  	v30 =	vimm.f32 $0.0e+00;
	v6 =	vmul.f32 v12, v18;
	v7 =	vmul.f32 v13, v20  }
0x226: {  	v27 =	vimm.f32 $0.0e+00;
	v21 =	vimm.f32 $0.0e+00;
	v16 =	vimm.f32 $0.0e+00;
	s26 =	sand.u32 $0x3F0, s23;
	v26 =	vld [tilespmem:s23+$0x0]  }
0x227: {  	v29 =	vld [tilespmem:s26+$0x1500];
	v10 =	vimm.f32 $0.0e+00;
	v8 =	vshrl.u32 v6, $0x10;
	v9 =	vshrl.u32 v7, $0x10  }
0x228: {  	v22 =	vld [tilespmem:s26+$0x300];
	v12 =	vimm.f32 $0.0e+00;
	v8 =	vand.u32 $0x1, v8;
	v9 =	vand.u32 $0x1, v9  }
0x229: {  	v19 =	vld [tilespmem:s26+$0x600];
	v13 =	vimm.f32 $0.0e+00;
	v6 =	vadd.s32 v8, v6;
	v7 =	vadd.s32 v9, v7  }
0x22a: {  	v17 =	vld [tilespmem:s26+$0x900];
	v8 =	vadd.s32 $0x7FFF, v6;
	v6 =	vimm.f32 $0.0e+00;
	v7 =	vadd.s32 $0x7FFF, v7  }
0x22b: {  	s25 =	simm.s32 $0x80;
	v15 =	vld [tilespmem:s26+$0xC00];
	v9 =	vimm.f32 $0.0e+00;
	v8 =	vand.u32 $0xFFFF0000, v8;
	v33 =	vand.u32 $0xFFFF0000, v7  }
0x22c: {  	s28 =	simm.s32 $0x20;
	s29 =	sand.u32 $0x1C00, s25;
	v14 =	vld [tilespmem:s26+$0xF00];
	s24 =	simm.s32 $0x10;
	v24 =	vmul.f32 v8, v26;
	v11 =	vmul.f32 v8, v29;
	v7 =	vimm.f32 $0.0e+00  }
.LBB2_38:
0x22d: {  	p0 =	sne.s32 s28, $0x2F0;
	s30 =	sand.u32 $0x70, s24;
	s29 =	sadd.s32 s29, s22;
	v23 =	vld [tilespmem:s26+$0x1200];
	v26 =	vmul.f32 v33, v26;
	v28 =	vmul.f32 v33, v22  }
0x22e: {  	v29 =	vmul.f32 v33, v29;
	s26 =	sadd.s32 s30, s29;
	v31 =	vmul.f32 v33, v19;
	v6 =	vadd.f32 v11, v6  }
0x22f: {  	v22 =	vmul.f32 v8, v22;
	v11 =	vld [tilespmem:s26+$0x80];
	v25 =	vadd.f32 v26, v25;
	v26 =	vmul.f32 v33, v17  }
0x230: {  	v19 =	vmul.f32 v8, v19;
	v40 =	vadd.f32 v28, v40;
	v34 =	vld [tilespmem:s26+$0x0];
	v28 =	vmul.f32 v33, v15  }
0x231: {  	v17 =	vmul.f32 v8, v17;
	v39 =	vadd.f32 v31, v39;
	v31 =	vmul.f32 v33, v14  }
0x232: {  	v15 =	vmul.f32 v8, v15;
	v37 =	vadd.f32 v26, v37;
	v26 =	vmul.f32 v33, v23  }
0x233: {  	v14 =	vmul.f32 v8, v14;
	v35 =	vadd.f32 v28, v35;
	v23 =	vmul.f32 v8, v23  }
0x234: {  	s23 =	sadd.s32 $0x10, s23;
	v32 =	vadd.f32 v31, v32;
	v8 =	vmul.f32 v11, v18;
	v30 =	vadd.f32 v26, v30  }
0x235: {  	v21 =	vadd.f32 v24, v21;
	v27 =	vadd.f32 v29, v27;
	s26 =	sand.u32 $0x3F0, s24;
	s24 =	smov.u32 s28;
	v26 =	vld [tilespmem:s23+$0x0];
	v11 =	vmul.f32 v34, v20  }
0x236: {  	v16 =	vadd.f32 v22, v16;
	v13 =	vadd.f32 v19, v13;
	v29 =	vld [tilespmem:s26+$0x1500];
	v24 =	vshrl.u32 v8, $0x10  }
.Ltmp18:
0x237: {  	v12 =	vadd.f32 v17, v12;
	v22 =	vld [tilespmem:s26+$0x300];
	v28 =	vshrl.u32 v11, $0x10;
	v24 =	vand.u32 $0x1, v24;
	(pc) =	sbr.rel @p0 .LBB2_38-.Ltmp18, $4  }
0x238: {  	v10 =	vadd.f32 v15, v10;
	v19 =	vld [tilespmem:s26+$0x600];
	v28 =	vand.u32 $0x1, v28;
	v8 =	vadd.s32 v24, v8  }
0x239: {  	v9 =	vadd.f32 v14, v9;
	v17 =	vld [tilespmem:s26+$0x900];
	v11 =	vadd.s32 v28, v11;
	v8 =	vadd.s32 $0x7FFF, v8  }
0x23a: {  	s25 =	sadd.s32 $0x80, s25;
	v7 =	vadd.f32 v23, v7;
	v15 =	vld [tilespmem:s26+$0xC00];
	v11 =	vadd.s32 $0x7FFF, v11;
	v8 =	vand.u32 $0xFFFF0000, v8  }
0x23b: {  	s29 =	sand.u32 $0x1C00, s25;
	s28 =	sadd.s32 $0x10, s28;
	v14 =	vld [tilespmem:s26+$0xF00];
	v33 =	vand.u32 $0xFFFF0000, v11;
	v24 =	vmul.f32 v8, v26;
	v11 =	vmul.f32 v8, v29  }
0x23c: {  	s25 =	sand.u32 $0x70, s24;
	s22 =	sadd.s32 s29, s22  }
0x23d: {  	s22 =	sadd.s32 s25, s22  }
0x23e: {  	v23 =	vld [tilespmem:s22+$0x0];
	_ =	sdelay $0x4  }
0x23f: {  	v28 =	vmul.f32 v23, v20  }
0x240: {  	s23 =	sadd.s32 $0x10, s23  }
0x241: {  	s29 =	sand.u32 $0x3F0, s24;
	v38 =	vld [tilespmem:s23+$0x0];
	v20 =	vshrl.u32 v28, $0x10  }
0x242: {  	v36 =	vld [tilespmem:s29+$0x300];
	v31 =	vand.u32 $0x1, v20  }
0x243: {  	v26 =	vmul.f32 v33, v26;
	v34 =	vld [tilespmem:s29+$0x600];
	v28 =	vadd.s32 v31, v28  }
0x244: {  	v41 =	vld [tilespmem:s22+$0x80];
	v28 =	vadd.s32 $0x7FFF, v28  }
0x245: {  	v25 =	vadd.f32 v26, v25;
	v26 =	vld [tilespmem:s29+$0xF00];
	v42 =	vand.u32 $0xFFFF0000, v28  }
0x246: {  	v23 =	vld [tilespmem:s26+$0x1200];
	v43 =	vmul.f32 v42, v38  }
0x247: {  	v20 =	vld [tilespmem:s29+$0x1500]  }
0x248: {  	v31 =	vld [tilespmem:s29+$0x900];
	v43 =	vadd.f32 v43, v25  }
0x249: {  	v28 =	vld [tilespmem:s29+$0xC00]  }
0x24a: {  	v25 =	vld [tilespmem:s29+$0x1200];
	[tilespmem:$0x7900] =	vst v43  }
0x24b: {  	v44 =	vld.idx.msk [tilespmem:v0+s12+$0x0], $0xffff;
	_ =	sdelay $0x4  }
0x24c: {  	v43 =	vadd.f32 v44, v43;
	_ =	sdelay $0x1  }
0x24d: {  	[tilespmem:$0x7900] =	vst v43  }
0x24e: {  	v58 =	vld.idx.msk [tilespmem:v1+s12+$0x0], $0xffff;
	_ =	sdelay $0x4  }
0x24f: {  	v43 =	vadd.f32 v58, v43;
	_ =	sdelay $0x1  }
0x250: {  	[tilespmem:$0x7900] =	vst v43  }
0x251: {  	v59 =	vld.idx.msk [tilespmem:v2+s12+$0x0], $0xffff;
	_ =	sdelay $0x1  }
0x252: {  	v45 =	vmul.f32 v33, v22;
	_ =	sdelay $0x1  }
0x253: {  	v40 =	vadd.f32 v45, v40;
	v60 =	vmul.f32 v42, v36  }
0x254: {  	v43 =	vadd.f32 v59, v43  }
0x255: {  	v40 =	vadd.f32 v60, v40  }
0x256: {  	[tilespmem:$0x7900] =	vst v43  }
0x257: {  	v44 =	vld.idx.msk [tilespmem:v3+s12+$0x0], $0xffff;
	[tilespmem:$0x7900] =	vst v40  }
0x258: {  	v61 =	vld.idx.msk [tilespmem:v0+s12+$0x0], $0xffff;
	_ =	sdelay $0x4  }
0x259: {  	v40 =	vadd.f32 v61, v40;
	_ =	sdelay $0x1  }
0x25a: {  	[tilespmem:$0x7900] =	vst v40  }
0x25b: {  	v62 =	vld.idx.msk [tilespmem:v1+s12+$0x0], $0xffff;
	_ =	sdelay $0x4  }
0x25c: {  	v40 =	vadd.f32 v62, v40;
	_ =	sdelay $0x1  }
0x25d: {  	[tilespmem:$0x7900] =	vst v40  }
0x25e: {  	v63 =	vld.idx.msk [tilespmem:v2+s12+$0x0], $0xffff;
	_ =	sdelay $0x1  }
0x25f: {  	v46 =	vmul.f32 v33, v19;
	_ =	sdelay $0x1  }
0x260: {  	v39 =	vadd.f32 v46, v39;
	v48 =	vmul.f32 v42, v34  }
0x261: {  	v40 =	vadd.f32 v63, v40  }
0x262: {  	v39 =	vadd.f32 v48, v39  }
0x263: {  	[tilespmem:$0x7900] =	vst v40  }
0x264: {  	v45 =	vld.idx.msk [tilespmem:v3+s12+$0x0], $0xffff;
	[tilespmem:$0x7900] =	vst v39  }
0x265: {  	v49 =	vld.idx.msk [tilespmem:v0+s12+$0x0], $0xffff;
	_ =	sdelay $0x4  }
0x266: {  	v39 =	vadd.f32 v49, v39;
	_ =	sdelay $0x1  }
0x267: {  	[tilespmem:$0x7900] =	vst v39  }
0x268: {  	v50 =	vld.idx.msk [tilespmem:v1+s12+$0x0], $0xffff;
	_ =	sdelay $0x4  }
0x269: {  	v39 =	vadd.f32 v50, v39;
	_ =	sdelay $0x1  }
0x26a: {  	[tilespmem:$0x7900] =	vst v39  }
0x26b: {  	v51 =	vld.idx.msk [tilespmem:v2+s12+$0x0], $0xffff;
	_ =	sdelay $0x1  }
0x26c: {  	v47 =	vmul.f32 v33, v17;
	_ =	sdelay $0x1  }
0x26d: {  	v37 =	vadd.f32 v47, v37;
	v52 =	vmul.f32 v42, v31  }
0x26e: {  	v39 =	vadd.f32 v51, v39  }
0x26f: {  	v37 =	vadd.f32 v52, v37  }
0x270: {  	[tilespmem:$0x7900] =	vst v39  }
0x271: {  	v46 =	vld.idx.msk [tilespmem:v3+s12+$0x0], $0xffff;
	[tilespmem:$0x7900] =	vst v37  }
0x272: {  	v53 =	vld.idx.msk [tilespmem:v0+s12+$0x0], $0xffff;
	_ =	sdelay $0x4  }
0x273: {  	v37 =	vadd.f32 v53, v37;
	_ =	sdelay $0x1  }
0x274: {  	[tilespmem:$0x7900] =	vst v37  }
0x275: {  	v54 =	vld.idx.msk [tilespmem:v1+s12+$0x0], $0xffff;
	_ =	sdelay $0x4  }
0x276: {  	v37 =	vadd.f32 v54, v37;
	_ =	sdelay $0x1  }
0x277: {  	[tilespmem:$0x7900] =	vst v37  }
0x278: {  	v55 =	vld.idx.msk [tilespmem:v2+s12+$0x0], $0xffff;
	_ =	sdelay $0x1  }
0x279: {  	v48 =	vmul.f32 v33, v15;
	_ =	sdelay $0x1  }
0x27a: {  	v35 =	vadd.f32 v48, v35;
	v56 =	vmul.f32 v42, v28  }
0x27b: {  	v37 =	vadd.f32 v55, v37  }
0x27c: {  	v35 =	vadd.f32 v56, v35  }
0x27d: {  	[tilespmem:$0x7900] =	vst v37  }
0x27e: {  	v47 =	vld.idx.msk [tilespmem:v3+s12+$0x0], $0xffff;
	[tilespmem:$0x7900] =	vst v35  }
0x27f: {  	v57 =	vld.idx.msk [tilespmem:v0+s12+$0x0], $0xffff;
	_ =	sdelay $0x4  }
0x280: {  	v35 =	vadd.f32 v57, v35;
	_ =	sdelay $0x1  }
0x281: {  	[tilespmem:$0x7900] =	vst v35  }
0x282: {  	v58 =	vld.idx.msk [tilespmem:v1+s12+$0x0], $0xffff;
	_ =	sdelay $0x4  }
0x283: {  	v35 =	vadd.f32 v58, v35;
	_ =	sdelay $0x1  }
0x284: {  	[tilespmem:$0x7900] =	vst v35  }
0x285: {  	v59 =	vld.idx.msk [tilespmem:v2+s12+$0x0], $0xffff;
	_ =	sdelay $0x1  }
0x286: {  	v49 =	vmul.f32 v33, v14;
	_ =	sdelay $0x1  }
0x287: {  	v60 =	vmul.f32 v42, v26;
	v32 =	vadd.f32 v49, v32  }
0x288: {  	v35 =	vadd.f32 v59, v35  }
0x289: {  	v32 =	vadd.f32 v60, v32  }
0x28a: {  	[tilespmem:$0x7900] =	vst v35  }
0x28b: {  	v48 =	vld.idx.msk [tilespmem:v3+s12+$0x0], $0xffff;
	[tilespmem:$0x7900] =	vst v32  }
0x28c: {  	v61 =	vld.idx.msk [tilespmem:v0+s12+$0x0], $0xffff;
	_ =	sdelay $0x4  }
0x28d: {  	v32 =	vadd.f32 v61, v32;
	_ =	sdelay $0x1  }
0x28e: {  	[tilespmem:$0x7900] =	vst v32  }
0x28f: {  	v62 =	vld.idx.msk [tilespmem:v1+s12+$0x0], $0xffff;
	_ =	sdelay $0x4  }
0x290: {  	v32 =	vadd.f32 v62, v32;
	_ =	sdelay $0x1  }
0x291: {  	[tilespmem:$0x7900] =	vst v32  }
0x292: {  	v63 =	vld.idx.msk [tilespmem:v2+s12+$0x0], $0xffff;
	_ =	sdelay $0x1  }
0x293: {  	v50 =	vmul.f32 v33, v23;
	_ =	sdelay $0x1  }
0x294: {  	v52 =	vmul.f32 v42, v25;
	v30 =	vadd.f32 v50, v30  }
0x295: {  	v32 =	vadd.f32 v63, v32  }
0x296: {  	v30 =	vadd.f32 v52, v30  }
0x297: {  	[tilespmem:$0x7900] =	vst v32  }
0x298: {  	v53 =	vld.idx.msk [tilespmem:v3+s12+$0x0], $0xffff;
	[tilespmem:$0x7900] =	vst v30  }
0x299: {  	v54 =	vld.idx.msk [tilespmem:v0+s12+$0x0], $0xffff;
	_ =	sdelay $0x4  }
0x29a: {  	v30 =	vadd.f32 v54, v30;
	_ =	sdelay $0x1  }
0x29b: {  	[tilespmem:$0x7900] =	vst v30  }
0x29c: {  	v55 =	vld.idx.msk [tilespmem:v1+s12+$0x0], $0xffff;
	_ =	sdelay $0x4  }
0x29d: {  	v30 =	vadd.f32 v55, v30;
	_ =	sdelay $0x1  }
0x29e: {  	[tilespmem:$0x7900] =	vst v30  }
0x29f: {  	v56 =	vld.idx.msk [tilespmem:v2+s12+$0x0], $0xffff;
	_ =	sdelay $0x1  }
0x2a0: {  	v29 =	vmul.f32 v33, v29;
	_ =	sdelay $0x1  }
0x2a1: {  	v27 =	vadd.f32 v29, v27;
	v57 =	vmul.f32 v42, v20  }
0x2a2: {  	v30 =	vadd.f32 v56, v30  }
0x2a3: {  	v27 =	vadd.f32 v57, v27  }
0x2a4: {  	[tilespmem:$0x7900] =	vst v30  }
0x2a5: {  	v58 =	vld.idx.msk [tilespmem:v3+s12+$0x0], $0xffff;
	[tilespmem:$0x7900] =	vst v27  }
0x2a6: {  	v59 =	vld.idx.msk [tilespmem:v0+s12+$0x0], $0xffff;
	_ =	sdelay $0x4  }
0x2a7: {  	v27 =	vadd.f32 v59, v27;
	_ =	sdelay $0x1  }
0x2a8: {  	[tilespmem:$0x7900] =	vst v27  }
0x2a9: {  	v60 =	vld.idx.msk [tilespmem:v1+s12+$0x0], $0xffff;
	_ =	sdelay $0x4  }
0x2aa: {  	v27 =	vadd.f32 v60, v27;
	_ =	sdelay $0x1  }
0x2ab: {  	[tilespmem:$0x7900] =	vst v27  }
0x2ac: {  	v61 =	vld.idx.msk [tilespmem:v2+s12+$0x0], $0xffff;
	_ =	sdelay $0x4  }
0x2ad: {  	v27 =	vadd.f32 v61, v27  }
0x2ae: {  	v18 =	vmul.f32 v41, v18;
	v62 =	vadd.f32 v44, v43  }
0x2af: {  	vm7 =	vmmov $0x1;
	v21 =	vadd.f32 v24, v21;
	v40 =	vadd.f32 v45, v40;
	[tilespmem:$0x7900] =	vst v27  }
0x2b0: {  	v45 =	vshrl.u32 v18, $0x10;
	v39 =	vadd.f32 v46, v39;
	v33 =	vnsel vm7, $0xFF800000, v62;
	v63 =	vld.idx.msk [tilespmem:v3+s12+$0x0], $0xffff  }
0x2b1: {  	v37 =	vadd.f32 v47, v37;
	v47 =	vand.u32 $0x1, v45;
	v33 =	vsel vm0, v33, v40  }
0x2b2: {  	v18 =	vadd.s32 v47, v18;
	v35 =	vadd.f32 v48, v35;
	v33 =	vsel vm1, v33, v39  }
0x2b3: {  	v46 =	vld [tilespmem:$0x7800];
	v18 =	vadd.s32 $0x7FFF, v18;
	v33 =	vsel vm2, v33, v37;
	v32 =	vadd.f32 v53, v32  }
0x2b4: {  	v18 =	vand.u32 $0xFFFF0000, v18;
	v33 =	vsel vm3, v33, v35;
	v29 =	vadd.f32 v58, v30  }
0x2b5: {  	v49 =	vld [tilespmem:$0x7880];
	v50 =	vmul.f32 v18, v38;
	v48 =	vsel vm4, v33, v32;
	v27 =	vadd.f32 v63, v27  }
0x2b6: {  	v29 =	vsel vm5, v48, v29  }
0x2b7: {  	v21 =	vadd.f32 v50, v21;
	v27 =	vsel vm6, v29, v27  }
0x2b8: {  	s30 =	sshll.u32 s21, $0x1;
	vm8 =	vgt.f32 v27, v46  }
0x2b9: {  	s31 =	sor.u32 $0x7E0, s30;
	[tilespmem:$0x7900] =	vst v21;
	v27 =	vsel vm8, v27, v46  }
0x2ba: {  	v51 =	vsel vm8, s31, v49;
	[tilespmem:$0x7800] =	vst v27  }
0x2bb: {  	[tilespmem:$0x7880] =	vst v51  }
0x2bc: {  	v24 =	vld.idx.msk [tilespmem:v0+s12+$0x0], $0xffff;
	_ =	sdelay $0x4  }
0x2bd: {  	v21 =	vadd.f32 v24, v21;
	_ =	sdelay $0x1  }
0x2be: {  	[tilespmem:$0x7900] =	vst v21  }
0x2bf: {  	v52 =	vld.idx.msk [tilespmem:v1+s12+$0x0], $0xffff;
	_ =	sdelay $0x4  }
0x2c0: {  	v21 =	vadd.f32 v52, v21;
	_ =	sdelay $0x1  }
0x2c1: {  	[tilespmem:$0x7900] =	vst v21  }
0x2c2: {  	v53 =	vld.idx.msk [tilespmem:v2+s12+$0x0], $0xffff;
	_ =	sdelay $0x1  }
0x2c3: {  	v54 =	vmul.f32 v8, v22;
	_ =	sdelay $0x1  }
0x2c4: {  	v16 =	vadd.f32 v54, v16;
	v55 =	vmul.f32 v18, v36  }
0x2c5: {  	v21 =	vadd.f32 v53, v21  }
0x2c6: {  	v16 =	vadd.f32 v55, v16  }
0x2c7: {  	[tilespmem:$0x7900] =	vst v21  }
0x2c8: {  	v22 =	vld.idx.msk [tilespmem:v3+s12+$0x0], $0xffff;
	[tilespmem:$0x7900] =	vst v16  }
0x2c9: {  	v56 =	vld.idx.msk [tilespmem:v0+s12+$0x0], $0xffff;
	_ =	sdelay $0x4  }
0x2ca: {  	v16 =	vadd.f32 v56, v16;
	_ =	sdelay $0x1  }
0x2cb: {  	[tilespmem:$0x7900] =	vst v16  }
0x2cc: {  	v57 =	vld.idx.msk [tilespmem:v1+s12+$0x0], $0xffff;
	_ =	sdelay $0x4  }
0x2cd: {  	v16 =	vadd.f32 v57, v16;
	_ =	sdelay $0x1  }
0x2ce: {  	[tilespmem:$0x7900] =	vst v16  }
0x2cf: {  	v58 =	vld.idx.msk [tilespmem:v2+s12+$0x0], $0xffff;
	_ =	sdelay $0x1  }
0x2d0: {  	v59 =	vmul.f32 v8, v19;
	_ =	sdelay $0x1  }
0x2d1: {  	v13 =	vadd.f32 v59, v13;
	v60 =	vmul.f32 v18, v34  }
0x2d2: {  	v16 =	vadd.f32 v58, v16  }
0x2d3: {  	v13 =	vadd.f32 v60, v13  }
0x2d4: {  	[tilespmem:$0x7900] =	vst v16  }
0x2d5: {  	v61 =	vld.idx.msk [tilespmem:v3+s12+$0x0], $0xffff;
	[tilespmem:$0x7900] =	vst v13  }
0x2d6: {  	v62 =	vld.idx.msk [tilespmem:v0+s12+$0x0], $0xffff;
	_ =	sdelay $0x4  }
0x2d7: {  	v13 =	vadd.f32 v62, v13;
	_ =	sdelay $0x1  }
0x2d8: {  	[tilespmem:$0x7900] =	vst v13  }
0x2d9: {  	v63 =	vld.idx.msk [tilespmem:v1+s12+$0x0], $0xffff;
	_ =	sdelay $0x4  }
0x2da: {  	v13 =	vadd.f32 v63, v13;
	_ =	sdelay $0x1  }
0x2db: {  	[tilespmem:$0x7900] =	vst v13  }
0x2dc: {  	v29 =	vld.idx.msk [tilespmem:v2+s12+$0x0], $0xffff;
	_ =	sdelay $0x1  }
0x2dd: {  	v30 =	vmul.f32 v8, v17;
	_ =	sdelay $0x1  }
0x2de: {  	v32 =	vmul.f32 v18, v31;
	v12 =	vadd.f32 v30, v12  }
0x2df: {  	v13 =	vadd.f32 v29, v13  }
0x2e0: {  	v12 =	vadd.f32 v32, v12  }
0x2e1: {  	[tilespmem:$0x7900] =	vst v13  }
0x2e2: {  	v33 =	vld.idx.msk [tilespmem:v3+s12+$0x0], $0xffff;
	[tilespmem:$0x7900] =	vst v12  }
0x2e3: {  	v34 =	vld.idx.msk [tilespmem:v0+s12+$0x0], $0xffff;
	_ =	sdelay $0x4  }
0x2e4: {  	v12 =	vadd.f32 v34, v12;
	_ =	sdelay $0x1  }
0x2e5: {  	[tilespmem:$0x7900] =	vst v12  }
0x2e6: {  	v35 =	vld.idx.msk [tilespmem:v1+s12+$0x0], $0xffff;
	_ =	sdelay $0x4  }
0x2e7: {  	v12 =	vadd.f32 v35, v12;
	_ =	sdelay $0x1  }
0x2e8: {  	[tilespmem:$0x7900] =	vst v12  }
0x2e9: {  	v36 =	vld.idx.msk [tilespmem:v2+s12+$0x0], $0xffff;
	_ =	sdelay $0x1  }
0x2ea: {  	v37 =	vmul.f32 v8, v15;
	_ =	sdelay $0x1  }
0x2eb: {  	v38 =	vmul.f32 v18, v28;
	v10 =	vadd.f32 v37, v10  }
0x2ec: {  	v12 =	vadd.f32 v36, v12  }
0x2ed: {  	v10 =	vadd.f32 v38, v10  }
0x2ee: {  	[tilespmem:$0x7900] =	vst v12  }
0x2ef: {  	v39 =	vld.idx.msk [tilespmem:v3+s12+$0x0], $0xffff;
	[tilespmem:$0x7900] =	vst v10  }
0x2f0: {  	v40 =	vld.idx.msk [tilespmem:v0+s12+$0x0], $0xffff;
	_ =	sdelay $0x4  }
0x2f1: {  	v10 =	vadd.f32 v40, v10;
	_ =	sdelay $0x1  }
0x2f2: {  	[tilespmem:$0x7900] =	vst v10  }
0x2f3: {  	v41 =	vld.idx.msk [tilespmem:v1+s12+$0x0], $0xffff;
	_ =	sdelay $0x4  }
0x2f4: {  	v10 =	vadd.f32 v41, v10;
	_ =	sdelay $0x1  }
0x2f5: {  	[tilespmem:$0x7900] =	vst v10  }
0x2f6: {  	v42 =	vld.idx.msk [tilespmem:v2+s12+$0x0], $0xffff;
	_ =	sdelay $0x1  }
0x2f7: {  	v43 =	vmul.f32 v8, v14;
	_ =	sdelay $0x1  }
0x2f8: {  	v44 =	vmul.f32 v18, v26;
	v9 =	vadd.f32 v43, v9  }
0x2f9: {  	v10 =	vadd.f32 v42, v10  }
0x2fa: {  	v9 =	vadd.f32 v44, v9  }
0x2fb: {  	[tilespmem:$0x7900] =	vst v10  }
0x2fc: {  	v45 =	vld.idx.msk [tilespmem:v3+s12+$0x0], $0xffff;
	[tilespmem:$0x7900] =	vst v9  }
0x2fd: {  	v46 =	vld.idx.msk [tilespmem:v0+s12+$0x0], $0xffff;
	_ =	sdelay $0x4  }
0x2fe: {  	v9 =	vadd.f32 v46, v9;
	_ =	sdelay $0x1  }
0x2ff: {  	[tilespmem:$0x7900] =	vst v9  }
0x300: {  	v47 =	vld.idx.msk [tilespmem:v1+s12+$0x0], $0xffff;
	_ =	sdelay $0x4  }
0x301: {  	v9 =	vadd.f32 v47, v9;
	_ =	sdelay $0x1  }
0x302: {  	[tilespmem:$0x7900] =	vst v9  }
0x303: {  	v48 =	vld.idx.msk [tilespmem:v2+s12+$0x0], $0xffff;
	_ =	sdelay $0x1  }
0x304: {  	v49 =	vmul.f32 v8, v23;
	_ =	sdelay $0x1  }
0x305: {  	v50 =	vmul.f32 v18, v25;
	v7 =	vadd.f32 v49, v7  }
0x306: {  	v9 =	vadd.f32 v48, v9  }
0x307: {  	v7 =	vadd.f32 v50, v7  }
0x308: {  	[tilespmem:$0x7900] =	vst v9  }
0x309: {  	v51 =	vld.idx.msk [tilespmem:v3+s12+$0x0], $0xffff;
	[tilespmem:$0x7900] =	vst v7  }
0x30a: {  	v52 =	vld.idx.msk [tilespmem:v0+s12+$0x0], $0xffff;
	_ =	sdelay $0x4  }
0x30b: {  	v7 =	vadd.f32 v52, v7;
	_ =	sdelay $0x1  }
0x30c: {  	[tilespmem:$0x7900] =	vst v7  }
0x30d: {  	v53 =	vld.idx.msk [tilespmem:v1+s12+$0x0], $0xffff;
	_ =	sdelay $0x4  }
0x30e: {  	v7 =	vadd.f32 v53, v7;
	_ =	sdelay $0x1  }
0x30f: {  	[tilespmem:$0x7900] =	vst v7  }
0x310: {  	v54 =	vld.idx.msk [tilespmem:v2+s12+$0x0], $0xffff;
	_ =	sdelay $0x3  }
0x311: {  	v6 =	vadd.f32 v11, v6;
	v55 =	vmul.f32 v18, v20  }
0x312: {  	v7 =	vadd.f32 v54, v7  }
0x313: {  	v6 =	vadd.f32 v55, v6  }
0x314: {  	[tilespmem:$0x7900] =	vst v7  }
0x315: {  	v56 =	vld.idx.msk [tilespmem:v3+s12+$0x0], $0xffff;
	[tilespmem:$0x7900] =	vst v6  }
0x316: {  	v57 =	vld.idx.msk [tilespmem:v0+s12+$0x0], $0xffff;
	_ =	sdelay $0x4  }
0x317: {  	v6 =	vadd.f32 v57, v6;
	_ =	sdelay $0x1  }
0x318: {  	[tilespmem:$0x7900] =	vst v6  }
0x319: {  	v58 =	vld.idx.msk [tilespmem:v1+s12+$0x0], $0xffff;
	_ =	sdelay $0x4  }
0x31a: {  	v6 =	vadd.f32 v58, v6;
	_ =	sdelay $0x1  }
0x31b: {  	[tilespmem:$0x7900] =	vst v6  }
0x31c: {  	v59 =	vld.idx.msk [tilespmem:v2+s12+$0x0], $0xffff;
	_ =	sdelay $0x4  }
0x31d: {  	v6 =	vadd.f32 v59, v6  }
0x31e: {  	v60 =	vadd.f32 v22, v21  }
0x31f: {  	v16 =	vadd.f32 v61, v16;
	[tilespmem:$0x7900] =	vst v6  }
0x320: {  	v18 =	vnsel vm7, $0xFF800000, v60;
	v13 =	vadd.f32 v33, v13;
	v61 =	vld.idx.msk [tilespmem:v3+s12+$0x0], $0xffff  }
0x321: {  	v16 =	vsel vm0, v18, v16;
	v12 =	vadd.f32 v39, v12  }
0x322: {  	v13 =	vsel vm1, v16, v13;
	v10 =	vadd.f32 v45, v10  }
0x323: {  	v62 =	vld [tilespmem:$0x7800];
	v12 =	vsel vm2, v13, v12;
	v8 =	vadd.f32 v51, v9  }
0x324: {  	v10 =	vsel vm3, v12, v10;
	v7 =	vadd.f32 v56, v7  }
0x325: {  	s21 =	sadd.s32 $0x1, s21;
	v63 =	vld [tilespmem:$0x7880];
	v8 =	vsel vm4, v10, v8;
	v6 =	vadd.f32 v61, v6  }
0x326: {  	p0 =	sne.s32 s21, $0x8;
	v7 =	vsel vm5, v8, v7  }
.Ltmp19:
0x327: {  	v6 =	vsel vm6, v7, v6;
	(pc) =	sbr.rel @p0 .LBB2_35-.Ltmp19, $4  }
0x328: {  	vm8 =	vgt.f32 v6, v62  }
0x329: {  	s22 =	sor.u32 $0x7E1, s30;
	v6 =	vsel vm8, v6, v62  }
0x32a: {  	[tilespmem:$0x7800] =	vst v6;
	v6 =	vsel vm8, s22, v63  }
0x32b: {  	[tilespmem:$0x7880] =	vst v6  }
0x32c: {  	_ =	swait.ge [sflag:s16], $0x3000  }
0x32d: {  	[sflag:s16] =	ssyncset.done $0x0  }
0x32e: {  	s20 =	simm.s32 $0x0;
	s21 =	simm.s32 $0x0;
	[sflag:s16] =	ssyncadd.s32 $0xFFFFD000  }
.LBB2_41:
0x32f: {  	s22 =	sshrl.u32 s21, $0x2  }
0x330: {  	s22 =	smul.u32 $0x6000, s22  }
0x331: {  	s23 =	sshll.u32 s21, $0x8  }
0x332: {  	s23 =	sand.u32 $0x300, s23;
	s22 =	sshra.s32 s22, $0x2  }
0x333: {  	s23 =	sor.u32 s23, s22  }
0x334: {  	s24 =	sand.u32 $0x1C00, s20;
	s22 =	sadd.s32 $0x1800, s23  }
0x335: {  	s25 =	sand.u32 $0x70, s20;
	s23 =	sadd.s32 $0x4800, s23;
	s26 =	sadd.s32 s24, s22  }
0x336: {  	s24 =	sadd.s32 s24, s23;
	s26 =	sadd.s32 s25, s26  }
0x337: {  	s25 =	sadd.s32 s25, s24;
	v7 =	vld [tilespmem:s26+$0x3080]  }
0x338: {  	v6 =	vimm.f32 $0.0e+00;
	v8 =	vimm.f32 $0.0e+00;
	s24 =	simm.s32 $0x10;
	v9 =	vld [tilespmem:s25+$0x0];
	s25 =	simm.s32 $0x80  }
.LBB2_42:
0x339: {  	s26 =	sand.u32 $0x1C00, s25;
	s28 =	smov.u32 s24  }
0x33a: {  	p0 =	sne.s32 s24, $0x2F0;
	s24 =	sadd.s32 $0x10, s24;
	s28 =	sand.u32 $0x70, s28  }
.Ltmp20:
0x33b: {  	s29 =	sadd.s32 s26, s23;
	s26 =	sadd.s32 s26, s22;
	(pc) =	sbr.rel @p0 .LBB2_42-.Ltmp20, $4  }
0x33c: {  	s29 =	sadd.s32 s28, s29;
	s26 =	sadd.s32 s28, s26;
	v10 =	vmul.f32 v7, v7  }
0x33d: {  	v7 =	vld [tilespmem:s26+$0x3080];
	v11 =	vmul.f32 v9, v9  }
0x33e: {  	v9 =	vld [tilespmem:s29+$0x0];
	v6 =	vadd.f32 v10, v6  }
0x33f: {  	s25 =	sadd.s32 $0x80, s25;
	v8 =	vadd.f32 v11, v8  }
0x340: {  	_ =	sdelay $0x2  }
0x341: {  	v9 =	vmul.f32 v9, v9;
	_ =	sdelay $0x1  }
0x342: {  	v8 =	vadd.f32 v9, v8;
	_ =	sdelay $0x1  }
0x343: {  	[tilespmem:$0x7900] =	vst v8  }
0x344: {  	v9 =	vld.idx.msk [tilespmem:v0+s12+$0x0], $0xffff;
	_ =	sdelay $0x4  }
0x345: {  	v8 =	vadd.f32 v9, v8;
	_ =	sdelay $0x1  }
0x346: {  	[tilespmem:$0x7900] =	vst v8  }
0x347: {  	v9 =	vld.idx.msk [tilespmem:v1+s12+$0x0], $0xffff;
	_ =	sdelay $0x4  }
0x348: {  	v8 =	vadd.f32 v9, v8;
	_ =	sdelay $0x1  }
0x349: {  	[tilespmem:$0x7900] =	vst v8  }
0x34a: {  	v9 =	vld.idx.msk [tilespmem:v2+s12+$0x0], $0xffff;
	_ =	sdelay $0x3  }
0x34b: {  	v7 =	vmul.f32 v7, v7  }
0x34c: {  	v8 =	vadd.f32 v9, v8  }
0x34d: {  	v6 =	vadd.f32 v7, v6  }
0x34e: {  	[tilespmem:$0x7900] =	vst v8  }
0x34f: {  	v7 =	vld.idx.msk [tilespmem:v3+s12+$0x0], $0xffff;
	[tilespmem:$0x7900] =	vst v6  }
0x350: {  	v9 =	vld.idx.msk [tilespmem:v0+s12+$0x0], $0xffff;
	_ =	sdelay $0x4  }
0x351: {  	v6 =	vadd.f32 v9, v6;
	_ =	sdelay $0x1  }
0x352: {  	[tilespmem:$0x7900] =	vst v6  }
0x353: {  	v9 =	vld.idx.msk [tilespmem:v1+s12+$0x0], $0xffff;
	_ =	sdelay $0x4  }
0x354: {  	v6 =	vadd.f32 v9, v6;
	_ =	sdelay $0x1  }
0x355: {  	[tilespmem:$0x7900] =	vst v6  }
0x356: {  	v9 =	vld.idx.msk [tilespmem:v2+s12+$0x0], $0xffff;
	_ =	sdelay $0x4  }
0x357: {  	v6 =	vadd.f32 v9, v6;
	_ =	sdelay $0x1  }
0x358: {  	[tilespmem:$0x7900] =	vst v6  }
0x359: {  	v9 =	vld.idx.msk [tilespmem:v3+s12+$0x0], $0xffff;
	_ =	sdelay $0x4  }
0x35a: {  	v6 =	vadd.f32 v9, v6  }
0x35b: {  	v7 =	vadd.f32 v7, v8  }
0x35c: {  	v8 =	vshra.s32 v6, $0x1;
	v9 =	vmul.f32 $5.000000000e-01, v6  }
0x35d: {  	v10 =	vshra.s32 v7, $0x1;
	v11 =	vmul.f32 $5.000000000e-01, v7;
	v8 =	vsub.s32 $0x5F3759DF, v8  }
0x35e: {  	v10 =	vsub.s32 $0x5F3759DF, v10;
	v12 =	vmul.f32 v8, v9  }
0x35f: {  	v13 =	vmul.f32 v10, v11  }
0x360: {  	v12 =	vmul.f32 v8, v12  }
0x361: {  	v13 =	vmul.f32 v10, v13  }
0x362: {  	v12 =	vsub.f32 $1.500000000e+00, v12  }
0x363: {  	v13 =	vsub.f32 $1.500000000e+00, v13  }
0x364: {  	v8 =	vmul.f32 v8, v12  }
0x365: {  	v10 =	vmul.f32 v10, v13  }
0x366: {  	v12 =	vmul.f32 v8, v9  }
0x367: {  	v13 =	vmul.f32 v10, v11  }
0x368: {  	v12 =	vmul.f32 v12, v8  }
0x369: {  	v13 =	vmul.f32 v13, v10  }
0x36a: {  	v12 =	vsub.f32 $1.500000000e+00, v12  }
0x36b: {  	v13 =	vsub.f32 $1.500000000e+00, v13  }
0x36c: {  	v8 =	vmul.f32 v12, v8  }
0x36d: {  	v10 =	vmul.f32 v13, v10  }
0x36e: {  	s24 =	simm.s32 $0x0;
	v9 =	vmul.f32 v8, v9  }
0x36f: {  	s25 =	sand.u32 $0x1C00, s24;
	v11 =	vmul.f32 v10, v11  }
0x370: {  	s26 =	sand.u32 $0x70, s24;
	s28 =	sadd.s32 s25, s22;
	s25 =	sadd.s32 s25, s23;
	v9 =	vmul.f32 v9, v8  }
0x371: {  	s25 =	sadd.s32 s26, s25;
	v11 =	vmul.f32 v11, v10  }
0x372: {  	s28 =	sadd.s32 s26, s28;
	v13 =	vld [tilespmem:s25+$0x0];
	v9 =	vsub.f32 $1.500000000e+00, v9  }
0x373: {  	v11 =	vsub.f32 $1.500000000e+00, v11;
	v12 =	vld [tilespmem:s28+$0x3080]  }
0x374: {  	v25 =	vimm.f32 $0.0e+00;
	v40 =	vimm.f32 $0.0e+00;
	v8 =	vmul.f32 v9, v8  }
0x375: {  	v39 =	vimm.f32 $0.0e+00;
	vm8 =	vlt.f32 v6, $1.000000020e-24;
	v9 =	vmul.f32 v11, v10  }
0x376: {  	v37 =	vimm.f32 $0.0e+00;
	v18 =	vsel vm8, $0x5368D4A5, v8;
	vm8 =	vlt.f32 v7, $1.000000020e-24  }
0x377: {  	v34 =	vimm.f32 $0.0e+00;
	v31 =	vimm.f32 $0.0e+00;
	v21 =	vsel vm8, $0x5368D4A5, v9  }
0x378: {  	v28 =	vimm.f32 $0.0e+00;
	v6 =	vmul.f32 v12, v18;
	v7 =	vmul.f32 v13, v21  }
0x379: {  	v26 =	vimm.f32 $0.0e+00;
	v20 =	vimm.f32 $0.0e+00;
	v16 =	vimm.f32 $0.0e+00;
	v27 =	vld [tilespmem:s24+$0x0];
	s28 =	sand.u32 $0x3F0, s24  }
0x37a: {  	v29 =	vld [tilespmem:s28+$0x1500];
	v10 =	vimm.f32 $0.0e+00;
	v8 =	vshrl.u32 v6, $0x10;
	v9 =	vshrl.u32 v7, $0x10  }
0x37b: {  	v22 =	vld [tilespmem:s28+$0x300];
	v12 =	vimm.f32 $0.0e+00;
	v8 =	vand.u32 $0x1, v8;
	v9 =	vand.u32 $0x1, v9  }
0x37c: {  	v19 =	vld [tilespmem:s28+$0x600];
	v13 =	vimm.f32 $0.0e+00;
	v6 =	vadd.s32 v8, v6;
	v7 =	vadd.s32 v9, v7  }
0x37d: {  	v17 =	vld [tilespmem:s28+$0x900];
	v8 =	vadd.s32 $0x7FFF, v6;
	v6 =	vimm.f32 $0.0e+00;
	v7 =	vadd.s32 $0x7FFF, v7  }
0x37e: {  	s26 =	simm.s32 $0x80;
	v15 =	vld [tilespmem:s28+$0xC00];
	v9 =	vimm.f32 $0.0e+00;
	v8 =	vand.u32 $0xFFFF0000, v8;
	v33 =	vand.u32 $0xFFFF0000, v7  }
0x37f: {  	s29 =	simm.s32 $0x20;
	s30 =	sand.u32 $0x1C00, s26;
	s25 =	simm.s32 $0x10;
	v14 =	vld [tilespmem:s28+$0xF00];
	v24 =	vmul.f32 v8, v27;
	v11 =	vmul.f32 v8, v29;
	v7 =	vimm.f32 $0.0e+00  }
.LBB2_44:
0x380: {  	p0 =	sne.s32 s29, $0x2F0;
	s31 =	sand.u32 $0x70, s25;
	s1 =	sadd.s32 s30, s22;
	v23 =	vld [tilespmem:s28+$0x1200];
	v27 =	vmul.f32 v33, v27;
	v30 =	vmul.f32 v33, v22  }
0x381: {  	s28 =	sadd.s32 s30, s23;
	v29 =	vmul.f32 v33, v29;
	s1 =	sadd.s32 s31, s1;
	v32 =	vmul.f32 v33, v19;
	v6 =	vadd.f32 v11, v6  }
0x382: {  	v22 =	vmul.f32 v8, v22;
	s28 =	sadd.s32 s31, s28;
	v11 =	vld [tilespmem:s1+$0x3080];
	v25 =	vadd.f32 v27, v25;
	v27 =	vmul.f32 v33, v17  }
0x383: {  	v19 =	vmul.f32 v8, v19;
	v40 =	vadd.f32 v30, v40;
	v35 =	vld [tilespmem:s28+$0x0];
	v30 =	vmul.f32 v33, v15  }
0x384: {  	v17 =	vmul.f32 v8, v17;
	v39 =	vadd.f32 v32, v39;
	v32 =	vmul.f32 v33, v14  }
0x385: {  	v15 =	vmul.f32 v8, v15;
	v37 =	vadd.f32 v27, v37;
	v27 =	vmul.f32 v33, v23  }
0x386: {  	v14 =	vmul.f32 v8, v14;
	v34 =	vadd.f32 v30, v34;
	v23 =	vmul.f32 v8, v23  }
0x387: {  	s24 =	sadd.s32 $0x10, s24;
	v31 =	vadd.f32 v32, v31;
	v8 =	vmul.f32 v11, v18;
	v28 =	vadd.f32 v27, v28  }
0x388: {  	v20 =	vadd.f32 v24, v20;
	v26 =	vadd.f32 v29, v26;
	s28 =	sand.u32 $0x3F0, s25;
	s25 =	smov.u32 s29;
	v27 =	vld [tilespmem:s24+$0x0];
	v11 =	vmul.f32 v35, v21  }
0x389: {  	v16 =	vadd.f32 v22, v16;
	v13 =	vadd.f32 v19, v13;
	v29 =	vld [tilespmem:s28+$0x1500];
	v24 =	vshrl.u32 v8, $0x10  }
.Ltmp21:
0x38a: {  	v12 =	vadd.f32 v17, v12;
	v22 =	vld [tilespmem:s28+$0x300];
	v30 =	vshrl.u32 v11, $0x10;
	v24 =	vand.u32 $0x1, v24;
	(pc) =	sbr.rel @p0 .LBB2_44-.Ltmp21, $4  }
0x38b: {  	v10 =	vadd.f32 v15, v10;
	v19 =	vld [tilespmem:s28+$0x600];
	v30 =	vand.u32 $0x1, v30;
	v8 =	vadd.s32 v24, v8  }
0x38c: {  	v9 =	vadd.f32 v14, v9;
	v17 =	vld [tilespmem:s28+$0x900];
	v11 =	vadd.s32 v30, v11;
	v8 =	vadd.s32 $0x7FFF, v8  }
0x38d: {  	s26 =	sadd.s32 $0x80, s26;
	v7 =	vadd.f32 v23, v7;
	v15 =	vld [tilespmem:s28+$0xC00];
	v11 =	vadd.s32 $0x7FFF, v11;
	v8 =	vand.u32 $0xFFFF0000, v8  }
0x38e: {  	s30 =	sand.u32 $0x1C00, s26;
	s29 =	sadd.s32 $0x10, s29;
	v14 =	vld [tilespmem:s28+$0xF00];
	v33 =	vand.u32 $0xFFFF0000, v11;
	v24 =	vmul.f32 v8, v27;
	v11 =	vmul.f32 v8, v29  }
0x38f: {  	s1 =	sand.u32 $0x70, s25;
	s23 =	sadd.s32 s30, s23  }
0x390: {  	s23 =	sadd.s32 s1, s23  }
0x391: {  	v23 =	vld [tilespmem:s23+$0x0];
	_ =	sdelay $0x4  }
0x392: {  	v30 =	vmul.f32 v23, v21  }
0x393: {  	s22 =	sadd.s32 s30, s22;
	s26 =	sadd.s32 $0x10, s24  }
0x394: {  	s1 =	sadd.s32 s1, s22;
	v38 =	vld [tilespmem:s26+$0x0];
	v21 =	vshrl.u32 v30, $0x10  }
0x395: {  	v41 =	vld [tilespmem:s1+$0x3080];
	v32 =	vand.u32 $0x1, v21  }
0x396: {  	v23 =	vld [tilespmem:s28+$0x1200];
	s28 =	sand.u32 $0x3F0, s25;
	v30 =	vadd.s32 v32, v30  }
0x397: {  	v27 =	vmul.f32 v33, v27;
	v36 =	vld [tilespmem:s28+$0x300];
	v30 =	vadd.s32 $0x7FFF, v30  }
0x398: {  	v35 =	vld [tilespmem:s28+$0x600];
	v42 =	vand.u32 $0xFFFF0000, v30  }
0x399: {  	v25 =	vadd.f32 v27, v25;
	v27 =	vld [tilespmem:s28+$0xF00];
	v43 =	vmul.f32 v42, v38  }
0x39a: {  	v21 =	vld [tilespmem:s28+$0x1500]  }
0x39b: {  	v32 =	vld [tilespmem:s28+$0x900];
	v43 =	vadd.f32 v43, v25  }
0x39c: {  	v30 =	vld [tilespmem:s28+$0xC00]  }
0x39d: {  	v25 =	vld [tilespmem:s28+$0x1200];
	[tilespmem:$0x7900] =	vst v43  }
0x39e: {  	v44 =	vld.idx.msk [tilespmem:v0+s12+$0x0], $0xffff;
	_ =	sdelay $0x4  }
0x39f: {  	v43 =	vadd.f32 v44, v43;
	_ =	sdelay $0x1  }
0x3a0: {  	[tilespmem:$0x7900] =	vst v43  }
0x3a1: {  	v61 =	vld.idx.msk [tilespmem:v1+s12+$0x0], $0xffff;
	_ =	sdelay $0x4  }
0x3a2: {  	v43 =	vadd.f32 v61, v43;
	_ =	sdelay $0x1  }
0x3a3: {  	[tilespmem:$0x7900] =	vst v43  }
0x3a4: {  	v62 =	vld.idx.msk [tilespmem:v2+s12+$0x0], $0xffff;
	_ =	sdelay $0x1  }
0x3a5: {  	v45 =	vmul.f32 v33, v22;
	_ =	sdelay $0x1  }
0x3a6: {  	v40 =	vadd.f32 v45, v40;
	v63 =	vmul.f32 v42, v36  }
0x3a7: {  	v43 =	vadd.f32 v62, v43  }
0x3a8: {  	v40 =	vadd.f32 v63, v40  }
0x3a9: {  	[tilespmem:$0x7900] =	vst v43  }
0x3aa: {  	v44 =	vld.idx.msk [tilespmem:v3+s12+$0x0], $0xffff;
	[tilespmem:$0x7900] =	vst v40  }
0x3ab: {  	v48 =	vld.idx.msk [tilespmem:v0+s12+$0x0], $0xffff;
	_ =	sdelay $0x4  }
0x3ac: {  	v40 =	vadd.f32 v48, v40;
	_ =	sdelay $0x1  }
0x3ad: {  	[tilespmem:$0x7900] =	vst v40  }
0x3ae: {  	v49 =	vld.idx.msk [tilespmem:v1+s12+$0x0], $0xffff;
	_ =	sdelay $0x4  }
0x3af: {  	v40 =	vadd.f32 v49, v40;
	_ =	sdelay $0x1  }
0x3b0: {  	[tilespmem:$0x7900] =	vst v40  }
0x3b1: {  	v50 =	vld.idx.msk [tilespmem:v2+s12+$0x0], $0xffff;
	_ =	sdelay $0x1  }
0x3b2: {  	v46 =	vmul.f32 v33, v19;
	_ =	sdelay $0x1  }
0x3b3: {  	v39 =	vadd.f32 v46, v39;
	v51 =	vmul.f32 v42, v35  }
0x3b4: {  	v40 =	vadd.f32 v50, v40  }
0x3b5: {  	v39 =	vadd.f32 v51, v39  }
0x3b6: {  	[tilespmem:$0x7900] =	vst v40  }
0x3b7: {  	v45 =	vld.idx.msk [tilespmem:v3+s12+$0x0], $0xffff;
	[tilespmem:$0x7900] =	vst v39  }
0x3b8: {  	v52 =	vld.idx.msk [tilespmem:v0+s12+$0x0], $0xffff;
	_ =	sdelay $0x4  }
0x3b9: {  	v39 =	vadd.f32 v52, v39;
	_ =	sdelay $0x1  }
0x3ba: {  	[tilespmem:$0x7900] =	vst v39  }
0x3bb: {  	v53 =	vld.idx.msk [tilespmem:v1+s12+$0x0], $0xffff;
	_ =	sdelay $0x4  }
0x3bc: {  	v39 =	vadd.f32 v53, v39;
	_ =	sdelay $0x1  }
0x3bd: {  	[tilespmem:$0x7900] =	vst v39  }
0x3be: {  	v54 =	vld.idx.msk [tilespmem:v2+s12+$0x0], $0xffff;
	_ =	sdelay $0x1  }
0x3bf: {  	v47 =	vmul.f32 v33, v17;
	_ =	sdelay $0x1  }
0x3c0: {  	v37 =	vadd.f32 v47, v37;
	v55 =	vmul.f32 v42, v32  }
0x3c1: {  	v39 =	vadd.f32 v54, v39  }
0x3c2: {  	v37 =	vadd.f32 v55, v37  }
0x3c3: {  	[tilespmem:$0x7900] =	vst v39  }
0x3c4: {  	v46 =	vld.idx.msk [tilespmem:v3+s12+$0x0], $0xffff;
	[tilespmem:$0x7900] =	vst v37  }
0x3c5: {  	v56 =	vld.idx.msk [tilespmem:v0+s12+$0x0], $0xffff;
	_ =	sdelay $0x4  }
0x3c6: {  	v37 =	vadd.f32 v56, v37;
	_ =	sdelay $0x1  }
0x3c7: {  	[tilespmem:$0x7900] =	vst v37  }
0x3c8: {  	v57 =	vld.idx.msk [tilespmem:v1+s12+$0x0], $0xffff;
	_ =	sdelay $0x4  }
0x3c9: {  	v37 =	vadd.f32 v57, v37;
	_ =	sdelay $0x1  }
0x3ca: {  	[tilespmem:$0x7900] =	vst v37  }
0x3cb: {  	v58 =	vld.idx.msk [tilespmem:v2+s12+$0x0], $0xffff;
	_ =	sdelay $0x1  }
0x3cc: {  	v48 =	vmul.f32 v33, v15;
	_ =	sdelay $0x1  }
0x3cd: {  	v59 =	vmul.f32 v42, v30;
	v34 =	vadd.f32 v48, v34  }
0x3ce: {  	v37 =	vadd.f32 v58, v37  }
0x3cf: {  	v34 =	vadd.f32 v59, v34  }
0x3d0: {  	[tilespmem:$0x7900] =	vst v37  }
0x3d1: {  	v47 =	vld.idx.msk [tilespmem:v3+s12+$0x0], $0xffff;
	[tilespmem:$0x7900] =	vst v34  }
0x3d2: {  	v60 =	vld.idx.msk [tilespmem:v0+s12+$0x0], $0xffff;
	_ =	sdelay $0x4  }
0x3d3: {  	v34 =	vadd.f32 v60, v34;
	_ =	sdelay $0x1  }
0x3d4: {  	[tilespmem:$0x7900] =	vst v34  }
0x3d5: {  	v61 =	vld.idx.msk [tilespmem:v1+s12+$0x0], $0xffff;
	_ =	sdelay $0x4  }
0x3d6: {  	v34 =	vadd.f32 v61, v34;
	_ =	sdelay $0x1  }
0x3d7: {  	[tilespmem:$0x7900] =	vst v34  }
0x3d8: {  	v62 =	vld.idx.msk [tilespmem:v2+s12+$0x0], $0xffff;
	_ =	sdelay $0x1  }
0x3d9: {  	v49 =	vmul.f32 v33, v14;
	_ =	sdelay $0x1  }
0x3da: {  	v63 =	vmul.f32 v42, v27;
	v31 =	vadd.f32 v49, v31  }
0x3db: {  	v34 =	vadd.f32 v62, v34  }
0x3dc: {  	v31 =	vadd.f32 v63, v31  }
0x3dd: {  	[tilespmem:$0x7900] =	vst v34  }
0x3de: {  	v48 =	vld.idx.msk [tilespmem:v3+s12+$0x0], $0xffff;
	[tilespmem:$0x7900] =	vst v31  }
0x3df: {  	v52 =	vld.idx.msk [tilespmem:v0+s12+$0x0], $0xffff;
	_ =	sdelay $0x4  }
0x3e0: {  	v31 =	vadd.f32 v52, v31;
	_ =	sdelay $0x1  }
0x3e1: {  	[tilespmem:$0x7900] =	vst v31  }
0x3e2: {  	v53 =	vld.idx.msk [tilespmem:v1+s12+$0x0], $0xffff;
	_ =	sdelay $0x4  }
0x3e3: {  	v31 =	vadd.f32 v53, v31;
	_ =	sdelay $0x1  }
0x3e4: {  	[tilespmem:$0x7900] =	vst v31  }
0x3e5: {  	v54 =	vld.idx.msk [tilespmem:v2+s12+$0x0], $0xffff;
	_ =	sdelay $0x1  }
0x3e6: {  	v50 =	vmul.f32 v33, v23;
	_ =	sdelay $0x1  }
0x3e7: {  	v55 =	vmul.f32 v42, v25;
	v28 =	vadd.f32 v50, v28  }
0x3e8: {  	v31 =	vadd.f32 v54, v31  }
0x3e9: {  	v28 =	vadd.f32 v55, v28  }
0x3ea: {  	[tilespmem:$0x7900] =	vst v31  }
0x3eb: {  	v56 =	vld.idx.msk [tilespmem:v3+s12+$0x0], $0xffff;
	[tilespmem:$0x7900] =	vst v28  }
0x3ec: {  	v57 =	vld.idx.msk [tilespmem:v0+s12+$0x0], $0xffff;
	_ =	sdelay $0x4  }
0x3ed: {  	v28 =	vadd.f32 v57, v28;
	_ =	sdelay $0x1  }
0x3ee: {  	[tilespmem:$0x7900] =	vst v28  }
0x3ef: {  	v58 =	vld.idx.msk [tilespmem:v1+s12+$0x0], $0xffff;
	_ =	sdelay $0x4  }
0x3f0: {  	v28 =	vadd.f32 v58, v28;
	_ =	sdelay $0x1  }
0x3f1: {  	[tilespmem:$0x7900] =	vst v28  }
0x3f2: {  	v59 =	vld.idx.msk [tilespmem:v2+s12+$0x0], $0xffff;
	_ =	sdelay $0x1  }
0x3f3: {  	v29 =	vmul.f32 v33, v29;
	_ =	sdelay $0x1  }
0x3f4: {  	v26 =	vadd.f32 v29, v26;
	v60 =	vmul.f32 v42, v21  }
0x3f5: {  	v28 =	vadd.f32 v59, v28  }
0x3f6: {  	v26 =	vadd.f32 v60, v26  }
0x3f7: {  	[tilespmem:$0x7900] =	vst v28  }
0x3f8: {  	v61 =	vld.idx.msk [tilespmem:v3+s12+$0x0], $0xffff;
	[tilespmem:$0x7900] =	vst v26  }
0x3f9: {  	v62 =	vld.idx.msk [tilespmem:v0+s12+$0x0], $0xffff;
	_ =	sdelay $0x4  }
0x3fa: {  	v26 =	vadd.f32 v62, v26;
	_ =	sdelay $0x1  }
0x3fb: {  	[tilespmem:$0x7900] =	vst v26  }
0x3fc: {  	v63 =	vld.idx.msk [tilespmem:v1+s12+$0x0], $0xffff;
	_ =	sdelay $0x4  }
0x3fd: {  	v26 =	vadd.f32 v63, v26;
	_ =	sdelay $0x1  }
0x3fe: {  	[tilespmem:$0x7900] =	vst v26  }
0x3ff: {  	v42 =	vld.idx.msk [tilespmem:v2+s12+$0x0], $0xffff;
	_ =	sdelay $0x4  }
0x400: {  	v44 =	vadd.f32 v44, v43;
	v26 =	vadd.f32 v42, v26  }
0x401: {  	v18 =	vmul.f32 v41, v18;
	v40 =	vadd.f32 v45, v40  }
0x402: {  	v33 =	vnsel vm7, $0xFF800000, v44;
	[tilespmem:$0x7900] =	vst v26  }
0x403: {  	v33 =	vsel vm0, v33, v40;
	v39 =	vadd.f32 v46, v39;
	v46 =	vshrl.u32 v18, $0x10;
	v45 =	vld.idx.msk [tilespmem:v3+s12+$0x0], $0xffff  }
0x404: {  	v37 =	vadd.f32 v47, v37;
	v34 =	vadd.f32 v48, v34;
	v48 =	vand.u32 $0x1, v46  }
0x405: {  	v20 =	vadd.f32 v24, v20;
	v33 =	vsel vm1, v33, v39;
	v18 =	vadd.s32 v48, v18  }
0x406: {  	v47 =	vld [tilespmem:$0x7800];
	v33 =	vsel vm2, v33, v37;
	v18 =	vadd.s32 $0x7FFF, v18;
	v31 =	vadd.f32 v56, v31  }
0x407: {  	v33 =	vsel vm3, v33, v34;
	v18 =	vand.u32 $0xFFFF0000, v18;
	v28 =	vadd.f32 v61, v28  }
0x408: {  	v50 =	vld [tilespmem:$0x7880];
	v51 =	vmul.f32 v18, v38;
	v49 =	vsel vm4, v33, v31;
	v26 =	vadd.f32 v45, v26  }
0x409: {  	v28 =	vsel vm5, v49, v28  }
0x40a: {  	v20 =	vadd.f32 v51, v20;
	v26 =	vsel vm6, v28, v26  }
0x40b: {  	s29 =	sshll.u32 s21, $0x1;
	vm8 =	vgt.f32 v26, v47  }
0x40c: {  	s30 =	sor.u32 $0x7F0, s29;
	[tilespmem:$0x7900] =	vst v20;
	v26 =	vsel vm8, v26, v47  }
0x40d: {  	v52 =	vsel vm8, s30, v50;
	[tilespmem:$0x7800] =	vst v26  }
0x40e: {  	[tilespmem:$0x7880] =	vst v52  }
0x40f: {  	v24 =	vld.idx.msk [tilespmem:v0+s12+$0x0], $0xffff;
	_ =	sdelay $0x4  }
0x410: {  	v20 =	vadd.f32 v24, v20;
	_ =	sdelay $0x1  }
0x411: {  	[tilespmem:$0x7900] =	vst v20  }
0x412: {  	v53 =	vld.idx.msk [tilespmem:v1+s12+$0x0], $0xffff;
	_ =	sdelay $0x4  }
0x413: {  	v20 =	vadd.f32 v53, v20;
	_ =	sdelay $0x1  }
0x414: {  	[tilespmem:$0x7900] =	vst v20  }
0x415: {  	v54 =	vld.idx.msk [tilespmem:v2+s12+$0x0], $0xffff;
	_ =	sdelay $0x1  }
0x416: {  	v55 =	vmul.f32 v8, v22;
	_ =	sdelay $0x1  }
0x417: {  	v16 =	vadd.f32 v55, v16;
	v56 =	vmul.f32 v18, v36  }
0x418: {  	v20 =	vadd.f32 v54, v20  }
0x419: {  	v16 =	vadd.f32 v56, v16  }
0x41a: {  	[tilespmem:$0x7900] =	vst v20  }
0x41b: {  	v22 =	vld.idx.msk [tilespmem:v3+s12+$0x0], $0xffff;
	[tilespmem:$0x7900] =	vst v16  }
0x41c: {  	v57 =	vld.idx.msk [tilespmem:v0+s12+$0x0], $0xffff;
	_ =	sdelay $0x4  }
0x41d: {  	v16 =	vadd.f32 v57, v16;
	_ =	sdelay $0x1  }
0x41e: {  	[tilespmem:$0x7900] =	vst v16  }
0x41f: {  	v58 =	vld.idx.msk [tilespmem:v1+s12+$0x0], $0xffff;
	_ =	sdelay $0x4  }
0x420: {  	v16 =	vadd.f32 v58, v16;
	_ =	sdelay $0x1  }
0x421: {  	[tilespmem:$0x7900] =	vst v16  }
0x422: {  	v59 =	vld.idx.msk [tilespmem:v2+s12+$0x0], $0xffff;
	_ =	sdelay $0x1  }
0x423: {  	v60 =	vmul.f32 v8, v19;
	_ =	sdelay $0x1  }
0x424: {  	v13 =	vadd.f32 v60, v13;
	v61 =	vmul.f32 v18, v35  }
0x425: {  	v16 =	vadd.f32 v59, v16  }
0x426: {  	v13 =	vadd.f32 v61, v13  }
0x427: {  	[tilespmem:$0x7900] =	vst v16  }
0x428: {  	v62 =	vld.idx.msk [tilespmem:v3+s12+$0x0], $0xffff;
	[tilespmem:$0x7900] =	vst v13  }
0x429: {  	v63 =	vld.idx.msk [tilespmem:v0+s12+$0x0], $0xffff;
	_ =	sdelay $0x4  }
0x42a: {  	v13 =	vadd.f32 v63, v13;
	_ =	sdelay $0x1  }
0x42b: {  	[tilespmem:$0x7900] =	vst v13  }
0x42c: {  	v28 =	vld.idx.msk [tilespmem:v1+s12+$0x0], $0xffff;
	_ =	sdelay $0x4  }
0x42d: {  	v13 =	vadd.f32 v28, v13;
	_ =	sdelay $0x1  }
0x42e: {  	[tilespmem:$0x7900] =	vst v13  }
0x42f: {  	v29 =	vld.idx.msk [tilespmem:v2+s12+$0x0], $0xffff;
	_ =	sdelay $0x1  }
0x430: {  	v31 =	vmul.f32 v8, v17;
	_ =	sdelay $0x1  }
0x431: {  	v32 =	vmul.f32 v18, v32;
	v12 =	vadd.f32 v31, v12  }
0x432: {  	v13 =	vadd.f32 v29, v13  }
0x433: {  	v12 =	vadd.f32 v32, v12  }
0x434: {  	[tilespmem:$0x7900] =	vst v13  }
0x435: {  	v33 =	vld.idx.msk [tilespmem:v3+s12+$0x0], $0xffff;
	[tilespmem:$0x7900] =	vst v12  }
0x436: {  	v34 =	vld.idx.msk [tilespmem:v0+s12+$0x0], $0xffff;
	_ =	sdelay $0x4  }
0x437: {  	v12 =	vadd.f32 v34, v12;
	_ =	sdelay $0x1  }
0x438: {  	[tilespmem:$0x7900] =	vst v12  }
0x439: {  	v35 =	vld.idx.msk [tilespmem:v1+s12+$0x0], $0xffff;
	_ =	sdelay $0x4  }
0x43a: {  	v12 =	vadd.f32 v35, v12;
	_ =	sdelay $0x1  }
0x43b: {  	[tilespmem:$0x7900] =	vst v12  }
0x43c: {  	v36 =	vld.idx.msk [tilespmem:v2+s12+$0x0], $0xffff;
	_ =	sdelay $0x1  }
0x43d: {  	v37 =	vmul.f32 v8, v15;
	_ =	sdelay $0x1  }
0x43e: {  	v10 =	vadd.f32 v37, v10;
	v38 =	vmul.f32 v18, v30  }
0x43f: {  	v12 =	vadd.f32 v36, v12  }
0x440: {  	v10 =	vadd.f32 v38, v10  }
0x441: {  	[tilespmem:$0x7900] =	vst v12  }
0x442: {  	v39 =	vld.idx.msk [tilespmem:v3+s12+$0x0], $0xffff;
	[tilespmem:$0x7900] =	vst v10  }
0x443: {  	v40 =	vld.idx.msk [tilespmem:v0+s12+$0x0], $0xffff;
	_ =	sdelay $0x4  }
0x444: {  	v10 =	vadd.f32 v40, v10;
	_ =	sdelay $0x1  }
0x445: {  	[tilespmem:$0x7900] =	vst v10  }
0x446: {  	v41 =	vld.idx.msk [tilespmem:v1+s12+$0x0], $0xffff;
	_ =	sdelay $0x4  }
0x447: {  	v10 =	vadd.f32 v41, v10;
	_ =	sdelay $0x1  }
0x448: {  	[tilespmem:$0x7900] =	vst v10  }
0x449: {  	v42 =	vld.idx.msk [tilespmem:v2+s12+$0x0], $0xffff;
	_ =	sdelay $0x1  }
0x44a: {  	v43 =	vmul.f32 v8, v14;
	_ =	sdelay $0x1  }
0x44b: {  	v9 =	vadd.f32 v43, v9;
	v44 =	vmul.f32 v18, v27  }
0x44c: {  	v10 =	vadd.f32 v42, v10  }
0x44d: {  	v9 =	vadd.f32 v44, v9  }
0x44e: {  	[tilespmem:$0x7900] =	vst v10  }
0x44f: {  	v45 =	vld.idx.msk [tilespmem:v3+s12+$0x0], $0xffff;
	[tilespmem:$0x7900] =	vst v9  }
0x450: {  	v46 =	vld.idx.msk [tilespmem:v0+s12+$0x0], $0xffff;
	_ =	sdelay $0x4  }
0x451: {  	v9 =	vadd.f32 v46, v9;
	_ =	sdelay $0x1  }
0x452: {  	[tilespmem:$0x7900] =	vst v9  }
0x453: {  	v47 =	vld.idx.msk [tilespmem:v1+s12+$0x0], $0xffff;
	_ =	sdelay $0x4  }
0x454: {  	v9 =	vadd.f32 v47, v9;
	_ =	sdelay $0x1  }
0x455: {  	[tilespmem:$0x7900] =	vst v9  }
0x456: {  	v48 =	vld.idx.msk [tilespmem:v2+s12+$0x0], $0xffff;
	_ =	sdelay $0x1  }
0x457: {  	v49 =	vmul.f32 v8, v23;
	_ =	sdelay $0x1  }
0x458: {  	v7 =	vadd.f32 v49, v7;
	v50 =	vmul.f32 v18, v25  }
0x459: {  	v9 =	vadd.f32 v48, v9  }
0x45a: {  	v7 =	vadd.f32 v50, v7  }
0x45b: {  	[tilespmem:$0x7900] =	vst v9  }
0x45c: {  	v51 =	vld.idx.msk [tilespmem:v3+s12+$0x0], $0xffff;
	[tilespmem:$0x7900] =	vst v7  }
0x45d: {  	v52 =	vld.idx.msk [tilespmem:v0+s12+$0x0], $0xffff;
	_ =	sdelay $0x4  }
0x45e: {  	v7 =	vadd.f32 v52, v7;
	_ =	sdelay $0x1  }
0x45f: {  	[tilespmem:$0x7900] =	vst v7  }
0x460: {  	v53 =	vld.idx.msk [tilespmem:v1+s12+$0x0], $0xffff;
	_ =	sdelay $0x4  }
0x461: {  	v7 =	vadd.f32 v53, v7;
	_ =	sdelay $0x1  }
0x462: {  	[tilespmem:$0x7900] =	vst v7  }
0x463: {  	v54 =	vld.idx.msk [tilespmem:v2+s12+$0x0], $0xffff;
	_ =	sdelay $0x3  }
0x464: {  	v6 =	vadd.f32 v11, v6;
	v55 =	vmul.f32 v18, v21  }
0x465: {  	v7 =	vadd.f32 v54, v7  }
0x466: {  	v6 =	vadd.f32 v55, v6  }
0x467: {  	[tilespmem:$0x7900] =	vst v7  }
0x468: {  	v56 =	vld.idx.msk [tilespmem:v3+s12+$0x0], $0xffff;
	[tilespmem:$0x7900] =	vst v6  }
0x469: {  	v57 =	vld.idx.msk [tilespmem:v0+s12+$0x0], $0xffff;
	_ =	sdelay $0x4  }
0x46a: {  	v6 =	vadd.f32 v57, v6;
	_ =	sdelay $0x1  }
0x46b: {  	[tilespmem:$0x7900] =	vst v6  }
0x46c: {  	v58 =	vld.idx.msk [tilespmem:v1+s12+$0x0], $0xffff;
	_ =	sdelay $0x4  }
0x46d: {  	v6 =	vadd.f32 v58, v6;
	_ =	sdelay $0x1  }
0x46e: {  	[tilespmem:$0x7900] =	vst v6  }
0x46f: {  	v59 =	vld.idx.msk [tilespmem:v2+s12+$0x0], $0xffff;
	_ =	sdelay $0x4  }
0x470: {  	v6 =	vadd.f32 v59, v6  }
0x471: {  	v60 =	vadd.f32 v22, v20  }
0x472: {  	v16 =	vadd.f32 v62, v16;
	[tilespmem:$0x7900] =	vst v6  }
0x473: {  	v18 =	vnsel vm7, $0xFF800000, v60;
	v13 =	vadd.f32 v33, v13;
	v61 =	vld.idx.msk [tilespmem:v3+s12+$0x0], $0xffff  }
0x474: {  	v16 =	vsel vm0, v18, v16;
	v12 =	vadd.f32 v39, v12  }
0x475: {  	v13 =	vsel vm1, v16, v13;
	v10 =	vadd.f32 v45, v10  }
0x476: {  	v62 =	vld [tilespmem:$0x7800];
	v12 =	vsel vm2, v13, v12;
	v8 =	vadd.f32 v51, v9  }
0x477: {  	v10 =	vsel vm3, v12, v10;
	v7 =	vadd.f32 v56, v7  }
0x478: {  	s21 =	sadd.s32 $0x1, s21;
	v63 =	vld [tilespmem:$0x7880];
	v8 =	vsel vm4, v10, v8;
	v6 =	vadd.f32 v61, v6  }
0x479: {  	p0 =	sne.s32 s21, $0x8;
	v7 =	vsel vm5, v8, v7  }
.Ltmp22:
0x47a: {  	v6 =	vsel vm6, v7, v6;
	(pc) =	sbr.rel @p0 .LBB2_41-.Ltmp22, $4  }
0x47b: {  	vm8 =	vgt.f32 v6, v62  }
0x47c: {  	s31 =	sor.u32 $0x7F1, s29;
	v6 =	vsel vm8, v6, v62  }
0x47d: {  	[tilespmem:$0x7800] =	vst v6;
	v6 =	vsel vm8, s31, v63  }
0x47e: {  	[tilespmem:$0x7880] =	vst v6  }
0x47f: {  	[hbm4b:s5+s2] =	stream.linear.scatter [tilespmem:s17], [sflag:$0x3], $0x10, $0x38;
	[tilespmem:$0x7980] =	vst v63  }
0x480: {  	s19 =	sadd.s32 $0x1, s19;
	_ =	swait.ge [sflag:s11], $0x10  }
0x481: {  	p0 =	sne.s32 s19, s8;
	[sflag:s11] =	ssyncset.done $0x0  }
.Ltmp23:
0x482: {  	[sflag:s11] =	ssyncadd.s32 $0xFFFFFFF0;
	(pc) =	sbr.rel @p0 .LBB2_2-.Ltmp23, $4  }
0x483: {  	[hbm4b:s6+s2] =	stream.linear.scatter [tilespmem:s18], [sflag:$0x3], $0x10, $0x38;
	[tilespmem:$0x7980] =	vst v63  }
0x484: {  	_ =	swait.ge [sflag:s11], $0x10  }
0x485: {  	[sflag:s11] =	ssyncset.done $0x0  }
0x486: {  	[sflag:s11] =	ssyncadd.s32 $0xFFFFFFF0  }
.LBB2_47:
0x487: {  	_ =	sfence.sel $0x180000  }
0x488: {  	[bflag:$0x0] =	sbarrier.arrive $0xFFFF  }
0x489: {  	_ =	strace $0x90000047  }
0x48a: {  	[bflag:$0x2] =	sbarrier.arrive $0xFFFF  }
0x48b: {  	p0 =	sne.s32 s0, $0x0;
	s0 =	rddreg [dreg:$0x4]  }
0x48c: {  	s0 =	sadd.s32 @!p0 $0x100000, s0  }
0x48d: {  	[sflag:s0] =	ssyncadd.tile.s32 @!p0 $0x1;
	_ =	shalt  }
.Lfunc_end2:
_tile_overlayer_lowered:
.L_overlay_start_2:
0x48e: {  	(tag) =	ssettag $0x2  }
0x48f: {  	s0 =	rddreg [dreg:$0x0];
	s2 =	stileid.u32  }
0x490: {  	s1 =	rddreg [dreg:$0x1];
	p0 =	sne.s32 s2, $0x0  }
0x491: {  	s3 =	rddreg [dreg:$0x2];
	[bflag:$0x3] =	sbarrier.arrive $0xFFFF;
	s2 =	simm.s32 @!p0 $0x1C03  }
0x492: {  	[timem:s3], [sflag:s2] =	dma.local @!p0 [hbm:s0], s1  }
0x493: {  	s0 =	simm.s32 @!p0 $0x3  }
0x494: {  	_ =	swait.ge @!p0 [sflag:s0], s1  }
0x495: {  	s1 =	ssub.s32 @!p0 $0x0, s1;
	[sflag:s0] =	ssyncset.done @!p0 $0x0  }
0x496: {  	[sflag:s0] =	ssyncadd.s32 @!p0 s1  }
0x497: {  	[bflag:$0x3] =	sbarrier.arrive $0xFFFF  }
0x498: {  	_ =	shalt  }

</sc_bundles>
